<compile_context>
chip_gen: v7x
topology: tpu7x:2x2x1
jax: 0.10.2.dev20260603
libtpu: 0.0.44.dev20260713+nightly
codegen_flags: <defaults>
</compile_context>

<pallas_src>
import functools

import jax
import jax.numpy as jnp
from jax import lax
from jax.experimental import pallas as pl
from jax.experimental.pallas import tpu as pltpu
from jax.experimental.pallas import tpu_sc as plsc

N = 10000
E = 320000
D = 128
NMOL = 4096
DEPTH = 3

BLK = 512
BLK_F = 256
S_ROUND = 10240
NW = 32
CHUNK = 128
DUMP = 128

RT = S_ROUND // NW
RT_P = NMOL // NW
CAP = 96
CAP_P = 4



@functools.cache
def _make_sc_agg(rows_sc: int, cap: int):
    rt = rows_sc // 16
    own = (rows_sc - DUMP) // 16
    mesh = plsc.VectorSubcoreMesh(core_axis_name="c", subcore_axis_name="s",
                                  num_cores=2, num_subcores=16)

    @functools.partial(
        pl.kernel,
        mesh=mesh,
        out_type=jax.ShapeDtypeStruct((2 * (rows_sc - DUMP), D), jnp.float32),
        scratch_types=[
            pltpu.VMEM((cap, CHUNK), jnp.int32),
            pltpu.VMEM((cap, CHUNK), jnp.int32),
            pltpu.VMEM((CHUNK,), jnp.int32),
            pltpu.VMEM((CHUNK, D), jnp.float32),
            pltpu.VMEM_SHARED((rows_sc, D), jnp.float32),
            pltpu.SemaphoreType.DMA,
        ],
    )
    def sc_agg(feats_hbm, srcs_hbm, dsts_hbm, cnts_hbm, zeros_hbm, out_hbm,
               src_v, dst_v, cnt_v, buf, agg_s, gs):
        cid = lax.axis_index("c")
        sid = lax.axis_index("s")
        w = cid * 16 + sid
        pltpu.sync_copy(srcs_hbm.at[w], src_v)
        pltpu.sync_copy(dsts_hbm.at[w], dst_v)
        pltpu.sync_copy(cnts_hbm.at[w], cnt_v)
        pltpu.sync_copy(zeros_hbm.at[pl.ds(sid * rt, rt)],
                        agg_s.at[pl.ds(sid * rt, rt)])
        plsc.subcore_barrier()

        def body(j, carry):
            pltpu.async_copy(feats_hbm.at[src_v.at[j]], buf, gs).wait()
            pltpu.sync_copy(buf, agg_s.at[dst_v.at[j]], add=True)
            return carry

        cnt = cnt_v[pl.ds(0, 16)][0]
        lax.fori_loop(0, cnt, body, 0)
        plsc.subcore_barrier()
        pltpu.sync_copy(agg_s.at[pl.ds(sid * own, own)],
                        out_hbm.at[pl.ds(cid * (rows_sc - DUMP) + sid * own,
                                         own)])

    return sc_agg


def _route(src, dst, rows_per_tile, rows_sc, cap):
    bucket = dst // rows_per_tile
    perm = jnp.argsort(bucket, stable=True)
    src_s = src[perm]
    dst_s = dst[perm]
    n_w = jnp.bincount(bucket, length=NW)
    off = jnp.cumsum(n_w) - n_w
    cnts = -(-n_w // CHUNK)
    pos = (off[:, None, None]
           + (jnp.arange(cap) * CHUNK)[None, :, None]
           + jnp.arange(CHUNK)[None, None, :])
    valid = pos < (off + n_w)[:, None, None]
    posc = jnp.clip(pos, 0, src_s.shape[0] - 1).astype(jnp.int32)
    srcs = jnp.where(valid, src_s[posc], 0).astype(jnp.int32)
    sc_base = (jnp.arange(NW) // 16 * (rows_sc - DUMP))[:, None, None]
    dump_rel = (rows_sc - DUMP) + (pos % DUMP)
    dsts = jnp.where(valid, dst_s[posc] - sc_base,
                     dump_rel).astype(jnp.int32)
    cnts_b = jnp.broadcast_to(cnts.astype(jnp.int32)[:, None], (NW, CHUNK))
    return srcs, dsts, cnts_b



def _tc_h0(x_p, W_in):
    def body(x_ref, wi_ref, h0_ref):
        h0_ref[...] = jnp.maximum(
            jnp.dot(x_ref[...], wi_ref[...],
                    preferred_element_type=jnp.float32), 0.0)

    return pl.pallas_call(
        body,
        grid=(S_ROUND // BLK,),
        in_specs=[
            pl.BlockSpec((BLK, D), lambda i: (i, 0)),
            pl.BlockSpec((D, D), lambda i: (0, 0)),
        ],
        out_specs=pl.BlockSpec((BLK, D), lambda i: (i, 0)),
        out_shape=jax.ShapeDtypeStruct((S_ROUND, D), jnp.float32),
    )(x_p, W_in)


def _tc_round(h0, q, W_h):
    def body(h0_ref, q_ref, wh_ref, h_ref):
        h_ref[...] = jnp.maximum(
            h0_ref[...]
            + jnp.dot(q_ref[...], wh_ref[...],
                      preferred_element_type=jnp.float32), 0.0)

    return pl.pallas_call(
        body,
        grid=(S_ROUND // BLK,),
        in_specs=[
            pl.BlockSpec((BLK, D), lambda i: (i, 0)),
            pl.BlockSpec((BLK, D), lambda i: (i, 0)),
            pl.BlockSpec((D, D), lambda i: (0, 0)),
        ],
        out_specs=pl.BlockSpec((BLK, D), lambda i: (i, 0)),
        out_shape=jax.ShapeDtypeStruct((S_ROUND, D), jnp.float32),
    )(h0, q, W_h)


def _tc_final(m, W_ffn1, b_ffn1, W_out_p, b_out_p):
    def body(m_ref, w1_ref, b1_ref, wo_ref, bo_ref, out_ref):
        z = jnp.maximum(
            jnp.dot(m_ref[...], w1_ref[...],
                    preferred_element_type=jnp.float32) + b1_ref[...], 0.0)
        out_ref[...] = (
            jnp.dot(z, wo_ref[...], preferred_element_type=jnp.float32)
            + bo_ref[...])

    return pl.pallas_call(
        body,
        grid=(NMOL // BLK_F,),
        in_specs=[
            pl.BlockSpec((BLK_F, D), lambda i: (i, 0)),
            pl.BlockSpec((D, D), lambda i: (0, 0)),
            pl.BlockSpec((1, D), lambda i: (0, 0)),
            pl.BlockSpec((D, D), lambda i: (0, 0)),
            pl.BlockSpec((1, D), lambda i: (0, 0)),
        ],
        out_specs=pl.BlockSpec((BLK_F, D), lambda i: (i, 0)),
        out_shape=jax.ShapeDtypeStruct((NMOL, D), jnp.float32),
    )(m, W_ffn1, b_ffn1, W_out_p, b_out_p)



def kernel(x, edge_index, mol_ids, W_in, W_h, W_ffn1, b_ffn1, W_out, b_out):
    src = edge_index[0].astype(jnp.int32)
    dst = edge_index[1].astype(jnp.int32)

    rows_sc_r = S_ROUND // 2 + DUMP
    rows_sc_p = NMOL // 2 + DUMP
    srcs_r, dsts_r, cnts_r = _route(src, dst, RT, rows_sc_r, CAP)
    srcs_p, dsts_p, cnts_p = _route(
        jnp.arange(N, dtype=jnp.int32), mol_ids.astype(jnp.int32),
        RT_P, rows_sc_p, CAP_P)
    zeros = jnp.zeros((rows_sc_r, D), jnp.float32)
    x_p = jnp.pad(x, ((0, S_ROUND - N), (0, 0)))

    h = _tc_h0(x_p, W_in)
    h0 = h
    sc_round = _make_sc_agg(rows_sc_r, CAP)
    for _ in range(DEPTH):
        q = sc_round(h, srcs_r, dsts_r, cnts_r, zeros)
        h = _tc_round(h0, q, W_h)

    sc_pool = _make_sc_agg(rows_sc_p, CAP_P)
    m = sc_pool(h, srcs_p, dsts_p, cnts_p, zeros)

    W_out_p = jnp.pad(W_out, ((0, 0), (0, D - W_out.shape[1])))
    b_out_p = jnp.pad(b_out, (0, D - b_out.shape[0])).reshape(1, D)
    out_full = _tc_final(m, W_ffn1, b_ffn1.reshape(1, D), W_out_p, b_out_p)
    return out_full[:, :W_out.shape[1]]

# --- scband reference (transcript-rebuilt; emitter-appended) ---
"""Pipeline reference for scband-molecule-model-49082886259215 (READ-ONLY COPY).

The authoritative reference and input builder live on the scoring server;
editing this copy changes nothing except your own understanding.
"""

import jax, jax.numpy as jnp
import numpy as np

N_NODES = 10000
N_EDGES = 320000
D_FEAT = 128
HIDDEN = 128
FFN_HIDDEN = 128
NUM_TASKS = 1
DEPTH = 3
N_MOLS = 4096


def setup_inputs(seed: int = 0) -> dict:
    key = jax.random.key(seed)
    k = jax.random.split(key, 10)
    x = jax.random.normal(k[0], (N_NODES, D_FEAT), dtype=jnp.float32)
    edge_index = jax.random.randint(k[1], (2, N_EDGES), 0, N_NODES, dtype=jnp.int64) if jax.config.jax_enable_x64 else jax.random.randint(k[1], (2, N_EDGES), 0, N_NODES).astype(jnp.int32)
    mol_ids = jnp.sort(jax.random.randint(k[2], (N_NODES,), 0, N_MOLS)).astype(jnp.int32)
    s = 1.0 / np.sqrt(HIDDEN)
    W_in = jax.random.normal(k[3], (D_FEAT, HIDDEN), dtype=jnp.float32) * s
    W_h = jax.random.normal(k[4], (HIDDEN, HIDDEN), dtype=jnp.float32) * s
    W_ffn1 = jax.random.normal(k[5], (HIDDEN, FFN_HIDDEN), dtype=jnp.float32) * s
    b_ffn1 = jnp.zeros((FFN_HIDDEN,), dtype=jnp.float32)
    W_out = jax.random.normal(k[6], (FFN_HIDDEN, NUM_TASKS), dtype=jnp.float32) * s
    b_out = jnp.zeros((NUM_TASKS,), dtype=jnp.float32)
    return {"x": x, "edge_index": edge_index, "mol_ids": mol_ids, "W_in": W_in, "W_h": W_h, "W_ffn1": W_ffn1, "b_ffn1": b_ffn1, "W_out": W_out, "b_out": b_out}


def reference(x, edge_index, mol_ids, W_in, W_h, W_ffn1, b_ffn1, W_out, b_out):
    # MPN encoder: input projection then DEPTH rounds of message passing
    h0 = jax.nn.relu(x @ W_in)
    h = h0
    src = edge_index[0]
    dst = edge_index[1]
    for _ in range(DEPTH):
        msgs = jnp.take(h, src, axis=0)                              # gather
        agg = jax.ops.segment_sum(msgs, dst, num_segments=N_NODES)   # scatter-add
        h = jax.nn.relu(h0 + agg @ W_h)
    # molecule-level readout: sum-pool atoms per molecule
    mol_vecs = jax.ops.segment_sum(h, mol_ids, num_segments=N_MOLS)
    # FFN readout (2 layers)
    z = jax.nn.relu(mol_vecs @ W_ffn1 + b_ffn1)
    out = z @ W_out + b_out
    return out

if __name__ == "__main__":
    import jax
    _d = setup_inputs()
    print(jax.jit(kernel)(*tuple(_d.values())))

</pallas_src>

<mosaic_0001>
#map = affine_map<(d0, d1) -> (0, 0)>
#map1 = affine_map<(d0, d1) -> (0, 0, 0)>
module attributes {stable_mosaic.version = 14 : i64} {
  func.func @sc_agg(%arg0: i32, %arg1: i32, %arg2: memref<10240x128xf32, #tpu.memory_space<hbm>>, %arg3: memref<32x96x128xi32, #tpu.memory_space<hbm>>, %arg4: memref<32x96x128xi32, #tpu.memory_space<hbm>>, %arg5: memref<32x128xi32, #tpu.memory_space<hbm>>, %arg6: memref<5248x128xf32, #tpu.memory_space<hbm>>, %arg7: memref<10240x128xf32, #tpu.memory_space<hbm>>, %arg8: memref<96x128xi32, #tpu.memory_space<vmem>>, %arg9: memref<96x128xi32, #tpu.memory_space<vmem>>, %arg10: memref<128xi32, #tpu.memory_space<vmem>>, %arg11: memref<128x128xf32, #tpu.memory_space<vmem>>, %arg12: memref<5248x128xf32, #tpu.memory_space<vmem_shared>>, %arg13: memref<!tpu.dma_semaphore, #tpu.memory_space<semaphore_mem>>) attributes {dimension_semantics = [#tpu.dimension_semantics<core_parallel>, #tpu.dimension_semantics<subcore_parallel>], iteration_bounds = array<i64: 2, 16>, scalar_prefetch = 0 : i64, scratch_operands = 6 : i64, tpu.core_type = #tpu.core_type<sc_vector_subcore>, window_params = [{transform_indices = #map}, {transform_indices = #map1}, {transform_indices = #map1}, {transform_indices = #map}, {transform_indices = #map}, {transform_indices = #map}]} {
    %mul3A = arith.constant 16 : i32
    %mul3A_0 = arith.muli %arg0, %mul3A : i32
    %add3A = arith.addi %mul3A_0, %arg1 : i32
    "tpu.region"() ({
      %run_scoped3A = tpu.sem_alloc : memref<!tpu.dma_semaphore, #tpu.memory_space<semaphore_mem>>
      %dma_start3A = arith.constant 0 : i32
      %dma_start3A_24 = arith.constant 0 : i32
      %dma_start3A_25 = tpu.memref_slice %arg3[%add3A, %dma_start3A, %dma_start3A_24] : memref<32x96x128xi32, #tpu.memory_space<hbm>> -> memref<1x96x128xi32, #tpu.memory_space<hbm>>
      %dma_start3A_26 = tpu.memref_squeeze %dma_start3A_25 : memref<1x96x128xi32, #tpu.memory_space<hbm>> -> memref<96x128xi32, #tpu.memory_space<hbm>>
      %dma_start3A_27 = arith.constant 0 : i32
      %dma_start3A_28 = arith.constant 0 : i32
      %dma_start3A_29 = tpu.memref_slice %arg3[%add3A, %dma_start3A_27, %dma_start3A_28] : memref<32x96x128xi32, #tpu.memory_space<hbm>> -> memref<1x96x128xi32, #tpu.memory_space<hbm>>
      %dma_start3A_30 = tpu.memref_squeeze %dma_start3A_29 : memref<1x96x128xi32, #tpu.memory_space<hbm>> -> memref<96x128xi32, #tpu.memory_space<hbm>>
      tpu.enqueue_dma source(%dma_start3A_30 : memref<96x128xi32, #tpu.memory_space<hbm>>) target(%arg8 : memref<96x128xi32, #tpu.memory_space<vmem>>) target_semaphore(%run_scoped3A : memref<!tpu.dma_semaphore, #tpu.memory_space<semaphore_mem>>)
      %dma_wait3A = arith.constant 0 : i32
      %dma_wait3A_31 = arith.constant 0 : i32
      %dma_wait3A_32 = tpu.memref_slice %arg3[%add3A, %dma_wait3A, %dma_wait3A_31] : memref<32x96x128xi32, #tpu.memory_space<hbm>> -> memref<1x96x128xi32, #tpu.memory_space<hbm>>
      %dma_wait3A_33 = tpu.memref_squeeze %dma_wait3A_32 : memref<1x96x128xi32, #tpu.memory_space<hbm>> -> memref<96x128xi32, #tpu.memory_space<hbm>>
      %dma_wait3A_34 = arith.constant 0 : i32
      %dma_wait3A_35 = arith.constant 0 : i32
      %dma_wait3A_36 = tpu.memref_slice %arg3[%add3A, %dma_wait3A_34, %dma_wait3A_35] : memref<32x96x128xi32, #tpu.memory_space<hbm>> -> memref<1x96x128xi32, #tpu.memory_space<hbm>>
      %dma_wait3A_37 = tpu.memref_squeeze %dma_wait3A_36 : memref<1x96x128xi32, #tpu.memory_space<hbm>> -> memref<96x128xi32, #tpu.memory_space<hbm>>
      tpu.wait_dma2 semaphore(%run_scoped3A : memref<!tpu.dma_semaphore, #tpu.memory_space<semaphore_mem>>) src(%dma_wait3A_37 : memref<96x128xi32, #tpu.memory_space<hbm>>) dst(%arg8 : memref<96x128xi32, #tpu.memory_space<vmem>>)
      tpu.yield
    }) : () -> ()
    "tpu.region"() ({
      %run_scoped3A = tpu.sem_alloc : memref<!tpu.dma_semaphore, #tpu.memory_space<semaphore_mem>>
      %dma_start3A = arith.constant 0 : i32
      %dma_start3A_24 = arith.constant 0 : i32
      %dma_start3A_25 = tpu.memref_slice %arg4[%add3A, %dma_start3A, %dma_start3A_24] : memref<32x96x128xi32, #tpu.memory_space<hbm>> -> memref<1x96x128xi32, #tpu.memory_space<hbm>>
      %dma_start3A_26 = tpu.memref_squeeze %dma_start3A_25 : memref<1x96x128xi32, #tpu.memory_space<hbm>> -> memref<96x128xi32, #tpu.memory_space<hbm>>
      %dma_start3A_27 = arith.constant 0 : i32
      %dma_start3A_28 = arith.constant 0 : i32
      %dma_start3A_29 = tpu.memref_slice %arg4[%add3A, %dma_start3A_27, %dma_start3A_28] : memref<32x96x128xi32, #tpu.memory_space<hbm>> -> memref<1x96x128xi32, #tpu.memory_space<hbm>>
      %dma_start3A_30 = tpu.memref_squeeze %dma_start3A_29 : memref<1x96x128xi32, #tpu.memory_space<hbm>> -> memref<96x128xi32, #tpu.memory_space<hbm>>
      tpu.enqueue_dma source(%dma_start3A_30 : memref<96x128xi32, #tpu.memory_space<hbm>>) target(%arg9 : memref<96x128xi32, #tpu.memory_space<vmem>>) target_semaphore(%run_scoped3A : memref<!tpu.dma_semaphore, #tpu.memory_space<semaphore_mem>>)
      %dma_wait3A = arith.constant 0 : i32
      %dma_wait3A_31 = arith.constant 0 : i32
      %dma_wait3A_32 = tpu.memref_slice %arg4[%add3A, %dma_wait3A, %dma_wait3A_31] : memref<32x96x128xi32, #tpu.memory_space<hbm>> -> memref<1x96x128xi32, #tpu.memory_space<hbm>>
      %dma_wait3A_33 = tpu.memref_squeeze %dma_wait3A_32 : memref<1x96x128xi32, #tpu.memory_space<hbm>> -> memref<96x128xi32, #tpu.memory_space<hbm>>
      %dma_wait3A_34 = arith.constant 0 : i32
      %dma_wait3A_35 = arith.constant 0 : i32
      %dma_wait3A_36 = tpu.memref_slice %arg4[%add3A, %dma_wait3A_34, %dma_wait3A_35] : memref<32x96x128xi32, #tpu.memory_space<hbm>> -> memref<1x96x128xi32, #tpu.memory_space<hbm>>
      %dma_wait3A_37 = tpu.memref_squeeze %dma_wait3A_36 : memref<1x96x128xi32, #tpu.memory_space<hbm>> -> memref<96x128xi32, #tpu.memory_space<hbm>>
      tpu.wait_dma2 semaphore(%run_scoped3A : memref<!tpu.dma_semaphore, #tpu.memory_space<semaphore_mem>>) src(%dma_wait3A_37 : memref<96x128xi32, #tpu.memory_space<hbm>>) dst(%arg9 : memref<96x128xi32, #tpu.memory_space<vmem>>)
      tpu.yield
    }) : () -> ()
    "tpu.region"() ({
      %run_scoped3A = tpu.sem_alloc : memref<!tpu.dma_semaphore, #tpu.memory_space<semaphore_mem>>
      %dma_start3A = arith.constant 0 : i32
      %dma_start3A_24 = tpu.memref_slice %arg5[%add3A, %dma_start3A] : memref<32x128xi32, #tpu.memory_space<hbm>> -> memref<1x128xi32, #tpu.memory_space<hbm>>
      %dma_start3A_25 = tpu.memref_squeeze %dma_start3A_24 : memref<1x128xi32, #tpu.memory_space<hbm>> -> memref<128xi32, #tpu.memory_space<hbm>>
      %dma_start3A_26 = arith.constant 0 : i32
      %dma_start3A_27 = tpu.memref_slice %arg5[%add3A, %dma_start3A_26] : memref<32x128xi32, #tpu.memory_space<hbm>> -> memref<1x128xi32, #tpu.memory_space<hbm>>
      %dma_start3A_28 = tpu.memref_squeeze %dma_start3A_27 : memref<1x128xi32, #tpu.memory_space<hbm>> -> memref<128xi32, #tpu.memory_space<hbm>>
      tpu.enqueue_dma source(%dma_start3A_28 : memref<128xi32, #tpu.memory_space<hbm>>) target(%arg10 : memref<128xi32, #tpu.memory_space<vmem>>) target_semaphore(%run_scoped3A : memref<!tpu.dma_semaphore, #tpu.memory_space<semaphore_mem>>)
      %dma_wait3A = arith.constant 0 : i32
      %dma_wait3A_29 = tpu.memref_slice %arg5[%add3A, %dma_wait3A] : memref<32x128xi32, #tpu.memory_space<hbm>> -> memref<1x128xi32, #tpu.memory_space<hbm>>
      %dma_wait3A_30 = tpu.memref_squeeze %dma_wait3A_29 : memref<1x128xi32, #tpu.memory_space<hbm>> -> memref<128xi32, #tpu.memory_space<hbm>>
      %dma_wait3A_31 = arith.constant 0 : i32
      %dma_wait3A_32 = tpu.memref_slice %arg5[%add3A, %dma_wait3A_31] : memref<32x128xi32, #tpu.memory_space<hbm>> -> memref<1x128xi32, #tpu.memory_space<hbm>>
      %dma_wait3A_33 = tpu.memref_squeeze %dma_wait3A_32 : memref<1x128xi32, #tpu.memory_space<hbm>> -> memref<128xi32, #tpu.memory_space<hbm>>
      tpu.wait_dma2 semaphore(%run_scoped3A : memref<!tpu.dma_semaphore, #tpu.memory_space<semaphore_mem>>) src(%dma_wait3A_33 : memref<128xi32, #tpu.memory_space<hbm>>) dst(%arg10 : memref<128xi32, #tpu.memory_space<vmem>>)
      tpu.yield
    }) : () -> ()
    %mul3A_1 = arith.constant 328 : i32
    %mul3A_2 = arith.muli %arg1, %mul3A_1 : i32
    %mul3A_3 = arith.constant 328 : i32
    %mul3A_4 = arith.muli %arg1, %mul3A_3 : i32
    "tpu.region"() ({
      %run_scoped3A = tpu.sem_alloc : memref<!tpu.dma_semaphore, #tpu.memory_space<semaphore_mem>>
      %dma_start3A = arith.constant 0 : i32
      %dma_start3A_24 = tpu.memref_slice %arg12[%mul3A_4, %dma_start3A] : memref<5248x128xf32, #tpu.memory_space<vmem_shared>> -> memref<328x128xf32, #tpu.memory_space<vmem_shared>>
      %dma_start3A_25 = arith.constant 0 : i32
      %dma_start3A_26 = tpu.memref_slice %arg6[%mul3A_2, %dma_start3A_25] : memref<5248x128xf32, #tpu.memory_space<hbm>> -> memref<328x128xf32, #tpu.memory_space<hbm>>
      tpu.enqueue_dma source(%dma_start3A_26 : memref<328x128xf32, #tpu.memory_space<hbm>>) target(%dma_start3A_24 : memref<328x128xf32, #tpu.memory_space<vmem_shared>>) target_semaphore(%run_scoped3A : memref<!tpu.dma_semaphore, #tpu.memory_space<semaphore_mem>>)
      %dma_wait3A = arith.constant 0 : i32
      %dma_wait3A_27 = tpu.memref_slice %arg12[%mul3A_4, %dma_wait3A] : memref<5248x128xf32, #tpu.memory_space<vmem_shared>> -> memref<328x128xf32, #tpu.memory_space<vmem_shared>>
      %dma_wait3A_28 = arith.constant 0 : i32
      %dma_wait3A_29 = tpu.memref_slice %arg6[%mul3A_2, %dma_wait3A_28] : memref<5248x128xf32, #tpu.memory_space<hbm>> -> memref<328x128xf32, #tpu.memory_space<hbm>>
      tpu.wait_dma2 semaphore(%run_scoped3A : memref<!tpu.dma_semaphore, #tpu.memory_space<semaphore_mem>>) src(%dma_wait3A_29 : memref<328x128xf32, #tpu.memory_space<hbm>>) dst(%dma_wait3A_27 : memref<328x128xf32, #tpu.memory_space<vmem_shared>>)
      tpu.yield
    }) : () -> ()
    %barrier3A = arith.constant 0 : index
    tpu.barrier barrier_id(%barrier3A)
    %get3A = arith.constant 0 : index
    %get3A_5 = tpu.vector_load %arg10[%get3A] {strides = array<i32>} : memref<128xi32, #tpu.memory_space<vmem>>, vector<16xi32>,
    %get3A_6 = vector.shape_cast %get3A_5 : vector<16xi32> to vector<16xi32>
    %slice3A = vector.extract_strided_slice %get3A_6 {offsets = [0], sizes = [1], strides = [1]} : vector<16xi32> to vector<1xi32>
    %squeeze3A = vector.extract %slice3A[0] : i32 from vector<1xi32>
    %while3A = arith.constant 0 : i32
    %while3A_7 = arith.constant 0 : i32
    %while3A_8 = arith.subi %squeeze3A, %while3A_7 : i32
    %while3A_9 = arith.addi %while3A_7, %while3A_8 : i32
    %while3A_10 = arith.constant 1 : i32
    %while3A_11 = arith.divsi %while3A_8, %while3A_10 : i32
    %while3A_12 = arith.muli %while3A_11, %while3A_10 : i32
    %while3A_13 = arith.addi %while3A_7, %while3A_12 : i32
    %while3A_14 = arith.constant 1 : i32
    scf.for %while3A_24 = %while3A_7 to %while3A_13 step %while3A_14  : i32 {
      %dma_start3A = arith.constant 0 : i32
      %dma_start3A_25 = tpu.memref_slice %arg8[%while3A_24, %dma_start3A] : memref<96x128xi32, #tpu.memory_space<vmem>> -> memref<1x128xi32, #tpu.memory_space<vmem>>
      %dma_start3A_26 = tpu.memref_squeeze %dma_start3A_25 : memref<1x128xi32, #tpu.memory_space<vmem>> -> memref<128xi32, #tpu.memory_space<vmem>>
      %dma_start3A_27 = arith.constant 0 : i32
      %dma_start3A_28 = arith.constant 0 : i32
      %dma_start3A_29 = tpu.memref_slice %arg2[%dma_start3A_27, %dma_start3A_28] : memref<10240x128xf32, #tpu.memory_space<hbm>> -> memref<10240x128xf32, #tpu.memory_space<hbm>>
      tpu.enqueue_indirect_dma source(%dma_start3A_29 : memref<10240x128xf32, #tpu.memory_space<hbm>>) target(%arg11 : memref<128x128xf32, #tpu.memory_space<vmem>>) offsets(%dma_start3A_26 : memref<128xi32, #tpu.memory_space<vmem>>) semaphore(%arg13 : memref<!tpu.dma_semaphore, #tpu.memory_space<semaphore_mem>>)
      %dma_wait3A = arith.constant 0 : i32
      %dma_wait3A_30 = tpu.memref_slice %arg8[%while3A_24, %dma_wait3A] : memref<96x128xi32, #tpu.memory_space<vmem>> -> memref<1x128xi32, #tpu.memory_space<vmem>>
      %dma_wait3A_31 = tpu.memref_squeeze %dma_wait3A_30 : memref<1x128xi32, #tpu.memory_space<vmem>> -> memref<128xi32, #tpu.memory_space<vmem>>
      %dma_wait3A_32 = arith.constant 0 : i32
      %dma_wait3A_33 = arith.constant 0 : i32
      %dma_wait3A_34 = tpu.memref_slice %arg2[%dma_wait3A_32, %dma_wait3A_33] : memref<10240x128xf32, #tpu.memory_space<hbm>> -> memref<10240x128xf32, #tpu.memory_space<hbm>>
      tpu.wait_indirect_dma semaphore(%arg13 : memref<!tpu.dma_semaphore, #tpu.memory_space<semaphore_mem>>) src(%dma_wait3A_34 : memref<10240x128xf32, #tpu.memory_space<hbm>>) dst(%arg11 : memref<128x128xf32, #tpu.memory_space<vmem>>)
      "tpu.region"() ({
        %run_scoped3A = tpu.sem_alloc : memref<!tpu.dma_semaphore, #tpu.memory_space<semaphore_mem>>
        %dma_start3A_35 = arith.constant 0 : i32
        %dma_start3A_36 = tpu.memref_slice %arg9[%while3A_24, %dma_start3A_35] : memref<96x128xi32, #tpu.memory_space<vmem>> -> memref<1x128xi32, #tpu.memory_space<vmem>>
        %dma_start3A_37 = tpu.memref_squeeze %dma_start3A_36 : memref<1x128xi32, #tpu.memory_space<vmem>> -> memref<128xi32, #tpu.memory_space<vmem>>
        %dma_start3A_38 = arith.constant 0 : i32
        %dma_start3A_39 = arith.constant 0 : i32
        %dma_start3A_40 = tpu.memref_slice %arg12[%dma_start3A_38, %dma_start3A_39] : memref<5248x128xf32, #tpu.memory_space<vmem_shared>> -> memref<5248x128xf32, #tpu.memory_space<vmem_shared>>
        tpu.enqueue_indirect_dma source(%arg11 : memref<128x128xf32, #tpu.memory_space<vmem>>) target(%dma_start3A_40 : memref<5248x128xf32, #tpu.memory_space<vmem_shared>>) offsets(%dma_start3A_37 : memref<128xi32, #tpu.memory_space<vmem>>) semaphore(%run_scoped3A : memref<!tpu.dma_semaphore, #tpu.memory_space<semaphore_mem>>) {add = true}
        %dma_wait3A_41 = arith.constant 0 : i32
        %dma_wait3A_42 = tpu.memref_slice %arg9[%while3A_24, %dma_wait3A_41] : memref<96x128xi32, #tpu.memory_space<vmem>> -> memref<1x128xi32, #tpu.memory_space<vmem>>
        %dma_wait3A_43 = tpu.memref_squeeze %dma_wait3A_42 : memref<1x128xi32, #tpu.memory_space<vmem>> -> memref<128xi32, #tpu.memory_space<vmem>>
        %dma_wait3A_44 = arith.constant 0 : i32
        %dma_wait3A_45 = arith.constant 0 : i32
        %dma_wait3A_46 = tpu.memref_slice %arg12[%dma_wait3A_44, %dma_wait3A_45] : memref<5248x128xf32, #tpu.memory_space<vmem_shared>> -> memref<5248x128xf32, #tpu.memory_space<vmem_shared>>
        tpu.wait_indirect_dma semaphore(%run_scoped3A : memref<!tpu.dma_semaphore, #tpu.memory_space<semaphore_mem>>) src(%arg11 : memref<128x128xf32, #tpu.memory_space<vmem>>) dst(%dma_wait3A_46 : memref<5248x128xf32, #tpu.memory_space<vmem_shared>>)
        tpu.yield
      }) : () -> ()
    }
    %while3A_15 = arith.constant 1 : i32
    scf.for %while3A_24 = %while3A_13 to %while3A_9 step %while3A_15  : i32 {
      %dma_start3A = arith.constant 0 : i32
      %dma_start3A_25 = tpu.memref_slice %arg8[%while3A_24, %dma_start3A] : memref<96x128xi32, #tpu.memory_space<vmem>> -> memref<1x128xi32, #tpu.memory_space<vmem>>
      %dma_start3A_26 = tpu.memref_squeeze %dma_start3A_25 : memref<1x128xi32, #tpu.memory_space<vmem>> -> memref<128xi32, #tpu.memory_space<vmem>>
      %dma_start3A_27 = arith.constant 0 : i32
      %dma_start3A_28 = arith.constant 0 : i32
      %dma_start3A_29 = tpu.memref_slice %arg2[%dma_start3A_27, %dma_start3A_28] : memref<10240x128xf32, #tpu.memory_space<hbm>> -> memref<10240x128xf32, #tpu.memory_space<hbm>>
      tpu.enqueue_indirect_dma source(%dma_start3A_29 : memref<10240x128xf32, #tpu.memory_space<hbm>>) target(%arg11 : memref<128x128xf32, #tpu.memory_space<vmem>>) offsets(%dma_start3A_26 : memref<128xi32, #tpu.memory_space<vmem>>) semaphore(%arg13 : memref<!tpu.dma_semaphore, #tpu.memory_space<semaphore_mem>>)
      %dma_wait3A = arith.constant 0 : i32
      %dma_wait3A_30 = tpu.memref_slice %arg8[%while3A_24, %dma_wait3A] : memref<96x128xi32, #tpu.memory_space<vmem>> -> memref<1x128xi32, #tpu.memory_space<vmem>>
      %dma_wait3A_31 = tpu.memref_squeeze %dma_wait3A_30 : memref<1x128xi32, #tpu.memory_space<vmem>> -> memref<128xi32, #tpu.memory_space<vmem>>
      %dma_wait3A_32 = arith.constant 0 : i32
      %dma_wait3A_33 = arith.constant 0 : i32
      %dma_wait3A_34 = tpu.memref_slice %arg2[%dma_wait3A_32, %dma_wait3A_33] : memref<10240x128xf32, #tpu.memory_space<hbm>> -> memref<10240x128xf32, #tpu.memory_space<hbm>>
      tpu.wait_indirect_dma semaphore(%arg13 : memref<!tpu.dma_semaphore, #tpu.memory_space<semaphore_mem>>) src(%dma_wait3A_34 : memref<10240x128xf32, #tpu.memory_space<hbm>>) dst(%arg11 : memref<128x128xf32, #tpu.memory_space<vmem>>)
      "tpu.region"() ({
        %run_scoped3A = tpu.sem_alloc : memref<!tpu.dma_semaphore, #tpu.memory_space<semaphore_mem>>
        %dma_start3A_35 = arith.constant 0 : i32
        %dma_start3A_36 = tpu.memref_slice %arg9[%while3A_24, %dma_start3A_35] : memref<96x128xi32, #tpu.memory_space<vmem>> -> memref<1x128xi32, #tpu.memory_space<vmem>>
        %dma_start3A_37 = tpu.memref_squeeze %dma_start3A_36 : memref<1x128xi32, #tpu.memory_space<vmem>> -> memref<128xi32, #tpu.memory_space<vmem>>
        %dma_start3A_38 = arith.constant 0 : i32
        %dma_start3A_39 = arith.constant 0 : i32
        %dma_start3A_40 = tpu.memref_slice %arg12[%dma_start3A_38, %dma_start3A_39] : memref<5248x128xf32, #tpu.memory_space<vmem_shared>> -> memref<5248x128xf32, #tpu.memory_space<vmem_shared>>
        tpu.enqueue_indirect_dma source(%arg11 : memref<128x128xf32, #tpu.memory_space<vmem>>) target(%dma_start3A_40 : memref<5248x128xf32, #tpu.memory_space<vmem_shared>>) offsets(%dma_start3A_37 : memref<128xi32, #tpu.memory_space<vmem>>) semaphore(%run_scoped3A : memref<!tpu.dma_semaphore, #tpu.memory_space<semaphore_mem>>) {add = true}
        %dma_wait3A_41 = arith.constant 0 : i32
        %dma_wait3A_42 = tpu.memref_slice %arg9[%while3A_24, %dma_wait3A_41] : memref<96x128xi32, #tpu.memory_space<vmem>> -> memref<1x128xi32, #tpu.memory_space<vmem>>
        %dma_wait3A_43 = tpu.memref_squeeze %dma_wait3A_42 : memref<1x128xi32, #tpu.memory_space<vmem>> -> memref<128xi32, #tpu.memory_space<vmem>>
        %dma_wait3A_44 = arith.constant 0 : i32
        %dma_wait3A_45 = arith.constant 0 : i32
        %dma_wait3A_46 = tpu.memref_slice %arg12[%dma_wait3A_44, %dma_wait3A_45] : memref<5248x128xf32, #tpu.memory_space<vmem_shared>> -> memref<5248x128xf32, #tpu.memory_space<vmem_shared>>
        tpu.wait_indirect_dma semaphore(%run_scoped3A : memref<!tpu.dma_semaphore, #tpu.memory_space<semaphore_mem>>) src(%arg11 : memref<128x128xf32, #tpu.memory_space<vmem>>) dst(%dma_wait3A_46 : memref<5248x128xf32, #tpu.memory_space<vmem_shared>>)
        tpu.yield
      }) : () -> ()
    }
    %barrier3A_16 = arith.constant 0 : index
    tpu.barrier barrier_id(%barrier3A_16)
    %mul3A_17 = arith.constant 320 : i32
    %mul3A_18 = arith.muli %arg1, %mul3A_17 : i32
    %mul3A_19 = arith.constant 5120 : i32
    %mul3A_20 = arith.muli %arg0, %mul3A_19 : i32
    %mul3A_21 = arith.constant 320 : i32
    %mul3A_22 = arith.muli %arg1, %mul3A_21 : i32
    %add3A_23 = arith.addi %mul3A_20, %mul3A_22 : i32
    "tpu.region"() ({
      %run_scoped3A = tpu.sem_alloc : memref<!tpu.dma_semaphore, #tpu.memory_space<semaphore_mem>>
      %dma_start3A = arith.constant 0 : i32
      %dma_start3A_24 = tpu.memref_slice %arg7[%add3A_23, %dma_start3A] : memref<10240x128xf32, #tpu.memory_space<hbm>> -> memref<320x128xf32, #tpu.memory_space<hbm>>
      %dma_start3A_25 = arith.constant 0 : i32
      %dma_start3A_26 = tpu.memref_slice %arg12[%mul3A_18, %dma_start3A_25] : memref<5248x128xf32, #tpu.memory_space<vmem_shared>> -> memref<320x128xf32, #tpu.memory_space<vmem_shared>>
      tpu.enqueue_dma source(%dma_start3A_26 : memref<320x128xf32, #tpu.memory_space<vmem_shared>>) target(%dma_start3A_24 : memref<320x128xf32, #tpu.memory_space<hbm>>) target_semaphore(%run_scoped3A : memref<!tpu.dma_semaphore, #tpu.memory_space<semaphore_mem>>)
      %dma_wait3A = arith.constant 0 : i32
      %dma_wait3A_27 = tpu.memref_slice %arg7[%add3A_23, %dma_wait3A] : memref<10240x128xf32, #tpu.memory_space<hbm>> -> memref<320x128xf32, #tpu.memory_space<hbm>>
      %dma_wait3A_28 = arith.constant 0 : i32
      %dma_wait3A_29 = tpu.memref_slice %arg12[%mul3A_18, %dma_wait3A_28] : memref<5248x128xf32, #tpu.memory_space<vmem_shared>> -> memref<320x128xf32, #tpu.memory_space<vmem_shared>>
      tpu.wait_dma2 semaphore(%run_scoped3A : memref<!tpu.dma_semaphore, #tpu.memory_space<semaphore_mem>>) src(%dma_wait3A_29 : memref<320x128xf32, #tpu.memory_space<vmem_shared>>) dst(%dma_wait3A_27 : memref<320x128xf32, #tpu.memory_space<hbm>>)
      tpu.yield
    }) : () -> ()
    return
  }
}

#map = affine_map<(d0, d1) -> (0, 0)>
#map1 = affine_map<(d0, d1) -> (0, 0, 0)>
module attributes {stable_mosaic.version = 14 : i64} {
  func.func @sc_agg(%arg0: i32, %arg1: i32, %arg2: memref<10240x128xf32, #tpu.memory_space<hbm>>, %arg3: memref<32x96x128xi32, #tpu.memory_space<hbm>>, %arg4: memref<32x96x128xi32, #tpu.memory_space<hbm>>, %arg5: memref<32x128xi32, #tpu.memory_space<hbm>>, %arg6: memref<5248x128xf32, #tpu.memory_space<hbm>>, %arg7: memref<10240x128xf32, #tpu.memory_space<hbm>>, %arg8: memref<96x128xi32, #tpu.memory_space<vmem>>, %arg9: memref<96x128xi32, #tpu.memory_space<vmem>>, %arg10: memref<128xi32, #tpu.memory_space<vmem>>, %arg11: memref<128x128xf32, #tpu.memory_space<vmem>>, %arg12: memref<5248x128xf32, #tpu.memory_space<vmem_shared>>, %arg13: memref<!tpu.dma_semaphore, #tpu.memory_space<semaphore_mem>>) attributes {dimension_semantics = [#tpu.dimension_semantics<core_parallel>, #tpu.dimension_semantics<subcore_parallel>], iteration_bounds = array<i64: 2, 16>, scalar_prefetch = 0 : i64, scratch_operands = 6 : i64, tpu.core_type = #tpu.core_type<sc_vector_subcore>, window_params = [{transform_indices = #map}, {transform_indices = #map1}, {transform_indices = #map1}, {transform_indices = #map}, {transform_indices = #map}, {transform_indices = #map}]} {
    %mul3A = arith.constant 16 : i32
    %mul3A_0 = arith.muli %arg0, %mul3A : i32
    %add3A = arith.addi %mul3A_0, %arg1 : i32
    "tpu.region"() ({
      %run_scoped3A = tpu.sem_alloc : memref<!tpu.dma_semaphore, #tpu.memory_space<semaphore_mem>>
      %dma_start3A = arith.constant 0 : i32
      %dma_start3A_24 = arith.constant 0 : i32
      %dma_start3A_25 = tpu.memref_slice %arg3[%add3A, %dma_start3A, %dma_start3A_24] : memref<32x96x128xi32, #tpu.memory_space<hbm>> -> memref<1x96x128xi32, #tpu.memory_space<hbm>>
      %dma_start3A_26 = tpu.memref_squeeze %dma_start3A_25 : memref<1x96x128xi32, #tpu.memory_space<hbm>> -> memref<96x128xi32, #tpu.memory_space<hbm>>
      %dma_start3A_27 = arith.constant 0 : i32
      %dma_start3A_28 = arith.constant 0 : i32
      %dma_start3A_29 = tpu.memref_slice %arg3[%add3A, %dma_start3A_27, %dma_start3A_28] : memref<32x96x128xi32, #tpu.memory_space<hbm>> -> memref<1x96x128xi32, #tpu.memory_space<hbm>>
      %dma_start3A_30 = tpu.memref_squeeze %dma_start3A_29 : memref<1x96x128xi32, #tpu.memory_space<hbm>> -> memref<96x128xi32, #tpu.memory_space<hbm>>
      tpu.enqueue_dma source(%dma_start3A_30 : memref<96x128xi32, #tpu.memory_space<hbm>>) target(%arg8 : memref<96x128xi32, #tpu.memory_space<vmem>>) target_semaphore(%run_scoped3A : memref<!tpu.dma_semaphore, #tpu.memory_space<semaphore_mem>>)
      %dma_wait3A = arith.constant 0 : i32
      %dma_wait3A_31 = arith.constant 0 : i32
      %dma_wait3A_32 = tpu.memref_slice %arg3[%add3A, %dma_wait3A, %dma_wait3A_31] : memref<32x96x128xi32, #tpu.memory_space<hbm>> -> memref<1x96x128xi32, #tpu.memory_space<hbm>>
      %dma_wait3A_33 = tpu.memref_squeeze %dma_wait3A_32 : memref<1x96x128xi32, #tpu.memory_space<hbm>> -> memref<96x128xi32, #tpu.memory_space<hbm>>
      %dma_wait3A_34 = arith.constant 0 : i32
      %dma_wait3A_35 = arith.constant 0 : i32
      %dma_wait3A_36 = tpu.memref_slice %arg3[%add3A, %dma_wait3A_34, %dma_wait3A_35] : memref<32x96x128xi32, #tpu.memory_space<hbm>> -> memref<1x96x128xi32, #tpu.memory_space<hbm>>
      %dma_wait3A_37 = tpu.memref_squeeze %dma_wait3A_36 : memref<1x96x128xi32, #tpu.memory_space<hbm>> -> memref<96x128xi32, #tpu.memory_space<hbm>>
      tpu.wait_dma2 semaphore(%run_scoped3A : memref<!tpu.dma_semaphore, #tpu.memory_space<semaphore_mem>>) src(%dma_wait3A_37 : memref<96x128xi32, #tpu.memory_space<hbm>>) dst(%arg8 : memref<96x128xi32, #tpu.memory_space<vmem>>)
      tpu.yield
    }) : () -> ()
    "tpu.region"() ({
      %run_scoped3A = tpu.sem_alloc : memref<!tpu.dma_semaphore, #tpu.memory_space<semaphore_mem>>
      %dma_start3A = arith.constant 0 : i32
      %dma_start3A_24 = arith.constant 0 : i32
      %dma_start3A_25 = tpu.memref_slice %arg4[%add3A, %dma_start3A, %dma_start3A_24] : memref<32x96x128xi32, #tpu.memory_space<hbm>> -> memref<1x96x128xi32, #tpu.memory_space<hbm>>
      %dma_start3A_26 = tpu.memref_squeeze %dma_start3A_25 : memref<1x96x128xi32, #tpu.memory_space<hbm>> -> memref<96x128xi32, #tpu.memory_space<hbm>>
      %dma_start3A_27 = arith.constant 0 : i32
      %dma_start3A_28 = arith.constant 0 : i32
      %dma_start3A_29 = tpu.memref_slice %arg4[%add3A, %dma_start3A_27, %dma_start3A_28] : memref<32x96x128xi32, #tpu.memory_space<hbm>> -> memref<1x96x128xi32, #tpu.memory_space<hbm>>
      %dma_start3A_30 = tpu.memref_squeeze %dma_start3A_29 : memref<1x96x128xi32, #tpu.memory_space<hbm>> -> memref<96x128xi32, #tpu.memory_space<hbm>>
      tpu.enqueue_dma source(%dma_start3A_30 : memref<96x128xi32, #tpu.memory_space<hbm>>) target(%arg9 : memref<96x128xi32, #tpu.memory_space<vmem>>) target_semaphore(%run_scoped3A : memref<!tpu.dma_semaphore, #tpu.memory_space<semaphore_mem>>)
      %dma_wait3A = arith.constant 0 : i32
      %dma_wait3A_31 = arith.constant 0 : i32
      %dma_wait3A_32 = tpu.memref_slice %arg4[%add3A, %dma_wait3A, %dma_wait3A_31] : memref<32x96x128xi32, #tpu.memory_space<hbm>> -> memref<1x96x128xi32, #tpu.memory_space<hbm>>
      %dma_wait3A_33 = tpu.memref_squeeze %dma_wait3A_32 : memref<1x96x128xi32, #tpu.memory_space<hbm>> -> memref<96x128xi32, #tpu.memory_space<hbm>>
      %dma_wait3A_34 = arith.constant 0 : i32
      %dma_wait3A_35 = arith.constant 0 : i32
      %dma_wait3A_36 = tpu.memref_slice %arg4[%add3A, %dma_wait3A_34, %dma_wait3A_35] : memref<32x96x128xi32, #tpu.memory_space<hbm>> -> memref<1x96x128xi32, #tpu.memory_space<hbm>>
      %dma_wait3A_37 = tpu.memref_squeeze %dma_wait3A_36 : memref<1x96x128xi32, #tpu.memory_space<hbm>> -> memref<96x128xi32, #tpu.memory_space<hbm>>
      tpu.wait_dma2 semaphore(%run_scoped3A : memref<!tpu.dma_semaphore, #tpu.memory_space<semaphore_mem>>) src(%dma_wait3A_37 : memref<96x128xi32, #tpu.memory_space<hbm>>) dst(%arg9 : memref<96x128xi32, #tpu.memory_space<vmem>>)
      tpu.yield
    }) : () -> ()
    "tpu.region"() ({
      %run_scoped3A = tpu.sem_alloc : memref<!tpu.dma_semaphore, #tpu.memory_space<semaphore_mem>>
      %dma_start3A = arith.constant 0 : i32
      %dma_start3A_24 = tpu.memref_slice %arg5[%add3A, %dma_start3A] : memref<32x128xi32, #tpu.memory_space<hbm>> -> memref<1x128xi32, #tpu.memory_space<hbm>>
      %dma_start3A_25 = tpu.memref_squeeze %dma_start3A_24 : memref<1x128xi32, #tpu.memory_space<hbm>> -> memref<128xi32, #tpu.memory_space<hbm>>
      %dma_start3A_26 = arith.constant 0 : i32
      %dma_start3A_27 = tpu.memref_slice %arg5[%add3A, %dma_start3A_26] : memref<32x128xi32, #tpu.memory_space<hbm>> -> memref<1x128xi32, #tpu.memory_space<hbm>>
      %dma_start3A_28 = tpu.memref_squeeze %dma_start3A_27 : memref<1x128xi32, #tpu.memory_space<hbm>> -> memref<128xi32, #tpu.memory_space<hbm>>
      tpu.enqueue_dma source(%dma_start3A_28 : memref<128xi32, #tpu.memory_space<hbm>>) target(%arg10 : memref<128xi32, #tpu.memory_space<vmem>>) target_semaphore(%run_scoped3A : memref<!tpu.dma_semaphore, #tpu.memory_space<semaphore_mem>>)
      %dma_wait3A = arith.constant 0 : i32
      %dma_wait3A_29 = tpu.memref_slice %arg5[%add3A, %dma_wait3A] : memref<32x128xi32, #tpu.memory_space<hbm>> -> memref<1x128xi32, #tpu.memory_space<hbm>>
      %dma_wait3A_30 = tpu.memref_squeeze %dma_wait3A_29 : memref<1x128xi32, #tpu.memory_space<hbm>> -> memref<128xi32, #tpu.memory_space<hbm>>
      %dma_wait3A_31 = arith.constant 0 : i32
      %dma_wait3A_32 = tpu.memref_slice %arg5[%add3A, %dma_wait3A_31] : memref<32x128xi32, #tpu.memory_space<hbm>> -> memref<1x128xi32, #tpu.memory_space<hbm>>
      %dma_wait3A_33 = tpu.memref_squeeze %dma_wait3A_32 : memref<1x128xi32, #tpu.memory_space<hbm>> -> memref<128xi32, #tpu.memory_space<hbm>>
      tpu.wait_dma2 semaphore(%run_scoped3A : memref<!tpu.dma_semaphore, #tpu.memory_space<semaphore_mem>>) src(%dma_wait3A_33 : memref<128xi32, #tpu.memory_space<hbm>>) dst(%arg10 : memref<128xi32, #tpu.memory_space<vmem>>)
      tpu.yield
    }) : () -> ()
    %mul3A_1 = arith.constant 328 : i32
    %mul3A_2 = arith.muli %arg1, %mul3A_1 : i32
    %mul3A_3 = arith.constant 328 : i32
    %mul3A_4 = arith.muli %arg1, %mul3A_3 : i32
    "tpu.region"() ({
      %run_scoped3A = tpu.sem_alloc : memref<!tpu.dma_semaphore, #tpu.memory_space<semaphore_mem>>
      %dma_start3A = arith.constant 0 : i32
      %dma_start3A_24 = tpu.memref_slice %arg12[%mul3A_4, %dma_start3A] : memref<5248x128xf32, #tpu.memory_space<vmem_shared>> -> memref<328x128xf32, #tpu.memory_space<vmem_shared>>
      %dma_start3A_25 = arith.constant 0 : i32
      %dma_start3A_26 = tpu.memref_slice %arg6[%mul3A_2, %dma_start3A_25] : memref<5248x128xf32, #tpu.memory_space<hbm>> -> memref<328x128xf32, #tpu.memory_space<hbm>>
      tpu.enqueue_dma source(%dma_start3A_26 : memref<328x128xf32, #tpu.memory_space<hbm>>) target(%dma_start3A_24 : memref<328x128xf32, #tpu.memory_space<vmem_shared>>) target_semaphore(%run_scoped3A : memref<!tpu.dma_semaphore, #tpu.memory_space<semaphore_mem>>)
      %dma_wait3A = arith.constant 0 : i32
      %dma_wait3A_27 = tpu.memref_slice %arg12[%mul3A_4, %dma_wait3A] : memref<5248x128xf32, #tpu.memory_space<vmem_shared>> -> memref<328x128xf32, #tpu.memory_space<vmem_shared>>
      %dma_wait3A_28 = arith.constant 0 : i32
      %dma_wait3A_29 = tpu.memref_slice %arg6[%mul3A_2, %dma_wait3A_28] : memref<5248x128xf32, #tpu.memory_space<hbm>> -> memref<328x128xf32, #tpu.memory_space<hbm>>
      tpu.wait_dma2 semaphore(%run_scoped3A : memref<!tpu.dma_semaphore, #tpu.memory_space<semaphore_mem>>) src(%dma_wait3A_29 : memref<328x128xf32, #tpu.memory_space<hbm>>) dst(%dma_wait3A_27 : memref<328x128xf32, #tpu.memory_space<vmem_shared>>)
      tpu.yield
    }) : () -> ()
    %barrier3A = arith.constant 0 : index
    tpu.barrier barrier_id(%barrier3A)
    %get3A = arith.constant 0 : index
    %get3A_5 = tpu.vector_load %arg10[%get3A] {strides = array<i32>} : memref<128xi32, #tpu.memory_space<vmem>>, vector<16xi32>,
    %get3A_6 = vector.shape_cast %get3A_5 : vector<16xi32> to vector<16xi32>
    %slice3A = vector.extract_strided_slice %get3A_6 {offsets = [0], sizes = [1], strides = [1]} : vector<16xi32> to vector<1xi32>
    %squeeze3A = vector.extract %slice3A[0] : i32 from vector<1xi32>
    %while3A = arith.constant 0 : i32
    %while3A_7 = arith.constant 0 : i32
    %while3A_8 = arith.subi %squeeze3A, %while3A_7 : i32
    %while3A_9 = arith.addi %while3A_7, %while3A_8 : i32
    %while3A_10 = arith.constant 1 : i32
    %while3A_11 = arith.divsi %while3A_8, %while3A_10 : i32
    %while3A_12 = arith.muli %while3A_11, %while3A_10 : i32
    %while3A_13 = arith.addi %while3A_7, %while3A_12 : i32
    %while3A_14 = arith.constant 1 : i32
    scf.for %while3A_24 = %while3A_7 to %while3A_13 step %while3A_14  : i32 {
      %dma_start3A = arith.constant 0 : i32
      %dma_start3A_25 = tpu.memref_slice %arg8[%while3A_24, %dma_start3A] : memref<96x128xi32, #tpu.memory_space<vmem>> -> memref<1x128xi32, #tpu.memory_space<vmem>>
      %dma_start3A_26 = tpu.memref_squeeze %dma_start3A_25 : memref<1x128xi32, #tpu.memory_space<vmem>> -> memref<128xi32, #tpu.memory_space<vmem>>
      %dma_start3A_27 = arith.constant 0 : i32
      %dma_start3A_28 = arith.constant 0 : i32
      %dma_start3A_29 = tpu.memref_slice %arg2[%dma_start3A_27, %dma_start3A_28] : memref<10240x128xf32, #tpu.memory_space<hbm>> -> memref<10240x128xf32, #tpu.memory_space<hbm>>
      tpu.enqueue_indirect_dma source(%dma_start3A_29 : memref<10240x128xf32, #tpu.memory_space<hbm>>) target(%arg11 : memref<128x128xf32, #tpu.memory_space<vmem>>) offsets(%dma_start3A_26 : memref<128xi32, #tpu.memory_space<vmem>>) semaphore(%arg13 : memref<!tpu.dma_semaphore, #tpu.memory_space<semaphore_mem>>)
      %dma_wait3A = arith.constant 0 : i32
      %dma_wait3A_30 = tpu.memref_slice %arg8[%while3A_24, %dma_wait3A] : memref<96x128xi32, #tpu.memory_space<vmem>> -> memref<1x128xi32, #tpu.memory_space<vmem>>
      %dma_wait3A_31 = tpu.memref_squeeze %dma_wait3A_30 : memref<1x128xi32, #tpu.memory_space<vmem>> -> memref<128xi32, #tpu.memory_space<vmem>>
      %dma_wait3A_32 = arith.constant 0 : i32
      %dma_wait3A_33 = arith.constant 0 : i32
      %dma_wait3A_34 = tpu.memref_slice %arg2[%dma_wait3A_32, %dma_wait3A_33] : memref<10240x128xf32, #tpu.memory_space<hbm>> -> memref<10240x128xf32, #tpu.memory_space<hbm>>
      tpu.wait_indirect_dma semaphore(%arg13 : memref<!tpu.dma_semaphore, #tpu.memory_space<semaphore_mem>>) src(%dma_wait3A_34 : memref<10240x128xf32, #tpu.memory_space<hbm>>) dst(%arg11 : memref<128x128xf32, #tpu.memory_space<vmem>>)
      "tpu.region"() ({
        %run_scoped3A = tpu.sem_alloc : memref<!tpu.dma_semaphore, #tpu.memory_space<semaphore_mem>>
        %dma_start3A_35 = arith.constant 0 : i32
        %dma_start3A_36 = tpu.memref_slice %arg9[%while3A_24, %dma_start3A_35] : memref<96x128xi32, #tpu.memory_space<vmem>> -> memref<1x128xi32, #tpu.memory_space<vmem>>
        %dma_start3A_37 = tpu.memref_squeeze %dma_start3A_36 : memref<1x128xi32, #tpu.memory_space<vmem>> -> memref<128xi32, #tpu.memory_space<vmem>>
        %dma_start3A_38 = arith.constant 0 : i32
        %dma_start3A_39 = arith.constant 0 : i32
        %dma_start3A_40 = tpu.memref_slice %arg12[%dma_start3A_38, %dma_start3A_39] : memref<5248x128xf32, #tpu.memory_space<vmem_shared>> -> memref<5248x128xf32, #tpu.memory_space<vmem_shared>>
        tpu.enqueue_indirect_dma source(%arg11 : memref<128x128xf32, #tpu.memory_space<vmem>>) target(%dma_start3A_40 : memref<5248x128xf32, #tpu.memory_space<vmem_shared>>) offsets(%dma_start3A_37 : memref<128xi32, #tpu.memory_space<vmem>>) semaphore(%run_scoped3A : memref<!tpu.dma_semaphore, #tpu.memory_space<semaphore_mem>>) {add = true}
        %dma_wait3A_41 = arith.constant 0 : i32
        %dma_wait3A_42 = tpu.memref_slice %arg9[%while3A_24, %dma_wait3A_41] : memref<96x128xi32, #tpu.memory_space<vmem>> -> memref<1x128xi32, #tpu.memory_space<vmem>>
        %dma_wait3A_43 = tpu.memref_squeeze %dma_wait3A_42 : memref<1x128xi32, #tpu.memory_space<vmem>> -> memref<128xi32, #tpu.memory_space<vmem>>
        %dma_wait3A_44 = arith.constant 0 : i32
        %dma_wait3A_45 = arith.constant 0 : i32
        %dma_wait3A_46 = tpu.memref_slice %arg12[%dma_wait3A_44, %dma_wait3A_45] : memref<5248x128xf32, #tpu.memory_space<vmem_shared>> -> memref<5248x128xf32, #tpu.memory_space<vmem_shared>>
        tpu.wait_indirect_dma semaphore(%run_scoped3A : memref<!tpu.dma_semaphore, #tpu.memory_space<semaphore_mem>>) src(%arg11 : memref<128x128xf32, #tpu.memory_space<vmem>>) dst(%dma_wait3A_46 : memref<5248x128xf32, #tpu.memory_space<vmem_shared>>)
        tpu.yield
      }) : () -> ()
    }
    %while3A_15 = arith.constant 1 : i32
    scf.for %while3A_24 = %while3A_13 to %while3A_9 step %while3A_15  : i32 {
      %dma_start3A = arith.constant 0 : i32
      %dma_start3A_25 = tpu.memref_slice %arg8[%while3A_24, %dma_start3A] : memref<96x128xi32, #tpu.memory_space<vmem>> -> memref<1x128xi32, #tpu.memory_space<vmem>>
      %dma_start3A_26 = tpu.memref_squeeze %dma_start3A_25 : memref<1x128xi32, #tpu.memory_space<vmem>> -> memref<128xi32, #tpu.memory_space<vmem>>
      %dma_start3A_27 = arith.constant 0 : i32
      %dma_start3A_28 = arith.constant 0 : i32
      %dma_start3A_29 = tpu.memref_slice %arg2[%dma_start3A_27, %dma_start3A_28] : memref<10240x128xf32, #tpu.memory_space<hbm>> -> memref<10240x128xf32, #tpu.memory_space<hbm>>
      tpu.enqueue_indirect_dma source(%dma_start3A_29 : memref<10240x128xf32, #tpu.memory_space<hbm>>) target(%arg11 : memref<128x128xf32, #tpu.memory_space<vmem>>) offsets(%dma_start3A_26 : memref<128xi32, #tpu.memory_space<vmem>>) semaphore(%arg13 : memref<!tpu.dma_semaphore, #tpu.memory_space<semaphore_mem>>)
      %dma_wait3A = arith.constant 0 : i32
      %dma_wait3A_30 = tpu.memref_slice %arg8[%while3A_24, %dma_wait3A] : memref<96x128xi32, #tpu.memory_space<vmem>> -> memref<1x128xi32, #tpu.memory_space<vmem>>
      %dma_wait3A_31 = tpu.memref_squeeze %dma_wait3A_30 : memref<1x128xi32, #tpu.memory_space<vmem>> -> memref<128xi32, #tpu.memory_space<vmem>>
      %dma_wait3A_32 = arith.constant 0 : i32
      %dma_wait3A_33 = arith.constant 0 : i32
      %dma_wait3A_34 = tpu.memref_slice %arg2[%dma_wait3A_32, %dma_wait3A_33] : memref<10240x128xf32, #tpu.memory_space<hbm>> -> memref<10240x128xf32, #tpu.memory_space<hbm>>
      tpu.wait_indirect_dma semaphore(%arg13 : memref<!tpu.dma_semaphore, #tpu.memory_space<semaphore_mem>>) src(%dma_wait3A_34 : memref<10240x128xf32, #tpu.memory_space<hbm>>) dst(%arg11 : memref<128x128xf32, #tpu.memory_space<vmem>>)
      "tpu.region"() ({
        %run_scoped3A = tpu.sem_alloc : memref<!tpu.dma_semaphore, #tpu.memory_space<semaphore_mem>>
        %dma_start3A_35 = arith.constant 0 : i32
        %dma_start3A_36 = tpu.memref_slice %arg9[%while3A_24, %dma_start3A_35] : memref<96x128xi32, #tpu.memory_space<vmem>> -> memref<1x128xi32, #tpu.memory_space<vmem>>
        %dma_start3A_37 = tpu.memref_squeeze %dma_start3A_36 : memref<1x128xi32, #tpu.memory_space<vmem>> -> memref<128xi32, #tpu.memory_space<vmem>>
        %dma_start3A_38 = arith.constant 0 : i32
        %dma_start3A_39 = arith.constant 0 : i32
        %dma_start3A_40 = tpu.memref_slice %arg12[%dma_start3A_38, %dma_start3A_39] : memref<5248x128xf32, #tpu.memory_space<vmem_shared>> -> memref<5248x128xf32, #tpu.memory_space<vmem_shared>>
        tpu.enqueue_indirect_dma source(%arg11 : memref<128x128xf32, #tpu.memory_space<vmem>>) target(%dma_start3A_40 : memref<5248x128xf32, #tpu.memory_space<vmem_shared>>) offsets(%dma_start3A_37 : memref<128xi32, #tpu.memory_space<vmem>>) semaphore(%run_scoped3A : memref<!tpu.dma_semaphore, #tpu.memory_space<semaphore_mem>>) {add = true}
        %dma_wait3A_41 = arith.constant 0 : i32
        %dma_wait3A_42 = tpu.memref_slice %arg9[%while3A_24, %dma_wait3A_41] : memref<96x128xi32, #tpu.memory_space<vmem>> -> memref<1x128xi32, #tpu.memory_space<vmem>>
        %dma_wait3A_43 = tpu.memref_squeeze %dma_wait3A_42 : memref<1x128xi32, #tpu.memory_space<vmem>> -> memref<128xi32, #tpu.memory_space<vmem>>
        %dma_wait3A_44 = arith.constant 0 : i32
        %dma_wait3A_45 = arith.constant 0 : i32
        %dma_wait3A_46 = tpu.memref_slice %arg12[%dma_wait3A_44, %dma_wait3A_45] : memref<5248x128xf32, #tpu.memory_space<vmem_shared>> -> memref<5248x128xf32, #tpu.memory_space<vmem_shared>>
        tpu.wait_indirect_dma semaphore(%run_scoped3A : memref<!tpu.dma_semaphore, #tpu.memory_space<semaphore_mem>>) src(%arg11 : memref<128x128xf32, #tpu.memory_space<vmem>>) dst(%dma_wait3A_46 : memref<5248x128xf32, #tpu.memory_space<vmem_shared>>)
        tpu.yield
      }) : () -> ()
    }
    %barrier3A_16 = arith.constant 0 : index
    tpu.barrier barrier_id(%barrier3A_16)
    %mul3A_17 = arith.constant 320 : i32
    %mul3A_18 = arith.muli %arg1, %mul3A_17 : i32
    %mul3A_19 = arith.constant 5120 : i32
    %mul3A_20 = arith.muli %arg0, %mul3A_19 : i32
    %mul3A_21 = arith.constant 320 : i32
    %mul3A_22 = arith.muli %arg1, %mul3A_21 : i32
    %add3A_23 = arith.addi %mul3A_20, %mul3A_22 : i32
    "tpu.region"() ({
      %run_scoped3A = tpu.sem_alloc : memref<!tpu.dma_semaphore, #tpu.memory_space<semaphore_mem>>
      %dma_start3A = arith.constant 0 : i32
      %dma_start3A_24 = tpu.memref_slice %arg7[%add3A_23, %dma_start3A] : memref<10240x128xf32, #tpu.memory_space<hbm>> -> memref<320x128xf32, #tpu.memory_space<hbm>>
      %dma_start3A_25 = arith.constant 0 : i32
      %dma_start3A_26 = tpu.memref_slice %arg12[%mul3A_18, %dma_start3A_25] : memref<5248x128xf32, #tpu.memory_space<vmem_shared>> -> memref<320x128xf32, #tpu.memory_space<vmem_shared>>
      tpu.enqueue_dma source(%dma_start3A_26 : memref<320x128xf32, #tpu.memory_space<vmem_shared>>) target(%dma_start3A_24 : memref<320x128xf32, #tpu.memory_space<hbm>>) target_semaphore(%run_scoped3A : memref<!tpu.dma_semaphore, #tpu.memory_space<semaphore_mem>>)
      %dma_wait3A = arith.constant 0 : i32
      %dma_wait3A_27 = tpu.memref_slice %arg7[%add3A_23, %dma_wait3A] : memref<10240x128xf32, #tpu.memory_space<hbm>> -> memref<320x128xf32, #tpu.memory_space<hbm>>
      %dma_wait3A_28 = arith.constant 0 : i32
      %dma_wait3A_29 = tpu.memref_slice %arg12[%mul3A_18, %dma_wait3A_28] : memref<5248x128xf32, #tpu.memory_space<vmem_shared>> -> memref<320x128xf32, #tpu.memory_space<vmem_shared>>
      tpu.wait_dma2 semaphore(%run_scoped3A : memref<!tpu.dma_semaphore, #tpu.memory_space<semaphore_mem>>) src(%dma_wait3A_29 : memref<320x128xf32, #tpu.memory_space<vmem_shared>>) dst(%dma_wait3A_27 : memref<320x128xf32, #tpu.memory_space<hbm>>)
      tpu.yield
    }) : () -> ()
    return
  }
}

#map = affine_map<(d0, d1) -> (0, 0)>
#map1 = affine_map<(d0, d1) -> (0, 0, 0)>
module attributes {stable_mosaic.version = 14 : i64} {
  func.func @sc_agg(%arg0: i32, %arg1: i32, %arg2: memref<10240x128xf32, #tpu.memory_space<hbm>>, %arg3: memref<32x4x128xi32, #tpu.memory_space<hbm>>, %arg4: memref<32x4x128xi32, #tpu.memory_space<hbm>>, %arg5: memref<32x128xi32, #tpu.memory_space<hbm>>, %arg6: memref<5248x128xf32, #tpu.memory_space<hbm>>, %arg7: memref<4096x128xf32, #tpu.memory_space<hbm>>, %arg8: memref<4x128xi32, #tpu.memory_space<vmem>>, %arg9: memref<4x128xi32, #tpu.memory_space<vmem>>, %arg10: memref<128xi32, #tpu.memory_space<vmem>>, %arg11: memref<128x128xf32, #tpu.memory_space<vmem>>, %arg12: memref<2176x128xf32, #tpu.memory_space<vmem_shared>>, %arg13: memref<!tpu.dma_semaphore, #tpu.memory_space<semaphore_mem>>) attributes {dimension_semantics = [#tpu.dimension_semantics<core_parallel>, #tpu.dimension_semantics<subcore_parallel>], iteration_bounds = array<i64: 2, 16>, scalar_prefetch = 0 : i64, scratch_operands = 6 : i64, tpu.core_type = #tpu.core_type<sc_vector_subcore>, window_params = [{transform_indices = #map}, {transform_indices = #map1}, {transform_indices = #map1}, {transform_indices = #map}, {transform_indices = #map}, {transform_indices = #map}]} {
    %mul3A = arith.constant 16 : i32
    %mul3A_0 = arith.muli %arg0, %mul3A : i32
    %add3A = arith.addi %mul3A_0, %arg1 : i32
    "tpu.region"() ({
      %run_scoped3A = tpu.sem_alloc : memref<!tpu.dma_semaphore, #tpu.memory_space<semaphore_mem>>
      %dma_start3A = arith.constant 0 : i32
      %dma_start3A_24 = arith.constant 0 : i32
      %dma_start3A_25 = tpu.memref_slice %arg3[%add3A, %dma_start3A, %dma_start3A_24] : memref<32x4x128xi32, #tpu.memory_space<hbm>> -> memref<1x4x128xi32, #tpu.memory_space<hbm>>
      %dma_start3A_26 = tpu.memref_squeeze %dma_start3A_25 : memref<1x4x128xi32, #tpu.memory_space<hbm>> -> memref<4x128xi32, #tpu.memory_space<hbm>>
      %dma_start3A_27 = arith.constant 0 : i32
      %dma_start3A_28 = arith.constant 0 : i32
      %dma_start3A_29 = tpu.memref_slice %arg3[%add3A, %dma_start3A_27, %dma_start3A_28] : memref<32x4x128xi32, #tpu.memory_space<hbm>> -> memref<1x4x128xi32, #tpu.memory_space<hbm>>
      %dma_start3A_30 = tpu.memref_squeeze %dma_start3A_29 : memref<1x4x128xi32, #tpu.memory_space<hbm>> -> memref<4x128xi32, #tpu.memory_space<hbm>>
      tpu.enqueue_dma source(%dma_start3A_30 : memref<4x128xi32, #tpu.memory_space<hbm>>) target(%arg8 : memref<4x128xi32, #tpu.memory_space<vmem>>) target_semaphore(%run_scoped3A : memref<!tpu.dma_semaphore, #tpu.memory_space<semaphore_mem>>)
      %dma_wait3A = arith.constant 0 : i32
      %dma_wait3A_31 = arith.constant 0 : i32
      %dma_wait3A_32 = tpu.memref_slice %arg3[%add3A, %dma_wait3A, %dma_wait3A_31] : memref<32x4x128xi32, #tpu.memory_space<hbm>> -> memref<1x4x128xi32, #tpu.memory_space<hbm>>
      %dma_wait3A_33 = tpu.memref_squeeze %dma_wait3A_32 : memref<1x4x128xi32, #tpu.memory_space<hbm>> -> memref<4x128xi32, #tpu.memory_space<hbm>>
      %dma_wait3A_34 = arith.constant 0 : i32
      %dma_wait3A_35 = arith.constant 0 : i32
      %dma_wait3A_36 = tpu.memref_slice %arg3[%add3A, %dma_wait3A_34, %dma_wait3A_35] : memref<32x4x128xi32, #tpu.memory_space<hbm>> -> memref<1x4x128xi32, #tpu.memory_space<hbm>>
      %dma_wait3A_37 = tpu.memref_squeeze %dma_wait3A_36 : memref<1x4x128xi32, #tpu.memory_space<hbm>> -> memref<4x128xi32, #tpu.memory_space<hbm>>
      tpu.wait_dma2 semaphore(%run_scoped3A : memref<!tpu.dma_semaphore, #tpu.memory_space<semaphore_mem>>) src(%dma_wait3A_37 : memref<4x128xi32, #tpu.memory_space<hbm>>) dst(%arg8 : memref<4x128xi32, #tpu.memory_space<vmem>>)
      tpu.yield
    }) : () -> ()
    "tpu.region"() ({
      %run_scoped3A = tpu.sem_alloc : memref<!tpu.dma_semaphore, #tpu.memory_space<semaphore_mem>>
      %dma_start3A = arith.constant 0 : i32
      %dma_start3A_24 = arith.constant 0 : i32
      %dma_start3A_25 = tpu.memref_slice %arg4[%add3A, %dma_start3A, %dma_start3A_24] : memref<32x4x128xi32, #tpu.memory_space<hbm>> -> memref<1x4x128xi32, #tpu.memory_space<hbm>>
      %dma_start3A_26 = tpu.memref_squeeze %dma_start3A_25 : memref<1x4x128xi32, #tpu.memory_space<hbm>> -> memref<4x128xi32, #tpu.memory_space<hbm>>
      %dma_start3A_27 = arith.constant 0 : i32
      %dma_start3A_28 = arith.constant 0 : i32
      %dma_start3A_29 = tpu.memref_slice %arg4[%add3A, %dma_start3A_27, %dma_start3A_28] : memref<32x4x128xi32, #tpu.memory_space<hbm>> -> memref<1x4x128xi32, #tpu.memory_space<hbm>>
      %dma_start3A_30 = tpu.memref_squeeze %dma_start3A_29 : memref<1x4x128xi32, #tpu.memory_space<hbm>> -> memref<4x128xi32, #tpu.memory_space<hbm>>
      tpu.enqueue_dma source(%dma_start3A_30 : memref<4x128xi32, #tpu.memory_space<hbm>>) target(%arg9 : memref<4x128xi32, #tpu.memory_space<vmem>>) target_semaphore(%run_scoped3A : memref<!tpu.dma_semaphore, #tpu.memory_space<semaphore_mem>>)
      %dma_wait3A = arith.constant 0 : i32
      %dma_wait3A_31 = arith.constant 0 : i32
      %dma_wait3A_32 = tpu.memref_slice %arg4[%add3A, %dma_wait3A, %dma_wait3A_31] : memref<32x4x128xi32, #tpu.memory_space<hbm>> -> memref<1x4x128xi32, #tpu.memory_space<hbm>>
      %dma_wait3A_33 = tpu.memref_squeeze %dma_wait3A_32 : memref<1x4x128xi32, #tpu.memory_space<hbm>> -> memref<4x128xi32, #tpu.memory_space<hbm>>
      %dma_wait3A_34 = arith.constant 0 : i32
      %dma_wait3A_35 = arith.constant 0 : i32
      %dma_wait3A_36 = tpu.memref_slice %arg4[%add3A, %dma_wait3A_34, %dma_wait3A_35] : memref<32x4x128xi32, #tpu.memory_space<hbm>> -> memref<1x4x128xi32, #tpu.memory_space<hbm>>
      %dma_wait3A_37 = tpu.memref_squeeze %dma_wait3A_36 : memref<1x4x128xi32, #tpu.memory_space<hbm>> -> memref<4x128xi32, #tpu.memory_space<hbm>>
      tpu.wait_dma2 semaphore(%run_scoped3A : memref<!tpu.dma_semaphore, #tpu.memory_space<semaphore_mem>>) src(%dma_wait3A_37 : memref<4x128xi32, #tpu.memory_space<hbm>>) dst(%arg9 : memref<4x128xi32, #tpu.memory_space<vmem>>)
      tpu.yield
    }) : () -> ()
    "tpu.region"() ({
      %run_scoped3A = tpu.sem_alloc : memref<!tpu.dma_semaphore, #tpu.memory_space<semaphore_mem>>
      %dma_start3A = arith.constant 0 : i32
      %dma_start3A_24 = tpu.memref_slice %arg5[%add3A, %dma_start3A] : memref<32x128xi32, #tpu.memory_space<hbm>> -> memref<1x128xi32, #tpu.memory_space<hbm>>
      %dma_start3A_25 = tpu.memref_squeeze %dma_start3A_24 : memref<1x128xi32, #tpu.memory_space<hbm>> -> memref<128xi32, #tpu.memory_space<hbm>>
      %dma_start3A_26 = arith.constant 0 : i32
      %dma_start3A_27 = tpu.memref_slice %arg5[%add3A, %dma_start3A_26] : memref<32x128xi32, #tpu.memory_space<hbm>> -> memref<1x128xi32, #tpu.memory_space<hbm>>
      %dma_start3A_28 = tpu.memref_squeeze %dma_start3A_27 : memref<1x128xi32, #tpu.memory_space<hbm>> -> memref<128xi32, #tpu.memory_space<hbm>>
      tpu.enqueue_dma source(%dma_start3A_28 : memref<128xi32, #tpu.memory_space<hbm>>) target(%arg10 : memref<128xi32, #tpu.memory_space<vmem>>) target_semaphore(%run_scoped3A : memref<!tpu.dma_semaphore, #tpu.memory_space<semaphore_mem>>)
      %dma_wait3A = arith.constant 0 : i32
      %dma_wait3A_29 = tpu.memref_slice %arg5[%add3A, %dma_wait3A] : memref<32x128xi32, #tpu.memory_space<hbm>> -> memref<1x128xi32, #tpu.memory_space<hbm>>
      %dma_wait3A_30 = tpu.memref_squeeze %dma_wait3A_29 : memref<1x128xi32, #tpu.memory_space<hbm>> -> memref<128xi32, #tpu.memory_space<hbm>>
      %dma_wait3A_31 = arith.constant 0 : i32
      %dma_wait3A_32 = tpu.memref_slice %arg5[%add3A, %dma_wait3A_31] : memref<32x128xi32, #tpu.memory_space<hbm>> -> memref<1x128xi32, #tpu.memory_space<hbm>>
      %dma_wait3A_33 = tpu.memref_squeeze %dma_wait3A_32 : memref<1x128xi32, #tpu.memory_space<hbm>> -> memref<128xi32, #tpu.memory_space<hbm>>
      tpu.wait_dma2 semaphore(%run_scoped3A : memref<!tpu.dma_semaphore, #tpu.memory_space<semaphore_mem>>) src(%dma_wait3A_33 : memref<128xi32, #tpu.memory_space<hbm>>) dst(%arg10 : memref<128xi32, #tpu.memory_space<vmem>>)
      tpu.yield
    }) : () -> ()
    %mul3A_1 = arith.constant 136 : i32
    %mul3A_2 = arith.muli %arg1, %mul3A_1 : i32
    %mul3A_3 = arith.constant 136 : i32
    %mul3A_4 = arith.muli %arg1, %mul3A_3 : i32
    "tpu.region"() ({
      %run_scoped3A = tpu.sem_alloc : memref<!tpu.dma_semaphore, #tpu.memory_space<semaphore_mem>>
      %dma_start3A = arith.constant 0 : i32
      %dma_start3A_24 = tpu.memref_slice %arg12[%mul3A_4, %dma_start3A] : memref<2176x128xf32, #tpu.memory_space<vmem_shared>> -> memref<136x128xf32, #tpu.memory_space<vmem_shared>>
      %dma_start3A_25 = arith.constant 0 : i32
      %dma_start3A_26 = tpu.memref_slice %arg6[%mul3A_2, %dma_start3A_25] : memref<5248x128xf32, #tpu.memory_space<hbm>> -> memref<136x128xf32, #tpu.memory_space<hbm>>
      tpu.enqueue_dma source(%dma_start3A_26 : memref<136x128xf32, #tpu.memory_space<hbm>>) target(%dma_start3A_24 : memref<136x128xf32, #tpu.memory_space<vmem_shared>>) target_semaphore(%run_scoped3A : memref<!tpu.dma_semaphore, #tpu.memory_space<semaphore_mem>>)
      %dma_wait3A = arith.constant 0 : i32
      %dma_wait3A_27 = tpu.memref_slice %arg12[%mul3A_4, %dma_wait3A] : memref<2176x128xf32, #tpu.memory_space<vmem_shared>> -> memref<136x128xf32, #tpu.memory_space<vmem_shared>>
      %dma_wait3A_28 = arith.constant 0 : i32
      %dma_wait3A_29 = tpu.memref_slice %arg6[%mul3A_2, %dma_wait3A_28] : memref<5248x128xf32, #tpu.memory_space<hbm>> -> memref<136x128xf32, #tpu.memory_space<hbm>>
      tpu.wait_dma2 semaphore(%run_scoped3A : memref<!tpu.dma_semaphore, #tpu.memory_space<semaphore_mem>>) src(%dma_wait3A_29 : memref<136x128xf32, #tpu.memory_space<hbm>>) dst(%dma_wait3A_27 : memref<136x128xf32, #tpu.memory_space<vmem_shared>>)
      tpu.yield
    }) : () -> ()
    %barrier3A = arith.constant 0 : index
    tpu.barrier barrier_id(%barrier3A)
    %get3A = arith.constant 0 : index
    %get3A_5 = tpu.vector_load %arg10[%get3A] {strides = array<i32>} : memref<128xi32, #tpu.memory_space<vmem>>, vector<16xi32>,
    %get3A_6 = vector.shape_cast %get3A_5 : vector<16xi32> to vector<16xi32>
    %slice3A = vector.extract_strided_slice %get3A_6 {offsets = [0], sizes = [1], strides = [1]} : vector<16xi32> to vector<1xi32>
    %squeeze3A = vector.extract %slice3A[0] : i32 from vector<1xi32>
    %while3A = arith.constant 0 : i32
    %while3A_7 = arith.constant 0 : i32
    %while3A_8 = arith.subi %squeeze3A, %while3A_7 : i32
    %while3A_9 = arith.addi %while3A_7, %while3A_8 : i32
    %while3A_10 = arith.constant 1 : i32
    %while3A_11 = arith.divsi %while3A_8, %while3A_10 : i32
    %while3A_12 = arith.muli %while3A_11, %while3A_10 : i32
    %while3A_13 = arith.addi %while3A_7, %while3A_12 : i32
    %while3A_14 = arith.constant 1 : i32
    scf.for %while3A_24 = %while3A_7 to %while3A_13 step %while3A_14  : i32 {
      %dma_start3A = arith.constant 0 : i32
      %dma_start3A_25 = tpu.memref_slice %arg8[%while3A_24, %dma_start3A] : memref<4x128xi32, #tpu.memory_space<vmem>> -> memref<1x128xi32, #tpu.memory_space<vmem>>
      %dma_start3A_26 = tpu.memref_squeeze %dma_start3A_25 : memref<1x128xi32, #tpu.memory_space<vmem>> -> memref<128xi32, #tpu.memory_space<vmem>>
      %dma_start3A_27 = arith.constant 0 : i32
      %dma_start3A_28 = arith.constant 0 : i32
      %dma_start3A_29 = tpu.memref_slice %arg2[%dma_start3A_27, %dma_start3A_28] : memref<10240x128xf32, #tpu.memory_space<hbm>> -> memref<10240x128xf32, #tpu.memory_space<hbm>>
      tpu.enqueue_indirect_dma source(%dma_start3A_29 : memref<10240x128xf32, #tpu.memory_space<hbm>>) target(%arg11 : memref<128x128xf32, #tpu.memory_space<vmem>>) offsets(%dma_start3A_26 : memref<128xi32, #tpu.memory_space<vmem>>) semaphore(%arg13 : memref<!tpu.dma_semaphore, #tpu.memory_space<semaphore_mem>>)
      %dma_wait3A = arith.constant 0 : i32
      %dma_wait3A_30 = tpu.memref_slice %arg8[%while3A_24, %dma_wait3A] : memref<4x128xi32, #tpu.memory_space<vmem>> -> memref<1x128xi32, #tpu.memory_space<vmem>>
      %dma_wait3A_31 = tpu.memref_squeeze %dma_wait3A_30 : memref<1x128xi32, #tpu.memory_space<vmem>> -> memref<128xi32, #tpu.memory_space<vmem>>
      %dma_wait3A_32 = arith.constant 0 : i32
      %dma_wait3A_33 = arith.constant 0 : i32
      %dma_wait3A_34 = tpu.memref_slice %arg2[%dma_wait3A_32, %dma_wait3A_33] : memref<10240x128xf32, #tpu.memory_space<hbm>> -> memref<10240x128xf32, #tpu.memory_space<hbm>>
      tpu.wait_indirect_dma semaphore(%arg13 : memref<!tpu.dma_semaphore, #tpu.memory_space<semaphore_mem>>) src(%dma_wait3A_34 : memref<10240x128xf32, #tpu.memory_space<hbm>>) dst(%arg11 : memref<128x128xf32, #tpu.memory_space<vmem>>)
      "tpu.region"() ({
        %run_scoped3A = tpu.sem_alloc : memref<!tpu.dma_semaphore, #tpu.memory_space<semaphore_mem>>
        %dma_start3A_35 = arith.constant 0 : i32
        %dma_start3A_36 = tpu.memref_slice %arg9[%while3A_24, %dma_start3A_35] : memref<4x128xi32, #tpu.memory_space<vmem>> -> memref<1x128xi32, #tpu.memory_space<vmem>>
        %dma_start3A_37 = tpu.memref_squeeze %dma_start3A_36 : memref<1x128xi32, #tpu.memory_space<vmem>> -> memref<128xi32, #tpu.memory_space<vmem>>
        %dma_start3A_38 = arith.constant 0 : i32
        %dma_start3A_39 = arith.constant 0 : i32
        %dma_start3A_40 = tpu.memref_slice %arg12[%dma_start3A_38, %dma_start3A_39] : memref<2176x128xf32, #tpu.memory_space<vmem_shared>> -> memref<2176x128xf32, #tpu.memory_space<vmem_shared>>
        tpu.enqueue_indirect_dma source(%arg11 : memref<128x128xf32, #tpu.memory_space<vmem>>) target(%dma_start3A_40 : memref<2176x128xf32, #tpu.memory_space<vmem_shared>>) offsets(%dma_start3A_37 : memref<128xi32, #tpu.memory_space<vmem>>) semaphore(%run_scoped3A : memref<!tpu.dma_semaphore, #tpu.memory_space<semaphore_mem>>) {add = true}
        %dma_wait3A_41 = arith.constant 0 : i32
        %dma_wait3A_42 = tpu.memref_slice %arg9[%while3A_24, %dma_wait3A_41] : memref<4x128xi32, #tpu.memory_space<vmem>> -> memref<1x128xi32, #tpu.memory_space<vmem>>
        %dma_wait3A_43 = tpu.memref_squeeze %dma_wait3A_42 : memref<1x128xi32, #tpu.memory_space<vmem>> -> memref<128xi32, #tpu.memory_space<vmem>>
        %dma_wait3A_44 = arith.constant 0 : i32
        %dma_wait3A_45 = arith.constant 0 : i32
        %dma_wait3A_46 = tpu.memref_slice %arg12[%dma_wait3A_44, %dma_wait3A_45] : memref<2176x128xf32, #tpu.memory_space<vmem_shared>> -> memref<2176x128xf32, #tpu.memory_space<vmem_shared>>
        tpu.wait_indirect_dma semaphore(%run_scoped3A : memref<!tpu.dma_semaphore, #tpu.memory_space<semaphore_mem>>) src(%arg11 : memref<128x128xf32, #tpu.memory_space<vmem>>) dst(%dma_wait3A_46 : memref<2176x128xf32, #tpu.memory_space<vmem_shared>>)
        tpu.yield
      }) : () -> ()
    }
    %while3A_15 = arith.constant 1 : i32
    scf.for %while3A_24 = %while3A_13 to %while3A_9 step %while3A_15  : i32 {
      %dma_start3A = arith.constant 0 : i32
      %dma_start3A_25 = tpu.memref_slice %arg8[%while3A_24, %dma_start3A] : memref<4x128xi32, #tpu.memory_space<vmem>> -> memref<1x128xi32, #tpu.memory_space<vmem>>
      %dma_start3A_26 = tpu.memref_squeeze %dma_start3A_25 : memref<1x128xi32, #tpu.memory_space<vmem>> -> memref<128xi32, #tpu.memory_space<vmem>>
      %dma_start3A_27 = arith.constant 0 : i32
      %dma_start3A_28 = arith.constant 0 : i32
      %dma_start3A_29 = tpu.memref_slice %arg2[%dma_start3A_27, %dma_start3A_28] : memref<10240x128xf32, #tpu.memory_space<hbm>> -> memref<10240x128xf32, #tpu.memory_space<hbm>>
      tpu.enqueue_indirect_dma source(%dma_start3A_29 : memref<10240x128xf32, #tpu.memory_space<hbm>>) target(%arg11 : memref<128x128xf32, #tpu.memory_space<vmem>>) offsets(%dma_start3A_26 : memref<128xi32, #tpu.memory_space<vmem>>) semaphore(%arg13 : memref<!tpu.dma_semaphore, #tpu.memory_space<semaphore_mem>>)
      %dma_wait3A = arith.constant 0 : i32
      %dma_wait3A_30 = tpu.memref_slice %arg8[%while3A_24, %dma_wait3A] : memref<4x128xi32, #tpu.memory_space<vmem>> -> memref<1x128xi32, #tpu.memory_space<vmem>>
      %dma_wait3A_31 = tpu.memref_squeeze %dma_wait3A_30 : memref<1x128xi32, #tpu.memory_space<vmem>> -> memref<128xi32, #tpu.memory_space<vmem>>
      %dma_wait3A_32 = arith.constant 0 : i32
      %dma_wait3A_33 = arith.constant 0 : i32
      %dma_wait3A_34 = tpu.memref_slice %arg2[%dma_wait3A_32, %dma_wait3A_33] : memref<10240x128xf32, #tpu.memory_space<hbm>> -> memref<10240x128xf32, #tpu.memory_space<hbm>>
      tpu.wait_indirect_dma semaphore(%arg13 : memref<!tpu.dma_semaphore, #tpu.memory_space<semaphore_mem>>) src(%dma_wait3A_34 : memref<10240x128xf32, #tpu.memory_space<hbm>>) dst(%arg11 : memref<128x128xf32, #tpu.memory_space<vmem>>)
      "tpu.region"() ({
        %run_scoped3A = tpu.sem_alloc : memref<!tpu.dma_semaphore, #tpu.memory_space<semaphore_mem>>
        %dma_start3A_35 = arith.constant 0 : i32
        %dma_start3A_36 = tpu.memref_slice %arg9[%while3A_24, %dma_start3A_35] : memref<4x128xi32, #tpu.memory_space<vmem>> -> memref<1x128xi32, #tpu.memory_space<vmem>>
        %dma_start3A_37 = tpu.memref_squeeze %dma_start3A_36 : memref<1x128xi32, #tpu.memory_space<vmem>> -> memref<128xi32, #tpu.memory_space<vmem>>
        %dma_start3A_38 = arith.constant 0 : i32
        %dma_start3A_39 = arith.constant 0 : i32
        %dma_start3A_40 = tpu.memref_slice %arg12[%dma_start3A_38, %dma_start3A_39] : memref<2176x128xf32, #tpu.memory_space<vmem_shared>> -> memref<2176x128xf32, #tpu.memory_space<vmem_shared>>
        tpu.enqueue_indirect_dma source(%arg11 : memref<128x128xf32, #tpu.memory_space<vmem>>) target(%dma_start3A_40 : memref<2176x128xf32, #tpu.memory_space<vmem_shared>>) offsets(%dma_start3A_37 : memref<128xi32, #tpu.memory_space<vmem>>) semaphore(%run_scoped3A : memref<!tpu.dma_semaphore, #tpu.memory_space<semaphore_mem>>) {add = true}
        %dma_wait3A_41 = arith.constant 0 : i32
        %dma_wait3A_42 = tpu.memref_slice %arg9[%while3A_24, %dma_wait3A_41] : memref<4x128xi32, #tpu.memory_space<vmem>> -> memref<1x128xi32, #tpu.memory_space<vmem>>
        %dma_wait3A_43 = tpu.memref_squeeze %dma_wait3A_42 : memref<1x128xi32, #tpu.memory_space<vmem>> -> memref<128xi32, #tpu.memory_space<vmem>>
        %dma_wait3A_44 = arith.constant 0 : i32
        %dma_wait3A_45 = arith.constant 0 : i32
        %dma_wait3A_46 = tpu.memref_slice %arg12[%dma_wait3A_44, %dma_wait3A_45] : memref<2176x128xf32, #tpu.memory_space<vmem_shared>> -> memref<2176x128xf32, #tpu.memory_space<vmem_shared>>
        tpu.wait_indirect_dma semaphore(%run_scoped3A : memref<!tpu.dma_semaphore, #tpu.memory_space<semaphore_mem>>) src(%arg11 : memref<128x128xf32, #tpu.memory_space<vmem>>) dst(%dma_wait3A_46 : memref<2176x128xf32, #tpu.memory_space<vmem_shared>>)
        tpu.yield
      }) : () -> ()
    }
    %barrier3A_16 = arith.constant 0 : index
    tpu.barrier barrier_id(%barrier3A_16)
    %mul3A_17 = arith.constant 128 : i32
    %mul3A_18 = arith.muli %arg1, %mul3A_17 : i32
    %mul3A_19 = arith.constant 2048 : i32
    %mul3A_20 = arith.muli %arg0, %mul3A_19 : i32
    %mul3A_21 = arith.constant 128 : i32
    %mul3A_22 = arith.muli %arg1, %mul3A_21 : i32
    %add3A_23 = arith.addi %mul3A_20, %mul3A_22 : i32
    "tpu.region"() ({
      %run_scoped3A = tpu.sem_alloc : memref<!tpu.dma_semaphore, #tpu.memory_space<semaphore_mem>>
      %dma_start3A = arith.constant 0 : i32
      %dma_start3A_24 = tpu.memref_slice %arg7[%add3A_23, %dma_start3A] : memref<4096x128xf32, #tpu.memory_space<hbm>> -> memref<128x128xf32, #tpu.memory_space<hbm>>
      %dma_start3A_25 = arith.constant 0 : i32
      %dma_start3A_26 = tpu.memref_slice %arg12[%mul3A_18, %dma_start3A_25] : memref<2176x128xf32, #tpu.memory_space<vmem_shared>> -> memref<128x128xf32, #tpu.memory_space<vmem_shared>>
      tpu.enqueue_dma source(%dma_start3A_26 : memref<128x128xf32, #tpu.memory_space<vmem_shared>>) target(%dma_start3A_24 : memref<128x128xf32, #tpu.memory_space<hbm>>) target_semaphore(%run_scoped3A : memref<!tpu.dma_semaphore, #tpu.memory_space<semaphore_mem>>)
      %dma_wait3A = arith.constant 0 : i32
      %dma_wait3A_27 = tpu.memref_slice %arg7[%add3A_23, %dma_wait3A] : memref<4096x128xf32, #tpu.memory_space<hbm>> -> memref<128x128xf32, #tpu.memory_space<hbm>>
      %dma_wait3A_28 = arith.constant 0 : i32
      %dma_wait3A_29 = tpu.memref_slice %arg12[%mul3A_18, %dma_wait3A_28] : memref<2176x128xf32, #tpu.memory_space<vmem_shared>> -> memref<128x128xf32, #tpu.memory_space<vmem_shared>>
      tpu.wait_dma2 semaphore(%run_scoped3A : memref<!tpu.dma_semaphore, #tpu.memory_space<semaphore_mem>>) src(%dma_wait3A_29 : memref<128x128xf32, #tpu.memory_space<vmem_shared>>) dst(%dma_wait3A_27 : memref<128x128xf32, #tpu.memory_space<hbm>>)
      tpu.yield
    }) : () -> ()
    return
  }
}

#map = affine_map<(d0, d1) -> (0, 0)>
#map1 = affine_map<(d0, d1) -> (0, 0, 0)>
module attributes {stable_mosaic.version = 14 : i64} {
  func.func @sc_agg(%arg0: i32, %arg1: i32, %arg2: memref<10240x128xf32, #tpu.memory_space<hbm>>, %arg3: memref<32x96x128xi32, #tpu.memory_space<hbm>>, %arg4: memref<32x96x128xi32, #tpu.memory_space<hbm>>, %arg5: memref<32x128xi32, #tpu.memory_space<hbm>>, %arg6: memref<5248x128xf32, #tpu.memory_space<hbm>>, %arg7: memref<10240x128xf32, #tpu.memory_space<hbm>>, %arg8: memref<96x128xi32, #tpu.memory_space<vmem>>, %arg9: memref<96x128xi32, #tpu.memory_space<vmem>>, %arg10: memref<128xi32, #tpu.memory_space<vmem>>, %arg11: memref<128x128xf32, #tpu.memory_space<vmem>>, %arg12: memref<5248x128xf32, #tpu.memory_space<vmem_shared>>, %arg13: memref<!tpu.dma_semaphore, #tpu.memory_space<semaphore_mem>>) attributes {dimension_semantics = [#tpu.dimension_semantics<core_parallel>, #tpu.dimension_semantics<subcore_parallel>], iteration_bounds = array<i64: 2, 16>, scalar_prefetch = 0 : i64, scratch_operands = 6 : i64, tpu.core_type = #tpu.core_type<sc_vector_subcore>, window_params = [{transform_indices = #map}, {transform_indices = #map1}, {transform_indices = #map1}, {transform_indices = #map}, {transform_indices = #map}, {transform_indices = #map}]} {
    %mul3A = arith.constant 16 : i32
    %mul3A_0 = arith.muli %arg0, %mul3A : i32
    %add3A = arith.addi %mul3A_0, %arg1 : i32
    "tpu.region"() ({
      %run_scoped3A = tpu.sem_alloc : memref<!tpu.dma_semaphore, #tpu.memory_space<semaphore_mem>>
      %dma_start3A = arith.constant 0 : i32
      %dma_start3A_24 = arith.constant 0 : i32
      %dma_start3A_25 = tpu.memref_slice %arg3[%add3A, %dma_start3A, %dma_start3A_24] : memref<32x96x128xi32, #tpu.memory_space<hbm>> -> memref<1x96x128xi32, #tpu.memory_space<hbm>>
      %dma_start3A_26 = tpu.memref_squeeze %dma_start3A_25 : memref<1x96x128xi32, #tpu.memory_space<hbm>> -> memref<96x128xi32, #tpu.memory_space<hbm>>
      %dma_start3A_27 = arith.constant 0 : i32
      %dma_start3A_28 = arith.constant 0 : i32
      %dma_start3A_29 = tpu.memref_slice %arg3[%add3A, %dma_start3A_27, %dma_start3A_28] : memref<32x96x128xi32, #tpu.memory_space<hbm>> -> memref<1x96x128xi32, #tpu.memory_space<hbm>>
      %dma_start3A_30 = tpu.memref_squeeze %dma_start3A_29 : memref<1x96x128xi32, #tpu.memory_space<hbm>> -> memref<96x128xi32, #tpu.memory_space<hbm>>
      tpu.enqueue_dma source(%dma_start3A_30 : memref<96x128xi32, #tpu.memory_space<hbm>>) target(%arg8 : memref<96x128xi32, #tpu.memory_space<vmem>>) target_semaphore(%run_scoped3A : memref<!tpu.dma_semaphore, #tpu.memory_space<semaphore_mem>>)
      %dma_wait3A = arith.constant 0 : i32
      %dma_wait3A_31 = arith.constant 0 : i32
      %dma_wait3A_32 = tpu.memref_slice %arg3[%add3A, %dma_wait3A, %dma_wait3A_31] : memref<32x96x128xi32, #tpu.memory_space<hbm>> -> memref<1x96x128xi32, #tpu.memory_space<hbm>>
      %dma_wait3A_33 = tpu.memref_squeeze %dma_wait3A_32 : memref<1x96x128xi32, #tpu.memory_space<hbm>> -> memref<96x128xi32, #tpu.memory_space<hbm>>
      %dma_wait3A_34 = arith.constant 0 : i32
      %dma_wait3A_35 = arith.constant 0 : i32
      %dma_wait3A_36 = tpu.memref_slice %arg3[%add3A, %dma_wait3A_34, %dma_wait3A_35] : memref<32x96x128xi32, #tpu.memory_space<hbm>> -> memref<1x96x128xi32, #tpu.memory_space<hbm>>
      %dma_wait3A_37 = tpu.memref_squeeze %dma_wait3A_36 : memref<1x96x128xi32, #tpu.memory_space<hbm>> -> memref<96x128xi32, #tpu.memory_space<hbm>>
      tpu.wait_dma2 semaphore(%run_scoped3A : memref<!tpu.dma_semaphore, #tpu.memory_space<semaphore_mem>>) src(%dma_wait3A_37 : memref<96x128xi32, #tpu.memory_space<hbm>>) dst(%arg8 : memref<96x128xi32, #tpu.memory_space<vmem>>)
      tpu.yield
    }) : () -> ()
    "tpu.region"() ({
      %run_scoped3A = tpu.sem_alloc : memref<!tpu.dma_semaphore, #tpu.memory_space<semaphore_mem>>
      %dma_start3A = arith.constant 0 : i32
      %dma_start3A_24 = arith.constant 0 : i32
      %dma_start3A_25 = tpu.memref_slice %arg4[%add3A, %dma_start3A, %dma_start3A_24] : memref<32x96x128xi32, #tpu.memory_space<hbm>> -> memref<1x96x128xi32, #tpu.memory_space<hbm>>
      %dma_start3A_26 = tpu.memref_squeeze %dma_start3A_25 : memref<1x96x128xi32, #tpu.memory_space<hbm>> -> memref<96x128xi32, #tpu.memory_space<hbm>>
      %dma_start3A_27 = arith.constant 0 : i32
      %dma_start3A_28 = arith.constant 0 : i32
      %dma_start3A_29 = tpu.memref_slice %arg4[%add3A, %dma_start3A_27, %dma_start3A_28] : memref<32x96x128xi32, #tpu.memory_space<hbm>> -> memref<1x96x128xi32, #tpu.memory_space<hbm>>
      %dma_start3A_30 = tpu.memref_squeeze %dma_start3A_29 : memref<1x96x128xi32, #tpu.memory_space<hbm>> -> memref<96x128xi32, #tpu.memory_space<hbm>>
      tpu.enqueue_dma source(%dma_start3A_30 : memref<96x128xi32, #tpu.memory_space<hbm>>) target(%arg9 : memref<96x128xi32, #tpu.memory_space<vmem>>) target_semaphore(%run_scoped3A : memref<!tpu.dma_semaphore, #tpu.memory_space<semaphore_mem>>)
      %dma_wait3A = arith.constant 0 : i32
      %dma_wait3A_31 = arith.constant 0 : i32
      %dma_wait3A_32 = tpu.memref_slice %arg4[%add3A, %dma_wait3A, %dma_wait3A_31] : memref<32x96x128xi32, #tpu.memory_space<hbm>> -> memref<1x96x128xi32, #tpu.memory_space<hbm>>
      %dma_wait3A_33 = tpu.memref_squeeze %dma_wait3A_32 : memref<1x96x128xi32, #tpu.memory_space<hbm>> -> memref<96x128xi32, #tpu.memory_space<hbm>>
      %dma_wait3A_34 = arith.constant 0 : i32
      %dma_wait3A_35 = arith.constant 0 : i32
      %dma_wait3A_36 = tpu.memref_slice %arg4[%add3A, %dma_wait3A_34, %dma_wait3A_35] : memref<32x96x128xi32, #tpu.memory_space<hbm>> -> memref<1x96x128xi32, #tpu.memory_space<hbm>>
      %dma_wait3A_37 = tpu.memref_squeeze %dma_wait3A_36 : memref<1x96x128xi32, #tpu.memory_space<hbm>> -> memref<96x128xi32, #tpu.memory_space<hbm>>
      tpu.wait_dma2 semaphore(%run_scoped3A : memref<!tpu.dma_semaphore, #tpu.memory_space<semaphore_mem>>) src(%dma_wait3A_37 : memref<96x128xi32, #tpu.memory_space<hbm>>) dst(%arg9 : memref<96x128xi32, #tpu.memory_space<vmem>>)
      tpu.yield
    }) : () -> ()
    "tpu.region"() ({
      %run_scoped3A = tpu.sem_alloc : memref<!tpu.dma_semaphore, #tpu.memory_space<semaphore_mem>>
      %dma_start3A = arith.constant 0 : i32
      %dma_start3A_24 = tpu.memref_slice %arg5[%add3A, %dma_start3A] : memref<32x128xi32, #tpu.memory_space<hbm>> -> memref<1x128xi32, #tpu.memory_space<hbm>>
      %dma_start3A_25 = tpu.memref_squeeze %dma_start3A_24 : memref<1x128xi32, #tpu.memory_space<hbm>> -> memref<128xi32, #tpu.memory_space<hbm>>
      %dma_start3A_26 = arith.constant 0 : i32
      %dma_start3A_27 = tpu.memref_slice %arg5[%add3A, %dma_start3A_26] : memref<32x128xi32, #tpu.memory_space<hbm>> -> memref<1x128xi32, #tpu.memory_space<hbm>>
      %dma_start3A_28 = tpu.memref_squeeze %dma_start3A_27 : memref<1x128xi32, #tpu.memory_space<hbm>> -> memref<128xi32, #tpu.memory_space<hbm>>
      tpu.enqueue_dma source(%dma_start3A_28 : memref<128xi32, #tpu.memory_space<hbm>>) target(%arg10 : memref<128xi32, #tpu.memory_space<vmem>>) target_semaphore(%run_scoped3A : memref<!tpu.dma_semaphore, #tpu.memory_space<semaphore_mem>>)
      %dma_wait3A = arith.constant 0 : i32
      %dma_wait3A_29 = tpu.memref_slice %arg5[%add3A, %dma_wait3A] : memref<32x128xi32, #tpu.memory_space<hbm>> -> memref<1x128xi32, #tpu.memory_space<hbm>>
      %dma_wait3A_30 = tpu.memref_squeeze %dma_wait3A_29 : memref<1x128xi32, #tpu.memory_space<hbm>> -> memref<128xi32, #tpu.memory_space<hbm>>
      %dma_wait3A_31 = arith.constant 0 : i32
      %dma_wait3A_32 = tpu.memref_slice %arg5[%add3A, %dma_wait3A_31] : memref<32x128xi32, #tpu.memory_space<hbm>> -> memref<1x128xi32, #tpu.memory_space<hbm>>
      %dma_wait3A_33 = tpu.memref_squeeze %dma_wait3A_32 : memref<1x128xi32, #tpu.memory_space<hbm>> -> memref<128xi32, #tpu.memory_space<hbm>>
      tpu.wait_dma2 semaphore(%run_scoped3A : memref<!tpu.dma_semaphore, #tpu.memory_space<semaphore_mem>>) src(%dma_wait3A_33 : memref<128xi32, #tpu.memory_space<hbm>>) dst(%arg10 : memref<128xi32, #tpu.memory_space<vmem>>)
      tpu.yield
    }) : () -> ()
    %mul3A_1 = arith.constant 328 : i32
    %mul3A_2 = arith.muli %arg1, %mul3A_1 : i32
    %mul3A_3 = arith.constant 328 : i32
    %mul3A_4 = arith.muli %arg1, %mul3A_3 : i32
    "tpu.region"() ({
      %run_scoped3A = tpu.sem_alloc : memref<!tpu.dma_semaphore, #tpu.memory_space<semaphore_mem>>
      %dma_start3A = arith.constant 0 : i32
      %dma_start3A_24 = tpu.memref_slice %arg12[%mul3A_4, %dma_start3A] : memref<5248x128xf32, #tpu.memory_space<vmem_shared>> -> memref<328x128xf32, #tpu.memory_space<vmem_shared>>
      %dma_start3A_25 = arith.constant 0 : i32
      %dma_start3A_26 = tpu.memref_slice %arg6[%mul3A_2, %dma_start3A_25] : memref<5248x128xf32, #tpu.memory_space<hbm>> -> memref<328x128xf32, #tpu.memory_space<hbm>>
      tpu.enqueue_dma source(%dma_start3A_26 : memref<328x128xf32, #tpu.memory_space<hbm>>) target(%dma_start3A_24 : memref<328x128xf32, #tpu.memory_space<vmem_shared>>) target_semaphore(%run_scoped3A : memref<!tpu.dma_semaphore, #tpu.memory_space<semaphore_mem>>)
      %dma_wait3A = arith.constant 0 : i32
      %dma_wait3A_27 = tpu.memref_slice %arg12[%mul3A_4, %dma_wait3A] : memref<5248x128xf32, #tpu.memory_space<vmem_shared>> -> memref<328x128xf32, #tpu.memory_space<vmem_shared>>
      %dma_wait3A_28 = arith.constant 0 : i32
      %dma_wait3A_29 = tpu.memref_slice %arg6[%mul3A_2, %dma_wait3A_28] : memref<5248x128xf32, #tpu.memory_space<hbm>> -> memref<328x128xf32, #tpu.memory_space<hbm>>
      tpu.wait_dma2 semaphore(%run_scoped3A : memref<!tpu.dma_semaphore, #tpu.memory_space<semaphore_mem>>) src(%dma_wait3A_29 : memref<328x128xf32, #tpu.memory_space<hbm>>) dst(%dma_wait3A_27 : memref<328x128xf32, #tpu.memory_space<vmem_shared>>)
      tpu.yield
    }) : () -> ()
    %barrier3A = arith.constant 0 : index
    tpu.barrier barrier_id(%barrier3A)
    %get3A = arith.constant 0 : index
    %get3A_5 = tpu.vector_load %arg10[%get3A] {strides = array<i32>} : memref<128xi32, #tpu.memory_space<vmem>>, vector<16xi32>,
    %get3A_6 = vector.shape_cast %get3A_5 : vector<16xi32> to vector<16xi32>
    %slice3A = vector.extract_strided_slice %get3A_6 {offsets = [0], sizes = [1], strides = [1]} : vector<16xi32> to vector<1xi32>
    %squeeze3A = vector.extract %slice3A[0] : i32 from vector<1xi32>
    %while3A = arith.constant 0 : i32
    %while3A_7 = arith.constant 0 : i32
    %while3A_8 = arith.subi %squeeze3A, %while3A_7 : i32
    %while3A_9 = arith.addi %while3A_7, %while3A_8 : i32
    %while3A_10 = arith.constant 1 : i32
    %while3A_11 = arith.divsi %while3A_8, %while3A_10 : i32
    %while3A_12 = arith.muli %while3A_11, %while3A_10 : i32
    %while3A_13 = arith.addi %while3A_7, %while3A_12 : i32
    %while3A_14 = arith.constant 1 : i32
    scf.for %while3A_24 = %while3A_7 to %while3A_13 step %while3A_14  : i32 {
      %dma_start3A = arith.constant 0 : i32
      %dma_start3A_25 = tpu.memref_slice %arg8[%while3A_24, %dma_start3A] : memref<96x128xi32, #tpu.memory_space<vmem>> -> memref<1x128xi32, #tpu.memory_space<vmem>>
      %dma_start3A_26 = tpu.memref_squeeze %dma_start3A_25 : memref<1x128xi32, #tpu.memory_space<vmem>> -> memref<128xi32, #tpu.memory_space<vmem>>
      %dma_start3A_27 = arith.constant 0 : i32
      %dma_start3A_28 = arith.constant 0 : i32
      %dma_start3A_29 = tpu.memref_slice %arg2[%dma_start3A_27, %dma_start3A_28] : memref<10240x128xf32, #tpu.memory_space<hbm>> -> memref<10240x128xf32, #tpu.memory_space<hbm>>
      tpu.enqueue_indirect_dma source(%dma_start3A_29 : memref<10240x128xf32, #tpu.memory_space<hbm>>) target(%arg11 : memref<128x128xf32, #tpu.memory_space<vmem>>) offsets(%dma_start3A_26 : memref<128xi32, #tpu.memory_space<vmem>>) semaphore(%arg13 : memref<!tpu.dma_semaphore, #tpu.memory_space<semaphore_mem>>)
      %dma_wait3A = arith.constant 0 : i32
      %dma_wait3A_30 = tpu.memref_slice %arg8[%while3A_24, %dma_wait3A] : memref<96x128xi32, #tpu.memory_space<vmem>> -> memref<1x128xi32, #tpu.memory_space<vmem>>
      %dma_wait3A_31 = tpu.memref_squeeze %dma_wait3A_30 : memref<1x128xi32, #tpu.memory_space<vmem>> -> memref<128xi32, #tpu.memory_space<vmem>>
      %dma_wait3A_32 = arith.constant 0 : i32
      %dma_wait3A_33 = arith.constant 0 : i32
      %dma_wait3A_34 = tpu.memref_slice %arg2[%dma_wait3A_32, %dma_wait3A_33] : memref<10240x128xf32, #tpu.memory_space<hbm>> -> memref<10240x128xf32, #tpu.memory_space<hbm>>
      tpu.wait_indirect_dma semaphore(%arg13 : memref<!tpu.dma_semaphore, #tpu.memory_space<semaphore_mem>>) src(%dma_wait3A_34 : memref<10240x128xf32, #tpu.memory_space<hbm>>) dst(%arg11 : memref<128x128xf32, #tpu.memory_space<vmem>>)
      "tpu.region"() ({
        %run_scoped3A = tpu.sem_alloc : memref<!tpu.dma_semaphore, #tpu.memory_space<semaphore_mem>>
        %dma_start3A_35 = arith.constant 0 : i32
        %dma_start3A_36 = tpu.memref_slice %arg9[%while3A_24, %dma_start3A_35] : memref<96x128xi32, #tpu.memory_space<vmem>> -> memref<1x128xi32, #tpu.memory_space<vmem>>
        %dma_start3A_37 = tpu.memref_squeeze %dma_start3A_36 : memref<1x128xi32, #tpu.memory_space<vmem>> -> memref<128xi32, #tpu.memory_space<vmem>>
        %dma_start3A_38 = arith.constant 0 : i32
        %dma_start3A_39 = arith.constant 0 : i32
        %dma_start3A_40 = tpu.memref_slice %arg12[%dma_start3A_38, %dma_start3A_39] : memref<5248x128xf32, #tpu.memory_space<vmem_shared>> -> memref<5248x128xf32, #tpu.memory_space<vmem_shared>>
        tpu.enqueue_indirect_dma source(%arg11 : memref<128x128xf32, #tpu.memory_space<vmem>>) target(%dma_start3A_40 : memref<5248x128xf32, #tpu.memory_space<vmem_shared>>) offsets(%dma_start3A_37 : memref<128xi32, #tpu.memory_space<vmem>>) semaphore(%run_scoped3A : memref<!tpu.dma_semaphore, #tpu.memory_space<semaphore_mem>>) {add = true}
        %dma_wait3A_41 = arith.constant 0 : i32
        %dma_wait3A_42 = tpu.memref_slice %arg9[%while3A_24, %dma_wait3A_41] : memref<96x128xi32, #tpu.memory_space<vmem>> -> memref<1x128xi32, #tpu.memory_space<vmem>>
        %dma_wait3A_43 = tpu.memref_squeeze %dma_wait3A_42 : memref<1x128xi32, #tpu.memory_space<vmem>> -> memref<128xi32, #tpu.memory_space<vmem>>
        %dma_wait3A_44 = arith.constant 0 : i32
        %dma_wait3A_45 = arith.constant 0 : i32
        %dma_wait3A_46 = tpu.memref_slice %arg12[%dma_wait3A_44, %dma_wait3A_45] : memref<5248x128xf32, #tpu.memory_space<vmem_shared>> -> memref<5248x128xf32, #tpu.memory_space<vmem_shared>>
        tpu.wait_indirect_dma semaphore(%run_scoped3A : memref<!tpu.dma_semaphore, #tpu.memory_space<semaphore_mem>>) src(%arg11 : memref<128x128xf32, #tpu.memory_space<vmem>>) dst(%dma_wait3A_46 : memref<5248x128xf32, #tpu.memory_space<vmem_shared>>)
        tpu.yield
      }) : () -> ()
    }
    %while3A_15 = arith.constant 1 : i32
    scf.for %while3A_24 = %while3A_13 to %while3A_9 step %while3A_15  : i32 {
      %dma_start3A = arith.constant 0 : i32
      %dma_start3A_25 = tpu.memref_slice %arg8[%while3A_24, %dma_start3A] : memref<96x128xi32, #tpu.memory_space<vmem>> -> memref<1x128xi32, #tpu.memory_space<vmem>>
      %dma_start3A_26 = tpu.memref_squeeze %dma_start3A_25 : memref<1x128xi32, #tpu.memory_space<vmem>> -> memref<128xi32, #tpu.memory_space<vmem>>
      %dma_start3A_27 = arith.constant 0 : i32
      %dma_start3A_28 = arith.constant 0 : i32
      %dma_start3A_29 = tpu.memref_slice %arg2[%dma_start3A_27, %dma_start3A_28] : memref<10240x128xf32, #tpu.memory_space<hbm>> -> memref<10240x128xf32, #tpu.memory_space<hbm>>
      tpu.enqueue_indirect_dma source(%dma_start3A_29 : memref<10240x128xf32, #tpu.memory_space<hbm>>) target(%arg11 : memref<128x128xf32, #tpu.memory_space<vmem>>) offsets(%dma_start3A_26 : memref<128xi32, #tpu.memory_space<vmem>>) semaphore(%arg13 : memref<!tpu.dma_semaphore, #tpu.memory_space<semaphore_mem>>)
      %dma_wait3A = arith.constant 0 : i32
      %dma_wait3A_30 = tpu.memref_slice %arg8[%while3A_24, %dma_wait3A] : memref<96x128xi32, #tpu.memory_space<vmem>> -> memref<1x128xi32, #tpu.memory_space<vmem>>
      %dma_wait3A_31 = tpu.memref_squeeze %dma_wait3A_30 : memref<1x128xi32, #tpu.memory_space<vmem>> -> memref<128xi32, #tpu.memory_space<vmem>>
      %dma_wait3A_32 = arith.constant 0 : i32
      %dma_wait3A_33 = arith.constant 0 : i32
      %dma_wait3A_34 = tpu.memref_slice %arg2[%dma_wait3A_32, %dma_wait3A_33] : memref<10240x128xf32, #tpu.memory_space<hbm>> -> memref<10240x128xf32, #tpu.memory_space<hbm>>
      tpu.wait_indirect_dma semaphore(%arg13 : memref<!tpu.dma_semaphore, #tpu.memory_space<semaphore_mem>>) src(%dma_wait3A_34 : memref<10240x128xf32, #tpu.memory_space<hbm>>) dst(%arg11 : memref<128x128xf32, #tpu.memory_space<vmem>>)
      "tpu.region"() ({
        %run_scoped3A = tpu.sem_alloc : memref<!tpu.dma_semaphore, #tpu.memory_space<semaphore_mem>>
        %dma_start3A_35 = arith.constant 0 : i32
        %dma_start3A_36 = tpu.memref_slice %arg9[%while3A_24, %dma_start3A_35] : memref<96x128xi32, #tpu.memory_space<vmem>> -> memref<1x128xi32, #tpu.memory_space<vmem>>
        %dma_start3A_37 = tpu.memref_squeeze %dma_start3A_36 : memref<1x128xi32, #tpu.memory_space<vmem>> -> memref<128xi32, #tpu.memory_space<vmem>>
        %dma_start3A_38 = arith.constant 0 : i32
        %dma_start3A_39 = arith.constant 0 : i32
        %dma_start3A_40 = tpu.memref_slice %arg12[%dma_start3A_38, %dma_start3A_39] : memref<5248x128xf32, #tpu.memory_space<vmem_shared>> -> memref<5248x128xf32, #tpu.memory_space<vmem_shared>>
        tpu.enqueue_indirect_dma source(%arg11 : memref<128x128xf32, #tpu.memory_space<vmem>>) target(%dma_start3A_40 : memref<5248x128xf32, #tpu.memory_space<vmem_shared>>) offsets(%dma_start3A_37 : memref<128xi32, #tpu.memory_space<vmem>>) semaphore(%run_scoped3A : memref<!tpu.dma_semaphore, #tpu.memory_space<semaphore_mem>>) {add = true}
        %dma_wait3A_41 = arith.constant 0 : i32
        %dma_wait3A_42 = tpu.memref_slice %arg9[%while3A_24, %dma_wait3A_41] : memref<96x128xi32, #tpu.memory_space<vmem>> -> memref<1x128xi32, #tpu.memory_space<vmem>>
        %dma_wait3A_43 = tpu.memref_squeeze %dma_wait3A_42 : memref<1x128xi32, #tpu.memory_space<vmem>> -> memref<128xi32, #tpu.memory_space<vmem>>
        %dma_wait3A_44 = arith.constant 0 : i32
        %dma_wait3A_45 = arith.constant 0 : i32
        %dma_wait3A_46 = tpu.memref_slice %arg12[%dma_wait3A_44, %dma_wait3A_45] : memref<5248x128xf32, #tpu.memory_space<vmem_shared>> -> memref<5248x128xf32, #tpu.memory_space<vmem_shared>>
        tpu.wait_indirect_dma semaphore(%run_scoped3A : memref<!tpu.dma_semaphore, #tpu.memory_space<semaphore_mem>>) src(%arg11 : memref<128x128xf32, #tpu.memory_space<vmem>>) dst(%dma_wait3A_46 : memref<5248x128xf32, #tpu.memory_space<vmem_shared>>)
        tpu.yield
      }) : () -> ()
    }
    %barrier3A_16 = arith.constant 0 : index
    tpu.barrier barrier_id(%barrier3A_16)
    %mul3A_17 = arith.constant 320 : i32
    %mul3A_18 = arith.muli %arg1, %mul3A_17 : i32
    %mul3A_19 = arith.constant 5120 : i32
    %mul3A_20 = arith.muli %arg0, %mul3A_19 : i32
    %mul3A_21 = arith.constant 320 : i32
    %mul3A_22 = arith.muli %arg1, %mul3A_21 : i32
    %add3A_23 = arith.addi %mul3A_20, %mul3A_22 : i32
    "tpu.region"() ({
      %run_scoped3A = tpu.sem_alloc : memref<!tpu.dma_semaphore, #tpu.memory_space<semaphore_mem>>
      %dma_start3A = arith.constant 0 : i32
      %dma_start3A_24 = tpu.memref_slice %arg7[%add3A_23, %dma_start3A] : memref<10240x128xf32, #tpu.memory_space<hbm>> -> memref<320x128xf32, #tpu.memory_space<hbm>>
      %dma_start3A_25 = arith.constant 0 : i32
      %dma_start3A_26 = tpu.memref_slice %arg12[%mul3A_18, %dma_start3A_25] : memref<5248x128xf32, #tpu.memory_space<vmem_shared>> -> memref<320x128xf32, #tpu.memory_space<vmem_shared>>
      tpu.enqueue_dma source(%dma_start3A_26 : memref<320x128xf32, #tpu.memory_space<vmem_shared>>) target(%dma_start3A_24 : memref<320x128xf32, #tpu.memory_space<hbm>>) target_semaphore(%run_scoped3A : memref<!tpu.dma_semaphore, #tpu.memory_space<semaphore_mem>>)
      %dma_wait3A = arith.constant 0 : i32
      %dma_wait3A_27 = tpu.memref_slice %arg7[%add3A_23, %dma_wait3A] : memref<10240x128xf32, #tpu.memory_space<hbm>> -> memref<320x128xf32, #tpu.memory_space<hbm>>
      %dma_wait3A_28 = arith.constant 0 : i32
      %dma_wait3A_29 = tpu.memref_slice %arg12[%mul3A_18, %dma_wait3A_28] : memref<5248x128xf32, #tpu.memory_space<vmem_shared>> -> memref<320x128xf32, #tpu.memory_space<vmem_shared>>
      tpu.wait_dma2 semaphore(%run_scoped3A : memref<!tpu.dma_semaphore, #tpu.memory_space<semaphore_mem>>) src(%dma_wait3A_29 : memref<320x128xf32, #tpu.memory_space<vmem_shared>>) dst(%dma_wait3A_27 : memref<320x128xf32, #tpu.memory_space<hbm>>)
      tpu.yield
    }) : () -> ()
    return
  }
}

module attributes {stable_mosaic.version = 14 : i64} {
  func.func @body(%arg0: i32, %arg1: memref<512x128xf32, #tpu.memory_space<vmem>>, %arg2: memref<128x128xf32, #tpu.memory_space<vmem>>, %arg3: memref<512x128xf32, #tpu.memory_space<vmem>>) attributes {dimension_semantics = [#tpu.dimension_semantics<arbitrary>], iteration_bounds = array<i64: 20>, scalar_prefetch = 0 : i64, scratch_operands = 0 : i64, tpu.core_type = #tpu.core_type<tc>, window_params = [{transform_indices = @transform_0, window_bounds = array<i64: 512, 128>}, {pipeline_mode = #tpu.pipeline_mode<synchronous>, transform_indices = @transform_1, window_bounds = array<i64: 128, 128>}, {transform_indices = @transform_2, window_bounds = array<i64: 512, 128>}]} {
    %get3A = arith.constant 0 : index
    %get3A_0 = arith.constant 0 : index
    %get3A_1 = vector.load %arg1[%get3A, %get3A_0] : memref<512x128xf32, #tpu.memory_space<vmem>>, vector<512x128xf32>
    %get3A_2 = arith.constant 0 : index
    %get3A_3 = arith.constant 0 : index
    %get3A_4 = vector.load %arg2[%get3A_2, %get3A_3] : memref<128x128xf32, #tpu.memory_space<vmem>>, vector<128x128xf32>
    %dot_general3A = arith.constant dense<0.000000e+00> : vector<512x128xf32>
    %dot_general3A_5 = tpu.matmul %get3A_1, %get3A_4, %dot_general3A {dimension_numbers = #tpu.dot_dimension_numbers<[1], [0], [0], [1], [0, 0, 1, 1], [], []>, transpose_lhs_hint = false} : vector<512x128xf32>, vector<128x128xf32>, vector<512x128xf32> -> vector<512x128xf32>
    %max3A = arith.constant 0.000000e+00 : f32
    %max3A_6 = vector.broadcast %max3A : f32 to vector<512x128xf32>
    %max3A_7 = arith.maximumf %dot_general3A_5, %max3A_6 : vector<512x128xf32>
    %swap3A = arith.constant 0 : index
    %swap3A_8 = arith.constant 0 : index
    %swap3A_9 = vector.load %arg3[%swap3A, %swap3A_8] : memref<512x128xf32, #tpu.memory_space<vmem>>, vector<512x128xf32>
    tpu.vector_store %arg3[%swap3A, %swap3A_8], %max3A_7 {strides = array<i32>} : memref<512x128xf32, #tpu.memory_space<vmem>>, vector<512x128xf32>,
    return
  }
  func.func @transform_0(%arg0: i32) -> (i32, i32) {
    %c0_i32 = arith.constant 0 : i32
    %c0_i32_0 = arith.constant 0 : i32
    return %arg0, %c0_i32 : i32, i32
  }
  func.func @transform_1(%arg0: i32) -> (i32, i32) {
    %c0_i32 = arith.constant 0 : i32
    %c0_i32_0 = arith.constant 0 : i32
    %c0_i32_1 = arith.constant 0 : i32
    return %c0_i32, %c0_i32_0 : i32, i32
  }
  func.func @transform_2(%arg0: i32) -> (i32, i32) {
    %c0_i32 = arith.constant 0 : i32
    %c0_i32_0 = arith.constant 0 : i32
    return %arg0, %c0_i32 : i32, i32
  }
}

module attributes {stable_mosaic.version = 14 : i64} {
  func.func @body(%arg0: i32, %arg1: memref<512x128xf32, #tpu.memory_space<vmem>>, %arg2: memref<512x128xf32, #tpu.memory_space<vmem>>, %arg3: memref<128x128xf32, #tpu.memory_space<vmem>>, %arg4: memref<512x128xf32, #tpu.memory_space<vmem>>) attributes {dimension_semantics = [#tpu.dimension_semantics<arbitrary>], iteration_bounds = array<i64: 20>, scalar_prefetch = 0 : i64, scratch_operands = 0 : i64, tpu.core_type = #tpu.core_type<tc>, window_params = [{transform_indices = @transform_0, window_bounds = array<i64: 512, 128>}, {transform_indices = @transform_1, window_bounds = array<i64: 512, 128>}, {pipeline_mode = #tpu.pipeline_mode<synchronous>, transform_indices = @transform_2, window_bounds = array<i64: 128, 128>}, {transform_indices = @transform_3, window_bounds = array<i64: 512, 128>}]} {
    %get3A = arith.constant 0 : index
    %get3A_0 = arith.constant 0 : index
    %get3A_1 = vector.load %arg1[%get3A, %get3A_0] : memref<512x128xf32, #tpu.memory_space<vmem>>, vector<512x128xf32>
    %get3A_2 = arith.constant 0 : index
    %get3A_3 = arith.constant 0 : index
    %get3A_4 = vector.load %arg2[%get3A_2, %get3A_3] : memref<512x128xf32, #tpu.memory_space<vmem>>, vector<512x128xf32>
    %get3A_5 = arith.constant 0 : index
    %get3A_6 = arith.constant 0 : index
    %get3A_7 = vector.load %arg3[%get3A_5, %get3A_6] : memref<128x128xf32, #tpu.memory_space<vmem>>, vector<128x128xf32>
    %dot_general3A = arith.constant dense<0.000000e+00> : vector<512x128xf32>
    %dot_general3A_8 = tpu.matmul %get3A_4, %get3A_7, %dot_general3A {dimension_numbers = #tpu.dot_dimension_numbers<[1], [0], [0], [1], [0, 0, 1, 1], [], []>, transpose_lhs_hint = false} : vector<512x128xf32>, vector<128x128xf32>, vector<512x128xf32> -> vector<512x128xf32>
    %add3A = arith.addf %get3A_1, %dot_general3A_8 : vector<512x128xf32>
    %max3A = arith.constant 0.000000e+00 : f32
    %max3A_9 = vector.broadcast %max3A : f32 to vector<512x128xf32>
    %max3A_10 = arith.maximumf %add3A, %max3A_9 : vector<512x128xf32>
    %swap3A = arith.constant 0 : index
    %swap3A_11 = arith.constant 0 : index
    %swap3A_12 = vector.load %arg4[%swap3A, %swap3A_11] : memref<512x128xf32, #tpu.memory_space<vmem>>, vector<512x128xf32>
    tpu.vector_store %arg4[%swap3A, %swap3A_11], %max3A_10 {strides = array<i32>} : memref<512x128xf32, #tpu.memory_space<vmem>>, vector<512x128xf32>,
    return
  }
  func.func @transform_0(%arg0: i32) -> (i32, i32) {
    %c0_i32 = arith.constant 0 : i32
    %c0_i32_0 = arith.constant 0 : i32
    return %arg0, %c0_i32 : i32, i32
  }
  func.func @transform_1(%arg0: i32) -> (i32, i32) {
    %c0_i32 = arith.constant 0 : i32
    %c0_i32_0 = arith.constant 0 : i32
    return %arg0, %c0_i32 : i32, i32
  }
  func.func @transform_2(%arg0: i32) -> (i32, i32) {
    %c0_i32 = arith.constant 0 : i32
    %c0_i32_0 = arith.constant 0 : i32
    %c0_i32_1 = arith.constant 0 : i32
    return %c0_i32, %c0_i32_0 : i32, i32
  }
  func.func @transform_3(%arg0: i32) -> (i32, i32) {
    %c0_i32 = arith.constant 0 : i32
    %c0_i32_0 = arith.constant 0 : i32
    return %arg0, %c0_i32 : i32, i32
  }
}

module attributes {stable_mosaic.version = 14 : i64} {
  func.func @body(%arg0: i32, %arg1: memref<256x128xf32, #tpu.memory_space<vmem>>, %arg2: memref<128x128xf32, #tpu.memory_space<vmem>>, %arg3: memref<1x128xf32, #tpu.memory_space<vmem>>, %arg4: memref<128x128xf32, #tpu.memory_space<vmem>>, %arg5: memref<1x128xf32, #tpu.memory_space<vmem>>, %arg6: memref<256x128xf32, #tpu.memory_space<vmem>>) attributes {dimension_semantics = [#tpu.dimension_semantics<arbitrary>], iteration_bounds = array<i64: 16>, scalar_prefetch = 0 : i64, scratch_operands = 0 : i64, tpu.core_type = #tpu.core_type<tc>, window_params = [{transform_indices = @transform_0, window_bounds = array<i64: 256, 128>}, {pipeline_mode = #tpu.pipeline_mode<synchronous>, transform_indices = @transform_1, window_bounds = array<i64: 128, 128>}, {pipeline_mode = #tpu.pipeline_mode<synchronous>, transform_indices = @transform_2, window_bounds = array<i64: 1, 128>}, {pipeline_mode = #tpu.pipeline_mode<synchronous>, transform_indices = @transform_3, window_bounds = array<i64: 128, 128>}, {pipeline_mode = #tpu.pipeline_mode<synchronous>, transform_indices = @transform_4, window_bounds = array<i64: 1, 128>}, {transform_indices = @transform_5, window_bounds = array<i64: 256, 128>}]} {
    %get3A = arith.constant 0 : index
    %get3A_0 = arith.constant 0 : index
    %get3A_1 = vector.load %arg1[%get3A, %get3A_0] : memref<256x128xf32, #tpu.memory_space<vmem>>, vector<256x128xf32>
    %get3A_2 = arith.constant 0 : index
    %get3A_3 = arith.constant 0 : index
    %get3A_4 = vector.load %arg2[%get3A_2, %get3A_3] : memref<128x128xf32, #tpu.memory_space<vmem>>, vector<128x128xf32>
    %dot_general3A = arith.constant dense<0.000000e+00> : vector<256x128xf32>
    %dot_general3A_5 = tpu.matmul %get3A_1, %get3A_4, %dot_general3A {dimension_numbers = #tpu.dot_dimension_numbers<[1], [0], [0], [1], [0, 0, 1, 1], [], []>, transpose_lhs_hint = false} : vector<256x128xf32>, vector<128x128xf32>, vector<256x128xf32> -> vector<256x128xf32>
    %get3A_6 = arith.constant 0 : index
    %get3A_7 = arith.constant 0 : index
    %get3A_8 = vector.load %arg3[%get3A_6, %get3A_7] : memref<1x128xf32, #tpu.memory_space<vmem>>, vector<1x128xf32>
    %add3A = vector.broadcast %get3A_8 : vector<1x128xf32> to vector<256x128xf32>
    %add3A_9 = arith.addf %dot_general3A_5, %add3A : vector<256x128xf32>
    %max3A = arith.constant 0.000000e+00 : f32
    %max3A_10 = vector.broadcast %max3A : f32 to vector<256x128xf32>
    %max3A_11 = arith.maximumf %add3A_9, %max3A_10 : vector<256x128xf32>
    %get3A_12 = arith.constant 0 : index
    %get3A_13 = arith.constant 0 : index
    %get3A_14 = vector.load %arg4[%get3A_12, %get3A_13] : memref<128x128xf32, #tpu.memory_space<vmem>>, vector<128x128xf32>
    %dot_general3A_15 = arith.constant dense<0.000000e+00> : vector<256x128xf32>
    %dot_general3A_16 = tpu.matmul %max3A_11, %get3A_14, %dot_general3A_15 {dimension_numbers = #tpu.dot_dimension_numbers<[1], [0], [0], [1], [0, 0, 1, 1], [], []>, transpose_lhs_hint = false} : vector<256x128xf32>, vector<128x128xf32>, vector<256x128xf32> -> vector<256x128xf32>
    %get3A_17 = arith.constant 0 : index
    %get3A_18 = arith.constant 0 : index
    %get3A_19 = vector.load %arg5[%get3A_17, %get3A_18] : memref<1x128xf32, #tpu.memory_space<vmem>>, vector<1x128xf32>
    %add3A_20 = vector.broadcast %get3A_19 : vector<1x128xf32> to vector<256x128xf32>
    %add3A_21 = arith.addf %dot_general3A_16, %add3A_20 : vector<256x128xf32>
    %swap3A = arith.constant 0 : index
    %swap3A_22 = arith.constant 0 : index
    %swap3A_23 = vector.load %arg6[%swap3A, %swap3A_22] : memref<256x128xf32, #tpu.memory_space<vmem>>, vector<256x128xf32>
    tpu.vector_store %arg6[%swap3A, %swap3A_22], %add3A_21 {strides = array<i32>} : memref<256x128xf32, #tpu.memory_space<vmem>>, vector<256x128xf32>,
    return
  }
  func.func @transform_0(%arg0: i32) -> (i32, i32) {
    %c0_i32 = arith.constant 0 : i32
    %c0_i32_0 = arith.constant 0 : i32
    return %arg0, %c0_i32 : i32, i32
  }
  func.func @transform_1(%arg0: i32) -> (i32, i32) {
    %c0_i32 = arith.constant 0 : i32
    %c0_i32_0 = arith.constant 0 : i32
    %c0_i32_1 = arith.constant 0 : i32
    return %c0_i32, %c0_i32_0 : i32, i32
  }
  func.func @transform_2(%arg0: i32) -> (i32, i32) {
    %c0_i32 = arith.constant 0 : i32
    %c0_i32_0 = arith.constant 0 : i32
    %c0_i32_1 = arith.constant 0 : i32
    return %c0_i32, %c0_i32_0 : i32, i32
  }
  func.func @transform_3(%arg0: i32) -> (i32, i32) {
    %c0_i32 = arith.constant 0 : i32
    %c0_i32_0 = arith.constant 0 : i32
    %c0_i32_1 = arith.constant 0 : i32
    return %c0_i32, %c0_i32_0 : i32, i32
  }
  func.func @transform_4(%arg0: i32) -> (i32, i32) {
    %c0_i32 = arith.constant 0 : i32
    %c0_i32_0 = arith.constant 0 : i32
    %c0_i32_1 = arith.constant 0 : i32
    return %c0_i32, %c0_i32_0 : i32, i32
  }
  func.func @transform_5(%arg0: i32) -> (i32, i32) {
    %c0_i32 = arith.constant 0 : i32
    %c0_i32_0 = arith.constant 0 : i32
    return %arg0, %c0_i32 : i32, i32
  }
}

</mosaic_0001>

<sc_bundles>
// kernel: gather_offload_async_start.1
scs
__scs_entry_jumppad:
0x0: {  	(pc) =	sbr.rel $0x88, $3  }
0x1: {  	(tag) =	ssettag $0x0;
	lr =	simm.s32 $0x1  }
0x2: {  	[smem:$0x3F98] =	sst lr;
	_ =	strace $0xD0000000  }
0x3: {  	_ = 	snop  }
0x4: {  	_ = 	snop  }
0x5: {  	_ = 	snop  }
0x6: {  	_ = 	snop  }
0x7: {  	_ = 	snop  }
__scs_overlays_trampoline_lowered:
0x8: {  	[smem:$0x3FA7] =	sst s0  }
0x9: {  	[smem:$0x3FA8] =	sst s1  }
0xa: {  	[smem:$0x3FA9] =	sst s2  }
0xb: {  	[smem:$0x3FAA] =	sst s3  }
0xc: {  	[smem:$0x3FAB] =	sst s4  }
0xd: {  	[smem:$0x3FAC] =	sst s5  }
0xe: {  	[smem:$0x3FAD] =	sst s6  }
0xf: {  	[smem:$0x3FAE] =	sst s7  }
0x10: {  	[smem:$0x3FAF] =	sst s8  }
0x11: {  	[smem:$0x3FB0] =	sst s9;
	s0 =	simm.s32 @!p0 $0x0  }
0x12: {  	s1 =	sld [smem:$0x3F96];
	s0 =	simm.s32 @p0 $0x1  }
0x13: {  	[smem:$0x3FB1] =	sst s0;
	s0 =	simm.s32 @!p1 $0x0  }
0x14: {  	s2 =	sld [smem:$0x3F95];
	s0 =	simm.s32 @p1 $0x1  }
0x15: {  	[smem:$0x3FB2] =	sst s0;
	s0 =	simm.s32 @!p2 $0x0  }
0x16: {  	s3 =	sld [smem:$0x3FDB];
	s0 =	simm.s32 @p2 $0x1  }
0x17: {  	s4 =	simm.s32 $0x1BF5;
	[smem:$0x3FB4] =	sst s0  }
0x18: {  	s0 =	sld [smem:$0x3F97];
	_ =	swait.ge [sflag:s4], $0x0  }
0x19: {  	s7 =	sld [smem:$0x3F98]  }
0x1a: {  	s8 =	sadd.s32 $0xFFFFE003, lr  }
0x1b: {  	s9 =	sadd.s32 $0xFFFFFEF7, lr;
	s5 =	simm.s32 $0xFFFFFFFF;
	p2 =	slt.u32 s8, $0xFFFFF086  }
0x1c: {  	p1 =	slt.u32 s9, $0xF7A;
	s5 =	simm.s32 @!p2 $0x0  }
0x1d: {  	s5 =	simm.s32 @p1 $0x1;
	p0 =	seq.s32 s7, s2  }
0x1e: {  	s7 =	smul.u32 @!p0 $0xF7A, s2;
	p2 =	seq.s32 @!p0 s5, $0x0  }
0x1f: {  	s9 =	smul.u32 $0xF7A, s1;
	s8 =	simm.s32 @!p0 $0x1BF5;
	p2 =	por !p2, p0  }
0x20: {  	[sflag:s8] =	ssyncset.s32 @!p0 $0xFFFFF086;
	s6 =	sadd.s32 @!p0 s3, s7;
	s7 =	simm.s32 @!p0 $0x108  }
0x21: {  	s3 =	sadd.s32 s3, s9;
	s6 =	sadd.s32 @!p0 $0x88, s6;
	s7 =	simm.s32 @p2 $0x1082  }
0x22: {  	[simem:s7], [sflag:s8] =	dma.local @!p0 [hbm:s6], $0xF7A  }
0x23: {  	s9 =	sor.u32 $0xD0000000, s2;
	s6 =	simm.s32 $0x108;
	_ =	swait.ge @!p0 [sflag:s8], $0x0  }
0x24: {  	s3 =	sadd.s32 $0x88, s3;
	s6 =	simm.s32 @!p1 $0x1082;
	[sflag:s4] =	ssyncset.s32 $0xFFFFF086  }
0x25: {  	[simem:s6], [sflag:s4] =	dma.local [hbm:s3], $0xF7A  }
0x26: {  	[smem:$0x3F98] =	sst s1;
	(tag) =	ssettag s2;
	_ =	strace s9  }
0x27: {  	s1 =	sld [smem:$0x3FA8]  }
0x28: {  	s2 =	sld [smem:$0x3FA9]  }
0x29: {  	s4 =	sld [smem:$0x3FAB]  }
0x2a: {  	p0 =	seq.s32 s5, $0x0;
	s5 =	sld [smem:$0x3FAC]  }
0x2b: {  	s6 =	sld [smem:$0x3FAD]  }
0x2c: {  	s7 =	sld [smem:$0x3FAE]  }
0x2d: {  	s3 =	simm.s32 $0x108;
	s8 =	sld [smem:$0x3FAF]  }
0x2e: {  	s3 =	simm.s32 @!p0 $0x1082;
	s9 =	sld [smem:$0x3FB0]  }
0x2f: {  	lr =	sadd.s32 s0, s3;
	s0 =	sld [smem:$0x3FA7]  }
0x30: {  	s3 =	sld [smem:$0x3FAA]  }
0x31: {  	[smem:$0x3FB3] =	sst s10  }
0x32: {  	s10 =	sld [smem:$0x3FB1];
	_ =	sdelay $0x3  }
0x33: {  	p0 =	seq.s32 s10, $0x1;
	s10 =	sld [smem:$0x3FB3];
	_ =	sdelay $0x3  }
0x34: {  	[smem:$0x3FB3] =	sst s10  }
0x35: {  	s10 =	sld [smem:$0x3FB2];
	_ =	sdelay $0x3  }
0x36: {  	p1 =	seq.s32 s10, $0x1;
	s10 =	sld [smem:$0x3FB3];
	_ =	sdelay $0x3  }
0x37: {  	[smem:$0x3FB3] =	sst s10  }
0x38: {  	s10 =	sld [smem:$0x3FB4]  }
0x39: {  	_ = 	snop;
	(pc) =	sbr.ind lr, $3  }
0x3a: {  	_ = 	snop  }
0x3b: {  	_ = 	snop  }
0x3c: {  	p2 =	seq.s32 s10, $0x1;
	s10 =	sld [smem:$0x3FB3]  }
0x3d: {  	_ =	shalt  }
0x3e: {  	_ =	shalt  }
0x3f: {  	_ =	shalt  }
0x40: {  	_ =	shalt  }
0x41: {  	_ =	shalt  }
0x42: {  	_ =	shalt  }
0x43: {  	_ =	shalt  }
0x44: {  	_ =	shalt  }
0x45: {  	_ =	shalt  }
0x46: {  	_ =	shalt  }
0x47: {  	_ =	shalt  }
0x48: {  	_ =	shalt  }
0x49: {  	_ =	shalt  }
0x4a: {  	_ =	shalt  }
0x4b: {  	_ =	shalt  }
0x4c: {  	_ =	shalt  }
0x4d: {  	_ =	shalt  }
0x4e: {  	_ =	shalt  }
0x4f: {  	_ =	shalt  }
0x50: {  	_ =	shalt  }
0x51: {  	_ =	shalt  }
0x52: {  	_ =	shalt  }
0x53: {  	_ =	shalt  }
0x54: {  	_ =	shalt  }
0x55: {  	_ =	shalt  }
0x56: {  	_ =	shalt  }
0x57: {  	_ =	shalt  }
0x58: {  	_ =	shalt  }
0x59: {  	_ =	shalt  }
0x5a: {  	_ =	shalt  }
0x5b: {  	_ =	shalt  }
0x5c: {  	_ =	shalt  }
0x5d: {  	_ =	shalt  }
0x5e: {  	_ =	shalt  }
0x5f: {  	_ =	shalt  }
0x60: {  	_ =	shalt  }
0x61: {  	_ =	shalt  }
0x62: {  	_ =	shalt  }
0x63: {  	_ =	shalt  }
0x64: {  	_ =	shalt  }
0x65: {  	_ =	shalt  }
0x66: {  	_ =	shalt  }
0x67: {  	_ =	shalt  }
0x68: {  	_ =	shalt  }
0x69: {  	_ =	shalt  }
0x6a: {  	_ =	shalt  }
0x6b: {  	_ =	shalt  }
0x6c: {  	_ =	shalt  }
0x6d: {  	_ =	shalt  }
0x6e: {  	_ =	shalt  }
0x6f: {  	_ =	shalt  }
0x70: {  	_ =	shalt  }
0x71: {  	_ =	shalt  }
0x72: {  	_ =	shalt  }
0x73: {  	_ =	shalt  }
0x74: {  	_ =	shalt  }
0x75: {  	_ =	shalt  }
0x76: {  	_ =	shalt  }
0x77: {  	_ =	shalt  }
0x78: {  	_ =	shalt  }
0x79: {  	_ =	shalt  }
0x7a: {  	_ =	shalt  }
0x7b: {  	_ =	shalt  }
0x7c: {  	_ =	shalt  }
0x7d: {  	_ =	shalt  }
0x7e: {  	_ =	shalt  }
0x7f: {  	_ =	shalt  }
0x80: {  	_ =	shalt  }
0x81: {  	_ =	shalt  }
0x82: {  	_ =	shalt  }
0x83: {  	_ =	shalt  }
0x84: {  	_ =	shalt  }
0x85: {  	_ =	shalt  }
0x86: {  	_ =	shalt  }
0x87: {  	_ =	shalt  }
.Lfunc_end0:
.L_simem_size_0:
called_computation.3_lowered:
.L_overlay_start_0:
0x88: {  	s2 =	sld [smem:$0x3FD9]  }
0x89: {  	s3 =	sld [smem:$0x3FFE];
	_ =	sdelay $0x1  }
0x8a: {  	s1 =	srdreg.scid  }
0x8b: {  	s0 =	sand.u32 $0x1, s1  }
0x8c: {  	s16 =	sshll.u32 s0, $0xA;
	s2 =	sadd.s32 s3, s2  }
0x8d: {  	s2 =	sadd.s32 s2, s16  }
0x8e: {  	[smem:$0x3FBF] =	sst s2  }
0x8f: {  	_ = 	snop  }
0x90: {  	(tm) =	ssettm $0x1  }
0x91: {  	s17 =	sld [smem:$0x3FFB];
	_ =	sdelay $0x3  }
0x92: {  	_ =	strace s17  }
0x93: {  	s2 =	sld [smem:$0x3FFC];
	_ =	sdelay $0x3  }
0x94: {  	_ =	strace s2  }
0x95: {  	s2 =	sld [smem:$0x3FFD];
	_ =	sdelay $0x3  }
0x96: {  	_ =	strace s2  }
0x97: {  	_ =	strace $0x8FFFFFFF  }
0x98: {  	s18 =	sld [smem:$0x3FDB];
	_ =	sdelay $0x1  }
0x99: {  	s19 =	simm.s32 $_scs_section_size  }
0x9a: {  	s4 =	simm.s32 $_size__tile_overlayer_lowered;
	s5 =	simm.s32 $_tile_overlayer_lowered  }
0x9b: {  	s22 =	simm.s32 $0x1BFF;
	s21 =	sshll.u32 s5, $0x1;
	s2 =	sadd.s32 s19, s18  }
0x9c: {  	s6 =	simm.s32 $0x0;
	s20 =	sshll.u32 s4, $0x1;
	s4 =	sadd.s32 s21, s2  }
0x9d: {  	[timem:s6], [sflag:s22] =	dma.local [hbm:s4], s20  }
0x9e: {  	_ =	swait.ge [sflag:s22], s20  }
0x9f: {  	s3 =	ssub.s32 $0x0, s20;
	[sflag:s22] =	ssyncset.done $0x0  }
0xa0: {  	[sflag:s22] =	ssyncadd.s32 s3;
	_ =	sdelay $0x1  }
0xa1: {  	s23 =	simm.s32 $0x1B8B  }
0xa2: {  	_ =	swait.ge [sflag:s23], $0x1  }
0xa3: {  	[sflag:s23] =	ssyncset.done $0x0  }
0xa4: {  	s25 =	simm.s32 $0x1B8E;
	s24 =	sld [smem:$0x3FFE];
	[sflag:s23] =	ssyncadd.s32 $0xFFFFFFFF  }
0xa5: {  	s26 =	simm.s32 $execute0_lowered;
	[smem:$0x3FD2] =	sst s25  }
0xa6: {  	s4 =	sshll.u32 s26, $0x1;
	_ =	strace $0x8000004C;
	[dreg:$0x1] =	wrdreg $0xFFFFFFFF  }
0xa7: {  	s28 =	simm.s32 $_size_execute0_lowered;
	s2 =	sadd.s32 s2, s4;
	[dreg:$0x0] =	wrdreg $0x0  }
0xa8: {  	s4 =	sshll.u32 s28, $0x1;
	[dreg:$0x2] =	wrdreg s2  }
0xa9: {  	[dreg:$0x3] =	wrdreg s4  }
0xaa: {  	[dreg:$0x4] =	wrdreg $0xC0  }
0xab: {  	_ =	task [dreg:s6], $0x5FFFF  }
0xac: {  	[dreg:$0x1] =	wrdreg $0xFFFFFFFF  }
0xad: {  	[dreg:$0x0] =	wrdreg $0x60  }
0xae: {  	[dreg:$0x2] =	wrdreg s24  }
0xaf: {  	[dreg:$0x3] =	wrdreg $0xA  }
0xb0: {  	_ =	task.clear_ibuf [dreg:s6], $0x4FFFF;
	_ =	strace $0x9000004C  }
0xb1: {  	s29 =	simm.s32 $0xA;
	_ =	strace $0x8000004E  }
0xb2: {  	_ =	swait.ge [sflag:s29], $0x1  }
0xb3: {  	[sflag:s29] =	ssyncadd.s32 $0xFFFFFFFF  }
0xb4: {  	_ =	strace $0x9000004E  }
0xb5: {  	_ =	sfence  }
0xb6: {  	s30 =	sld [smem:$0x0];
	_ =	sdelay $0x2  }
0xb7: {  	s31 =	sshll.u32 s1, $0xD;
	s1 =	sshrl.u32 s1, $0x2  }
0xb8: {  	s3 =	sand.u32 $0x4000, s31;
	s1 =	sadd.s32 s1, s30  }
0xb9: {  	s0 =	sor.u32 s3, s0;
	s1 =	sshll.u32 s1, $0x11  }
0xba: {  	s0 =	sor.u32 s1, s0  }
0xbb: {  	s0 =	sadd.s32 $0x8F2B, s0  }
0xbc: {  	[sflag:s0] =	ssyncadd.remote.s32 $0x1  }
0xbd: {  	_ =	sfence.sel $0xFFFF  }
0xbe: {  	[dreg:$0x0] =	wrdreg $0xFFFFFFFF;
	(pc) =	sbr.abs _section_cstart, $3  }
0xbf: {  	[dreg:$0x1] =	wrdreg $0xFFFFFFFF  }
0xc0: {  	_ =	task.clear_ibuf [dreg:s6], $0x2FFFF;
	_ =	strace $0x9FFFFFFF  }
0xc1: {  	(tm) =	ssettm $0x7FFFFFFF  }
tec
execute0_lowered:
.L_overlay_start_1:
0x0: {  	(tag) =	ssettag $0x1  }
0x1: {  	s8 =	rddreg [dreg:$0x0]  }
0x2: {  	s0 =	rddreg [dreg:$0x1];
	_ =	strace $0x8000004D;
	s1 =	stileid.u32  }
0x3: {  	s3 =	srdreg.scid;
	s4 =	simm.s32 $0x1;
	s7 =	simm.s32 $0x1  }
0x4: {  	s9 =	simm.s32 $0x1;
	s10 =	simm.s32 $0x3;
	s13 =	simm.s32 $0x0  }
0x5: {  	s12 =	simm.s32 $0x0;
	s5 =	sand.u32 $0x1, s3;
	s6 =	sshll.u32 s1, $0x1  }
0x6: {  	s2 =	sadd.s32 $0x16C00, s8;
	s3 =	sadd.s32 $0x20C00, s8;
	s5 =	sor.u32 s6, s5  }
.Ltmp0:
0x7: {  	[sflag:s4] =	ssyncpa.u1 $0x0;
	p0 =	slt.u32 s5, $0x9;
	(pc) =	sbr.rel .LBB2_1-.Ltmp0, $4  }
0x8: {  	s6 =	simm.s32 $0x2;
	s7 =	simm.s32 @!p0 $0x0;
	p0 =	sne.s32 s5, $0x8  }
0x9: {  	[sflag:s6] =	ssyncpa.u1 $0x0;
	s5 =	smul.u32 $0x1F40, s5;
	s9 =	simm.s32 @!p0 $0x0  }
0xa: {  	s8 =	sadd.s32 $0x5EC00, s8;
	[sflag:s10] =	ssyncpa.u1 $0x0;
	s7 =	sadd.s32 s9, s7  }
0xb: {  	vm0 =	vmmov $0xffff;
	s10 =	simm.s32 $0x0;
	s11 =	smov.u32 s5;
	s9 =	sadd.s32 $0x1, s7  }
.LBB2_4:
0xc: {  	v2 =	vnsel vm1, $0x0, v2  }
0xd: {  	vm1 =	vgt.s32 v0, $0x0;
	v2 =	vmin.u32 v2, $0x4E1FF  }
0xe: {  	v0 =	vnsel vm1, $0x0, v0  }
0xf: {  	v0 =	vmin.u32 v0, $0x4E1FF  }
0x10: {  	[tilespmem:s18], [sflag:$0x1] =	stream.indirect_vreg.gather [hbm4b:s2+s10], $0x1, v1, vm0, $0x4038;
	[tilespmem:$0x7D00] =	vst v63  }
0x11: {  	(ifvalue) =	ssetifvalue $0x7FFFFFFF  }
0x12: {  	[tilespmem:s15], [sflag:$0x1] =	stream.indirect_vreg.gather [hbm4b:s2+s10], $0x1, v2, vm0, $0x4038;
	[tilespmem:$0x7D00] =	vst v63  }
0x13: {  	s29 =	sadd.s32 $0x10, s15;
	(ifvalue) =	ssetifvalue $0x7FFFFFFF  }
0x14: {  	[tilespmem:s29], [sflag:$0x1] =	stream.indirect_vreg.gather [hbm4b:s2+s10], $0x1, v0, vm0, $0x4038;
	[tilespmem:$0x7D00] =	vst v63  }
0x15: {  	_ =	swait.ge [sflag:s4], $0x1F40  }
0x16: {  	s30 =	sshrl.u32 s13, $0x3;
	[sflag:s4] =	ssyncset.done $0x0  }
0x17: {  	s31 =	sand.u32 $0x7, s13;
	s15 =	sadd.s32 s8, s30;
	[sflag:s4] =	ssyncadd.s32 $0xFFFFE0C0  }
0x18: {  	[hbm4b:s15+s31] =	stream.linear.scatter [tilespmem:s14], [sflag:$0x3], $0x1F40, $0x38;
	[tilespmem:$0x7D00] =	vst v63  }
.LBB2_5:
0x19: {  	s15 =	sadd.s32 $0x3E800, s11  }
0x1a: {  	p1 =	sgt.s32 s15, $0x4E1FF  }
0x1b: {  	s15 =	smov.u32 @p1 s5;
	p1 =	sne.s32 s12, s9  }
.Ltmp1:
0x1c: {  	p0 =	slt.u32 s12, $0x2;
	(pc) =	sbr.rel @!p1 .LBB2_6-.Ltmp1, $4  }
0x1d: {  	s14 =	simm.s32 @!p0 $0x3  }
0x1e: {  	_ =	swait.ge @!p0 [sflag:s14], $0x1F40  }
0x1f: {  	s16 =	sadd.s32 $0x1, s12;
	s13 =	smov.u32 s11;
	[sflag:s14] =	ssyncset.done @!p0 $0x0  }
0x20: {  	s12 =	smov.u32 s16;
	s11 =	smov.u32 s15;
	[sflag:s14] =	ssyncadd.s32 @!p0 $0xFFFFE0C0  }
.LBB2_1:
0x21: {  	p0 =	sge.u32 s12, s7  }
0x22: {  	s14 =	sxor.u32 @!p0 $0x1, s12  }
0x23: {  	s14 =	smul.u32 @!p0 $0x7D00, s14  }
0x24: {  	s31 =	sadd.s32 $0xFFFFFFFF, s12;
	s15 =	sshrl.u32 @!p0 s11, $0x3  }
0x25: {  	s16 =	sand.u32 @!p0 $0x7, s11;
	s15 =	sadd.s32 @!p0 s3, s15;
	s14 =	sshra.s32 @!p0 s14, $0x2  }
0x26: {  	[tilespmem:s14], [sflag:$0x2] =	stream.linear.gather @!p0 [hbm4b:s15+s16], $0x1F40, $0x38;
	[tilespmem:$0x7D00] =	vst v63  }
0x27: {  	p0 =	sge.u32 s31, s7  }
.Ltmp2:
0x28: {  	_ = 	snop;
	(pc) =	sbr.rel @p0 .LBB2_5-.Ltmp2, $1  }
0x29: {  	_ =	sdelay $0x3  }
0x2a: {  	s14 =	sand.u32 $0x1, s12  }
0x2b: {  	_ =	swait.ge [sflag:s6], $0x1F40;
	p0 =	seq.s32 s14, $0x1;
	s14 =	simm.s32 $0x1F40  }
0x2c: {  	[sflag:s6] =	ssyncset.done $0x0;
	s14 =	simm.s32 @!p0 $0x0  }
0x2d: {  	[sflag:s6] =	ssyncadd.s32 $0xFFFFE0C0;
	(ifvalue) =	ssetifvalue $0x7FFFFFFF;
	v0 =	vld.msk [tilespmem:s14+$0x0 ss:$0x1], $0xffff;
	_ =	sdelay $0x4  }
0x2e: {  	s15 =	sadd.s32 $0x10, s14;
	vm1 =	vgt.s32 v0, $0x0  }
0x2f: {  	v2 =	vld.msk [tilespmem:s15+$0x0 ss:$0x1], $0xffff;
	v1 =	vnsel vm1, $0x0, v0  }
0x30: {  	v1 =	vmin.u32 v1, $0x4E1FF;
	_ =	sdelay $0x2  }
0x31: {  	s17 =	simm.s32 $0x20;
	s14 =	sadd.s32 $0x3E80, s14;
	s16 =	sadd.s32 $0x10, s15  }
0x32: {  	s15 =	sadd.s32 $0x10, s14;
	s18 =	smov.u32 s14;
	v0 =	vld.msk [tilespmem:s16+$0x0 ss:$0x1], $0xffff;
	vm1 =	vgt.s32 v2, $0x0;
	(ifvalue) =	ssetifvalue $0x7FFFFFFF  }
.LBB2_3:
0x33: {  	[tilespmem:s18], [sflag:$0x1] =	stream.indirect_vreg.gather [hbm4b:s2+s10], $0x1, v1, vm0, $0x4038;
	[tilespmem:$0x7D00] =	vst v63  }
0x34: {  	s17 =	sadd.s32 $0x10, s17  }
0x35: {  	v2 =	vnsel vm1, $0x0, v2;
	p0 =	slt.u32 s17, $0x1F30  }
.Ltmp3:
0x36: {  	s18 =	smov.u32 s15;
	v1 =	vmin.u32 v2, $0x4E1FF;
	(pc) =	sbr.rel @p0 .LBB2_3-.Ltmp3, $3  }
0x37: {  	_ =	sdelay $0x1  }
0x38: {  	s16 =	sadd.s32 $0x10, s16  }
0x39: {  	vm1 =	vgt.s32 v0, $0x0;
	s15 =	sadd.s32 $0x10, s15;
	v2 =	vmov v0;
	(ifvalue) =	ssetifvalue $0x7FFFFFFF;
	v0 =	vld.msk [tilespmem:s16+$0x0 ss:$0x1], $0xffff  }
.Ltmp4:
0x3a: {  	_ = 	snop;
	(pc) =	sbr.rel .LBB2_4-.Ltmp4, $1  }
0x3b: {  	_ =	sdelay $0x3  }
.LBB2_6:
0x3c: {  	_ =	sfence.sel $0x180000  }
0x3d: {  	s2 =	simm.s32 $0x2;
	[bflag:$0x0] =	sbarrier.arrive $0xFFFF  }
0x3e: {  	s30 =	simm.s32 $0x3;
	[sflag:s2] =	ssyncpa.u1 $0x1  }
0x3f: {  	s31 =	simm.s32 $0x1;
	[sflag:s30] =	ssyncpa.u1 $0x1  }
0x40: {  	[sflag:s31] =	ssyncpa.u1 $0x1  }
0x41: {  	p0 =	sne.s32 s1, $0x0;
	_ =	strace $0x9000004D  }
0x42: {  	s0 =	sadd.s32 @!p0 $0x100000, s0;
	[bflag:$0x2] =	sbarrier.arrive $0xFFFF  }
0x43: {  	[sflag:s0] =	ssyncadd.tile.s32 @!p0 $0x1;
	_ =	shalt  }
.Lfunc_end2:
_tile_overlayer_lowered:
.L_overlay_start_2:
0x44: {  	(tag) =	ssettag $0x2  }
0x45: {  	s0 =	rddreg [dreg:$0x0];
	s2 =	stileid.u32  }
0x46: {  	s1 =	rddreg [dreg:$0x1];
	p0 =	sne.s32 s2, $0x0  }
0x47: {  	s3 =	rddreg [dreg:$0x2];
	[bflag:$0x3] =	sbarrier.arrive $0xFFFF;
	s2 =	simm.s32 @!p0 $0x1C01  }
0x48: {  	[timem:s3], [sflag:s2] =	dma.local @!p0 [hbm:s0], s1  }
0x49: {  	s0 =	simm.s32 @!p0 $0x1  }
0x4a: {  	_ =	swait.ge @!p0 [sflag:s0], s1  }
0x4b: {  	s1 =	ssub.s32 @!p0 $0x0, s1;
	[sflag:s0] =	ssyncset.done @!p0 $0x0  }
0x4c: {  	[sflag:s0] =	ssyncadd.s32 @!p0 s1  }
0x4d: {  	[bflag:$0x3] =	sbarrier.arrive $0xFFFF  }
0x4e: {  	_ =	shalt  }

// kernel: gather_offload_async_start.2
scs
__scs_entry_jumppad:
0x0: {  	(pc) =	sbr.rel $0x88, $3  }
0x1: {  	(tag) =	ssettag $0x0;
	lr =	simm.s32 $0x1  }
0x2: {  	[smem:$0x3F98] =	sst lr;
	_ =	strace $0xD0000000  }
0x3: {  	_ = 	snop  }
0x4: {  	_ = 	snop  }
0x5: {  	_ = 	snop  }
0x6: {  	_ = 	snop  }
0x7: {  	_ = 	snop  }
__scs_overlays_trampoline_lowered:
0x8: {  	[smem:$0x3FA7] =	sst s0  }
0x9: {  	[smem:$0x3FA8] =	sst s1  }
0xa: {  	[smem:$0x3FA9] =	sst s2  }
0xb: {  	[smem:$0x3FAA] =	sst s3  }
0xc: {  	[smem:$0x3FAB] =	sst s4  }
0xd: {  	[smem:$0x3FAC] =	sst s5  }
0xe: {  	[smem:$0x3FAD] =	sst s6  }
0xf: {  	[smem:$0x3FAE] =	sst s7  }
0x10: {  	[smem:$0x3FAF] =	sst s8  }
0x11: {  	[smem:$0x3FB0] =	sst s9;
	s0 =	simm.s32 @!p0 $0x0  }
0x12: {  	s1 =	sld [smem:$0x3F96];
	s0 =	simm.s32 @p0 $0x1  }
0x13: {  	[smem:$0x3FB1] =	sst s0;
	s0 =	simm.s32 @!p1 $0x0  }
0x14: {  	s2 =	sld [smem:$0x3F95];
	s0 =	simm.s32 @p1 $0x1  }
0x15: {  	[smem:$0x3FB2] =	sst s0;
	s0 =	simm.s32 @!p2 $0x0  }
0x16: {  	s3 =	sld [smem:$0x3FDB];
	s0 =	simm.s32 @p2 $0x1  }
0x17: {  	s4 =	simm.s32 $0x1BF5;
	[smem:$0x3FB4] =	sst s0  }
0x18: {  	s0 =	sld [smem:$0x3F97];
	_ =	swait.ge [sflag:s4], $0x0  }
0x19: {  	s7 =	sld [smem:$0x3F98]  }
0x1a: {  	s8 =	sadd.s32 $0xFFFFE003, lr  }
0x1b: {  	s9 =	sadd.s32 $0xFFFFFEF7, lr;
	s5 =	simm.s32 $0xFFFFFFFF;
	p2 =	slt.u32 s8, $0xFFFFF086  }
0x1c: {  	p1 =	slt.u32 s9, $0xF7A;
	s5 =	simm.s32 @!p2 $0x0  }
0x1d: {  	s5 =	simm.s32 @p1 $0x1;
	p0 =	seq.s32 s7, s2  }
0x1e: {  	s7 =	smul.u32 @!p0 $0xF7A, s2;
	p2 =	seq.s32 @!p0 s5, $0x0  }
0x1f: {  	s9 =	smul.u32 $0xF7A, s1;
	s8 =	simm.s32 @!p0 $0x1BF5;
	p2 =	por !p2, p0  }
0x20: {  	[sflag:s8] =	ssyncset.s32 @!p0 $0xFFFFF086;
	s6 =	sadd.s32 @!p0 s3, s7;
	s7 =	simm.s32 @!p0 $0x108  }
0x21: {  	s3 =	sadd.s32 s3, s9;
	s6 =	sadd.s32 @!p0 $0x88, s6;
	s7 =	simm.s32 @p2 $0x1082  }
0x22: {  	[simem:s7], [sflag:s8] =	dma.local @!p0 [hbm:s6], $0xF7A  }
0x23: {  	s9 =	sor.u32 $0xD0000000, s2;
	s6 =	simm.s32 $0x108;
	_ =	swait.ge @!p0 [sflag:s8], $0x0  }
0x24: {  	s3 =	sadd.s32 $0x88, s3;
	s6 =	simm.s32 @!p1 $0x1082;
	[sflag:s4] =	ssyncset.s32 $0xFFFFF086  }
0x25: {  	[simem:s6], [sflag:s4] =	dma.local [hbm:s3], $0xF7A  }
0x26: {  	[smem:$0x3F98] =	sst s1;
	(tag) =	ssettag s2;
	_ =	strace s9  }
0x27: {  	s1 =	sld [smem:$0x3FA8]  }
0x28: {  	s2 =	sld [smem:$0x3FA9]  }
0x29: {  	s4 =	sld [smem:$0x3FAB]  }
0x2a: {  	p0 =	seq.s32 s5, $0x0;
	s5 =	sld [smem:$0x3FAC]  }
0x2b: {  	s6 =	sld [smem:$0x3FAD]  }
0x2c: {  	s7 =	sld [smem:$0x3FAE]  }
0x2d: {  	s3 =	simm.s32 $0x108;
	s8 =	sld [smem:$0x3FAF]  }
0x2e: {  	s3 =	simm.s32 @!p0 $0x1082;
	s9 =	sld [smem:$0x3FB0]  }
0x2f: {  	lr =	sadd.s32 s0, s3;
	s0 =	sld [smem:$0x3FA7]  }
0x30: {  	s3 =	sld [smem:$0x3FAA]  }
0x31: {  	[smem:$0x3FB3] =	sst s10  }
0x32: {  	s10 =	sld [smem:$0x3FB1];
	_ =	sdelay $0x3  }
0x33: {  	p0 =	seq.s32 s10, $0x1;
	s10 =	sld [smem:$0x3FB3];
	_ =	sdelay $0x3  }
0x34: {  	[smem:$0x3FB3] =	sst s10  }
0x35: {  	s10 =	sld [smem:$0x3FB2];
	_ =	sdelay $0x3  }
0x36: {  	p1 =	seq.s32 s10, $0x1;
	s10 =	sld [smem:$0x3FB3];
	_ =	sdelay $0x3  }
0x37: {  	[smem:$0x3FB3] =	sst s10  }
0x38: {  	s10 =	sld [smem:$0x3FB4]  }
0x39: {  	_ = 	snop;
	(pc) =	sbr.ind lr, $3  }
0x3a: {  	_ = 	snop  }
0x3b: {  	_ = 	snop  }
0x3c: {  	p2 =	seq.s32 s10, $0x1;
	s10 =	sld [smem:$0x3FB3]  }
0x3d: {  	_ =	shalt  }
0x3e: {  	_ =	shalt  }
0x3f: {  	_ =	shalt  }
0x40: {  	_ =	shalt  }
0x41: {  	_ =	shalt  }
0x42: {  	_ =	shalt  }
0x43: {  	_ =	shalt  }
0x44: {  	_ =	shalt  }
0x45: {  	_ =	shalt  }
0x46: {  	_ =	shalt  }
0x47: {  	_ =	shalt  }
0x48: {  	_ =	shalt  }
0x49: {  	_ =	shalt  }
0x4a: {  	_ =	shalt  }
0x4b: {  	_ =	shalt  }
0x4c: {  	_ =	shalt  }
0x4d: {  	_ =	shalt  }
0x4e: {  	_ =	shalt  }
0x4f: {  	_ =	shalt  }
0x50: {  	_ =	shalt  }
0x51: {  	_ =	shalt  }
0x52: {  	_ =	shalt  }
0x53: {  	_ =	shalt  }
0x54: {  	_ =	shalt  }
0x55: {  	_ =	shalt  }
0x56: {  	_ =	shalt  }
0x57: {  	_ =	shalt  }
0x58: {  	_ =	shalt  }
0x59: {  	_ =	shalt  }
0x5a: {  	_ =	shalt  }
0x5b: {  	_ =	shalt  }
0x5c: {  	_ =	shalt  }
0x5d: {  	_ =	shalt  }
0x5e: {  	_ =	shalt  }
0x5f: {  	_ =	shalt  }
0x60: {  	_ =	shalt  }
0x61: {  	_ =	shalt  }
0x62: {  	_ =	shalt  }
0x63: {  	_ =	shalt  }
0x64: {  	_ =	shalt  }
0x65: {  	_ =	shalt  }
0x66: {  	_ =	shalt  }
0x67: {  	_ =	shalt  }
0x68: {  	_ =	shalt  }
0x69: {  	_ =	shalt  }
0x6a: {  	_ =	shalt  }
0x6b: {  	_ =	shalt  }
0x6c: {  	_ =	shalt  }
0x6d: {  	_ =	shalt  }
0x6e: {  	_ =	shalt  }
0x6f: {  	_ =	shalt  }
0x70: {  	_ =	shalt  }
0x71: {  	_ =	shalt  }
0x72: {  	_ =	shalt  }
0x73: {  	_ =	shalt  }
0x74: {  	_ =	shalt  }
0x75: {  	_ =	shalt  }
0x76: {  	_ =	shalt  }
0x77: {  	_ =	shalt  }
0x78: {  	_ =	shalt  }
0x79: {  	_ =	shalt  }
0x7a: {  	_ =	shalt  }
0x7b: {  	_ =	shalt  }
0x7c: {  	_ =	shalt  }
0x7d: {  	_ =	shalt  }
0x7e: {  	_ =	shalt  }
0x7f: {  	_ =	shalt  }
0x80: {  	_ =	shalt  }
0x81: {  	_ =	shalt  }
0x82: {  	_ =	shalt  }
0x83: {  	_ =	shalt  }
0x84: {  	_ =	shalt  }
0x85: {  	_ =	shalt  }
0x86: {  	_ =	shalt  }
0x87: {  	_ =	shalt  }
.Lfunc_end0:
.L_simem_size_0:
called_computation.4_lowered:
.L_overlay_start_0:
0x88: {  	s2 =	sld [smem:$0x3FD9]  }
0x89: {  	s3 =	sld [smem:$0x3FFE];
	_ =	sdelay $0x1  }
0x8a: {  	s1 =	srdreg.scid  }
0x8b: {  	s0 =	sand.u32 $0x1, s1  }
0x8c: {  	s17 =	sshll.u32 s0, $0xA;
	s2 =	sadd.s32 s3, s2  }
0x8d: {  	s2 =	sadd.s32 s2, s17  }
0x8e: {  	[smem:$0x3FBF] =	sst s2  }
0x8f: {  	_ = 	snop  }
0x90: {  	(tm) =	ssettm $0x1  }
0x91: {  	s18 =	sld [smem:$0x3FFB];
	_ =	sdelay $0x3  }
0x92: {  	_ =	strace s18  }
0x93: {  	s2 =	sld [smem:$0x3FFC];
	_ =	sdelay $0x3  }
0x94: {  	_ =	strace s2  }
0x95: {  	s2 =	sld [smem:$0x3FFD];
	_ =	sdelay $0x3  }
0x96: {  	_ =	strace s2  }
0x97: {  	_ =	strace $0x8FFFFFFF  }
0x98: {  	s19 =	sld [smem:$0x3FDB];
	_ =	sdelay $0x1  }
0x99: {  	s20 =	simm.s32 $_scs_section_size  }
0x9a: {  	s4 =	simm.s32 $_size__tile_overlayer_lowered;
	s5 =	simm.s32 $_tile_overlayer_lowered  }
0x9b: {  	s6 =	simm.s32 $0x1BFF;
	s21 =	sshll.u32 s5, $0x1;
	s3 =	sadd.s32 s20, s19  }
0x9c: {  	s22 =	simm.s32 $0x0;
	s4 =	sshll.u32 s4, $0x1;
	s5 =	sadd.s32 s21, s3  }
0x9d: {  	[timem:s22], [sflag:s6] =	dma.local [hbm:s5], s4  }
0x9e: {  	_ =	swait.ge [sflag:s6], s4  }
0x9f: {  	s4 =	ssub.s32 $0x0, s4;
	[sflag:s6] =	ssyncset.done $0x0  }
0xa0: {  	[sflag:s6] =	ssyncadd.s32 s4;
	_ =	sdelay $0x1  }
0xa1: {  	s23 =	simm.s32 $0x1B8B  }
0xa2: {  	_ =	swait.ge [sflag:s23], $0x1  }
0xa3: {  	[sflag:s23] =	ssyncset.done $0x0  }
0xa4: {  	[sflag:s23] =	ssyncadd.s32 $0xFFFFFFFF  }
0xa5: {  	s4 =	sld [smem:$0x0]  }
0xa6: {  	s5 =	sand.u32 $0xFFFFFFFE, s1  }
0xa7: {  	p0 =	sne.s32 s1, s5  }
0xa8: {  	s5 =	sshll.u32 @p0 s5, $0xE  }
0xa9: {  	s5 =	sadd.s32 @p0 $0x11B8D, s5;
	s6 =	sshll.u32 @p0 s4, $0x11  }
0xaa: {  	s5 =	sor.u32 @p0 s6, s5  }
0xab: {  	[sflag:s5] =	ssyncadd.remote.s32 @p0 $0x1;
	_ =	sdelay $0x1  }
0xac: {  	s5 =	simm.s32 @p0 $0x1B8D  }
0xad: {  	_ =	swait.eq @p0 [sflag:s5], $0x1  }
0xae: {  	[sflag:s5] =	ssyncadd.s32 @p0 $0xFFFFFFFF  }
0xaf: {  	s6 =	sshll.u32 @!p0 s1, $0xE  }
0xb0: {  	s6 =	sor.u32 @!p0 $0x4000, s6;
	s5 =	simm.s32 @!p0 $0x1B8D  }
0xb1: {  	s4 =	sshll.u32 @!p0 s4, $0x11;
	s6 =	sadd.s32 @!p0 $0x11B8D, s6;
	_ =	swait.eq @!p0 [sflag:s5], $0x1  }
0xb2: {  	s4 =	sor.u32 @!p0 s4, s6;
	[sflag:s5] =	ssyncadd.s32 @!p0 $0xFFFFFFFF  }
0xb3: {  	s25 =	simm.s32 $0x1B8E;
	s24 =	sld [smem:$0x3FFE];
	[sflag:s4] =	ssyncadd.remote.s32 @!p0 $0x1  }
0xb4: {  	s26 =	simm.s32 $execute0_lowered;
	[smem:$0x3FD2] =	sst s25  }
0xb5: {  	s5 =	sshll.u32 s26, $0x1;
	_ =	strace $0x80000055;
	[dreg:$0x1] =	wrdreg $0xFFFFFFFF  }
0xb6: {  	s28 =	simm.s32 $_size_execute0_lowered;
	s3 =	sadd.s32 s3, s5;
	[dreg:$0x0] =	wrdreg $0x0  }
0xb7: {  	s5 =	sshll.u32 s28, $0x1;
	[dreg:$0x2] =	wrdreg s3  }
0xb8: {  	[dreg:$0x3] =	wrdreg s5  }
0xb9: {  	[dreg:$0x4] =	wrdreg $0xC0  }
0xba: {  	_ =	task [dreg:s22], $0x5FFFF  }
0xbb: {  	[dreg:$0x1] =	wrdreg $0xFFFFFFFF  }
0xbc: {  	[dreg:$0x0] =	wrdreg $0x60  }
0xbd: {  	[dreg:$0x2] =	wrdreg s24  }
0xbe: {  	[dreg:$0x3] =	wrdreg $0x9  }
0xbf: {  	_ =	task.clear_ibuf [dreg:s22], $0x4FFFF;
	_ =	strace $0x90000055  }
0xc0: {  	s29 =	simm.s32 $0x9;
	_ =	strace $0x80000057  }
0xc1: {  	_ =	swait.ge [sflag:s29], $0x1  }
0xc2: {  	[sflag:s29] =	ssyncadd.s32 $0xFFFFFFFF  }
0xc3: {  	_ =	strace $0x90000057  }
0xc4: {  	_ =	sfence  }
0xc5: {  	s30 =	sld [smem:$0x0];
	_ =	sdelay $0x2  }
0xc6: {  	s31 =	sshll.u32 s1, $0xD;
	s1 =	sshrl.u32 s1, $0x2  }
0xc7: {  	s4 =	sand.u32 $0x4000, s31;
	s1 =	sadd.s32 s1, s30  }
0xc8: {  	s0 =	sor.u32 s4, s0;
	s1 =	sshll.u32 s1, $0x11  }
0xc9: {  	s0 =	sor.u32 s1, s0  }
0xca: {  	s0 =	sadd.s32 $0x8F2B, s0  }
0xcb: {  	[sflag:s0] =	ssyncadd.remote.s32 $0x1  }
0xcc: {  	_ =	sfence.sel $0xFFFF  }
0xcd: {  	[dreg:$0x0] =	wrdreg $0xFFFFFFFF;
	(pc) =	sbr.abs _section_cstart, $3  }
0xce: {  	[dreg:$0x1] =	wrdreg $0xFFFFFFFF  }
0xcf: {  	_ =	task.clear_ibuf [dreg:s22], $0x2FFFF;
	_ =	strace $0x9FFFFFFF  }
0xd0: {  	(tm) =	ssettm $0x7FFFFFFF  }
0xd1: {  	_ =	shalt  }
tec
execute0_lowered:
.L_overlay_start_1:
0x0: {  	(tag) =	ssettag $0x1  }
0x1: {  	s0 =	srdreg.scid;
	s5 =	rddreg [dreg:$0x0]  }
0x2: {  	s1 =	stileid.u32;
	s6 =	simm.s32 $0x1;
	s9 =	simm.s32 $0x1  }
0x3: {  	s10 =	simm.s32 $0x3;
	s13 =	simm.s32 $0x0;
	s2 =	sshll.u32 s0, $0xD  }
0x4: {  	s12 =	simm.s32 $0x0;
	s3 =	sshll.u32 s1, $0xE;
	s2 =	sand.u32 $0x2000, s2  }
0x5: {  	s0 =	rddreg [dreg:$0x1];
	_ =	strace $0x80000056;
	s2 =	sor.u32 s3, s2  }
0x6: {  	s4 =	sadd.s32 $0x52C00, s5;
	[sflag:s6] =	ssyncpa.u1 $0x0;
	s8 =	ssub.s32 $0x60000, s2  }
.Ltmp0:
0x7: {  	s3 =	sadd.s32 $0x68A00, s5;
	s7 =	sand.u32 $0x3E000, s8;
	(pc) =	sbr.rel .LBB2_1-.Ltmp0, $4  }
0x8: {  	s5 =	sadd.s32 $0x3400, s5;
	s11 =	smov.u32 s2;
	p0 =	sne.s32 s7, $0x0  }
0x9: {  	s8 =	sshrl.u32 s8, $0x12;
	s7 =	simm.s32 $0x2;
	s9 =	simm.s32 @!p0 $0x0  }
0xa: {  	[sflag:s7] =	ssyncpa.u1 $0x0;
	p0 =	por $0x0, $0x0;
	s8 =	sadd.s32 s9, s8  }
0xb: {  	vm0 =	vmmov $0xffff;
	[sflag:s10] =	ssyncpa.u1 $0x0;
	s10 =	simm.s32 $0x0;
	s9 =	sadd.s32 $0x1, s8  }
.LBB2_4:
0xc: {  	v2 =	vnsel vm1, $0x0, v2  }
0xd: {  	vm1 =	vgt.s32 v0, $0x0;
	v2 =	vmin.u32 v2, $0x4E1FF  }
0xe: {  	v0 =	vnsel vm1, $0x0, v0  }
0xf: {  	v0 =	vmin.u32 v0, $0x4E1FF  }
0x10: {  	[tilespmem:s15], [sflag:$0x1] =	stream.indirect_vreg.gather [hbm4b:s3+s10], $0x1, v1, vm0, $0x4038;
	[tilespmem:$0x8000] =	vst v63  }
0x11: {  	(ifvalue) =	ssetifvalue $0x7FFFFFFF  }
0x12: {  	[tilespmem:s16], [sflag:$0x1] =	stream.indirect_vreg.gather [hbm4b:s3+s10], $0x1, v2, vm0, $0x4038;
	[tilespmem:$0x8000] =	vst v63  }
0x13: {  	s29 =	sadd.s32 $0x10, s16;
	(ifvalue) =	ssetifvalue $0x7FFFFFFF  }
0x14: {  	[tilespmem:s29], [sflag:$0x1] =	stream.indirect_vreg.gather [hbm4b:s3+s10], $0x1, v0, vm0, $0x4038;
	[tilespmem:$0x8000] =	vst v63  }
0x15: {  	_ =	swait.ge [sflag:s6], $0x2000  }
0x16: {  	s30 =	sshrl.u32 s13, $0x3;
	[sflag:s6] =	ssyncset.done $0x0  }
0x17: {  	s31 =	sand.u32 $0x7, s13;
	s15 =	sadd.s32 s5, s30;
	[sflag:s6] =	ssyncadd.s32 $0xFFFFE000  }
0x18: {  	[hbm4b:s15+s31] =	stream.linear.scatter [tilespmem:s14], [sflag:$0x3], $0x2000, $0x38;
	[tilespmem:$0x8000] =	vst v63  }
.LBB2_5:
0x19: {  	s15 =	sadd.s32 $0x40000, s11  }
0x1a: {  	p2 =	sgt.s32 s15, $0x5FFFF  }
0x1b: {  	s15 =	smov.u32 @p2 s2;
	p2 =	sne.s32 s12, s9  }
.Ltmp1:
0x1c: {  	p1 =	slt.u32 s12, $0x2;
	(pc) =	sbr.rel @!p2 .LBB2_6-.Ltmp1, $4  }
0x1d: {  	s14 =	simm.s32 @!p1 $0x3  }
0x1e: {  	s16 =	sadd.s32 $0x1, s12;
	_ =	swait.ge @!p1 [sflag:s14], $0x2000  }
0x1f: {  	s13 =	smov.u32 s11;
	p0 =	por !p0, !p0;
	[sflag:s14] =	ssyncset.done @!p1 $0x0  }
0x20: {  	s12 =	smov.u32 s16;
	s11 =	smov.u32 s15;
	[sflag:s14] =	ssyncadd.s32 @!p1 $0xFFFFE000  }
.LBB2_1:
0x21: {  	p1 =	sge.u32 s12, s8  }
0x22: {  	s14 =	sxor.u32 @!p1 $0xFFFFFFFF, s12  }
0x23: {  	s31 =	sadd.s32 $0xFFFFFFFF, s12;
	s15 =	sshrl.u32 @!p1 s11, $0x3;
	s14 =	sshll.u32 @!p1 s14, $0xD  }
0x24: {  	s16 =	sand.u32 @!p1 $0x7, s11;
	s15 =	sadd.s32 @!p1 s4, s15;
	s14 =	sand.u32 @!p1 $0x2000, s14  }
0x25: {  	[tilespmem:s14], [sflag:$0x2] =	stream.linear.gather @!p1 [hbm4b:s15+s16], $0x2000, $0x38;
	[tilespmem:$0x8000] =	vst v63  }
0x26: {  	p1 =	sge.u32 s31, s8  }
.Ltmp2:
0x27: {  	_ = 	snop;
	(pc) =	sbr.rel @p1 .LBB2_5-.Ltmp2, $1  }
0x28: {  	_ =	sdelay $0x3  }
0x29: {  	s14 =	simm.s32 $0x1  }
0x2a: {  	_ =	swait.ge [sflag:s7], $0x2000;
	s14 =	simm.s32 @!p0 $0x0  }
0x2b: {  	[sflag:s7] =	ssyncset.done $0x0;
	s14 =	sshll.u32 s14, $0xD  }
0x2c: {  	[sflag:s7] =	ssyncadd.s32 $0xFFFFE000;
	(ifvalue) =	ssetifvalue $0x7FFFFFFF;
	v0 =	vld.msk [tilespmem:s14+$0x0 ss:$0x1], $0xffff;
	_ =	sdelay $0x4  }
0x2d: {  	s15 =	sadd.s32 $0x10, s14;
	vm1 =	vgt.s32 v0, $0x0  }
0x2e: {  	v2 =	vld.msk [tilespmem:s15+$0x0 ss:$0x1], $0xffff;
	v1 =	vnsel vm1, $0x0, v0  }
0x2f: {  	v1 =	vmin.u32 v1, $0x4E1FF;
	_ =	sdelay $0x1  }
0x30: {  	s16 =	sshll.u32 s12, $0xD;
	s18 =	simm.s32 $0x20  }
0x31: {  	s16 =	sand.u32 $0x2000, s16;
	s17 =	sadd.s32 $0x10, s15;
	s15 =	sor.u32 $0x4000, s14  }
0x32: {  	s14 =	sor.u32 $0x4000, s16;
	s16 =	sadd.s32 $0x10, s15;
	v0 =	vld.msk [tilespmem:s17+$0x0 ss:$0x1], $0xffff;
	vm1 =	vgt.s32 v2, $0x0;
	(ifvalue) =	ssetifvalue $0x7FFFFFFF  }
.LBB2_3:
0x33: {  	[tilespmem:s15], [sflag:$0x1] =	stream.indirect_vreg.gather [hbm4b:s3+s10], $0x1, v1, vm0, $0x4038;
	[tilespmem:$0x8000] =	vst v63  }
0x34: {  	s18 =	sadd.s32 $0x10, s18  }
0x35: {  	v2 =	vnsel vm1, $0x0, v2;
	p1 =	slt.u32 s18, $0x1FF0  }
.Ltmp3:
0x36: {  	s15 =	smov.u32 s16;
	v1 =	vmin.u32 v2, $0x4E1FF;
	(pc) =	sbr.rel @p1 .LBB2_3-.Ltmp3, $3  }
0x37: {  	_ =	sdelay $0x1  }
0x38: {  	s17 =	sadd.s32 $0x10, s17  }
0x39: {  	vm1 =	vgt.s32 v0, $0x0;
	s16 =	sadd.s32 $0x10, s16;
	v2 =	vmov v0;
	(ifvalue) =	ssetifvalue $0x7FFFFFFF;
	v0 =	vld.msk [tilespmem:s17+$0x0 ss:$0x1], $0xffff  }
.Ltmp4:
0x3a: {  	_ = 	snop;
	(pc) =	sbr.rel .LBB2_4-.Ltmp4, $1  }
0x3b: {  	_ =	sdelay $0x3  }
.LBB2_6:
0x3c: {  	_ =	sfence.sel $0x180000  }
0x3d: {  	s2 =	simm.s32 $0x2;
	[bflag:$0x0] =	sbarrier.arrive $0xFFFF  }
0x3e: {  	s30 =	simm.s32 $0x3;
	[sflag:s2] =	ssyncpa.u1 $0x1  }
0x3f: {  	s31 =	simm.s32 $0x1;
	[sflag:s30] =	ssyncpa.u1 $0x1  }
0x40: {  	[sflag:s31] =	ssyncpa.u1 $0x1  }
0x41: {  	p0 =	sne.s32 s1, $0x0;
	_ =	strace $0x90000056  }
0x42: {  	s0 =	sadd.s32 @!p0 $0x100000, s0;
	[bflag:$0x2] =	sbarrier.arrive $0xFFFF  }
0x43: {  	[sflag:s0] =	ssyncadd.tile.s32 @!p0 $0x1;
	_ =	shalt  }
.Lfunc_end2:
_tile_overlayer_lowered:
.L_overlay_start_2:
0x44: {  	(tag) =	ssettag $0x2  }
0x45: {  	s0 =	rddreg [dreg:$0x0];
	s2 =	stileid.u32  }
0x46: {  	s1 =	rddreg [dreg:$0x1];
	p0 =	sne.s32 s2, $0x0  }
0x47: {  	s3 =	rddreg [dreg:$0x2];
	[bflag:$0x3] =	sbarrier.arrive $0xFFFF;
	s2 =	simm.s32 @!p0 $0x1C01  }
0x48: {  	[timem:s3], [sflag:s2] =	dma.local @!p0 [hbm:s0], s1  }
0x49: {  	s0 =	simm.s32 @!p0 $0x1  }
0x4a: {  	_ =	swait.ge @!p0 [sflag:s0], s1  }
0x4b: {  	s1 =	ssub.s32 @!p0 $0x0, s1;
	[sflag:s0] =	ssyncset.done @!p0 $0x0  }
0x4c: {  	[sflag:s0] =	ssyncadd.s32 @!p0 s1  }
0x4d: {  	[bflag:$0x3] =	sbarrier.arrive $0xFFFF  }
0x4e: {  	_ =	shalt  }

// kernel: gather_offload_async_start.3
scs
__scs_entry_jumppad:
0x0: {  	(pc) =	sbr.rel $0x88, $3  }
0x1: {  	(tag) =	ssettag $0x0;
	lr =	simm.s32 $0x1  }
0x2: {  	[smem:$0x3F98] =	sst lr;
	_ =	strace $0xD0000000  }
0x3: {  	_ = 	snop  }
0x4: {  	_ = 	snop  }
0x5: {  	_ = 	snop  }
0x6: {  	_ = 	snop  }
0x7: {  	_ = 	snop  }
__scs_overlays_trampoline_lowered:
0x8: {  	[smem:$0x3FA7] =	sst s0  }
0x9: {  	[smem:$0x3FA8] =	sst s1  }
0xa: {  	[smem:$0x3FA9] =	sst s2  }
0xb: {  	[smem:$0x3FAA] =	sst s3  }
0xc: {  	[smem:$0x3FAB] =	sst s4  }
0xd: {  	[smem:$0x3FAC] =	sst s5  }
0xe: {  	[smem:$0x3FAD] =	sst s6  }
0xf: {  	[smem:$0x3FAE] =	sst s7  }
0x10: {  	[smem:$0x3FAF] =	sst s8  }
0x11: {  	[smem:$0x3FB0] =	sst s9;
	s0 =	simm.s32 @!p0 $0x0  }
0x12: {  	s1 =	sld [smem:$0x3F96];
	s0 =	simm.s32 @p0 $0x1  }
0x13: {  	[smem:$0x3FB1] =	sst s0;
	s0 =	simm.s32 @!p1 $0x0  }
0x14: {  	s2 =	sld [smem:$0x3F95];
	s0 =	simm.s32 @p1 $0x1  }
0x15: {  	[smem:$0x3FB2] =	sst s0;
	s0 =	simm.s32 @!p2 $0x0  }
0x16: {  	s3 =	sld [smem:$0x3FDB];
	s0 =	simm.s32 @p2 $0x1  }
0x17: {  	s4 =	simm.s32 $0x1BF5;
	[smem:$0x3FB4] =	sst s0  }
0x18: {  	s0 =	sld [smem:$0x3F97];
	_ =	swait.ge [sflag:s4], $0x0  }
0x19: {  	s7 =	sld [smem:$0x3F98]  }
0x1a: {  	s8 =	sadd.s32 $0xFFFFE003, lr  }
0x1b: {  	s9 =	sadd.s32 $0xFFFFFEF7, lr;
	s5 =	simm.s32 $0xFFFFFFFF;
	p2 =	slt.u32 s8, $0xFFFFF086  }
0x1c: {  	p1 =	slt.u32 s9, $0xF7A;
	s5 =	simm.s32 @!p2 $0x0  }
0x1d: {  	s5 =	simm.s32 @p1 $0x1;
	p0 =	seq.s32 s7, s2  }
0x1e: {  	s7 =	smul.u32 @!p0 $0xF7A, s2;
	p2 =	seq.s32 @!p0 s5, $0x0  }
0x1f: {  	s9 =	smul.u32 $0xF7A, s1;
	s8 =	simm.s32 @!p0 $0x1BF5;
	p2 =	por !p2, p0  }
0x20: {  	[sflag:s8] =	ssyncset.s32 @!p0 $0xFFFFF086;
	s6 =	sadd.s32 @!p0 s3, s7;
	s7 =	simm.s32 @!p0 $0x108  }
0x21: {  	s3 =	sadd.s32 s3, s9;
	s6 =	sadd.s32 @!p0 $0x88, s6;
	s7 =	simm.s32 @p2 $0x1082  }
0x22: {  	[simem:s7], [sflag:s8] =	dma.local @!p0 [hbm:s6], $0xF7A  }
0x23: {  	s9 =	sor.u32 $0xD0000000, s2;
	s6 =	simm.s32 $0x108;
	_ =	swait.ge @!p0 [sflag:s8], $0x0  }
0x24: {  	s3 =	sadd.s32 $0x88, s3;
	s6 =	simm.s32 @!p1 $0x1082;
	[sflag:s4] =	ssyncset.s32 $0xFFFFF086  }
0x25: {  	[simem:s6], [sflag:s4] =	dma.local [hbm:s3], $0xF7A  }
0x26: {  	[smem:$0x3F98] =	sst s1;
	(tag) =	ssettag s2;
	_ =	strace s9  }
0x27: {  	s1 =	sld [smem:$0x3FA8]  }
0x28: {  	s2 =	sld [smem:$0x3FA9]  }
0x29: {  	s4 =	sld [smem:$0x3FAB]  }
0x2a: {  	p0 =	seq.s32 s5, $0x0;
	s5 =	sld [smem:$0x3FAC]  }
0x2b: {  	s6 =	sld [smem:$0x3FAD]  }
0x2c: {  	s7 =	sld [smem:$0x3FAE]  }
0x2d: {  	s3 =	simm.s32 $0x108;
	s8 =	sld [smem:$0x3FAF]  }
0x2e: {  	s3 =	simm.s32 @!p0 $0x1082;
	s9 =	sld [smem:$0x3FB0]  }
0x2f: {  	lr =	sadd.s32 s0, s3;
	s0 =	sld [smem:$0x3FA7]  }
0x30: {  	s3 =	sld [smem:$0x3FAA]  }
0x31: {  	[smem:$0x3FB3] =	sst s10  }
0x32: {  	s10 =	sld [smem:$0x3FB1];
	_ =	sdelay $0x3  }
0x33: {  	p0 =	seq.s32 s10, $0x1;
	s10 =	sld [smem:$0x3FB3];
	_ =	sdelay $0x3  }
0x34: {  	[smem:$0x3FB3] =	sst s10  }
0x35: {  	s10 =	sld [smem:$0x3FB2];
	_ =	sdelay $0x3  }
0x36: {  	p1 =	seq.s32 s10, $0x1;
	s10 =	sld [smem:$0x3FB3];
	_ =	sdelay $0x3  }
0x37: {  	[smem:$0x3FB3] =	sst s10  }
0x38: {  	s10 =	sld [smem:$0x3FB4]  }
0x39: {  	_ = 	snop;
	(pc) =	sbr.ind lr, $3  }
0x3a: {  	_ = 	snop  }
0x3b: {  	_ = 	snop  }
0x3c: {  	p2 =	seq.s32 s10, $0x1;
	s10 =	sld [smem:$0x3FB3]  }
0x3d: {  	_ =	shalt  }
0x3e: {  	_ =	shalt  }
0x3f: {  	_ =	shalt  }
0x40: {  	_ =	shalt  }
0x41: {  	_ =	shalt  }
0x42: {  	_ =	shalt  }
0x43: {  	_ =	shalt  }
0x44: {  	_ =	shalt  }
0x45: {  	_ =	shalt  }
0x46: {  	_ =	shalt  }
0x47: {  	_ =	shalt  }
0x48: {  	_ =	shalt  }
0x49: {  	_ =	shalt  }
0x4a: {  	_ =	shalt  }
0x4b: {  	_ =	shalt  }
0x4c: {  	_ =	shalt  }
0x4d: {  	_ =	shalt  }
0x4e: {  	_ =	shalt  }
0x4f: {  	_ =	shalt  }
0x50: {  	_ =	shalt  }
0x51: {  	_ =	shalt  }
0x52: {  	_ =	shalt  }
0x53: {  	_ =	shalt  }
0x54: {  	_ =	shalt  }
0x55: {  	_ =	shalt  }
0x56: {  	_ =	shalt  }
0x57: {  	_ =	shalt  }
0x58: {  	_ =	shalt  }
0x59: {  	_ =	shalt  }
0x5a: {  	_ =	shalt  }
0x5b: {  	_ =	shalt  }
0x5c: {  	_ =	shalt  }
0x5d: {  	_ =	shalt  }
0x5e: {  	_ =	shalt  }
0x5f: {  	_ =	shalt  }
0x60: {  	_ =	shalt  }
0x61: {  	_ =	shalt  }
0x62: {  	_ =	shalt  }
0x63: {  	_ =	shalt  }
0x64: {  	_ =	shalt  }
0x65: {  	_ =	shalt  }
0x66: {  	_ =	shalt  }
0x67: {  	_ =	shalt  }
0x68: {  	_ =	shalt  }
0x69: {  	_ =	shalt  }
0x6a: {  	_ =	shalt  }
0x6b: {  	_ =	shalt  }
0x6c: {  	_ =	shalt  }
0x6d: {  	_ =	shalt  }
0x6e: {  	_ =	shalt  }
0x6f: {  	_ =	shalt  }
0x70: {  	_ =	shalt  }
0x71: {  	_ =	shalt  }
0x72: {  	_ =	shalt  }
0x73: {  	_ =	shalt  }
0x74: {  	_ =	shalt  }
0x75: {  	_ =	shalt  }
0x76: {  	_ =	shalt  }
0x77: {  	_ =	shalt  }
0x78: {  	_ =	shalt  }
0x79: {  	_ =	shalt  }
0x7a: {  	_ =	shalt  }
0x7b: {  	_ =	shalt  }
0x7c: {  	_ =	shalt  }
0x7d: {  	_ =	shalt  }
0x7e: {  	_ =	shalt  }
0x7f: {  	_ =	shalt  }
0x80: {  	_ =	shalt  }
0x81: {  	_ =	shalt  }
0x82: {  	_ =	shalt  }
0x83: {  	_ =	shalt  }
0x84: {  	_ =	shalt  }
0x85: {  	_ =	shalt  }
0x86: {  	_ =	shalt  }
0x87: {  	_ =	shalt  }
.Lfunc_end0:
.L_simem_size_0:
called_computation.5_lowered:
.L_overlay_start_0:
0x88: {  	s2 =	sld [smem:$0x3FD9]  }
0x89: {  	s3 =	sld [smem:$0x3FFE];
	_ =	sdelay $0x1  }
0x8a: {  	s1 =	srdreg.scid  }
0x8b: {  	s0 =	sand.u32 $0x1, s1  }
0x8c: {  	s17 =	sshll.u32 s0, $0xA;
	s2 =	sadd.s32 s3, s2  }
0x8d: {  	s2 =	sadd.s32 s2, s17  }
0x8e: {  	[smem:$0x3FBF] =	sst s2  }
0x8f: {  	_ = 	snop  }
0x90: {  	(tm) =	ssettm $0x1  }
0x91: {  	s18 =	sld [smem:$0x3FFB];
	_ =	sdelay $0x3  }
0x92: {  	_ =	strace s18  }
0x93: {  	s2 =	sld [smem:$0x3FFC];
	_ =	sdelay $0x3  }
0x94: {  	_ =	strace s2  }
0x95: {  	s2 =	sld [smem:$0x3FFD];
	_ =	sdelay $0x3  }
0x96: {  	_ =	strace s2  }
0x97: {  	_ =	strace $0x8FFFFFFF  }
0x98: {  	s19 =	sld [smem:$0x3FDB];
	_ =	sdelay $0x1  }
0x99: {  	s20 =	simm.s32 $_scs_section_size  }
0x9a: {  	s4 =	simm.s32 $_size__tile_overlayer_lowered;
	s5 =	simm.s32 $_tile_overlayer_lowered  }
0x9b: {  	s6 =	simm.s32 $0x1BFF;
	s21 =	sshll.u32 s5, $0x1;
	s3 =	sadd.s32 s20, s19  }
0x9c: {  	s22 =	simm.s32 $0x0;
	s4 =	sshll.u32 s4, $0x1;
	s5 =	sadd.s32 s21, s3  }
0x9d: {  	[timem:s22], [sflag:s6] =	dma.local [hbm:s5], s4  }
0x9e: {  	_ =	swait.ge [sflag:s6], s4  }
0x9f: {  	s4 =	ssub.s32 $0x0, s4;
	[sflag:s6] =	ssyncset.done $0x0  }
0xa0: {  	[sflag:s6] =	ssyncadd.s32 s4;
	_ =	sdelay $0x1  }
0xa1: {  	s23 =	simm.s32 $0x1B8B  }
0xa2: {  	_ =	swait.ge [sflag:s23], $0x1  }
0xa3: {  	[sflag:s23] =	ssyncset.done $0x0  }
0xa4: {  	[sflag:s23] =	ssyncadd.s32 $0xFFFFFFFF  }
0xa5: {  	s4 =	sld [smem:$0x0]  }
0xa6: {  	s5 =	sand.u32 $0xFFFFFFFE, s1  }
0xa7: {  	p0 =	sne.s32 s1, s5  }
0xa8: {  	s5 =	sshll.u32 @p0 s5, $0xE  }
0xa9: {  	s5 =	sadd.s32 @p0 $0x11B8D, s5;
	s6 =	sshll.u32 @p0 s4, $0x11  }
0xaa: {  	s5 =	sor.u32 @p0 s6, s5  }
0xab: {  	[sflag:s5] =	ssyncadd.remote.s32 @p0 $0x1;
	_ =	sdelay $0x1  }
0xac: {  	s5 =	simm.s32 @p0 $0x1B8D  }
0xad: {  	_ =	swait.eq @p0 [sflag:s5], $0x1  }
0xae: {  	[sflag:s5] =	ssyncadd.s32 @p0 $0xFFFFFFFF  }
0xaf: {  	s6 =	sshll.u32 @!p0 s1, $0xE  }
0xb0: {  	s6 =	sor.u32 @!p0 $0x4000, s6;
	s5 =	simm.s32 @!p0 $0x1B8D  }
0xb1: {  	s4 =	sshll.u32 @!p0 s4, $0x11;
	s6 =	sadd.s32 @!p0 $0x11B8D, s6;
	_ =	swait.eq @!p0 [sflag:s5], $0x1  }
0xb2: {  	s4 =	sor.u32 @!p0 s4, s6;
	[sflag:s5] =	ssyncadd.s32 @!p0 $0xFFFFFFFF  }
0xb3: {  	s25 =	simm.s32 $0x1B8E;
	s24 =	sld [smem:$0x3FFE];
	[sflag:s4] =	ssyncadd.remote.s32 @!p0 $0x1  }
0xb4: {  	s26 =	simm.s32 $execute0_lowered;
	[smem:$0x3FD2] =	sst s25  }
0xb5: {  	s5 =	sshll.u32 s26, $0x1;
	_ =	strace $0x80000052;
	[dreg:$0x1] =	wrdreg $0xFFFFFFFF  }
0xb6: {  	s28 =	simm.s32 $_size_execute0_lowered;
	s3 =	sadd.s32 s3, s5;
	[dreg:$0x0] =	wrdreg $0x0  }
0xb7: {  	s5 =	sshll.u32 s28, $0x1;
	[dreg:$0x2] =	wrdreg s3  }
0xb8: {  	[dreg:$0x3] =	wrdreg s5  }
0xb9: {  	[dreg:$0x4] =	wrdreg $0xC0  }
0xba: {  	_ =	task [dreg:s22], $0x5FFFF  }
0xbb: {  	[dreg:$0x1] =	wrdreg $0xFFFFFFFF  }
0xbc: {  	[dreg:$0x0] =	wrdreg $0x60  }
0xbd: {  	[dreg:$0x2] =	wrdreg s24  }
0xbe: {  	[dreg:$0x3] =	wrdreg $0xA  }
0xbf: {  	_ =	task.clear_ibuf [dreg:s22], $0x4FFFF;
	_ =	strace $0x90000052  }
0xc0: {  	s29 =	simm.s32 $0xA;
	_ =	strace $0x80000054  }
0xc1: {  	_ =	swait.ge [sflag:s29], $0x1  }
0xc2: {  	[sflag:s29] =	ssyncadd.s32 $0xFFFFFFFF  }
0xc3: {  	_ =	strace $0x90000054  }
0xc4: {  	_ =	sfence  }
0xc5: {  	s30 =	sld [smem:$0x0];
	_ =	sdelay $0x2  }
0xc6: {  	s31 =	sshll.u32 s1, $0xD;
	s1 =	sshrl.u32 s1, $0x2  }
0xc7: {  	s4 =	sand.u32 $0x4000, s31;
	s1 =	sadd.s32 s1, s30  }
0xc8: {  	s0 =	sor.u32 s4, s0;
	s1 =	sshll.u32 s1, $0x11  }
0xc9: {  	s0 =	sor.u32 s1, s0  }
0xca: {  	s0 =	sadd.s32 $0x8F2B, s0  }
0xcb: {  	[sflag:s0] =	ssyncadd.remote.s32 $0x1  }
0xcc: {  	_ =	sfence.sel $0xFFFF  }
0xcd: {  	[dreg:$0x0] =	wrdreg $0xFFFFFFFF;
	(pc) =	sbr.abs _section_cstart, $3  }
0xce: {  	[dreg:$0x1] =	wrdreg $0xFFFFFFFF  }
0xcf: {  	_ =	task.clear_ibuf [dreg:s22], $0x2FFFF;
	_ =	strace $0x9FFFFFFF  }
0xd0: {  	(tm) =	ssettm $0x7FFFFFFF  }
0xd1: {  	_ =	shalt  }
tec
execute0_lowered:
.L_overlay_start_1:
0x0: {  	(tag) =	ssettag $0x1  }
0x1: {  	s0 =	srdreg.scid;
	s5 =	rddreg [dreg:$0x0]  }
0x2: {  	s1 =	stileid.u32;
	s6 =	simm.s32 $0x1;
	s9 =	simm.s32 $0x1  }
0x3: {  	s10 =	simm.s32 $0x3;
	s13 =	simm.s32 $0x0;
	s2 =	sshll.u32 s0, $0xD  }
0x4: {  	s12 =	simm.s32 $0x0;
	s3 =	sshll.u32 s1, $0xE;
	s2 =	sand.u32 $0x2000, s2  }
0x5: {  	s0 =	rddreg [dreg:$0x1];
	_ =	strace $0x80000053;
	s2 =	sor.u32 s3, s2  }
0x6: {  	s4 =	sadd.s32 $0x52C00, s5;
	[sflag:s6] =	ssyncpa.u1 $0x0;
	s8 =	ssub.s32 $0x60000, s2  }
.Ltmp0:
0x7: {  	s3 =	sadd.s32 $0x5EC00, s5;
	s7 =	sand.u32 $0x3E000, s8;
	(pc) =	sbr.rel .LBB2_1-.Ltmp0, $4  }
0x8: {  	s5 =	sadd.s32 $0x72800, s5;
	s11 =	smov.u32 s2;
	p0 =	sne.s32 s7, $0x0  }
0x9: {  	s8 =	sshrl.u32 s8, $0x12;
	s7 =	simm.s32 $0x2;
	s9 =	simm.s32 @!p0 $0x0  }
0xa: {  	[sflag:s7] =	ssyncpa.u1 $0x0;
	p0 =	por $0x0, $0x0;
	s8 =	sadd.s32 s9, s8  }
0xb: {  	vm0 =	vmmov $0xffff;
	[sflag:s10] =	ssyncpa.u1 $0x0;
	s10 =	simm.s32 $0x0;
	s9 =	sadd.s32 $0x1, s8  }
.LBB2_4:
0xc: {  	v2 =	vnsel vm1, $0x0, v2  }
0xd: {  	vm1 =	vgt.s32 v0, $0x0;
	v2 =	vmin.u32 v2, $0x4E1FF  }
0xe: {  	v0 =	vnsel vm1, $0x0, v0  }
0xf: {  	v0 =	vmin.u32 v0, $0x4E1FF  }
0x10: {  	[tilespmem:s15], [sflag:$0x1] =	stream.indirect_vreg.gather [hbm4b:s3+s10], $0x1, v1, vm0, $0x4038;
	[tilespmem:$0x8000] =	vst v63  }
0x11: {  	(ifvalue) =	ssetifvalue $0x7FFFFFFF  }
0x12: {  	[tilespmem:s16], [sflag:$0x1] =	stream.indirect_vreg.gather [hbm4b:s3+s10], $0x1, v2, vm0, $0x4038;
	[tilespmem:$0x8000] =	vst v63  }
0x13: {  	s29 =	sadd.s32 $0x10, s16;
	(ifvalue) =	ssetifvalue $0x7FFFFFFF  }
0x14: {  	[tilespmem:s29], [sflag:$0x1] =	stream.indirect_vreg.gather [hbm4b:s3+s10], $0x1, v0, vm0, $0x4038;
	[tilespmem:$0x8000] =	vst v63  }
0x15: {  	_ =	swait.ge [sflag:s6], $0x2000  }
0x16: {  	s30 =	sshrl.u32 s13, $0x3;
	[sflag:s6] =	ssyncset.done $0x0  }
0x17: {  	s31 =	sand.u32 $0x7, s13;
	s15 =	sadd.s32 s5, s30;
	[sflag:s6] =	ssyncadd.s32 $0xFFFFE000  }
0x18: {  	[hbm4b:s15+s31] =	stream.linear.scatter [tilespmem:s14], [sflag:$0x3], $0x2000, $0x38;
	[tilespmem:$0x8000] =	vst v63  }
.LBB2_5:
0x19: {  	s15 =	sadd.s32 $0x40000, s11  }
0x1a: {  	p2 =	sgt.s32 s15, $0x5FFFF  }
0x1b: {  	s15 =	smov.u32 @p2 s2;
	p2 =	sne.s32 s12, s9  }
.Ltmp1:
0x1c: {  	p1 =	slt.u32 s12, $0x2;
	(pc) =	sbr.rel @!p2 .LBB2_6-.Ltmp1, $4  }
0x1d: {  	s14 =	simm.s32 @!p1 $0x3  }
0x1e: {  	s16 =	sadd.s32 $0x1, s12;
	_ =	swait.ge @!p1 [sflag:s14], $0x2000  }
0x1f: {  	s13 =	smov.u32 s11;
	p0 =	por !p0, !p0;
	[sflag:s14] =	ssyncset.done @!p1 $0x0  }
0x20: {  	s12 =	smov.u32 s16;
	s11 =	smov.u32 s15;
	[sflag:s14] =	ssyncadd.s32 @!p1 $0xFFFFE000  }
.LBB2_1:
0x21: {  	p1 =	sge.u32 s12, s8  }
0x22: {  	s14 =	sxor.u32 @!p1 $0xFFFFFFFF, s12  }
0x23: {  	s31 =	sadd.s32 $0xFFFFFFFF, s12;
	s15 =	sshrl.u32 @!p1 s11, $0x3;
	s14 =	sshll.u32 @!p1 s14, $0xD  }
0x24: {  	s16 =	sand.u32 @!p1 $0x7, s11;
	s15 =	sadd.s32 @!p1 s4, s15;
	s14 =	sand.u32 @!p1 $0x2000, s14  }
0x25: {  	[tilespmem:s14], [sflag:$0x2] =	stream.linear.gather @!p1 [hbm4b:s15+s16], $0x2000, $0x38;
	[tilespmem:$0x8000] =	vst v63  }
0x26: {  	p1 =	sge.u32 s31, s8  }
.Ltmp2:
0x27: {  	_ = 	snop;
	(pc) =	sbr.rel @p1 .LBB2_5-.Ltmp2, $1  }
0x28: {  	_ =	sdelay $0x3  }
0x29: {  	s14 =	simm.s32 $0x1  }
0x2a: {  	_ =	swait.ge [sflag:s7], $0x2000;
	s14 =	simm.s32 @!p0 $0x0  }
0x2b: {  	[sflag:s7] =	ssyncset.done $0x0;
	s14 =	sshll.u32 s14, $0xD  }
0x2c: {  	[sflag:s7] =	ssyncadd.s32 $0xFFFFE000;
	(ifvalue) =	ssetifvalue $0x7FFFFFFF;
	v0 =	vld.msk [tilespmem:s14+$0x0 ss:$0x1], $0xffff;
	_ =	sdelay $0x4  }
0x2d: {  	s15 =	sadd.s32 $0x10, s14;
	vm1 =	vgt.s32 v0, $0x0  }
0x2e: {  	v2 =	vld.msk [tilespmem:s15+$0x0 ss:$0x1], $0xffff;
	v1 =	vnsel vm1, $0x0, v0  }
0x2f: {  	v1 =	vmin.u32 v1, $0x4E1FF;
	_ =	sdelay $0x1  }
0x30: {  	s16 =	sshll.u32 s12, $0xD;
	s18 =	simm.s32 $0x20  }
0x31: {  	s16 =	sand.u32 $0x2000, s16;
	s17 =	sadd.s32 $0x10, s15;
	s15 =	sor.u32 $0x4000, s14  }
0x32: {  	s14 =	sor.u32 $0x4000, s16;
	s16 =	sadd.s32 $0x10, s15;
	v0 =	vld.msk [tilespmem:s17+$0x0 ss:$0x1], $0xffff;
	vm1 =	vgt.s32 v2, $0x0;
	(ifvalue) =	ssetifvalue $0x7FFFFFFF  }
.LBB2_3:
0x33: {  	[tilespmem:s15], [sflag:$0x1] =	stream.indirect_vreg.gather [hbm4b:s3+s10], $0x1, v1, vm0, $0x4038;
	[tilespmem:$0x8000] =	vst v63  }
0x34: {  	s18 =	sadd.s32 $0x10, s18  }
0x35: {  	v2 =	vnsel vm1, $0x0, v2;
	p1 =	slt.u32 s18, $0x1FF0  }
.Ltmp3:
0x36: {  	s15 =	smov.u32 s16;
	v1 =	vmin.u32 v2, $0x4E1FF;
	(pc) =	sbr.rel @p1 .LBB2_3-.Ltmp3, $3  }
0x37: {  	_ =	sdelay $0x1  }
0x38: {  	s17 =	sadd.s32 $0x10, s17  }
0x39: {  	vm1 =	vgt.s32 v0, $0x0;
	s16 =	sadd.s32 $0x10, s16;
	v2 =	vmov v0;
	(ifvalue) =	ssetifvalue $0x7FFFFFFF;
	v0 =	vld.msk [tilespmem:s17+$0x0 ss:$0x1], $0xffff  }
.Ltmp4:
0x3a: {  	_ = 	snop;
	(pc) =	sbr.rel .LBB2_4-.Ltmp4, $1  }
0x3b: {  	_ =	sdelay $0x3  }
.LBB2_6:
0x3c: {  	_ =	sfence.sel $0x180000  }
0x3d: {  	s2 =	simm.s32 $0x2;
	[bflag:$0x0] =	sbarrier.arrive $0xFFFF  }
0x3e: {  	s30 =	simm.s32 $0x3;
	[sflag:s2] =	ssyncpa.u1 $0x1  }
0x3f: {  	s31 =	simm.s32 $0x1;
	[sflag:s30] =	ssyncpa.u1 $0x1  }
0x40: {  	[sflag:s31] =	ssyncpa.u1 $0x1  }
0x41: {  	p0 =	sne.s32 s1, $0x0;
	_ =	strace $0x90000053  }
0x42: {  	s0 =	sadd.s32 @!p0 $0x100000, s0;
	[bflag:$0x2] =	sbarrier.arrive $0xFFFF  }
0x43: {  	[sflag:s0] =	ssyncadd.tile.s32 @!p0 $0x1;
	_ =	shalt  }
.Lfunc_end2:
_tile_overlayer_lowered:
.L_overlay_start_2:
0x44: {  	(tag) =	ssettag $0x2  }
0x45: {  	s0 =	rddreg [dreg:$0x0];
	s2 =	stileid.u32  }
0x46: {  	s1 =	rddreg [dreg:$0x1];
	p0 =	sne.s32 s2, $0x0  }
0x47: {  	s3 =	rddreg [dreg:$0x2];
	[bflag:$0x3] =	sbarrier.arrive $0xFFFF;
	s2 =	simm.s32 @!p0 $0x1C01  }
0x48: {  	[timem:s3], [sflag:s2] =	dma.local @!p0 [hbm:s0], s1  }
0x49: {  	s0 =	simm.s32 @!p0 $0x1  }
0x4a: {  	_ =	swait.ge @!p0 [sflag:s0], s1  }
0x4b: {  	s1 =	ssub.s32 @!p0 $0x0, s1;
	[sflag:s0] =	ssyncset.done @!p0 $0x0  }
0x4c: {  	[sflag:s0] =	ssyncadd.s32 @!p0 s1  }
0x4d: {  	[bflag:$0x3] =	sbarrier.arrive $0xFFFF  }
0x4e: {  	_ =	shalt  }

// kernel: gather_offload_async_start.4
scs
__scs_entry_jumppad:
0x0: {  	(pc) =	sbr.rel $0x88, $3  }
0x1: {  	(tag) =	ssettag $0x0;
	lr =	simm.s32 $0x1  }
0x2: {  	[smem:$0x3F98] =	sst lr;
	_ =	strace $0xD0000000  }
0x3: {  	_ = 	snop  }
0x4: {  	_ = 	snop  }
0x5: {  	_ = 	snop  }
0x6: {  	_ = 	snop  }
0x7: {  	_ = 	snop  }
__scs_overlays_trampoline_lowered:
0x8: {  	[smem:$0x3FA7] =	sst s0  }
0x9: {  	[smem:$0x3FA8] =	sst s1  }
0xa: {  	[smem:$0x3FA9] =	sst s2  }
0xb: {  	[smem:$0x3FAA] =	sst s3  }
0xc: {  	[smem:$0x3FAB] =	sst s4  }
0xd: {  	[smem:$0x3FAC] =	sst s5  }
0xe: {  	[smem:$0x3FAD] =	sst s6  }
0xf: {  	[smem:$0x3FAE] =	sst s7  }
0x10: {  	[smem:$0x3FAF] =	sst s8  }
0x11: {  	[smem:$0x3FB0] =	sst s9;
	s0 =	simm.s32 @!p0 $0x0  }
0x12: {  	s1 =	sld [smem:$0x3F96];
	s0 =	simm.s32 @p0 $0x1  }
0x13: {  	[smem:$0x3FB1] =	sst s0;
	s0 =	simm.s32 @!p1 $0x0  }
0x14: {  	s2 =	sld [smem:$0x3F95];
	s0 =	simm.s32 @p1 $0x1  }
0x15: {  	[smem:$0x3FB2] =	sst s0;
	s0 =	simm.s32 @!p2 $0x0  }
0x16: {  	s3 =	sld [smem:$0x3FDB];
	s0 =	simm.s32 @p2 $0x1  }
0x17: {  	s4 =	simm.s32 $0x1BF5;
	[smem:$0x3FB4] =	sst s0  }
0x18: {  	s0 =	sld [smem:$0x3F97];
	_ =	swait.ge [sflag:s4], $0x0  }
0x19: {  	s7 =	sld [smem:$0x3F98]  }
0x1a: {  	s8 =	sadd.s32 $0xFFFFE003, lr  }
0x1b: {  	s9 =	sadd.s32 $0xFFFFFEF7, lr;
	s5 =	simm.s32 $0xFFFFFFFF;
	p2 =	slt.u32 s8, $0xFFFFF086  }
0x1c: {  	p1 =	slt.u32 s9, $0xF7A;
	s5 =	simm.s32 @!p2 $0x0  }
0x1d: {  	s5 =	simm.s32 @p1 $0x1;
	p0 =	seq.s32 s7, s2  }
0x1e: {  	s7 =	smul.u32 @!p0 $0xF7A, s2;
	p2 =	seq.s32 @!p0 s5, $0x0  }
0x1f: {  	s9 =	smul.u32 $0xF7A, s1;
	s8 =	simm.s32 @!p0 $0x1BF5;
	p2 =	por !p2, p0  }
0x20: {  	[sflag:s8] =	ssyncset.s32 @!p0 $0xFFFFF086;
	s6 =	sadd.s32 @!p0 s3, s7;
	s7 =	simm.s32 @!p0 $0x108  }
0x21: {  	s3 =	sadd.s32 s3, s9;
	s6 =	sadd.s32 @!p0 $0x88, s6;
	s7 =	simm.s32 @p2 $0x1082  }
0x22: {  	[simem:s7], [sflag:s8] =	dma.local @!p0 [hbm:s6], $0xF7A  }
0x23: {  	s9 =	sor.u32 $0xD0000000, s2;
	s6 =	simm.s32 $0x108;
	_ =	swait.ge @!p0 [sflag:s8], $0x0  }
0x24: {  	s3 =	sadd.s32 $0x88, s3;
	s6 =	simm.s32 @!p1 $0x1082;
	[sflag:s4] =	ssyncset.s32 $0xFFFFF086  }
0x25: {  	[simem:s6], [sflag:s4] =	dma.local [hbm:s3], $0xF7A  }
0x26: {  	[smem:$0x3F98] =	sst s1;
	(tag) =	ssettag s2;
	_ =	strace s9  }
0x27: {  	s1 =	sld [smem:$0x3FA8]  }
0x28: {  	s2 =	sld [smem:$0x3FA9]  }
0x29: {  	s4 =	sld [smem:$0x3FAB]  }
0x2a: {  	p0 =	seq.s32 s5, $0x0;
	s5 =	sld [smem:$0x3FAC]  }
0x2b: {  	s6 =	sld [smem:$0x3FAD]  }
0x2c: {  	s7 =	sld [smem:$0x3FAE]  }
0x2d: {  	s3 =	simm.s32 $0x108;
	s8 =	sld [smem:$0x3FAF]  }
0x2e: {  	s3 =	simm.s32 @!p0 $0x1082;
	s9 =	sld [smem:$0x3FB0]  }
0x2f: {  	lr =	sadd.s32 s0, s3;
	s0 =	sld [smem:$0x3FA7]  }
0x30: {  	s3 =	sld [smem:$0x3FAA]  }
0x31: {  	[smem:$0x3FB3] =	sst s10  }
0x32: {  	s10 =	sld [smem:$0x3FB1];
	_ =	sdelay $0x3  }
0x33: {  	p0 =	seq.s32 s10, $0x1;
	s10 =	sld [smem:$0x3FB3];
	_ =	sdelay $0x3  }
0x34: {  	[smem:$0x3FB3] =	sst s10  }
0x35: {  	s10 =	sld [smem:$0x3FB2];
	_ =	sdelay $0x3  }
0x36: {  	p1 =	seq.s32 s10, $0x1;
	s10 =	sld [smem:$0x3FB3];
	_ =	sdelay $0x3  }
0x37: {  	[smem:$0x3FB3] =	sst s10  }
0x38: {  	s10 =	sld [smem:$0x3FB4]  }
0x39: {  	_ = 	snop;
	(pc) =	sbr.ind lr, $3  }
0x3a: {  	_ = 	snop  }
0x3b: {  	_ = 	snop  }
0x3c: {  	p2 =	seq.s32 s10, $0x1;
	s10 =	sld [smem:$0x3FB3]  }
0x3d: {  	_ =	shalt  }
0x3e: {  	_ =	shalt  }
0x3f: {  	_ =	shalt  }
0x40: {  	_ =	shalt  }
0x41: {  	_ =	shalt  }
0x42: {  	_ =	shalt  }
0x43: {  	_ =	shalt  }
0x44: {  	_ =	shalt  }
0x45: {  	_ =	shalt  }
0x46: {  	_ =	shalt  }
0x47: {  	_ =	shalt  }
0x48: {  	_ =	shalt  }
0x49: {  	_ =	shalt  }
0x4a: {  	_ =	shalt  }
0x4b: {  	_ =	shalt  }
0x4c: {  	_ =	shalt  }
0x4d: {  	_ =	shalt  }
0x4e: {  	_ =	shalt  }
0x4f: {  	_ =	shalt  }
0x50: {  	_ =	shalt  }
0x51: {  	_ =	shalt  }
0x52: {  	_ =	shalt  }
0x53: {  	_ =	shalt  }
0x54: {  	_ =	shalt  }
0x55: {  	_ =	shalt  }
0x56: {  	_ =	shalt  }
0x57: {  	_ =	shalt  }
0x58: {  	_ =	shalt  }
0x59: {  	_ =	shalt  }
0x5a: {  	_ =	shalt  }
0x5b: {  	_ =	shalt  }
0x5c: {  	_ =	shalt  }
0x5d: {  	_ =	shalt  }
0x5e: {  	_ =	shalt  }
0x5f: {  	_ =	shalt  }
0x60: {  	_ =	shalt  }
0x61: {  	_ =	shalt  }
0x62: {  	_ =	shalt  }
0x63: {  	_ =	shalt  }
0x64: {  	_ =	shalt  }
0x65: {  	_ =	shalt  }
0x66: {  	_ =	shalt  }
0x67: {  	_ =	shalt  }
0x68: {  	_ =	shalt  }
0x69: {  	_ =	shalt  }
0x6a: {  	_ =	shalt  }
0x6b: {  	_ =	shalt  }
0x6c: {  	_ =	shalt  }
0x6d: {  	_ =	shalt  }
0x6e: {  	_ =	shalt  }
0x6f: {  	_ =	shalt  }
0x70: {  	_ =	shalt  }
0x71: {  	_ =	shalt  }
0x72: {  	_ =	shalt  }
0x73: {  	_ =	shalt  }
0x74: {  	_ =	shalt  }
0x75: {  	_ =	shalt  }
0x76: {  	_ =	shalt  }
0x77: {  	_ =	shalt  }
0x78: {  	_ =	shalt  }
0x79: {  	_ =	shalt  }
0x7a: {  	_ =	shalt  }
0x7b: {  	_ =	shalt  }
0x7c: {  	_ =	shalt  }
0x7d: {  	_ =	shalt  }
0x7e: {  	_ =	shalt  }
0x7f: {  	_ =	shalt  }
0x80: {  	_ =	shalt  }
0x81: {  	_ =	shalt  }
0x82: {  	_ =	shalt  }
0x83: {  	_ =	shalt  }
0x84: {  	_ =	shalt  }
0x85: {  	_ =	shalt  }
0x86: {  	_ =	shalt  }
0x87: {  	_ =	shalt  }
.Lfunc_end0:
.L_simem_size_0:
called_computation.6_lowered:
.L_overlay_start_0:
0x88: {  	s0 =	sld [smem:$0x3FD9]  }
0x89: {  	s1 =	sld [smem:$0x3FFE];
	_ =	sdelay $0x3  }
0x8a: {  	s0 =	sadd.s32 s1, s0  }
0x8b: {  	[smem:$0x3FBF] =	sst s0  }
0x8c: {  	_ = 	snop  }
0x8d: {  	(tm) =	ssettm $0x1  }
0x8e: {  	s15 =	sld [smem:$0x3FFB];
	_ =	sdelay $0x3  }
0x8f: {  	_ =	strace s15  }
0x90: {  	s0 =	sld [smem:$0x3FFC];
	_ =	sdelay $0x3  }
0x91: {  	_ =	strace s0  }
0x92: {  	s0 =	sld [smem:$0x3FFD];
	_ =	sdelay $0x3  }
0x93: {  	_ =	strace s0  }
0x94: {  	_ =	strace $0x8FFFFFFF  }
0x95: {  	s16 =	sld [smem:$0x3FDB];
	_ =	sdelay $0x1  }
0x96: {  	s17 =	simm.s32 $_scs_section_size  }
0x97: {  	s2 =	simm.s32 $_size__tile_overlayer_lowered;
	s3 =	simm.s32 $_tile_overlayer_lowered  }
0x98: {  	s20 =	simm.s32 $0x1BFF;
	s19 =	sshll.u32 s3, $0x1;
	s0 =	sadd.s32 s17, s16  }
0x99: {  	s4 =	simm.s32 $0x0;
	s18 =	sshll.u32 s2, $0x1;
	s2 =	sadd.s32 s19, s0  }
0x9a: {  	[timem:s4], [sflag:s20] =	dma.local [hbm:s2], s18  }
0x9b: {  	_ =	swait.ge [sflag:s20], s18  }
0x9c: {  	s1 =	ssub.s32 $0x0, s18;
	[sflag:s20] =	ssyncset.done $0x0  }
0x9d: {  	[sflag:s20] =	ssyncadd.s32 s1;
	_ =	sdelay $0x1  }
0x9e: {  	s21 =	simm.s32 $0x1B8B  }
0x9f: {  	_ =	swait.ge [sflag:s21], $0x1  }
0xa0: {  	[sflag:s21] =	ssyncset.done $0x0  }
0xa1: {  	s23 =	simm.s32 $0x1B8E;
	s22 =	sld [smem:$0x3FFE];
	[sflag:s21] =	ssyncadd.s32 $0xFFFFFFFF  }
0xa2: {  	s24 =	simm.s32 $execute0_lowered;
	[smem:$0x3FD2] =	sst s23  }
0xa3: {  	s2 =	sshll.u32 s24, $0x1;
	_ =	strace $0x8000005B;
	[dreg:$0x1] =	wrdreg $0xFFFFFFFF  }
0xa4: {  	s25 =	simm.s32 $_size_execute0_lowered;
	s0 =	sadd.s32 s0, s2;
	[dreg:$0x0] =	wrdreg $0x0  }
0xa5: {  	s2 =	sshll.u32 s25, $0x1;
	[dreg:$0x2] =	wrdreg s0  }
0xa6: {  	[dreg:$0x3] =	wrdreg s2  }
0xa7: {  	[dreg:$0x4] =	wrdreg $0xC0  }
0xa8: {  	_ =	task [dreg:s4], $0x5FFFF  }
0xa9: {  	[dreg:$0x1] =	wrdreg $0xFFFFFFFF  }
0xaa: {  	[dreg:$0x0] =	wrdreg $0x60  }
0xab: {  	[dreg:$0x2] =	wrdreg s22  }
0xac: {  	[dreg:$0x3] =	wrdreg $0xC  }
0xad: {  	_ =	task.clear_ibuf [dreg:s4], $0x4FFFF;
	_ =	strace $0x9000005B  }
0xae: {  	s26 =	simm.s32 $0xC;
	_ =	strace $0x8000005D  }
0xaf: {  	_ =	swait.ge [sflag:s26], $0x1  }
0xb0: {  	[sflag:s26] =	ssyncadd.s32 $0xFFFFFFFF  }
0xb1: {  	_ =	strace $0x9000005D  }
0xb2: {  	_ =	sfence  }
0xb3: {  	s28 =	sld [smem:$0x0];
	_ =	sdelay $0x1  }
0xb4: {  	s29 =	srdreg.scid  }
0xb5: {  	s30 =	sshll.u32 s29, $0xD;
	s31 =	sshrl.u32 s29, $0x2  }
0xb6: {  	s1 =	sand.u32 $0x1, s29;
	s2 =	sand.u32 $0x4000, s30;
	s0 =	sadd.s32 s31, s28  }
0xb7: {  	s1 =	sor.u32 s2, s1;
	s0 =	sshll.u32 s0, $0x11  }
0xb8: {  	s0 =	sor.u32 s0, s1  }
0xb9: {  	s0 =	sadd.s32 $0x8F2B, s0  }
0xba: {  	[sflag:s0] =	ssyncadd.remote.s32 $0x1  }
0xbb: {  	_ =	sfence.sel $0xFFFF  }
0xbc: {  	[dreg:$0x0] =	wrdreg $0xFFFFFFFF;
	(pc) =	sbr.abs _section_cstart, $3  }
0xbd: {  	[dreg:$0x1] =	wrdreg $0xFFFFFFFF  }
0xbe: {  	_ =	task.clear_ibuf [dreg:s4], $0x2FFFF;
	_ =	strace $0x9FFFFFFF  }
0xbf: {  	(tm) =	ssettm $0x7FFFFFFF  }
tec
execute0_lowered:
.L_overlay_start_1:
0x0: {  	(tag) =	ssettag $0x1  }
0x1: {  	s8 =	rddreg [dreg:$0x0]  }
0x2: {  	s0 =	rddreg [dreg:$0x1];
	_ =	strace $0x8000005C  }
0x3: {  	s4 =	simm.s32 $0x1;
	s1 =	stileid.u32;
	s7 =	simm.s32 $0x1  }
0x4: {  	s9 =	simm.s32 $0x1;
	s6 =	simm.s32 $0x2;
	s10 =	simm.s32 $0x3  }
0x5: {  	s13 =	simm.s32 $0x0;
	s12 =	simm.s32 $0x0;
	s2 =	sadd.s32 $0x28600, s8  }
.Ltmp0:
0x6: {  	s3 =	sadd.s32 $0x27A00, s8;
	p0 =	slt.u32 s1, $0xA;
	(pc) =	sbr.rel .LBB2_1-.Ltmp0, $4  }
0x7: {  	[sflag:s4] =	ssyncpa.u1 $0x0;
	s7 =	simm.s32 @!p0 $0x0;
	p0 =	sne.s32 s1, $0x9  }
0x8: {  	s5 =	smul.u32 $0x190, s1;
	[sflag:s6] =	ssyncpa.u1 $0x0;
	s9 =	simm.s32 @!p0 $0x0  }
0x9: {  	s8 =	sadd.s32 $0x28C00, s8;
	[sflag:s10] =	ssyncpa.u1 $0x0;
	s7 =	sadd.s32 s9, s7  }
0xa: {  	vm0 =	vmmov $0xffff;
	s10 =	simm.s32 $0x0;
	s11 =	smov.u32 s5;
	s9 =	sadd.s32 $0x1, s7  }
.LBB2_4:
0xb: {  	v2 =	vnsel vm1, $0x0, v2  }
0xc: {  	vm1 =	vgt.s32 v0, $0x0;
	v2 =	vmin.u32 v2, $0x270F  }
0xd: {  	v0 =	vnsel vm1, $0x0, v0  }
0xe: {  	v0 =	vmin.u32 v0, $0x270F  }
0xf: {  	[tilespmem:s18], [sflag:$0x1] =	stream.indirect_vreg.gather [hbm4b:s2+s10], $0x1, v1, vm0, $0x4038;
	[tilespmem:$0x640] =	vst v63  }
0x10: {  	(ifvalue) =	ssetifvalue $0x7FFFFFFF  }
0x11: {  	[tilespmem:s15], [sflag:$0x1] =	stream.indirect_vreg.gather [hbm4b:s2+s10], $0x1, v2, vm0, $0x4038;
	[tilespmem:$0x640] =	vst v63  }
0x12: {  	s29 =	sadd.s32 $0x10, s15;
	(ifvalue) =	ssetifvalue $0x7FFFFFFF  }
0x13: {  	[tilespmem:s29], [sflag:$0x1] =	stream.indirect_vreg.gather [hbm4b:s2+s10], $0x1, v0, vm0, $0x4038;
	[tilespmem:$0x640] =	vst v63  }
0x14: {  	_ =	swait.ge [sflag:s4], $0x190  }
0x15: {  	s30 =	sshrl.u32 s13, $0x3;
	[sflag:s4] =	ssyncset.done $0x0  }
0x16: {  	s31 =	sand.u32 $0x7, s13;
	s15 =	sadd.s32 s8, s30;
	[sflag:s4] =	ssyncadd.s32 $0xFFFFFE70  }
0x17: {  	[hbm4b:s15+s31] =	stream.linear.scatter [tilespmem:s14], [sflag:$0x3], $0x190, $0x38;
	[tilespmem:$0x640] =	vst v63  }
.LBB2_5:
0x18: {  	s15 =	sadd.s32 $0x1900, s11  }
0x19: {  	p1 =	sgt.s32 s15, $0x270F  }
0x1a: {  	s15 =	smov.u32 @p1 s5;
	p1 =	sne.s32 s12, s9  }
.Ltmp1:
0x1b: {  	p0 =	slt.u32 s12, $0x2;
	(pc) =	sbr.rel @!p1 .LBB2_6-.Ltmp1, $4  }
0x1c: {  	s14 =	simm.s32 @!p0 $0x3  }
0x1d: {  	_ =	swait.ge @!p0 [sflag:s14], $0x190  }
0x1e: {  	s16 =	sadd.s32 $0x1, s12;
	s13 =	smov.u32 s11;
	[sflag:s14] =	ssyncset.done @!p0 $0x0  }
0x1f: {  	s12 =	smov.u32 s16;
	s11 =	smov.u32 s15;
	[sflag:s14] =	ssyncadd.s32 @!p0 $0xFFFFFE70  }
.LBB2_1:
0x20: {  	p0 =	sge.u32 s12, s7  }
0x21: {  	s14 =	sxor.u32 @!p0 $0x1, s12  }
0x22: {  	s14 =	smul.u32 @!p0 $0x640, s14  }
0x23: {  	s31 =	sadd.s32 $0xFFFFFFFF, s12;
	s15 =	sshrl.u32 @!p0 s11, $0x3  }
0x24: {  	s16 =	sand.u32 @!p0 $0x7, s11;
	s15 =	sadd.s32 @!p0 s3, s15;
	s14 =	sshra.s32 @!p0 s14, $0x2  }
0x25: {  	[tilespmem:s14], [sflag:$0x2] =	stream.linear.gather @!p0 [hbm4b:s15+s16], $0x190, $0x38;
	[tilespmem:$0x640] =	vst v63  }
0x26: {  	p0 =	sge.u32 s31, s7  }
.Ltmp2:
0x27: {  	_ = 	snop;
	(pc) =	sbr.rel @p0 .LBB2_5-.Ltmp2, $1  }
0x28: {  	_ =	sdelay $0x3  }
0x29: {  	s14 =	sand.u32 $0x1, s12  }
0x2a: {  	_ =	swait.ge [sflag:s6], $0x190;
	p0 =	seq.s32 s14, $0x1;
	s14 =	simm.s32 $0x190  }
0x2b: {  	[sflag:s6] =	ssyncset.done $0x0;
	s14 =	simm.s32 @!p0 $0x0  }
0x2c: {  	[sflag:s6] =	ssyncadd.s32 $0xFFFFFE70;
	(ifvalue) =	ssetifvalue $0x7FFFFFFF;
	v0 =	vld.msk [tilespmem:s14+$0x0 ss:$0x1], $0xffff;
	_ =	sdelay $0x4  }
0x2d: {  	s15 =	sadd.s32 $0x10, s14;
	vm1 =	vgt.s32 v0, $0x0  }
0x2e: {  	v2 =	vld.msk [tilespmem:s15+$0x0 ss:$0x1], $0xffff;
	v1 =	vnsel vm1, $0x0, v0  }
0x2f: {  	v1 =	vmin.u32 v1, $0x270F;
	_ =	sdelay $0x2  }
0x30: {  	s17 =	simm.s32 $0x20;
	s14 =	sadd.s32 $0x320, s14;
	s16 =	sadd.s32 $0x10, s15  }
0x31: {  	s15 =	sadd.s32 $0x10, s14;
	s18 =	smov.u32 s14;
	v0 =	vld.msk [tilespmem:s16+$0x0 ss:$0x1], $0xffff;
	vm1 =	vgt.s32 v2, $0x0;
	(ifvalue) =	ssetifvalue $0x7FFFFFFF  }
.LBB2_3:
0x32: {  	[tilespmem:s18], [sflag:$0x1] =	stream.indirect_vreg.gather [hbm4b:s2+s10], $0x1, v1, vm0, $0x4038;
	[tilespmem:$0x640] =	vst v63  }
0x33: {  	s17 =	sadd.s32 $0x10, s17  }
0x34: {  	v2 =	vnsel vm1, $0x0, v2;
	p0 =	slt.u32 s17, $0x180  }
.Ltmp3:
0x35: {  	s18 =	smov.u32 s15;
	v1 =	vmin.u32 v2, $0x270F;
	(pc) =	sbr.rel @p0 .LBB2_3-.Ltmp3, $3  }
0x36: {  	_ =	sdelay $0x1  }
0x37: {  	s16 =	sadd.s32 $0x10, s16  }
0x38: {  	vm1 =	vgt.s32 v0, $0x0;
	s15 =	sadd.s32 $0x10, s15;
	v2 =	vmov v0;
	(ifvalue) =	ssetifvalue $0x7FFFFFFF;
	v0 =	vld.msk [tilespmem:s16+$0x0 ss:$0x1], $0xffff  }
.Ltmp4:
0x39: {  	_ = 	snop;
	(pc) =	sbr.rel .LBB2_4-.Ltmp4, $1  }
0x3a: {  	_ =	sdelay $0x3  }
.LBB2_6:
0x3b: {  	_ =	sfence.sel $0x180000  }
0x3c: {  	s2 =	simm.s32 $0x2;
	[bflag:$0x0] =	sbarrier.arrive $0xFFFF  }
0x3d: {  	s30 =	simm.s32 $0x3;
	[sflag:s2] =	ssyncpa.u1 $0x1  }
0x3e: {  	s31 =	simm.s32 $0x1;
	[sflag:s30] =	ssyncpa.u1 $0x1  }
0x3f: {  	[sflag:s31] =	ssyncpa.u1 $0x1  }
0x40: {  	p0 =	sne.s32 s1, $0x0;
	_ =	strace $0x9000005C  }
0x41: {  	s0 =	sadd.s32 @!p0 $0x100000, s0;
	[bflag:$0x2] =	sbarrier.arrive $0xFFFF  }
0x42: {  	[sflag:s0] =	ssyncadd.tile.s32 @!p0 $0x1;
	_ =	shalt  }
.Lfunc_end2:
_tile_overlayer_lowered:
.L_overlay_start_2:
0x43: {  	(tag) =	ssettag $0x2  }
0x44: {  	s0 =	rddreg [dreg:$0x0];
	s2 =	stileid.u32  }
0x45: {  	s1 =	rddreg [dreg:$0x1];
	p0 =	sne.s32 s2, $0x0  }
0x46: {  	s3 =	rddreg [dreg:$0x2];
	[bflag:$0x3] =	sbarrier.arrive $0xFFFF;
	s2 =	simm.s32 @!p0 $0x1C01  }
0x47: {  	[timem:s3], [sflag:s2] =	dma.local @!p0 [hbm:s0], s1  }
0x48: {  	s0 =	simm.s32 @!p0 $0x1  }
0x49: {  	_ =	swait.ge @!p0 [sflag:s0], s1  }
0x4a: {  	s1 =	ssub.s32 @!p0 $0x0, s1;
	[sflag:s0] =	ssyncset.done @!p0 $0x0  }
0x4b: {  	[sflag:s0] =	ssyncadd.s32 @!p0 s1  }
0x4c: {  	[bflag:$0x3] =	sbarrier.arrive $0xFFFF  }
0x4d: {  	_ =	shalt  }

// kernel: gather_offload_async_start.5
scs
__scs_entry_jumppad:
0x0: {  	(pc) =	sbr.rel $0x88, $3  }
0x1: {  	(tag) =	ssettag $0x0;
	lr =	simm.s32 $0x1  }
0x2: {  	[smem:$0x3F98] =	sst lr;
	_ =	strace $0xD0000000  }
0x3: {  	_ = 	snop  }
0x4: {  	_ = 	snop  }
0x5: {  	_ = 	snop  }
0x6: {  	_ = 	snop  }
0x7: {  	_ = 	snop  }
__scs_overlays_trampoline_lowered:
0x8: {  	[smem:$0x3FA7] =	sst s0  }
0x9: {  	[smem:$0x3FA8] =	sst s1  }
0xa: {  	[smem:$0x3FA9] =	sst s2  }
0xb: {  	[smem:$0x3FAA] =	sst s3  }
0xc: {  	[smem:$0x3FAB] =	sst s4  }
0xd: {  	[smem:$0x3FAC] =	sst s5  }
0xe: {  	[smem:$0x3FAD] =	sst s6  }
0xf: {  	[smem:$0x3FAE] =	sst s7  }
0x10: {  	[smem:$0x3FAF] =	sst s8  }
0x11: {  	[smem:$0x3FB0] =	sst s9;
	s0 =	simm.s32 @!p0 $0x0  }
0x12: {  	s1 =	sld [smem:$0x3F96];
	s0 =	simm.s32 @p0 $0x1  }
0x13: {  	[smem:$0x3FB1] =	sst s0;
	s0 =	simm.s32 @!p1 $0x0  }
0x14: {  	s2 =	sld [smem:$0x3F95];
	s0 =	simm.s32 @p1 $0x1  }
0x15: {  	[smem:$0x3FB2] =	sst s0;
	s0 =	simm.s32 @!p2 $0x0  }
0x16: {  	s3 =	sld [smem:$0x3FDB];
	s0 =	simm.s32 @p2 $0x1  }
0x17: {  	s4 =	simm.s32 $0x1BF5;
	[smem:$0x3FB4] =	sst s0  }
0x18: {  	s0 =	sld [smem:$0x3F97];
	_ =	swait.ge [sflag:s4], $0x0  }
0x19: {  	s7 =	sld [smem:$0x3F98]  }
0x1a: {  	s8 =	sadd.s32 $0xFFFFE003, lr  }
0x1b: {  	s9 =	sadd.s32 $0xFFFFFEF7, lr;
	s5 =	simm.s32 $0xFFFFFFFF;
	p2 =	slt.u32 s8, $0xFFFFF086  }
0x1c: {  	p1 =	slt.u32 s9, $0xF7A;
	s5 =	simm.s32 @!p2 $0x0  }
0x1d: {  	s5 =	simm.s32 @p1 $0x1;
	p0 =	seq.s32 s7, s2  }
0x1e: {  	s7 =	smul.u32 @!p0 $0xF7A, s2;
	p2 =	seq.s32 @!p0 s5, $0x0  }
0x1f: {  	s9 =	smul.u32 $0xF7A, s1;
	s8 =	simm.s32 @!p0 $0x1BF5;
	p2 =	por !p2, p0  }
0x20: {  	[sflag:s8] =	ssyncset.s32 @!p0 $0xFFFFF086;
	s6 =	sadd.s32 @!p0 s3, s7;
	s7 =	simm.s32 @!p0 $0x108  }
0x21: {  	s3 =	sadd.s32 s3, s9;
	s6 =	sadd.s32 @!p0 $0x88, s6;
	s7 =	simm.s32 @p2 $0x1082  }
0x22: {  	[simem:s7], [sflag:s8] =	dma.local @!p0 [hbm:s6], $0xF7A  }
0x23: {  	s9 =	sor.u32 $0xD0000000, s2;
	s6 =	simm.s32 $0x108;
	_ =	swait.ge @!p0 [sflag:s8], $0x0  }
0x24: {  	s3 =	sadd.s32 $0x88, s3;
	s6 =	simm.s32 @!p1 $0x1082;
	[sflag:s4] =	ssyncset.s32 $0xFFFFF086  }
0x25: {  	[simem:s6], [sflag:s4] =	dma.local [hbm:s3], $0xF7A  }
0x26: {  	[smem:$0x3F98] =	sst s1;
	(tag) =	ssettag s2;
	_ =	strace s9  }
0x27: {  	s1 =	sld [smem:$0x3FA8]  }
0x28: {  	s2 =	sld [smem:$0x3FA9]  }
0x29: {  	s4 =	sld [smem:$0x3FAB]  }
0x2a: {  	p0 =	seq.s32 s5, $0x0;
	s5 =	sld [smem:$0x3FAC]  }
0x2b: {  	s6 =	sld [smem:$0x3FAD]  }
0x2c: {  	s7 =	sld [smem:$0x3FAE]  }
0x2d: {  	s3 =	simm.s32 $0x108;
	s8 =	sld [smem:$0x3FAF]  }
0x2e: {  	s3 =	simm.s32 @!p0 $0x1082;
	s9 =	sld [smem:$0x3FB0]  }
0x2f: {  	lr =	sadd.s32 s0, s3;
	s0 =	sld [smem:$0x3FA7]  }
0x30: {  	s3 =	sld [smem:$0x3FAA]  }
0x31: {  	[smem:$0x3FB3] =	sst s10  }
0x32: {  	s10 =	sld [smem:$0x3FB1];
	_ =	sdelay $0x3  }
0x33: {  	p0 =	seq.s32 s10, $0x1;
	s10 =	sld [smem:$0x3FB3];
	_ =	sdelay $0x3  }
0x34: {  	[smem:$0x3FB3] =	sst s10  }
0x35: {  	s10 =	sld [smem:$0x3FB2];
	_ =	sdelay $0x3  }
0x36: {  	p1 =	seq.s32 s10, $0x1;
	s10 =	sld [smem:$0x3FB3];
	_ =	sdelay $0x3  }
0x37: {  	[smem:$0x3FB3] =	sst s10  }
0x38: {  	s10 =	sld [smem:$0x3FB4]  }
0x39: {  	_ = 	snop;
	(pc) =	sbr.ind lr, $3  }
0x3a: {  	_ = 	snop  }
0x3b: {  	_ = 	snop  }
0x3c: {  	p2 =	seq.s32 s10, $0x1;
	s10 =	sld [smem:$0x3FB3]  }
0x3d: {  	_ =	shalt  }
0x3e: {  	_ =	shalt  }
0x3f: {  	_ =	shalt  }
0x40: {  	_ =	shalt  }
0x41: {  	_ =	shalt  }
0x42: {  	_ =	shalt  }
0x43: {  	_ =	shalt  }
0x44: {  	_ =	shalt  }
0x45: {  	_ =	shalt  }
0x46: {  	_ =	shalt  }
0x47: {  	_ =	shalt  }
0x48: {  	_ =	shalt  }
0x49: {  	_ =	shalt  }
0x4a: {  	_ =	shalt  }
0x4b: {  	_ =	shalt  }
0x4c: {  	_ =	shalt  }
0x4d: {  	_ =	shalt  }
0x4e: {  	_ =	shalt  }
0x4f: {  	_ =	shalt  }
0x50: {  	_ =	shalt  }
0x51: {  	_ =	shalt  }
0x52: {  	_ =	shalt  }
0x53: {  	_ =	shalt  }
0x54: {  	_ =	shalt  }
0x55: {  	_ =	shalt  }
0x56: {  	_ =	shalt  }
0x57: {  	_ =	shalt  }
0x58: {  	_ =	shalt  }
0x59: {  	_ =	shalt  }
0x5a: {  	_ =	shalt  }
0x5b: {  	_ =	shalt  }
0x5c: {  	_ =	shalt  }
0x5d: {  	_ =	shalt  }
0x5e: {  	_ =	shalt  }
0x5f: {  	_ =	shalt  }
0x60: {  	_ =	shalt  }
0x61: {  	_ =	shalt  }
0x62: {  	_ =	shalt  }
0x63: {  	_ =	shalt  }
0x64: {  	_ =	shalt  }
0x65: {  	_ =	shalt  }
0x66: {  	_ =	shalt  }
0x67: {  	_ =	shalt  }
0x68: {  	_ =	shalt  }
0x69: {  	_ =	shalt  }
0x6a: {  	_ =	shalt  }
0x6b: {  	_ =	shalt  }
0x6c: {  	_ =	shalt  }
0x6d: {  	_ =	shalt  }
0x6e: {  	_ =	shalt  }
0x6f: {  	_ =	shalt  }
0x70: {  	_ =	shalt  }
0x71: {  	_ =	shalt  }
0x72: {  	_ =	shalt  }
0x73: {  	_ =	shalt  }
0x74: {  	_ =	shalt  }
0x75: {  	_ =	shalt  }
0x76: {  	_ =	shalt  }
0x77: {  	_ =	shalt  }
0x78: {  	_ =	shalt  }
0x79: {  	_ =	shalt  }
0x7a: {  	_ =	shalt  }
0x7b: {  	_ =	shalt  }
0x7c: {  	_ =	shalt  }
0x7d: {  	_ =	shalt  }
0x7e: {  	_ =	shalt  }
0x7f: {  	_ =	shalt  }
0x80: {  	_ =	shalt  }
0x81: {  	_ =	shalt  }
0x82: {  	_ =	shalt  }
0x83: {  	_ =	shalt  }
0x84: {  	_ =	shalt  }
0x85: {  	_ =	shalt  }
0x86: {  	_ =	shalt  }
0x87: {  	_ =	shalt  }
.Lfunc_end0:
.L_simem_size_0:
called_computation.7_lowered:
.L_overlay_start_0:
0x88: {  	s0 =	sld [smem:$0x3FD9]  }
0x89: {  	s1 =	sld [smem:$0x3FFE];
	_ =	sdelay $0x3  }
0x8a: {  	s0 =	sadd.s32 s1, s0  }
0x8b: {  	[smem:$0x3FBF] =	sst s0  }
0x8c: {  	_ = 	snop  }
0x8d: {  	s0 =	sld [smem:$0x3FC7];
	(tm) =	ssettm $0x1  }
0x8e: {  	s16 =	sld [smem:$0x3FFB];
	_ =	sdelay $0x3  }
0x8f: {  	_ =	strace s16  }
0x90: {  	s1 =	sld [smem:$0x3FFC];
	_ =	sdelay $0x3  }
0x91: {  	_ =	strace s1  }
0x92: {  	s1 =	sld [smem:$0x3FFD];
	_ =	sdelay $0x3  }
0x93: {  	_ =	strace s1  }
0x94: {  	_ =	strace $0x8FFFFFFF  }
0x95: {  	s17 =	sld [smem:$0x3FDB];
	_ =	sdelay $0x1  }
0x96: {  	s2 =	simm.s32 $_scs_section_size  }
0x97: {  	s3 =	simm.s32 $_size__tile_overlayer_lowered;
	s4 =	simm.s32 $_tile_overlayer_lowered  }
0x98: {  	s20 =	simm.s32 $0x1BFF;
	s19 =	sshll.u32 s4, $0x1;
	s1 =	sadd.s32 s2, s17  }
0x99: {  	s5 =	simm.s32 $0x0;
	s18 =	sshll.u32 s3, $0x1;
	s3 =	sadd.s32 s19, s1  }
0x9a: {  	[timem:s5], [sflag:s20] =	dma.local [hbm:s3], s18  }
0x9b: {  	_ =	swait.ge [sflag:s20], s18  }
0x9c: {  	s2 =	ssub.s32 $0x0, s18;
	[sflag:s20] =	ssyncset.done $0x0  }
0x9d: {  	[sflag:s20] =	ssyncadd.s32 s2;
	_ =	sdelay $0x1  }
0x9e: {  	s21 =	simm.s32 $0x1B8B  }
0x9f: {  	_ =	swait.ge [sflag:s21], $0x1  }
0xa0: {  	[sflag:s21] =	ssyncset.done $0x0  }
0xa1: {  	s23 =	simm.s32 $0x1B8E;
	s22 =	sld [smem:$0x3FFE];
	[sflag:s21] =	ssyncadd.s32 $0xFFFFFFFF  }
0xa2: {  	s24 =	simm.s32 $execute0_lowered;
	[smem:$0x3FD2] =	sst s23  }
0xa3: {  	s3 =	sshll.u32 s24, $0x1;
	_ =	strace $0x8000005E;
	[dreg:$0x1] =	wrdreg $0xFFFFFFFF  }
0xa4: {  	s25 =	simm.s32 $_size_execute0_lowered;
	s1 =	sadd.s32 s1, s3;
	[dreg:$0x0] =	wrdreg $0x0  }
0xa5: {  	s3 =	sshll.u32 s25, $0x1;
	[dreg:$0x2] =	wrdreg s1  }
0xa6: {  	[dreg:$0x3] =	wrdreg s3  }
0xa7: {  	[dreg:$0x4] =	wrdreg $0xC0  }
0xa8: {  	_ =	task [dreg:s5], $0x5FFFF  }
0xa9: {  	[dreg:$0x1] =	wrdreg $0xFFFFFFFF  }
0xaa: {  	[dreg:$0x0] =	wrdreg $0x60  }
0xab: {  	[dreg:$0x2] =	wrdreg s0  }
0xac: {  	[dreg:$0x3] =	wrdreg s22  }
0xad: {  	[dreg:$0x4] =	wrdreg $0x9  }
0xae: {  	_ =	task.clear_ibuf [dreg:s5], $0x5FFFF;
	_ =	strace $0x9000005E  }
0xaf: {  	s26 =	simm.s32 $0x9;
	_ =	strace $0x80000060  }
0xb0: {  	_ =	swait.ge [sflag:s26], $0x1  }
0xb1: {  	[sflag:s26] =	ssyncadd.s32 $0xFFFFFFFF  }
0xb2: {  	_ =	strace $0x90000060  }
0xb3: {  	_ =	sfence  }
0xb4: {  	s28 =	sld [smem:$0x0];
	_ =	sdelay $0x1  }
0xb5: {  	s29 =	srdreg.scid  }
0xb6: {  	s30 =	sshll.u32 s29, $0xD;
	s31 =	sshrl.u32 s29, $0x2  }
0xb7: {  	s2 =	sand.u32 $0x4000, s30;
	s1 =	sand.u32 $0x1, s29;
	s0 =	sadd.s32 s31, s28  }
0xb8: {  	s1 =	sor.u32 s2, s1;
	s0 =	sshll.u32 s0, $0x11  }
0xb9: {  	s0 =	sor.u32 s0, s1  }
0xba: {  	s0 =	sadd.s32 $0x8F2B, s0  }
0xbb: {  	[sflag:s0] =	ssyncadd.remote.s32 $0x1  }
0xbc: {  	_ =	sfence.sel $0xFFFF  }
0xbd: {  	[dreg:$0x0] =	wrdreg $0xFFFFFFFF;
	(pc) =	sbr.abs _section_cstart, $3  }
0xbe: {  	[dreg:$0x1] =	wrdreg $0xFFFFFFFF  }
0xbf: {  	_ =	task.clear_ibuf [dreg:s5], $0x2FFFF;
	_ =	strace $0x9FFFFFFF  }
0xc0: {  	(tm) =	ssettm $0x7FFFFFFF  }
0xc1: {  	_ =	shalt  }
tec
execute0_lowered:
.L_overlay_start_1:
0x0: {  	(tag) =	ssettag $0x1  }
0x1: {  	s2 =	rddreg [dreg:$0x0]  }
0x2: {  	s8 =	rddreg [dreg:$0x1]  }
0x3: {  	s0 =	rddreg [dreg:$0x2]  }
0x4: {  	_ =	strace $0x8000005F;
	s4 =	simm.s32 $0x1;
	s1 =	stileid.u32  }
0x5: {  	s7 =	simm.s32 $0x1;
	s9 =	simm.s32 $0x1;
	s6 =	simm.s32 $0x2  }
0x6: {  	s10 =	simm.s32 $0x3;
	s13 =	simm.s32 $0x0;
	s12 =	simm.s32 $0x0  }
.Ltmp0:
0x7: {  	s3 =	sadd.s32 $0x27A00, s8;
	p0 =	slt.u32 s1, $0xA;
	(pc) =	sbr.rel .LBB2_1-.Ltmp0, $4  }
0x8: {  	[sflag:s4] =	ssyncpa.u1 $0x0;
	s7 =	simm.s32 @!p0 $0x0;
	p0 =	sne.s32 s1, $0x9  }
0x9: {  	s5 =	smul.u32 $0x190, s1;
	[sflag:s6] =	ssyncpa.u1 $0x0;
	s9 =	simm.s32 @!p0 $0x0  }
0xa: {  	s8 =	sadd.s32 $0x29200, s8;
	[sflag:s10] =	ssyncpa.u1 $0x0;
	s7 =	sadd.s32 s9, s7  }
0xb: {  	vm0 =	vmmov $0xffff;
	s10 =	simm.s32 $0x0;
	s11 =	smov.u32 s5;
	s9 =	sadd.s32 $0x1, s7  }
.LBB2_4:
0xc: {  	v2 =	vnsel vm1, $0x0, v2  }
0xd: {  	vm1 =	vgt.s32 v0, $0x0;
	v2 =	vmin.u32 v2, $0x270F  }
0xe: {  	v0 =	vnsel vm1, $0x0, v0  }
0xf: {  	v0 =	vmin.u32 v0, $0x270F  }
0x10: {  	[tilespmem:s18], [sflag:$0x1] =	stream.indirect_vreg.gather [hbm4b:s2+s10], $0x1, v1, vm0, $0x4038;
	[tilespmem:$0x640] =	vst v63  }
0x11: {  	(ifvalue) =	ssetifvalue $0x7FFFFFFF  }
0x12: {  	[tilespmem:s15], [sflag:$0x1] =	stream.indirect_vreg.gather [hbm4b:s2+s10], $0x1, v2, vm0, $0x4038;
	[tilespmem:$0x640] =	vst v63  }
0x13: {  	s29 =	sadd.s32 $0x10, s15;
	(ifvalue) =	ssetifvalue $0x7FFFFFFF  }
0x14: {  	[tilespmem:s29], [sflag:$0x1] =	stream.indirect_vreg.gather [hbm4b:s2+s10], $0x1, v0, vm0, $0x4038;
	[tilespmem:$0x640] =	vst v63  }
0x15: {  	_ =	swait.ge [sflag:s4], $0x190  }
0x16: {  	s30 =	sshrl.u32 s13, $0x3;
	[sflag:s4] =	ssyncset.done $0x0  }
0x17: {  	s31 =	sand.u32 $0x7, s13;
	s15 =	sadd.s32 s8, s30;
	[sflag:s4] =	ssyncadd.s32 $0xFFFFFE70  }
0x18: {  	[hbm4b:s15+s31] =	stream.linear.scatter [tilespmem:s14], [sflag:$0x3], $0x190, $0x38;
	[tilespmem:$0x640] =	vst v63  }
.LBB2_5:
0x19: {  	s15 =	sadd.s32 $0x1900, s11  }
0x1a: {  	p1 =	sgt.s32 s15, $0x270F  }
0x1b: {  	s15 =	smov.u32 @p1 s5;
	p1 =	sne.s32 s12, s9  }
.Ltmp1:
0x1c: {  	p0 =	slt.u32 s12, $0x2;
	(pc) =	sbr.rel @!p1 .LBB2_6-.Ltmp1, $4  }
0x1d: {  	s14 =	simm.s32 @!p0 $0x3  }
0x1e: {  	_ =	swait.ge @!p0 [sflag:s14], $0x190  }
0x1f: {  	s16 =	sadd.s32 $0x1, s12;
	s13 =	smov.u32 s11;
	[sflag:s14] =	ssyncset.done @!p0 $0x0  }
0x20: {  	s12 =	smov.u32 s16;
	s11 =	smov.u32 s15;
	[sflag:s14] =	ssyncadd.s32 @!p0 $0xFFFFFE70  }
.LBB2_1:
0x21: {  	p0 =	sge.u32 s12, s7  }
0x22: {  	s14 =	sxor.u32 @!p0 $0x1, s12  }
0x23: {  	s14 =	smul.u32 @!p0 $0x640, s14  }
0x24: {  	s31 =	sadd.s32 $0xFFFFFFFF, s12;
	s15 =	sshrl.u32 @!p0 s11, $0x3  }
0x25: {  	s16 =	sand.u32 @!p0 $0x7, s11;
	s15 =	sadd.s32 @!p0 s3, s15;
	s14 =	sshra.s32 @!p0 s14, $0x2  }
0x26: {  	[tilespmem:s14], [sflag:$0x2] =	stream.linear.gather @!p0 [hbm4b:s15+s16], $0x190, $0x38;
	[tilespmem:$0x640] =	vst v63  }
0x27: {  	p0 =	sge.u32 s31, s7  }
.Ltmp2:
0x28: {  	_ = 	snop;
	(pc) =	sbr.rel @p0 .LBB2_5-.Ltmp2, $1  }
0x29: {  	_ =	sdelay $0x3  }
0x2a: {  	s14 =	sand.u32 $0x1, s12  }
0x2b: {  	_ =	swait.ge [sflag:s6], $0x190;
	p0 =	seq.s32 s14, $0x1;
	s14 =	simm.s32 $0x190  }
0x2c: {  	[sflag:s6] =	ssyncset.done $0x0;
	s14 =	simm.s32 @!p0 $0x0  }
0x2d: {  	[sflag:s6] =	ssyncadd.s32 $0xFFFFFE70;
	(ifvalue) =	ssetifvalue $0x7FFFFFFF;
	v0 =	vld.msk [tilespmem:s14+$0x0 ss:$0x1], $0xffff;
	_ =	sdelay $0x4  }
0x2e: {  	s15 =	sadd.s32 $0x10, s14;
	vm1 =	vgt.s32 v0, $0x0  }
0x2f: {  	v2 =	vld.msk [tilespmem:s15+$0x0 ss:$0x1], $0xffff;
	v1 =	vnsel vm1, $0x0, v0  }
0x30: {  	v1 =	vmin.u32 v1, $0x270F;
	_ =	sdelay $0x2  }
0x31: {  	s17 =	simm.s32 $0x20;
	s14 =	sadd.s32 $0x320, s14;
	s16 =	sadd.s32 $0x10, s15  }
0x32: {  	s15 =	sadd.s32 $0x10, s14;
	s18 =	smov.u32 s14;
	v0 =	vld.msk [tilespmem:s16+$0x0 ss:$0x1], $0xffff;
	vm1 =	vgt.s32 v2, $0x0;
	(ifvalue) =	ssetifvalue $0x7FFFFFFF  }
.LBB2_3:
0x33: {  	[tilespmem:s18], [sflag:$0x1] =	stream.indirect_vreg.gather [hbm4b:s2+s10], $0x1, v1, vm0, $0x4038;
	[tilespmem:$0x640] =	vst v63  }
0x34: {  	s17 =	sadd.s32 $0x10, s17  }
0x35: {  	v2 =	vnsel vm1, $0x0, v2;
	p0 =	slt.u32 s17, $0x180  }
.Ltmp3:
0x36: {  	s18 =	smov.u32 s15;
	v1 =	vmin.u32 v2, $0x270F;
	(pc) =	sbr.rel @p0 .LBB2_3-.Ltmp3, $3  }
0x37: {  	_ =	sdelay $0x1  }
0x38: {  	s16 =	sadd.s32 $0x10, s16  }
0x39: {  	vm1 =	vgt.s32 v0, $0x0;
	s15 =	sadd.s32 $0x10, s15;
	v2 =	vmov v0;
	(ifvalue) =	ssetifvalue $0x7FFFFFFF;
	v0 =	vld.msk [tilespmem:s16+$0x0 ss:$0x1], $0xffff  }
.Ltmp4:
0x3a: {  	_ = 	snop;
	(pc) =	sbr.rel .LBB2_4-.Ltmp4, $1  }
0x3b: {  	_ =	sdelay $0x3  }
.LBB2_6:
0x3c: {  	_ =	sfence.sel $0x180000  }
0x3d: {  	s2 =	simm.s32 $0x2;
	[bflag:$0x0] =	sbarrier.arrive $0xFFFF  }
0x3e: {  	s30 =	simm.s32 $0x3;
	[sflag:s2] =	ssyncpa.u1 $0x1  }
0x3f: {  	s31 =	simm.s32 $0x1;
	[sflag:s30] =	ssyncpa.u1 $0x1  }
0x40: {  	[sflag:s31] =	ssyncpa.u1 $0x1  }
0x41: {  	p0 =	sne.s32 s1, $0x0;
	_ =	strace $0x9000005F  }
0x42: {  	s0 =	sadd.s32 @!p0 $0x100000, s0;
	[bflag:$0x2] =	sbarrier.arrive $0xFFFF  }
0x43: {  	[sflag:s0] =	ssyncadd.tile.s32 @!p0 $0x1;
	_ =	shalt  }
.Lfunc_end2:
_tile_overlayer_lowered:
.L_overlay_start_2:
0x44: {  	(tag) =	ssettag $0x2  }
0x45: {  	s0 =	rddreg [dreg:$0x0];
	s2 =	stileid.u32  }
0x46: {  	s1 =	rddreg [dreg:$0x1];
	p0 =	sne.s32 s2, $0x0  }
0x47: {  	s3 =	rddreg [dreg:$0x2];
	[bflag:$0x3] =	sbarrier.arrive $0xFFFF;
	s2 =	simm.s32 @!p0 $0x1C01  }
0x48: {  	[timem:s3], [sflag:s2] =	dma.local @!p0 [hbm:s0], s1  }
0x49: {  	s0 =	simm.s32 @!p0 $0x1  }
0x4a: {  	_ =	swait.ge @!p0 [sflag:s0], s1  }
0x4b: {  	s1 =	ssub.s32 @!p0 $0x0, s1;
	[sflag:s0] =	ssyncset.done @!p0 $0x0  }
0x4c: {  	[sflag:s0] =	ssyncadd.s32 @!p0 s1  }
0x4d: {  	[bflag:$0x3] =	sbarrier.arrive $0xFFFF  }
0x4e: {  	_ =	shalt  }

// kernel: gather_offload_async_start.6
scs
__scs_entry_jumppad:
0x0: {  	(pc) =	sbr.rel $0x88, $3  }
0x1: {  	(tag) =	ssettag $0x0;
	lr =	simm.s32 $0x1  }
0x2: {  	[smem:$0x3F98] =	sst lr;
	_ =	strace $0xD0000000  }
0x3: {  	_ = 	snop  }
0x4: {  	_ = 	snop  }
0x5: {  	_ = 	snop  }
0x6: {  	_ = 	snop  }
0x7: {  	_ = 	snop  }
__scs_overlays_trampoline_lowered:
0x8: {  	[smem:$0x3FA7] =	sst s0  }
0x9: {  	[smem:$0x3FA8] =	sst s1  }
0xa: {  	[smem:$0x3FA9] =	sst s2  }
0xb: {  	[smem:$0x3FAA] =	sst s3  }
0xc: {  	[smem:$0x3FAB] =	sst s4  }
0xd: {  	[smem:$0x3FAC] =	sst s5  }
0xe: {  	[smem:$0x3FAD] =	sst s6  }
0xf: {  	[smem:$0x3FAE] =	sst s7  }
0x10: {  	[smem:$0x3FAF] =	sst s8  }
0x11: {  	[smem:$0x3FB0] =	sst s9;
	s0 =	simm.s32 @!p0 $0x0  }
0x12: {  	s1 =	sld [smem:$0x3F96];
	s0 =	simm.s32 @p0 $0x1  }
0x13: {  	[smem:$0x3FB1] =	sst s0;
	s0 =	simm.s32 @!p1 $0x0  }
0x14: {  	s2 =	sld [smem:$0x3F95];
	s0 =	simm.s32 @p1 $0x1  }
0x15: {  	[smem:$0x3FB2] =	sst s0;
	s0 =	simm.s32 @!p2 $0x0  }
0x16: {  	s3 =	sld [smem:$0x3FDB];
	s0 =	simm.s32 @p2 $0x1  }
0x17: {  	s4 =	simm.s32 $0x1BF5;
	[smem:$0x3FB4] =	sst s0  }
0x18: {  	s0 =	sld [smem:$0x3F97];
	_ =	swait.ge [sflag:s4], $0x0  }
0x19: {  	s7 =	sld [smem:$0x3F98]  }
0x1a: {  	s8 =	sadd.s32 $0xFFFFE003, lr  }
0x1b: {  	s9 =	sadd.s32 $0xFFFFFEF7, lr;
	s5 =	simm.s32 $0xFFFFFFFF;
	p2 =	slt.u32 s8, $0xFFFFF086  }
0x1c: {  	p1 =	slt.u32 s9, $0xF7A;
	s5 =	simm.s32 @!p2 $0x0  }
0x1d: {  	s5 =	simm.s32 @p1 $0x1;
	p0 =	seq.s32 s7, s2  }
0x1e: {  	s7 =	smul.u32 @!p0 $0xF7A, s2;
	p2 =	seq.s32 @!p0 s5, $0x0  }
0x1f: {  	s9 =	smul.u32 $0xF7A, s1;
	s8 =	simm.s32 @!p0 $0x1BF5;
	p2 =	por !p2, p0  }
0x20: {  	[sflag:s8] =	ssyncset.s32 @!p0 $0xFFFFF086;
	s6 =	sadd.s32 @!p0 s3, s7;
	s7 =	simm.s32 @!p0 $0x108  }
0x21: {  	s3 =	sadd.s32 s3, s9;
	s6 =	sadd.s32 @!p0 $0x88, s6;
	s7 =	simm.s32 @p2 $0x1082  }
0x22: {  	[simem:s7], [sflag:s8] =	dma.local @!p0 [hbm:s6], $0xF7A  }
0x23: {  	s9 =	sor.u32 $0xD0000000, s2;
	s6 =	simm.s32 $0x108;
	_ =	swait.ge @!p0 [sflag:s8], $0x0  }
0x24: {  	s3 =	sadd.s32 $0x88, s3;
	s6 =	simm.s32 @!p1 $0x1082;
	[sflag:s4] =	ssyncset.s32 $0xFFFFF086  }
0x25: {  	[simem:s6], [sflag:s4] =	dma.local [hbm:s3], $0xF7A  }
0x26: {  	[smem:$0x3F98] =	sst s1;
	(tag) =	ssettag s2;
	_ =	strace s9  }
0x27: {  	s1 =	sld [smem:$0x3FA8]  }
0x28: {  	s2 =	sld [smem:$0x3FA9]  }
0x29: {  	s4 =	sld [smem:$0x3FAB]  }
0x2a: {  	p0 =	seq.s32 s5, $0x0;
	s5 =	sld [smem:$0x3FAC]  }
0x2b: {  	s6 =	sld [smem:$0x3FAD]  }
0x2c: {  	s7 =	sld [smem:$0x3FAE]  }
0x2d: {  	s3 =	simm.s32 $0x108;
	s8 =	sld [smem:$0x3FAF]  }
0x2e: {  	s3 =	simm.s32 @!p0 $0x1082;
	s9 =	sld [smem:$0x3FB0]  }
0x2f: {  	lr =	sadd.s32 s0, s3;
	s0 =	sld [smem:$0x3FA7]  }
0x30: {  	s3 =	sld [smem:$0x3FAA]  }
0x31: {  	[smem:$0x3FB3] =	sst s10  }
0x32: {  	s10 =	sld [smem:$0x3FB1];
	_ =	sdelay $0x3  }
0x33: {  	p0 =	seq.s32 s10, $0x1;
	s10 =	sld [smem:$0x3FB3];
	_ =	sdelay $0x3  }
0x34: {  	[smem:$0x3FB3] =	sst s10  }
0x35: {  	s10 =	sld [smem:$0x3FB2];
	_ =	sdelay $0x3  }
0x36: {  	p1 =	seq.s32 s10, $0x1;
	s10 =	sld [smem:$0x3FB3];
	_ =	sdelay $0x3  }
0x37: {  	[smem:$0x3FB3] =	sst s10  }
0x38: {  	s10 =	sld [smem:$0x3FB4]  }
0x39: {  	_ = 	snop;
	(pc) =	sbr.ind lr, $3  }
0x3a: {  	_ = 	snop  }
0x3b: {  	_ = 	snop  }
0x3c: {  	p2 =	seq.s32 s10, $0x1;
	s10 =	sld [smem:$0x3FB3]  }
0x3d: {  	_ =	shalt  }
0x3e: {  	_ =	shalt  }
0x3f: {  	_ =	shalt  }
0x40: {  	_ =	shalt  }
0x41: {  	_ =	shalt  }
0x42: {  	_ =	shalt  }
0x43: {  	_ =	shalt  }
0x44: {  	_ =	shalt  }
0x45: {  	_ =	shalt  }
0x46: {  	_ =	shalt  }
0x47: {  	_ =	shalt  }
0x48: {  	_ =	shalt  }
0x49: {  	_ =	shalt  }
0x4a: {  	_ =	shalt  }
0x4b: {  	_ =	shalt  }
0x4c: {  	_ =	shalt  }
0x4d: {  	_ =	shalt  }
0x4e: {  	_ =	shalt  }
0x4f: {  	_ =	shalt  }
0x50: {  	_ =	shalt  }
0x51: {  	_ =	shalt  }
0x52: {  	_ =	shalt  }
0x53: {  	_ =	shalt  }
0x54: {  	_ =	shalt  }
0x55: {  	_ =	shalt  }
0x56: {  	_ =	shalt  }
0x57: {  	_ =	shalt  }
0x58: {  	_ =	shalt  }
0x59: {  	_ =	shalt  }
0x5a: {  	_ =	shalt  }
0x5b: {  	_ =	shalt  }
0x5c: {  	_ =	shalt  }
0x5d: {  	_ =	shalt  }
0x5e: {  	_ =	shalt  }
0x5f: {  	_ =	shalt  }
0x60: {  	_ =	shalt  }
0x61: {  	_ =	shalt  }
0x62: {  	_ =	shalt  }
0x63: {  	_ =	shalt  }
0x64: {  	_ =	shalt  }
0x65: {  	_ =	shalt  }
0x66: {  	_ =	shalt  }
0x67: {  	_ =	shalt  }
0x68: {  	_ =	shalt  }
0x69: {  	_ =	shalt  }
0x6a: {  	_ =	shalt  }
0x6b: {  	_ =	shalt  }
0x6c: {  	_ =	shalt  }
0x6d: {  	_ =	shalt  }
0x6e: {  	_ =	shalt  }
0x6f: {  	_ =	shalt  }
0x70: {  	_ =	shalt  }
0x71: {  	_ =	shalt  }
0x72: {  	_ =	shalt  }
0x73: {  	_ =	shalt  }
0x74: {  	_ =	shalt  }
0x75: {  	_ =	shalt  }
0x76: {  	_ =	shalt  }
0x77: {  	_ =	shalt  }
0x78: {  	_ =	shalt  }
0x79: {  	_ =	shalt  }
0x7a: {  	_ =	shalt  }
0x7b: {  	_ =	shalt  }
0x7c: {  	_ =	shalt  }
0x7d: {  	_ =	shalt  }
0x7e: {  	_ =	shalt  }
0x7f: {  	_ =	shalt  }
0x80: {  	_ =	shalt  }
0x81: {  	_ =	shalt  }
0x82: {  	_ =	shalt  }
0x83: {  	_ =	shalt  }
0x84: {  	_ =	shalt  }
0x85: {  	_ =	shalt  }
0x86: {  	_ =	shalt  }
0x87: {  	_ =	shalt  }
.Lfunc_end0:
.L_simem_size_0:
called_computation.8_lowered:
.L_overlay_start_0:
0x88: {  	s2 =	sld [smem:$0x3FD9]  }
0x89: {  	s3 =	sld [smem:$0x3FFE];
	_ =	sdelay $0x1  }
0x8a: {  	s1 =	srdreg.scid  }
0x8b: {  	s0 =	sand.u32 $0x1, s1  }
0x8c: {  	s17 =	sshll.u32 s0, $0xA;
	s2 =	sadd.s32 s3, s2  }
0x8d: {  	s2 =	sadd.s32 s2, s17  }
0x8e: {  	[smem:$0x3FBF] =	sst s2  }
0x8f: {  	_ = 	snop  }
0x90: {  	(tm) =	ssettm $0x1  }
0x91: {  	s18 =	sld [smem:$0x3FFB];
	_ =	sdelay $0x3  }
0x92: {  	_ =	strace s18  }
0x93: {  	s2 =	sld [smem:$0x3FFC];
	_ =	sdelay $0x3  }
0x94: {  	_ =	strace s2  }
0x95: {  	s2 =	sld [smem:$0x3FFD];
	_ =	sdelay $0x3  }
0x96: {  	_ =	strace s2  }
0x97: {  	_ =	strace $0x8FFFFFFF  }
0x98: {  	s19 =	sld [smem:$0x3FDB];
	_ =	sdelay $0x1  }
0x99: {  	s20 =	simm.s32 $_scs_section_size  }
0x9a: {  	s4 =	simm.s32 $_size__tile_overlayer_lowered;
	s5 =	simm.s32 $_tile_overlayer_lowered  }
0x9b: {  	s6 =	simm.s32 $0x1BFF;
	s21 =	sshll.u32 s5, $0x1;
	s3 =	sadd.s32 s20, s19  }
0x9c: {  	s22 =	simm.s32 $0x0;
	s4 =	sshll.u32 s4, $0x1;
	s5 =	sadd.s32 s21, s3  }
0x9d: {  	[timem:s22], [sflag:s6] =	dma.local [hbm:s5], s4  }
0x9e: {  	_ =	swait.ge [sflag:s6], s4  }
0x9f: {  	s4 =	ssub.s32 $0x0, s4;
	[sflag:s6] =	ssyncset.done $0x0  }
0xa0: {  	[sflag:s6] =	ssyncadd.s32 s4;
	_ =	sdelay $0x1  }
0xa1: {  	s23 =	simm.s32 $0x1B8B  }
0xa2: {  	_ =	swait.ge [sflag:s23], $0x1  }
0xa3: {  	[sflag:s23] =	ssyncset.done $0x0  }
0xa4: {  	[sflag:s23] =	ssyncadd.s32 $0xFFFFFFFF  }
0xa5: {  	s4 =	sld [smem:$0x0]  }
0xa6: {  	s5 =	sand.u32 $0xFFFFFFFE, s1  }
0xa7: {  	p0 =	sne.s32 s1, s5  }
0xa8: {  	s5 =	sshll.u32 @p0 s5, $0xE  }
0xa9: {  	s5 =	sadd.s32 @p0 $0x11B8D, s5;
	s6 =	sshll.u32 @p0 s4, $0x11  }
0xaa: {  	s5 =	sor.u32 @p0 s6, s5  }
0xab: {  	[sflag:s5] =	ssyncadd.remote.s32 @p0 $0x1;
	_ =	sdelay $0x1  }
0xac: {  	s5 =	simm.s32 @p0 $0x1B8D  }
0xad: {  	_ =	swait.eq @p0 [sflag:s5], $0x1  }
0xae: {  	[sflag:s5] =	ssyncadd.s32 @p0 $0xFFFFFFFF  }
0xaf: {  	s6 =	sshll.u32 @!p0 s1, $0xE  }
0xb0: {  	s6 =	sor.u32 @!p0 $0x4000, s6;
	s5 =	simm.s32 @!p0 $0x1B8D  }
0xb1: {  	s4 =	sshll.u32 @!p0 s4, $0x11;
	s6 =	sadd.s32 @!p0 $0x11B8D, s6;
	_ =	swait.eq @!p0 [sflag:s5], $0x1  }
0xb2: {  	s4 =	sor.u32 @!p0 s4, s6;
	[sflag:s5] =	ssyncadd.s32 @!p0 $0xFFFFFFFF  }
0xb3: {  	s25 =	simm.s32 $0x1B8E;
	s24 =	sld [smem:$0x3FFE];
	[sflag:s4] =	ssyncadd.remote.s32 @!p0 $0x1  }
0xb4: {  	s26 =	simm.s32 $execute0_lowered;
	[smem:$0x3FD2] =	sst s25  }
0xb5: {  	s5 =	sshll.u32 s26, $0x1;
	_ =	strace $0x80000067;
	[dreg:$0x1] =	wrdreg $0xFFFFFFFF  }
0xb6: {  	s28 =	simm.s32 $_size_execute0_lowered;
	s3 =	sadd.s32 s3, s5;
	[dreg:$0x0] =	wrdreg $0x0  }
0xb7: {  	s5 =	sshll.u32 s28, $0x1;
	[dreg:$0x2] =	wrdreg s3  }
0xb8: {  	[dreg:$0x3] =	wrdreg s5  }
0xb9: {  	[dreg:$0x4] =	wrdreg $0xC0  }
0xba: {  	_ =	task [dreg:s22], $0x5FFFF  }
0xbb: {  	[dreg:$0x1] =	wrdreg $0xFFFFFFFF  }
0xbc: {  	[dreg:$0x0] =	wrdreg $0x60  }
0xbd: {  	[dreg:$0x2] =	wrdreg s24  }
0xbe: {  	[dreg:$0x3] =	wrdreg $0xB  }
0xbf: {  	_ =	task.clear_ibuf [dreg:s22], $0x4FFFF;
	_ =	strace $0x90000067  }
0xc0: {  	s29 =	simm.s32 $0xB;
	_ =	strace $0x80000069  }
0xc1: {  	_ =	swait.ge [sflag:s29], $0x1  }
0xc2: {  	[sflag:s29] =	ssyncadd.s32 $0xFFFFFFFF  }
0xc3: {  	_ =	strace $0x90000069  }
0xc4: {  	_ =	sfence  }
0xc5: {  	s30 =	sld [smem:$0x0];
	_ =	sdelay $0x2  }
0xc6: {  	s31 =	sshll.u32 s1, $0xD;
	s1 =	sshrl.u32 s1, $0x2  }
0xc7: {  	s4 =	sand.u32 $0x4000, s31;
	s1 =	sadd.s32 s1, s30  }
0xc8: {  	s0 =	sor.u32 s4, s0;
	s1 =	sshll.u32 s1, $0x11  }
0xc9: {  	s0 =	sor.u32 s1, s0  }
0xca: {  	s0 =	sadd.s32 $0x8F2B, s0  }
0xcb: {  	[sflag:s0] =	ssyncadd.remote.s32 $0x1  }
0xcc: {  	_ =	sfence.sel $0xFFFF  }
0xcd: {  	[dreg:$0x0] =	wrdreg $0xFFFFFFFF;
	(pc) =	sbr.abs _section_cstart, $3  }
0xce: {  	[dreg:$0x1] =	wrdreg $0xFFFFFFFF  }
0xcf: {  	_ =	task.clear_ibuf [dreg:s22], $0x2FFFF;
	_ =	strace $0x9FFFFFFF  }
0xd0: {  	(tm) =	ssettm $0x7FFFFFFF  }
0xd1: {  	_ =	shalt  }
tec
execute0_lowered:
.L_overlay_start_1:
0x0: {  	(tag) =	ssettag $0x1  }
0x1: {  	s0 =	srdreg.scid;
	s5 =	rddreg [dreg:$0x0]  }
0x2: {  	s1 =	stileid.u32;
	s6 =	simm.s32 $0x1;
	s9 =	simm.s32 $0x1  }
0x3: {  	s10 =	simm.s32 $0x3;
	s13 =	simm.s32 $0x0;
	s2 =	sshll.u32 s0, $0x8  }
0x4: {  	s12 =	simm.s32 $0x0;
	s3 =	sshll.u32 s1, $0x9;
	s2 =	sand.u32 $0x100, s2  }
0x5: {  	s0 =	rddreg [dreg:$0x1];
	_ =	strace $0x80000068;
	s2 =	sor.u32 s3, s2  }
0x6: {  	s4 =	sadd.s32 $0x51800, s5;
	[sflag:s6] =	ssyncpa.u1 $0x0;
	s8 =	ssub.s32 $0x4000, s2  }
.Ltmp0:
0x7: {  	s3 =	sadd.s32 $0x28C00, s5;
	s7 =	sand.u32 $0x1F00, s8;
	(pc) =	sbr.rel .LBB2_1-.Ltmp0, $4  }
0x8: {  	s5 =	sadd.s32 $0x52000, s5;
	s11 =	smov.u32 s2;
	p0 =	sne.s32 s7, $0x0  }
0x9: {  	s8 =	sshrl.u32 s8, $0xD;
	s7 =	simm.s32 $0x2;
	s9 =	simm.s32 @!p0 $0x0  }
0xa: {  	[sflag:s7] =	ssyncpa.u1 $0x0;
	p0 =	por $0x0, $0x0;
	s8 =	sadd.s32 s9, s8  }
0xb: {  	vm0 =	vmmov $0xffff;
	[sflag:s10] =	ssyncpa.u1 $0x0;
	s10 =	simm.s32 $0x0;
	s9 =	sadd.s32 $0x1, s8  }
.LBB2_4:
0xc: {  	v2 =	vnsel vm1, $0x0, v2  }
0xd: {  	vm1 =	vgt.s32 v0, $0x0;
	v2 =	vmin.u32 v2, $0x270F  }
0xe: {  	v0 =	vnsel vm1, $0x0, v0  }
0xf: {  	v0 =	vmin.u32 v0, $0x270F  }
0x10: {  	[tilespmem:s15], [sflag:$0x1] =	stream.indirect_vreg.gather [hbm4b:s3+s10], $0x1, v1, vm0, $0x4038;
	[tilespmem:$0x400] =	vst v63  }
0x11: {  	(ifvalue) =	ssetifvalue $0x7FFFFFFF  }
0x12: {  	[tilespmem:s16], [sflag:$0x1] =	stream.indirect_vreg.gather [hbm4b:s3+s10], $0x1, v2, vm0, $0x4038;
	[tilespmem:$0x400] =	vst v63  }
0x13: {  	s29 =	sadd.s32 $0x10, s16;
	(ifvalue) =	ssetifvalue $0x7FFFFFFF  }
0x14: {  	[tilespmem:s29], [sflag:$0x1] =	stream.indirect_vreg.gather [hbm4b:s3+s10], $0x1, v0, vm0, $0x4038;
	[tilespmem:$0x400] =	vst v63  }
0x15: {  	_ =	swait.ge [sflag:s6], $0x100  }
0x16: {  	s30 =	sshrl.u32 s13, $0x3;
	[sflag:s6] =	ssyncset.done $0x0  }
0x17: {  	s31 =	sand.u32 $0x7, s13;
	s15 =	sadd.s32 s5, s30;
	[sflag:s6] =	ssyncadd.s32 $0xFFFFFF00  }
0x18: {  	[hbm4b:s15+s31] =	stream.linear.scatter [tilespmem:s14], [sflag:$0x3], $0x100, $0x38;
	[tilespmem:$0x400] =	vst v63  }
.LBB2_5:
0x19: {  	s15 =	sadd.s32 $0x2000, s11  }
0x1a: {  	p2 =	sgt.s32 s15, $0x3FFF  }
0x1b: {  	s15 =	smov.u32 @p2 s2;
	p2 =	sne.s32 s12, s9  }
.Ltmp1:
0x1c: {  	p1 =	slt.u32 s12, $0x2;
	(pc) =	sbr.rel @!p2 .LBB2_6-.Ltmp1, $4  }
0x1d: {  	s14 =	simm.s32 @!p1 $0x3  }
0x1e: {  	s16 =	sadd.s32 $0x1, s12;
	_ =	swait.ge @!p1 [sflag:s14], $0x100  }
0x1f: {  	s13 =	smov.u32 s11;
	p0 =	por !p0, !p0;
	[sflag:s14] =	ssyncset.done @!p1 $0x0  }
0x20: {  	s12 =	smov.u32 s16;
	s11 =	smov.u32 s15;
	[sflag:s14] =	ssyncadd.s32 @!p1 $0xFFFFFF00  }
.LBB2_1:
0x21: {  	p1 =	sge.u32 s12, s8  }
0x22: {  	s14 =	sxor.u32 @!p1 $0xFFFFFFFF, s12  }
0x23: {  	s31 =	sadd.s32 $0xFFFFFFFF, s12;
	s15 =	sshrl.u32 @!p1 s11, $0x3;
	s14 =	sshll.u32 @!p1 s14, $0x8  }
0x24: {  	s16 =	sand.u32 @!p1 $0x7, s11;
	s15 =	sadd.s32 @!p1 s4, s15;
	s14 =	sand.u32 @!p1 $0x100, s14  }
0x25: {  	[tilespmem:s14], [sflag:$0x2] =	stream.linear.gather @!p1 [hbm4b:s15+s16], $0x100, $0x38;
	[tilespmem:$0x400] =	vst v63  }
0x26: {  	p1 =	sge.u32 s31, s8  }
.Ltmp2:
0x27: {  	_ = 	snop;
	(pc) =	sbr.rel @p1 .LBB2_5-.Ltmp2, $1  }
0x28: {  	_ =	sdelay $0x3  }
0x29: {  	s14 =	simm.s32 $0x1  }
0x2a: {  	_ =	swait.ge [sflag:s7], $0x100;
	s14 =	simm.s32 @!p0 $0x0  }
0x2b: {  	[sflag:s7] =	ssyncset.done $0x0;
	s14 =	sshll.u32 s14, $0x8  }
0x2c: {  	[sflag:s7] =	ssyncadd.s32 $0xFFFFFF00;
	(ifvalue) =	ssetifvalue $0x7FFFFFFF;
	v0 =	vld.msk [tilespmem:s14+$0x0 ss:$0x1], $0xffff;
	_ =	sdelay $0x4  }
0x2d: {  	s15 =	sadd.s32 $0x10, s14;
	vm1 =	vgt.s32 v0, $0x0  }
0x2e: {  	v2 =	vld.msk [tilespmem:s15+$0x0 ss:$0x1], $0xffff;
	v1 =	vnsel vm1, $0x0, v0  }
0x2f: {  	v1 =	vmin.u32 v1, $0x270F;
	_ =	sdelay $0x1  }
0x30: {  	s16 =	sshll.u32 s12, $0x8;
	s18 =	simm.s32 $0x20  }
0x31: {  	s16 =	sand.u32 $0x100, s16;
	s17 =	sadd.s32 $0x10, s15;
	s15 =	sor.u32 $0x200, s14  }
0x32: {  	s14 =	sor.u32 $0x200, s16;
	s16 =	sadd.s32 $0x10, s15;
	v0 =	vld.msk [tilespmem:s17+$0x0 ss:$0x1], $0xffff;
	vm1 =	vgt.s32 v2, $0x0;
	(ifvalue) =	ssetifvalue $0x7FFFFFFF  }
.LBB2_3:
0x33: {  	[tilespmem:s15], [sflag:$0x1] =	stream.indirect_vreg.gather [hbm4b:s3+s10], $0x1, v1, vm0, $0x4038;
	[tilespmem:$0x400] =	vst v63  }
0x34: {  	s18 =	sadd.s32 $0x10, s18  }
0x35: {  	v2 =	vnsel vm1, $0x0, v2;
	p1 =	slt.u32 s18, $0xF0  }
.Ltmp3:
0x36: {  	s15 =	smov.u32 s16;
	v1 =	vmin.u32 v2, $0x270F;
	(pc) =	sbr.rel @p1 .LBB2_3-.Ltmp3, $3  }
0x37: {  	_ =	sdelay $0x1  }
0x38: {  	s17 =	sadd.s32 $0x10, s17  }
0x39: {  	vm1 =	vgt.s32 v0, $0x0;
	s16 =	sadd.s32 $0x10, s16;
	v2 =	vmov v0;
	(ifvalue) =	ssetifvalue $0x7FFFFFFF;
	v0 =	vld.msk [tilespmem:s17+$0x0 ss:$0x1], $0xffff  }
.Ltmp4:
0x3a: {  	_ = 	snop;
	(pc) =	sbr.rel .LBB2_4-.Ltmp4, $1  }
0x3b: {  	_ =	sdelay $0x3  }
.LBB2_6:
0x3c: {  	_ =	sfence.sel $0x180000  }
0x3d: {  	s2 =	simm.s32 $0x2;
	[bflag:$0x0] =	sbarrier.arrive $0xFFFF  }
0x3e: {  	s30 =	simm.s32 $0x3;
	[sflag:s2] =	ssyncpa.u1 $0x1  }
0x3f: {  	s31 =	simm.s32 $0x1;
	[sflag:s30] =	ssyncpa.u1 $0x1  }
0x40: {  	[sflag:s31] =	ssyncpa.u1 $0x1  }
0x41: {  	p0 =	sne.s32 s1, $0x0;
	_ =	strace $0x90000068  }
0x42: {  	s0 =	sadd.s32 @!p0 $0x100000, s0;
	[bflag:$0x2] =	sbarrier.arrive $0xFFFF  }
0x43: {  	[sflag:s0] =	ssyncadd.tile.s32 @!p0 $0x1;
	_ =	shalt  }
.Lfunc_end2:
_tile_overlayer_lowered:
.L_overlay_start_2:
0x44: {  	(tag) =	ssettag $0x2  }
0x45: {  	s0 =	rddreg [dreg:$0x0];
	s2 =	stileid.u32  }
0x46: {  	s1 =	rddreg [dreg:$0x1];
	p0 =	sne.s32 s2, $0x0  }
0x47: {  	s3 =	rddreg [dreg:$0x2];
	[bflag:$0x3] =	sbarrier.arrive $0xFFFF;
	s2 =	simm.s32 @!p0 $0x1C01  }
0x48: {  	[timem:s3], [sflag:s2] =	dma.local @!p0 [hbm:s0], s1  }
0x49: {  	s0 =	simm.s32 @!p0 $0x1  }
0x4a: {  	_ =	swait.ge @!p0 [sflag:s0], s1  }
0x4b: {  	s1 =	ssub.s32 @!p0 $0x0, s1;
	[sflag:s0] =	ssyncset.done @!p0 $0x0  }
0x4c: {  	[sflag:s0] =	ssyncadd.s32 @!p0 s1  }
0x4d: {  	[bflag:$0x3] =	sbarrier.arrive $0xFFFF  }
0x4e: {  	_ =	shalt  }

// kernel: gather_offload_async_start.7
scs
__scs_entry_jumppad:
0x0: {  	(pc) =	sbr.rel $0x88, $3  }
0x1: {  	(tag) =	ssettag $0x0;
	lr =	simm.s32 $0x1  }
0x2: {  	[smem:$0x3F98] =	sst lr;
	_ =	strace $0xD0000000  }
0x3: {  	_ = 	snop  }
0x4: {  	_ = 	snop  }
0x5: {  	_ = 	snop  }
0x6: {  	_ = 	snop  }
0x7: {  	_ = 	snop  }
__scs_overlays_trampoline_lowered:
0x8: {  	[smem:$0x3FA7] =	sst s0  }
0x9: {  	[smem:$0x3FA8] =	sst s1  }
0xa: {  	[smem:$0x3FA9] =	sst s2  }
0xb: {  	[smem:$0x3FAA] =	sst s3  }
0xc: {  	[smem:$0x3FAB] =	sst s4  }
0xd: {  	[smem:$0x3FAC] =	sst s5  }
0xe: {  	[smem:$0x3FAD] =	sst s6  }
0xf: {  	[smem:$0x3FAE] =	sst s7  }
0x10: {  	[smem:$0x3FAF] =	sst s8  }
0x11: {  	[smem:$0x3FB0] =	sst s9;
	s0 =	simm.s32 @!p0 $0x0  }
0x12: {  	s1 =	sld [smem:$0x3F96];
	s0 =	simm.s32 @p0 $0x1  }
0x13: {  	[smem:$0x3FB1] =	sst s0;
	s0 =	simm.s32 @!p1 $0x0  }
0x14: {  	s2 =	sld [smem:$0x3F95];
	s0 =	simm.s32 @p1 $0x1  }
0x15: {  	[smem:$0x3FB2] =	sst s0;
	s0 =	simm.s32 @!p2 $0x0  }
0x16: {  	s3 =	sld [smem:$0x3FDB];
	s0 =	simm.s32 @p2 $0x1  }
0x17: {  	s4 =	simm.s32 $0x1BF5;
	[smem:$0x3FB4] =	sst s0  }
0x18: {  	s0 =	sld [smem:$0x3F97];
	_ =	swait.ge [sflag:s4], $0x0  }
0x19: {  	s7 =	sld [smem:$0x3F98]  }
0x1a: {  	s8 =	sadd.s32 $0xFFFFE003, lr  }
0x1b: {  	s9 =	sadd.s32 $0xFFFFFEF7, lr;
	s5 =	simm.s32 $0xFFFFFFFF;
	p2 =	slt.u32 s8, $0xFFFFF086  }
0x1c: {  	p1 =	slt.u32 s9, $0xF7A;
	s5 =	simm.s32 @!p2 $0x0  }
0x1d: {  	s5 =	simm.s32 @p1 $0x1;
	p0 =	seq.s32 s7, s2  }
0x1e: {  	s7 =	smul.u32 @!p0 $0xF7A, s2;
	p2 =	seq.s32 @!p0 s5, $0x0  }
0x1f: {  	s9 =	smul.u32 $0xF7A, s1;
	s8 =	simm.s32 @!p0 $0x1BF5;
	p2 =	por !p2, p0  }
0x20: {  	[sflag:s8] =	ssyncset.s32 @!p0 $0xFFFFF086;
	s6 =	sadd.s32 @!p0 s3, s7;
	s7 =	simm.s32 @!p0 $0x108  }
0x21: {  	s3 =	sadd.s32 s3, s9;
	s6 =	sadd.s32 @!p0 $0x88, s6;
	s7 =	simm.s32 @p2 $0x1082  }
0x22: {  	[simem:s7], [sflag:s8] =	dma.local @!p0 [hbm:s6], $0xF7A  }
0x23: {  	s9 =	sor.u32 $0xD0000000, s2;
	s6 =	simm.s32 $0x108;
	_ =	swait.ge @!p0 [sflag:s8], $0x0  }
0x24: {  	s3 =	sadd.s32 $0x88, s3;
	s6 =	simm.s32 @!p1 $0x1082;
	[sflag:s4] =	ssyncset.s32 $0xFFFFF086  }
0x25: {  	[simem:s6], [sflag:s4] =	dma.local [hbm:s3], $0xF7A  }
0x26: {  	[smem:$0x3F98] =	sst s1;
	(tag) =	ssettag s2;
	_ =	strace s9  }
0x27: {  	s1 =	sld [smem:$0x3FA8]  }
0x28: {  	s2 =	sld [smem:$0x3FA9]  }
0x29: {  	s4 =	sld [smem:$0x3FAB]  }
0x2a: {  	p0 =	seq.s32 s5, $0x0;
	s5 =	sld [smem:$0x3FAC]  }
0x2b: {  	s6 =	sld [smem:$0x3FAD]  }
0x2c: {  	s7 =	sld [smem:$0x3FAE]  }
0x2d: {  	s3 =	simm.s32 $0x108;
	s8 =	sld [smem:$0x3FAF]  }
0x2e: {  	s3 =	simm.s32 @!p0 $0x1082;
	s9 =	sld [smem:$0x3FB0]  }
0x2f: {  	lr =	sadd.s32 s0, s3;
	s0 =	sld [smem:$0x3FA7]  }
0x30: {  	s3 =	sld [smem:$0x3FAA]  }
0x31: {  	[smem:$0x3FB3] =	sst s10  }
0x32: {  	s10 =	sld [smem:$0x3FB1];
	_ =	sdelay $0x3  }
0x33: {  	p0 =	seq.s32 s10, $0x1;
	s10 =	sld [smem:$0x3FB3];
	_ =	sdelay $0x3  }
0x34: {  	[smem:$0x3FB3] =	sst s10  }
0x35: {  	s10 =	sld [smem:$0x3FB2];
	_ =	sdelay $0x3  }
0x36: {  	p1 =	seq.s32 s10, $0x1;
	s10 =	sld [smem:$0x3FB3];
	_ =	sdelay $0x3  }
0x37: {  	[smem:$0x3FB3] =	sst s10  }
0x38: {  	s10 =	sld [smem:$0x3FB4]  }
0x39: {  	_ = 	snop;
	(pc) =	sbr.ind lr, $3  }
0x3a: {  	_ = 	snop  }
0x3b: {  	_ = 	snop  }
0x3c: {  	p2 =	seq.s32 s10, $0x1;
	s10 =	sld [smem:$0x3FB3]  }
0x3d: {  	_ =	shalt  }
0x3e: {  	_ =	shalt  }
0x3f: {  	_ =	shalt  }
0x40: {  	_ =	shalt  }
0x41: {  	_ =	shalt  }
0x42: {  	_ =	shalt  }
0x43: {  	_ =	shalt  }
0x44: {  	_ =	shalt  }
0x45: {  	_ =	shalt  }
0x46: {  	_ =	shalt  }
0x47: {  	_ =	shalt  }
0x48: {  	_ =	shalt  }
0x49: {  	_ =	shalt  }
0x4a: {  	_ =	shalt  }
0x4b: {  	_ =	shalt  }
0x4c: {  	_ =	shalt  }
0x4d: {  	_ =	shalt  }
0x4e: {  	_ =	shalt  }
0x4f: {  	_ =	shalt  }
0x50: {  	_ =	shalt  }
0x51: {  	_ =	shalt  }
0x52: {  	_ =	shalt  }
0x53: {  	_ =	shalt  }
0x54: {  	_ =	shalt  }
0x55: {  	_ =	shalt  }
0x56: {  	_ =	shalt  }
0x57: {  	_ =	shalt  }
0x58: {  	_ =	shalt  }
0x59: {  	_ =	shalt  }
0x5a: {  	_ =	shalt  }
0x5b: {  	_ =	shalt  }
0x5c: {  	_ =	shalt  }
0x5d: {  	_ =	shalt  }
0x5e: {  	_ =	shalt  }
0x5f: {  	_ =	shalt  }
0x60: {  	_ =	shalt  }
0x61: {  	_ =	shalt  }
0x62: {  	_ =	shalt  }
0x63: {  	_ =	shalt  }
0x64: {  	_ =	shalt  }
0x65: {  	_ =	shalt  }
0x66: {  	_ =	shalt  }
0x67: {  	_ =	shalt  }
0x68: {  	_ =	shalt  }
0x69: {  	_ =	shalt  }
0x6a: {  	_ =	shalt  }
0x6b: {  	_ =	shalt  }
0x6c: {  	_ =	shalt  }
0x6d: {  	_ =	shalt  }
0x6e: {  	_ =	shalt  }
0x6f: {  	_ =	shalt  }
0x70: {  	_ =	shalt  }
0x71: {  	_ =	shalt  }
0x72: {  	_ =	shalt  }
0x73: {  	_ =	shalt  }
0x74: {  	_ =	shalt  }
0x75: {  	_ =	shalt  }
0x76: {  	_ =	shalt  }
0x77: {  	_ =	shalt  }
0x78: {  	_ =	shalt  }
0x79: {  	_ =	shalt  }
0x7a: {  	_ =	shalt  }
0x7b: {  	_ =	shalt  }
0x7c: {  	_ =	shalt  }
0x7d: {  	_ =	shalt  }
0x7e: {  	_ =	shalt  }
0x7f: {  	_ =	shalt  }
0x80: {  	_ =	shalt  }
0x81: {  	_ =	shalt  }
0x82: {  	_ =	shalt  }
0x83: {  	_ =	shalt  }
0x84: {  	_ =	shalt  }
0x85: {  	_ =	shalt  }
0x86: {  	_ =	shalt  }
0x87: {  	_ =	shalt  }
.Lfunc_end0:
.L_simem_size_0:
called_computation.9_lowered:
.L_overlay_start_0:
0x88: {  	s2 =	sld [smem:$0x3FD9]  }
0x89: {  	s3 =	sld [smem:$0x3FFE];
	_ =	sdelay $0x1  }
0x8a: {  	s1 =	srdreg.scid  }
0x8b: {  	s0 =	sand.u32 $0x1, s1  }
0x8c: {  	s17 =	sshll.u32 s0, $0xA;
	s2 =	sadd.s32 s3, s2  }
0x8d: {  	s2 =	sadd.s32 s2, s17  }
0x8e: {  	[smem:$0x3FBF] =	sst s2  }
0x8f: {  	_ = 	snop  }
0x90: {  	(tm) =	ssettm $0x1  }
0x91: {  	s18 =	sld [smem:$0x3FFB];
	_ =	sdelay $0x3  }
0x92: {  	_ =	strace s18  }
0x93: {  	s2 =	sld [smem:$0x3FFC];
	_ =	sdelay $0x3  }
0x94: {  	_ =	strace s2  }
0x95: {  	s2 =	sld [smem:$0x3FFD];
	_ =	sdelay $0x3  }
0x96: {  	_ =	strace s2  }
0x97: {  	_ =	strace $0x8FFFFFFF  }
0x98: {  	s19 =	sld [smem:$0x3FDB];
	_ =	sdelay $0x1  }
0x99: {  	s20 =	simm.s32 $_scs_section_size  }
0x9a: {  	s4 =	simm.s32 $_size__tile_overlayer_lowered;
	s5 =	simm.s32 $_tile_overlayer_lowered  }
0x9b: {  	s6 =	simm.s32 $0x1BFF;
	s21 =	sshll.u32 s5, $0x1;
	s3 =	sadd.s32 s20, s19  }
0x9c: {  	s22 =	simm.s32 $0x0;
	s4 =	sshll.u32 s4, $0x1;
	s5 =	sadd.s32 s21, s3  }
0x9d: {  	[timem:s22], [sflag:s6] =	dma.local [hbm:s5], s4  }
0x9e: {  	_ =	swait.ge [sflag:s6], s4  }
0x9f: {  	s4 =	ssub.s32 $0x0, s4;
	[sflag:s6] =	ssyncset.done $0x0  }
0xa0: {  	[sflag:s6] =	ssyncadd.s32 s4;
	_ =	sdelay $0x1  }
0xa1: {  	s23 =	simm.s32 $0x1B8B  }
0xa2: {  	_ =	swait.ge [sflag:s23], $0x1  }
0xa3: {  	[sflag:s23] =	ssyncset.done $0x0  }
0xa4: {  	[sflag:s23] =	ssyncadd.s32 $0xFFFFFFFF  }
0xa5: {  	s4 =	sld [smem:$0x0]  }
0xa6: {  	s5 =	sand.u32 $0xFFFFFFFE, s1  }
0xa7: {  	p0 =	sne.s32 s1, s5  }
0xa8: {  	s5 =	sshll.u32 @p0 s5, $0xE  }
0xa9: {  	s5 =	sadd.s32 @p0 $0x11B8D, s5;
	s6 =	sshll.u32 @p0 s4, $0x11  }
0xaa: {  	s5 =	sor.u32 @p0 s6, s5  }
0xab: {  	[sflag:s5] =	ssyncadd.remote.s32 @p0 $0x1;
	_ =	sdelay $0x1  }
0xac: {  	s5 =	simm.s32 @p0 $0x1B8D  }
0xad: {  	_ =	swait.eq @p0 [sflag:s5], $0x1  }
0xae: {  	[sflag:s5] =	ssyncadd.s32 @p0 $0xFFFFFFFF  }
0xaf: {  	s6 =	sshll.u32 @!p0 s1, $0xE  }
0xb0: {  	s6 =	sor.u32 @!p0 $0x4000, s6;
	s5 =	simm.s32 @!p0 $0x1B8D  }
0xb1: {  	s4 =	sshll.u32 @!p0 s4, $0x11;
	s6 =	sadd.s32 @!p0 $0x11B8D, s6;
	_ =	swait.eq @!p0 [sflag:s5], $0x1  }
0xb2: {  	s4 =	sor.u32 @!p0 s4, s6;
	[sflag:s5] =	ssyncadd.s32 @!p0 $0xFFFFFFFF  }
0xb3: {  	s25 =	simm.s32 $0x1B8E;
	s24 =	sld [smem:$0x3FFE];
	[sflag:s4] =	ssyncadd.remote.s32 @!p0 $0x1  }
0xb4: {  	s26 =	simm.s32 $execute0_lowered;
	[smem:$0x3FD2] =	sst s25  }
0xb5: {  	s5 =	sshll.u32 s26, $0x1;
	_ =	strace $0x8000006A;
	[dreg:$0x1] =	wrdreg $0xFFFFFFFF  }
0xb6: {  	s28 =	simm.s32 $_size_execute0_lowered;
	s3 =	sadd.s32 s3, s5;
	[dreg:$0x0] =	wrdreg $0x0  }
0xb7: {  	s5 =	sshll.u32 s28, $0x1;
	[dreg:$0x2] =	wrdreg s3  }
0xb8: {  	[dreg:$0x3] =	wrdreg s5  }
0xb9: {  	[dreg:$0x4] =	wrdreg $0xC0  }
0xba: {  	_ =	task [dreg:s22], $0x5FFFF  }
0xbb: {  	[dreg:$0x1] =	wrdreg $0xFFFFFFFF  }
0xbc: {  	[dreg:$0x0] =	wrdreg $0x60  }
0xbd: {  	[dreg:$0x2] =	wrdreg s24  }
0xbe: {  	[dreg:$0x3] =	wrdreg $0x9  }
0xbf: {  	_ =	task.clear_ibuf [dreg:s22], $0x4FFFF;
	_ =	strace $0x9000006A  }
0xc0: {  	s29 =	simm.s32 $0x9;
	_ =	strace $0x8000006C  }
0xc1: {  	_ =	swait.ge [sflag:s29], $0x1  }
0xc2: {  	[sflag:s29] =	ssyncadd.s32 $0xFFFFFFFF  }
0xc3: {  	_ =	strace $0x9000006C  }
0xc4: {  	_ =	sfence  }
0xc5: {  	s30 =	sld [smem:$0x0];
	_ =	sdelay $0x2  }
0xc6: {  	s31 =	sshll.u32 s1, $0xD;
	s1 =	sshrl.u32 s1, $0x2  }
0xc7: {  	s4 =	sand.u32 $0x4000, s31;
	s1 =	sadd.s32 s1, s30  }
0xc8: {  	s0 =	sor.u32 s4, s0;
	s1 =	sshll.u32 s1, $0x11  }
0xc9: {  	s0 =	sor.u32 s1, s0  }
0xca: {  	s0 =	sadd.s32 $0x8F2B, s0  }
0xcb: {  	[sflag:s0] =	ssyncadd.remote.s32 $0x1  }
0xcc: {  	_ =	sfence.sel $0xFFFF  }
0xcd: {  	[dreg:$0x0] =	wrdreg $0xFFFFFFFF;
	(pc) =	sbr.abs _section_cstart, $3  }
0xce: {  	[dreg:$0x1] =	wrdreg $0xFFFFFFFF  }
0xcf: {  	_ =	task.clear_ibuf [dreg:s22], $0x2FFFF;
	_ =	strace $0x9FFFFFFF  }
0xd0: {  	(tm) =	ssettm $0x7FFFFFFF  }
0xd1: {  	_ =	shalt  }
tec
execute0_lowered:
.L_overlay_start_1:
0x0: {  	(tag) =	ssettag $0x1  }
0x1: {  	s0 =	srdreg.scid;
	s5 =	rddreg [dreg:$0x0]  }
0x2: {  	s1 =	stileid.u32;
	s6 =	simm.s32 $0x1;
	s9 =	simm.s32 $0x1  }
0x3: {  	s10 =	simm.s32 $0x3;
	s13 =	simm.s32 $0x0;
	s2 =	sshll.u32 s0, $0x8  }
0x4: {  	s12 =	simm.s32 $0x0;
	s3 =	sshll.u32 s1, $0x9;
	s2 =	sand.u32 $0x100, s2  }
0x5: {  	s0 =	rddreg [dreg:$0x1];
	_ =	strace $0x8000006B;
	s2 =	sor.u32 s3, s2  }
0x6: {  	s4 =	sadd.s32 $0x51800, s5;
	[sflag:s6] =	ssyncpa.u1 $0x0;
	s8 =	ssub.s32 $0x4000, s2  }
.Ltmp0:
0x7: {  	s3 =	sadd.s32 $0x29200, s5;
	s7 =	sand.u32 $0x1F00, s8;
	(pc) =	sbr.rel .LBB2_1-.Ltmp0, $4  }
0x8: {  	s5 =	sadd.s32 $0x27400, s5;
	s11 =	smov.u32 s2;
	p0 =	sne.s32 s7, $0x0  }
0x9: {  	s8 =	sshrl.u32 s8, $0xD;
	s7 =	simm.s32 $0x2;
	s9 =	simm.s32 @!p0 $0x0  }
0xa: {  	[sflag:s7] =	ssyncpa.u1 $0x0;
	p0 =	por $0x0, $0x0;
	s8 =	sadd.s32 s9, s8  }
0xb: {  	vm0 =	vmmov $0xffff;
	[sflag:s10] =	ssyncpa.u1 $0x0;
	s10 =	simm.s32 $0x0;
	s9 =	sadd.s32 $0x1, s8  }
.LBB2_4:
0xc: {  	v2 =	vnsel vm1, $0x0, v2  }
0xd: {  	vm1 =	vgt.s32 v0, $0x0;
	v2 =	vmin.u32 v2, $0x270F  }
0xe: {  	v0 =	vnsel vm1, $0x0, v0  }
0xf: {  	v0 =	vmin.u32 v0, $0x270F  }
0x10: {  	[tilespmem:s15], [sflag:$0x1] =	stream.indirect_vreg.gather [hbm4b:s3+s10], $0x1, v1, vm0, $0x4038;
	[tilespmem:$0x400] =	vst v63  }
0x11: {  	(ifvalue) =	ssetifvalue $0x7FFFFFFF  }
0x12: {  	[tilespmem:s16], [sflag:$0x1] =	stream.indirect_vreg.gather [hbm4b:s3+s10], $0x1, v2, vm0, $0x4038;
	[tilespmem:$0x400] =	vst v63  }
0x13: {  	s29 =	sadd.s32 $0x10, s16;
	(ifvalue) =	ssetifvalue $0x7FFFFFFF  }
0x14: {  	[tilespmem:s29], [sflag:$0x1] =	stream.indirect_vreg.gather [hbm4b:s3+s10], $0x1, v0, vm0, $0x4038;
	[tilespmem:$0x400] =	vst v63  }
0x15: {  	_ =	swait.ge [sflag:s6], $0x100  }
0x16: {  	s30 =	sshrl.u32 s13, $0x3;
	[sflag:s6] =	ssyncset.done $0x0  }
0x17: {  	s31 =	sand.u32 $0x7, s13;
	s15 =	sadd.s32 s5, s30;
	[sflag:s6] =	ssyncadd.s32 $0xFFFFFF00  }
0x18: {  	[hbm4b:s15+s31] =	stream.linear.scatter [tilespmem:s14], [sflag:$0x3], $0x100, $0x38;
	[tilespmem:$0x400] =	vst v63  }
.LBB2_5:
0x19: {  	s15 =	sadd.s32 $0x2000, s11  }
0x1a: {  	p2 =	sgt.s32 s15, $0x3FFF  }
0x1b: {  	s15 =	smov.u32 @p2 s2;
	p2 =	sne.s32 s12, s9  }
.Ltmp1:
0x1c: {  	p1 =	slt.u32 s12, $0x2;
	(pc) =	sbr.rel @!p2 .LBB2_6-.Ltmp1, $4  }
0x1d: {  	s14 =	simm.s32 @!p1 $0x3  }
0x1e: {  	s16 =	sadd.s32 $0x1, s12;
	_ =	swait.ge @!p1 [sflag:s14], $0x100  }
0x1f: {  	s13 =	smov.u32 s11;
	p0 =	por !p0, !p0;
	[sflag:s14] =	ssyncset.done @!p1 $0x0  }
0x20: {  	s12 =	smov.u32 s16;
	s11 =	smov.u32 s15;
	[sflag:s14] =	ssyncadd.s32 @!p1 $0xFFFFFF00  }
.LBB2_1:
0x21: {  	p1 =	sge.u32 s12, s8  }
0x22: {  	s14 =	sxor.u32 @!p1 $0xFFFFFFFF, s12  }
0x23: {  	s31 =	sadd.s32 $0xFFFFFFFF, s12;
	s15 =	sshrl.u32 @!p1 s11, $0x3;
	s14 =	sshll.u32 @!p1 s14, $0x8  }
0x24: {  	s16 =	sand.u32 @!p1 $0x7, s11;
	s15 =	sadd.s32 @!p1 s4, s15;
	s14 =	sand.u32 @!p1 $0x100, s14  }
0x25: {  	[tilespmem:s14], [sflag:$0x2] =	stream.linear.gather @!p1 [hbm4b:s15+s16], $0x100, $0x38;
	[tilespmem:$0x400] =	vst v63  }
0x26: {  	p1 =	sge.u32 s31, s8  }
.Ltmp2:
0x27: {  	_ = 	snop;
	(pc) =	sbr.rel @p1 .LBB2_5-.Ltmp2, $1  }
0x28: {  	_ =	sdelay $0x3  }
0x29: {  	s14 =	simm.s32 $0x1  }
0x2a: {  	_ =	swait.ge [sflag:s7], $0x100;
	s14 =	simm.s32 @!p0 $0x0  }
0x2b: {  	[sflag:s7] =	ssyncset.done $0x0;
	s14 =	sshll.u32 s14, $0x8  }
0x2c: {  	[sflag:s7] =	ssyncadd.s32 $0xFFFFFF00;
	(ifvalue) =	ssetifvalue $0x7FFFFFFF;
	v0 =	vld.msk [tilespmem:s14+$0x0 ss:$0x1], $0xffff;
	_ =	sdelay $0x4  }
0x2d: {  	s15 =	sadd.s32 $0x10, s14;
	vm1 =	vgt.s32 v0, $0x0  }
0x2e: {  	v2 =	vld.msk [tilespmem:s15+$0x0 ss:$0x1], $0xffff;
	v1 =	vnsel vm1, $0x0, v0  }
0x2f: {  	v1 =	vmin.u32 v1, $0x270F;
	_ =	sdelay $0x1  }
0x30: {  	s16 =	sshll.u32 s12, $0x8;
	s18 =	simm.s32 $0x20  }
0x31: {  	s16 =	sand.u32 $0x100, s16;
	s17 =	sadd.s32 $0x10, s15;
	s15 =	sor.u32 $0x200, s14  }
0x32: {  	s14 =	sor.u32 $0x200, s16;
	s16 =	sadd.s32 $0x10, s15;
	v0 =	vld.msk [tilespmem:s17+$0x0 ss:$0x1], $0xffff;
	vm1 =	vgt.s32 v2, $0x0;
	(ifvalue) =	ssetifvalue $0x7FFFFFFF  }
.LBB2_3:
0x33: {  	[tilespmem:s15], [sflag:$0x1] =	stream.indirect_vreg.gather [hbm4b:s3+s10], $0x1, v1, vm0, $0x4038;
	[tilespmem:$0x400] =	vst v63  }
0x34: {  	s18 =	sadd.s32 $0x10, s18  }
0x35: {  	v2 =	vnsel vm1, $0x0, v2;
	p1 =	slt.u32 s18, $0xF0  }
.Ltmp3:
0x36: {  	s15 =	smov.u32 s16;
	v1 =	vmin.u32 v2, $0x270F;
	(pc) =	sbr.rel @p1 .LBB2_3-.Ltmp3, $3  }
0x37: {  	_ =	sdelay $0x1  }
0x38: {  	s17 =	sadd.s32 $0x10, s17  }
0x39: {  	vm1 =	vgt.s32 v0, $0x0;
	s16 =	sadd.s32 $0x10, s16;
	v2 =	vmov v0;
	(ifvalue) =	ssetifvalue $0x7FFFFFFF;
	v0 =	vld.msk [tilespmem:s17+$0x0 ss:$0x1], $0xffff  }
.Ltmp4:
0x3a: {  	_ = 	snop;
	(pc) =	sbr.rel .LBB2_4-.Ltmp4, $1  }
0x3b: {  	_ =	sdelay $0x3  }
.LBB2_6:
0x3c: {  	_ =	sfence.sel $0x180000  }
0x3d: {  	s2 =	simm.s32 $0x2;
	[bflag:$0x0] =	sbarrier.arrive $0xFFFF  }
0x3e: {  	s30 =	simm.s32 $0x3;
	[sflag:s2] =	ssyncpa.u1 $0x1  }
0x3f: {  	s31 =	simm.s32 $0x1;
	[sflag:s30] =	ssyncpa.u1 $0x1  }
0x40: {  	[sflag:s31] =	ssyncpa.u1 $0x1  }
0x41: {  	p0 =	sne.s32 s1, $0x0;
	_ =	strace $0x9000006B  }
0x42: {  	s0 =	sadd.s32 @!p0 $0x100000, s0;
	[bflag:$0x2] =	sbarrier.arrive $0xFFFF  }
0x43: {  	[sflag:s0] =	ssyncadd.tile.s32 @!p0 $0x1;
	_ =	shalt  }
.Lfunc_end2:
_tile_overlayer_lowered:
.L_overlay_start_2:
0x44: {  	(tag) =	ssettag $0x2  }
0x45: {  	s0 =	rddreg [dreg:$0x0];
	s2 =	stileid.u32  }
0x46: {  	s1 =	rddreg [dreg:$0x1];
	p0 =	sne.s32 s2, $0x0  }
0x47: {  	s3 =	rddreg [dreg:$0x2];
	[bflag:$0x3] =	sbarrier.arrive $0xFFFF;
	s2 =	simm.s32 @!p0 $0x1C01  }
0x48: {  	[timem:s3], [sflag:s2] =	dma.local @!p0 [hbm:s0], s1  }
0x49: {  	s0 =	simm.s32 @!p0 $0x1  }
0x4a: {  	_ =	swait.ge @!p0 [sflag:s0], s1  }
0x4b: {  	s1 =	ssub.s32 @!p0 $0x0, s1;
	[sflag:s0] =	ssyncset.done @!p0 $0x0  }
0x4c: {  	[sflag:s0] =	ssyncadd.s32 @!p0 s1  }
0x4d: {  	[bflag:$0x3] =	sbarrier.arrive $0xFFFF  }
0x4e: {  	_ =	shalt  }

// kernel: gather_offload_async_start
scs
__scs_entry_jumppad:
0x0: {  	(pc) =	sbr.rel $0x88, $3  }
0x1: {  	(tag) =	ssettag $0x0;
	lr =	simm.s32 $0x1  }
0x2: {  	[smem:$0x3F98] =	sst lr;
	_ =	strace $0xD0000000  }
0x3: {  	_ = 	snop  }
0x4: {  	_ = 	snop  }
0x5: {  	_ = 	snop  }
0x6: {  	_ = 	snop  }
0x7: {  	_ = 	snop  }
__scs_overlays_trampoline_lowered:
0x8: {  	[smem:$0x3FA7] =	sst s0  }
0x9: {  	[smem:$0x3FA8] =	sst s1  }
0xa: {  	[smem:$0x3FA9] =	sst s2  }
0xb: {  	[smem:$0x3FAA] =	sst s3  }
0xc: {  	[smem:$0x3FAB] =	sst s4  }
0xd: {  	[smem:$0x3FAC] =	sst s5  }
0xe: {  	[smem:$0x3FAD] =	sst s6  }
0xf: {  	[smem:$0x3FAE] =	sst s7  }
0x10: {  	[smem:$0x3FAF] =	sst s8  }
0x11: {  	[smem:$0x3FB0] =	sst s9;
	s0 =	simm.s32 @!p0 $0x0  }
0x12: {  	s1 =	sld [smem:$0x3F96];
	s0 =	simm.s32 @p0 $0x1  }
0x13: {  	[smem:$0x3FB1] =	sst s0;
	s0 =	simm.s32 @!p1 $0x0  }
0x14: {  	s2 =	sld [smem:$0x3F95];
	s0 =	simm.s32 @p1 $0x1  }
0x15: {  	[smem:$0x3FB2] =	sst s0;
	s0 =	simm.s32 @!p2 $0x0  }
0x16: {  	s3 =	sld [smem:$0x3FDB];
	s0 =	simm.s32 @p2 $0x1  }
0x17: {  	s4 =	simm.s32 $0x1BF5;
	[smem:$0x3FB4] =	sst s0  }
0x18: {  	s0 =	sld [smem:$0x3F97];
	_ =	swait.ge [sflag:s4], $0x0  }
0x19: {  	s7 =	sld [smem:$0x3F98]  }
0x1a: {  	s8 =	sadd.s32 $0xFFFFE003, lr  }
0x1b: {  	s9 =	sadd.s32 $0xFFFFFEF7, lr;
	s5 =	simm.s32 $0xFFFFFFFF;
	p2 =	slt.u32 s8, $0xFFFFF086  }
0x1c: {  	p1 =	slt.u32 s9, $0xF7A;
	s5 =	simm.s32 @!p2 $0x0  }
0x1d: {  	s5 =	simm.s32 @p1 $0x1;
	p0 =	seq.s32 s7, s2  }
0x1e: {  	s7 =	smul.u32 @!p0 $0xF7A, s2;
	p2 =	seq.s32 @!p0 s5, $0x0  }
0x1f: {  	s9 =	smul.u32 $0xF7A, s1;
	s8 =	simm.s32 @!p0 $0x1BF5;
	p2 =	por !p2, p0  }
0x20: {  	[sflag:s8] =	ssyncset.s32 @!p0 $0xFFFFF086;
	s6 =	sadd.s32 @!p0 s3, s7;
	s7 =	simm.s32 @!p0 $0x108  }
0x21: {  	s3 =	sadd.s32 s3, s9;
	s6 =	sadd.s32 @!p0 $0x88, s6;
	s7 =	simm.s32 @p2 $0x1082  }
0x22: {  	[simem:s7], [sflag:s8] =	dma.local @!p0 [hbm:s6], $0xF7A  }
0x23: {  	s9 =	sor.u32 $0xD0000000, s2;
	s6 =	simm.s32 $0x108;
	_ =	swait.ge @!p0 [sflag:s8], $0x0  }
0x24: {  	s3 =	sadd.s32 $0x88, s3;
	s6 =	simm.s32 @!p1 $0x1082;
	[sflag:s4] =	ssyncset.s32 $0xFFFFF086  }
0x25: {  	[simem:s6], [sflag:s4] =	dma.local [hbm:s3], $0xF7A  }
0x26: {  	[smem:$0x3F98] =	sst s1;
	(tag) =	ssettag s2;
	_ =	strace s9  }
0x27: {  	s1 =	sld [smem:$0x3FA8]  }
0x28: {  	s2 =	sld [smem:$0x3FA9]  }
0x29: {  	s4 =	sld [smem:$0x3FAB]  }
0x2a: {  	p0 =	seq.s32 s5, $0x0;
	s5 =	sld [smem:$0x3FAC]  }
0x2b: {  	s6 =	sld [smem:$0x3FAD]  }
0x2c: {  	s7 =	sld [smem:$0x3FAE]  }
0x2d: {  	s3 =	simm.s32 $0x108;
	s8 =	sld [smem:$0x3FAF]  }
0x2e: {  	s3 =	simm.s32 @!p0 $0x1082;
	s9 =	sld [smem:$0x3FB0]  }
0x2f: {  	lr =	sadd.s32 s0, s3;
	s0 =	sld [smem:$0x3FA7]  }
0x30: {  	s3 =	sld [smem:$0x3FAA]  }
0x31: {  	[smem:$0x3FB3] =	sst s10  }
0x32: {  	s10 =	sld [smem:$0x3FB1];
	_ =	sdelay $0x3  }
0x33: {  	p0 =	seq.s32 s10, $0x1;
	s10 =	sld [smem:$0x3FB3];
	_ =	sdelay $0x3  }
0x34: {  	[smem:$0x3FB3] =	sst s10  }
0x35: {  	s10 =	sld [smem:$0x3FB2];
	_ =	sdelay $0x3  }
0x36: {  	p1 =	seq.s32 s10, $0x1;
	s10 =	sld [smem:$0x3FB3];
	_ =	sdelay $0x3  }
0x37: {  	[smem:$0x3FB3] =	sst s10  }
0x38: {  	s10 =	sld [smem:$0x3FB4]  }
0x39: {  	_ = 	snop;
	(pc) =	sbr.ind lr, $3  }
0x3a: {  	_ = 	snop  }
0x3b: {  	_ = 	snop  }
0x3c: {  	p2 =	seq.s32 s10, $0x1;
	s10 =	sld [smem:$0x3FB3]  }
0x3d: {  	_ =	shalt  }
0x3e: {  	_ =	shalt  }
0x3f: {  	_ =	shalt  }
0x40: {  	_ =	shalt  }
0x41: {  	_ =	shalt  }
0x42: {  	_ =	shalt  }
0x43: {  	_ =	shalt  }
0x44: {  	_ =	shalt  }
0x45: {  	_ =	shalt  }
0x46: {  	_ =	shalt  }
0x47: {  	_ =	shalt  }
0x48: {  	_ =	shalt  }
0x49: {  	_ =	shalt  }
0x4a: {  	_ =	shalt  }
0x4b: {  	_ =	shalt  }
0x4c: {  	_ =	shalt  }
0x4d: {  	_ =	shalt  }
0x4e: {  	_ =	shalt  }
0x4f: {  	_ =	shalt  }
0x50: {  	_ =	shalt  }
0x51: {  	_ =	shalt  }
0x52: {  	_ =	shalt  }
0x53: {  	_ =	shalt  }
0x54: {  	_ =	shalt  }
0x55: {  	_ =	shalt  }
0x56: {  	_ =	shalt  }
0x57: {  	_ =	shalt  }
0x58: {  	_ =	shalt  }
0x59: {  	_ =	shalt  }
0x5a: {  	_ =	shalt  }
0x5b: {  	_ =	shalt  }
0x5c: {  	_ =	shalt  }
0x5d: {  	_ =	shalt  }
0x5e: {  	_ =	shalt  }
0x5f: {  	_ =	shalt  }
0x60: {  	_ =	shalt  }
0x61: {  	_ =	shalt  }
0x62: {  	_ =	shalt  }
0x63: {  	_ =	shalt  }
0x64: {  	_ =	shalt  }
0x65: {  	_ =	shalt  }
0x66: {  	_ =	shalt  }
0x67: {  	_ =	shalt  }
0x68: {  	_ =	shalt  }
0x69: {  	_ =	shalt  }
0x6a: {  	_ =	shalt  }
0x6b: {  	_ =	shalt  }
0x6c: {  	_ =	shalt  }
0x6d: {  	_ =	shalt  }
0x6e: {  	_ =	shalt  }
0x6f: {  	_ =	shalt  }
0x70: {  	_ =	shalt  }
0x71: {  	_ =	shalt  }
0x72: {  	_ =	shalt  }
0x73: {  	_ =	shalt  }
0x74: {  	_ =	shalt  }
0x75: {  	_ =	shalt  }
0x76: {  	_ =	shalt  }
0x77: {  	_ =	shalt  }
0x78: {  	_ =	shalt  }
0x79: {  	_ =	shalt  }
0x7a: {  	_ =	shalt  }
0x7b: {  	_ =	shalt  }
0x7c: {  	_ =	shalt  }
0x7d: {  	_ =	shalt  }
0x7e: {  	_ =	shalt  }
0x7f: {  	_ =	shalt  }
0x80: {  	_ =	shalt  }
0x81: {  	_ =	shalt  }
0x82: {  	_ =	shalt  }
0x83: {  	_ =	shalt  }
0x84: {  	_ =	shalt  }
0x85: {  	_ =	shalt  }
0x86: {  	_ =	shalt  }
0x87: {  	_ =	shalt  }
.Lfunc_end0:
.L_simem_size_0:
called_computation.2_lowered:
.L_overlay_start_0:
0x88: {  	s2 =	sld [smem:$0x3FD9]  }
0x89: {  	s3 =	sld [smem:$0x3FFE];
	_ =	sdelay $0x1  }
0x8a: {  	s1 =	srdreg.scid  }
0x8b: {  	s0 =	sand.u32 $0x1, s1  }
0x8c: {  	s17 =	sshll.u32 s0, $0xA;
	s2 =	sadd.s32 s3, s2  }
0x8d: {  	s2 =	sadd.s32 s2, s17  }
0x8e: {  	[smem:$0x3FBF] =	sst s2  }
0x8f: {  	_ = 	snop  }
0x90: {  	(tm) =	ssettm $0x1  }
0x91: {  	s18 =	sld [smem:$0x3FFB];
	_ =	sdelay $0x3  }
0x92: {  	_ =	strace s18  }
0x93: {  	s2 =	sld [smem:$0x3FFC];
	_ =	sdelay $0x3  }
0x94: {  	_ =	strace s2  }
0x95: {  	s2 =	sld [smem:$0x3FFD];
	_ =	sdelay $0x3  }
0x96: {  	_ =	strace s2  }
0x97: {  	_ =	strace $0x8FFFFFFF  }
0x98: {  	s19 =	sld [smem:$0x3FDB];
	_ =	sdelay $0x1  }
0x99: {  	s20 =	simm.s32 $_scs_section_size  }
0x9a: {  	s4 =	simm.s32 $_size__tile_overlayer_lowered;
	s5 =	simm.s32 $_tile_overlayer_lowered  }
0x9b: {  	s6 =	simm.s32 $0x1BFF;
	s21 =	sshll.u32 s5, $0x1;
	s3 =	sadd.s32 s20, s19  }
0x9c: {  	s22 =	simm.s32 $0x0;
	s4 =	sshll.u32 s4, $0x1;
	s5 =	sadd.s32 s21, s3  }
0x9d: {  	[timem:s22], [sflag:s6] =	dma.local [hbm:s5], s4  }
0x9e: {  	_ =	swait.ge [sflag:s6], s4  }
0x9f: {  	s4 =	ssub.s32 $0x0, s4;
	[sflag:s6] =	ssyncset.done $0x0  }
0xa0: {  	[sflag:s6] =	ssyncadd.s32 s4;
	_ =	sdelay $0x1  }
0xa1: {  	s23 =	simm.s32 $0x1B8B  }
0xa2: {  	_ =	swait.ge [sflag:s23], $0x1  }
0xa3: {  	[sflag:s23] =	ssyncset.done $0x0  }
0xa4: {  	[sflag:s23] =	ssyncadd.s32 $0xFFFFFFFF  }
0xa5: {  	s4 =	sld [smem:$0x0]  }
0xa6: {  	s5 =	sand.u32 $0xFFFFFFFE, s1  }
0xa7: {  	p0 =	sne.s32 s1, s5  }
0xa8: {  	s5 =	sshll.u32 @p0 s5, $0xE  }
0xa9: {  	s5 =	sadd.s32 @p0 $0x11B8D, s5;
	s6 =	sshll.u32 @p0 s4, $0x11  }
0xaa: {  	s5 =	sor.u32 @p0 s6, s5  }
0xab: {  	[sflag:s5] =	ssyncadd.remote.s32 @p0 $0x1;
	_ =	sdelay $0x1  }
0xac: {  	s5 =	simm.s32 @p0 $0x1B8D  }
0xad: {  	_ =	swait.eq @p0 [sflag:s5], $0x1  }
0xae: {  	[sflag:s5] =	ssyncadd.s32 @p0 $0xFFFFFFFF  }
0xaf: {  	s6 =	sshll.u32 @!p0 s1, $0xE  }
0xb0: {  	s6 =	sor.u32 @!p0 $0x4000, s6;
	s5 =	simm.s32 @!p0 $0x1B8D  }
0xb1: {  	s4 =	sshll.u32 @!p0 s4, $0x11;
	s6 =	sadd.s32 @!p0 $0x11B8D, s6;
	_ =	swait.eq @!p0 [sflag:s5], $0x1  }
0xb2: {  	s4 =	sor.u32 @!p0 s4, s6;
	[sflag:s5] =	ssyncadd.s32 @!p0 $0xFFFFFFFF  }
0xb3: {  	s25 =	simm.s32 $0x1B8E;
	s24 =	sld [smem:$0x3FFE];
	[sflag:s4] =	ssyncadd.remote.s32 @!p0 $0x1  }
0xb4: {  	s26 =	simm.s32 $execute0_lowered;
	[smem:$0x3FD2] =	sst s25  }
0xb5: {  	s5 =	sshll.u32 s26, $0x1;
	_ =	strace $0x8000004F;
	[dreg:$0x1] =	wrdreg $0xFFFFFFFF  }
0xb6: {  	s28 =	simm.s32 $_size_execute0_lowered;
	s3 =	sadd.s32 s3, s5;
	[dreg:$0x0] =	wrdreg $0x0  }
0xb7: {  	s5 =	sshll.u32 s28, $0x1;
	[dreg:$0x2] =	wrdreg s3  }
0xb8: {  	[dreg:$0x3] =	wrdreg s5  }
0xb9: {  	[dreg:$0x4] =	wrdreg $0xC0  }
0xba: {  	_ =	task [dreg:s22], $0x5FFFF  }
0xbb: {  	[dreg:$0x1] =	wrdreg $0xFFFFFFFF  }
0xbc: {  	[dreg:$0x0] =	wrdreg $0x60  }
0xbd: {  	[dreg:$0x2] =	wrdreg s24  }
0xbe: {  	[dreg:$0x3] =	wrdreg $0x9  }
0xbf: {  	_ =	task.clear_ibuf [dreg:s22], $0x4FFFF;
	_ =	strace $0x9000004F  }
0xc0: {  	s29 =	simm.s32 $0x9;
	_ =	strace $0x80000051  }
0xc1: {  	_ =	swait.ge [sflag:s29], $0x1  }
0xc2: {  	[sflag:s29] =	ssyncadd.s32 $0xFFFFFFFF  }
0xc3: {  	_ =	strace $0x90000051  }
0xc4: {  	_ =	sfence  }
0xc5: {  	s30 =	sld [smem:$0x0];
	_ =	sdelay $0x2  }
0xc6: {  	s31 =	sshll.u32 s1, $0xD;
	s1 =	sshrl.u32 s1, $0x2  }
0xc7: {  	s4 =	sand.u32 $0x4000, s31;
	s1 =	sadd.s32 s1, s30  }
0xc8: {  	s0 =	sor.u32 s4, s0;
	s1 =	sshll.u32 s1, $0x11  }
0xc9: {  	s0 =	sor.u32 s1, s0  }
0xca: {  	s0 =	sadd.s32 $0x8F2B, s0  }
0xcb: {  	[sflag:s0] =	ssyncadd.remote.s32 $0x1  }
0xcc: {  	_ =	sfence.sel $0xFFFF  }
0xcd: {  	[dreg:$0x0] =	wrdreg $0xFFFFFFFF;
	(pc) =	sbr.abs _section_cstart, $3  }
0xce: {  	[dreg:$0x1] =	wrdreg $0xFFFFFFFF  }
0xcf: {  	_ =	task.clear_ibuf [dreg:s22], $0x2FFFF;
	_ =	strace $0x9FFFFFFF  }
0xd0: {  	(tm) =	ssettm $0x7FFFFFFF  }
0xd1: {  	_ =	shalt  }
tec
execute0_lowered:
.L_overlay_start_1:
0x0: {  	(tag) =	ssettag $0x1  }
0x1: {  	s8 =	rddreg [dreg:$0x0]  }
0x2: {  	s0 =	rddreg [dreg:$0x1];
	_ =	strace $0x80000050;
	s1 =	stileid.u32  }
0x3: {  	s3 =	srdreg.scid;
	s4 =	simm.s32 $0x1;
	s7 =	simm.s32 $0x1  }
0x4: {  	s9 =	simm.s32 $0x1;
	s10 =	simm.s32 $0x3;
	s13 =	simm.s32 $0x0  }
0x5: {  	s12 =	simm.s32 $0x0;
	s5 =	sand.u32 $0x1, s3;
	s6 =	sshll.u32 s1, $0x1  }
0x6: {  	s2 =	sadd.s32 $0xCE00, s8;
	s3 =	sadd.s32 $0x20C00, s8;
	s5 =	sor.u32 s6, s5  }
.Ltmp0:
0x7: {  	[sflag:s4] =	ssyncpa.u1 $0x0;
	p0 =	slt.u32 s5, $0x9;
	(pc) =	sbr.rel .LBB2_1-.Ltmp0, $4  }
0x8: {  	s6 =	simm.s32 $0x2;
	s7 =	simm.s32 @!p0 $0x0;
	p0 =	sne.s32 s5, $0x8  }
0x9: {  	[sflag:s6] =	ssyncpa.u1 $0x0;
	s5 =	smul.u32 $0x1F40, s5;
	s9 =	simm.s32 @!p0 $0x0  }
0xa: {  	s8 =	sadd.s32 $0x68A00, s8;
	[sflag:s10] =	ssyncpa.u1 $0x0;
	s7 =	sadd.s32 s9, s7  }
0xb: {  	vm0 =	vmmov $0xffff;
	s10 =	simm.s32 $0x0;
	s11 =	smov.u32 s5;
	s9 =	sadd.s32 $0x1, s7  }
.LBB2_4:
0xc: {  	v2 =	vnsel vm1, $0x0, v2  }
0xd: {  	vm1 =	vgt.s32 v0, $0x0;
	v2 =	vmin.u32 v2, $0x4E1FF  }
0xe: {  	v0 =	vnsel vm1, $0x0, v0  }
0xf: {  	v0 =	vmin.u32 v0, $0x4E1FF  }
0x10: {  	[tilespmem:s18], [sflag:$0x1] =	stream.indirect_vreg.gather [hbm4b:s2+s10], $0x1, v1, vm0, $0x4038;
	[tilespmem:$0x7D00] =	vst v63  }
0x11: {  	(ifvalue) =	ssetifvalue $0x7FFFFFFF  }
0x12: {  	[tilespmem:s15], [sflag:$0x1] =	stream.indirect_vreg.gather [hbm4b:s2+s10], $0x1, v2, vm0, $0x4038;
	[tilespmem:$0x7D00] =	vst v63  }
0x13: {  	s29 =	sadd.s32 $0x10, s15;
	(ifvalue) =	ssetifvalue $0x7FFFFFFF  }
0x14: {  	[tilespmem:s29], [sflag:$0x1] =	stream.indirect_vreg.gather [hbm4b:s2+s10], $0x1, v0, vm0, $0x4038;
	[tilespmem:$0x7D00] =	vst v63  }
0x15: {  	_ =	swait.ge [sflag:s4], $0x1F40  }
0x16: {  	s30 =	sshrl.u32 s13, $0x3;
	[sflag:s4] =	ssyncset.done $0x0  }
0x17: {  	s31 =	sand.u32 $0x7, s13;
	s15 =	sadd.s32 s8, s30;
	[sflag:s4] =	ssyncadd.s32 $0xFFFFE0C0  }
0x18: {  	[hbm4b:s15+s31] =	stream.linear.scatter [tilespmem:s14], [sflag:$0x3], $0x1F40, $0x38;
	[tilespmem:$0x7D00] =	vst v63  }
.LBB2_5:
0x19: {  	s15 =	sadd.s32 $0x3E800, s11  }
0x1a: {  	p1 =	sgt.s32 s15, $0x4E1FF  }
0x1b: {  	s15 =	smov.u32 @p1 s5;
	p1 =	sne.s32 s12, s9  }
.Ltmp1:
0x1c: {  	p0 =	slt.u32 s12, $0x2;
	(pc) =	sbr.rel @!p1 .LBB2_6-.Ltmp1, $4  }
0x1d: {  	s14 =	simm.s32 @!p0 $0x3  }
0x1e: {  	_ =	swait.ge @!p0 [sflag:s14], $0x1F40  }
0x1f: {  	s16 =	sadd.s32 $0x1, s12;
	s13 =	smov.u32 s11;
	[sflag:s14] =	ssyncset.done @!p0 $0x0  }
0x20: {  	s12 =	smov.u32 s16;
	s11 =	smov.u32 s15;
	[sflag:s14] =	ssyncadd.s32 @!p0 $0xFFFFE0C0  }
.LBB2_1:
0x21: {  	p0 =	sge.u32 s12, s7  }
0x22: {  	s14 =	sxor.u32 @!p0 $0x1, s12  }
0x23: {  	s14 =	smul.u32 @!p0 $0x7D00, s14  }
0x24: {  	s31 =	sadd.s32 $0xFFFFFFFF, s12;
	s15 =	sshrl.u32 @!p0 s11, $0x3  }
0x25: {  	s16 =	sand.u32 @!p0 $0x7, s11;
	s15 =	sadd.s32 @!p0 s3, s15;
	s14 =	sshra.s32 @!p0 s14, $0x2  }
0x26: {  	[tilespmem:s14], [sflag:$0x2] =	stream.linear.gather @!p0 [hbm4b:s15+s16], $0x1F40, $0x38;
	[tilespmem:$0x7D00] =	vst v63  }
0x27: {  	p0 =	sge.u32 s31, s7  }
.Ltmp2:
0x28: {  	_ = 	snop;
	(pc) =	sbr.rel @p0 .LBB2_5-.Ltmp2, $1  }
0x29: {  	_ =	sdelay $0x3  }
0x2a: {  	s14 =	sand.u32 $0x1, s12  }
0x2b: {  	_ =	swait.ge [sflag:s6], $0x1F40;
	p0 =	seq.s32 s14, $0x1;
	s14 =	simm.s32 $0x1F40  }
0x2c: {  	[sflag:s6] =	ssyncset.done $0x0;
	s14 =	simm.s32 @!p0 $0x0  }
0x2d: {  	[sflag:s6] =	ssyncadd.s32 $0xFFFFE0C0;
	(ifvalue) =	ssetifvalue $0x7FFFFFFF;
	v0 =	vld.msk [tilespmem:s14+$0x0 ss:$0x1], $0xffff;
	_ =	sdelay $0x4  }
0x2e: {  	s15 =	sadd.s32 $0x10, s14;
	vm1 =	vgt.s32 v0, $0x0  }
0x2f: {  	v2 =	vld.msk [tilespmem:s15+$0x0 ss:$0x1], $0xffff;
	v1 =	vnsel vm1, $0x0, v0  }
0x30: {  	v1 =	vmin.u32 v1, $0x4E1FF;
	_ =	sdelay $0x2  }
0x31: {  	s17 =	simm.s32 $0x20;
	s14 =	sadd.s32 $0x3E80, s14;
	s16 =	sadd.s32 $0x10, s15  }
0x32: {  	s15 =	sadd.s32 $0x10, s14;
	s18 =	smov.u32 s14;
	v0 =	vld.msk [tilespmem:s16+$0x0 ss:$0x1], $0xffff;
	vm1 =	vgt.s32 v2, $0x0;
	(ifvalue) =	ssetifvalue $0x7FFFFFFF  }
.LBB2_3:
0x33: {  	[tilespmem:s18], [sflag:$0x1] =	stream.indirect_vreg.gather [hbm4b:s2+s10], $0x1, v1, vm0, $0x4038;
	[tilespmem:$0x7D00] =	vst v63  }
0x34: {  	s17 =	sadd.s32 $0x10, s17  }
0x35: {  	v2 =	vnsel vm1, $0x0, v2;
	p0 =	slt.u32 s17, $0x1F30  }
.Ltmp3:
0x36: {  	s18 =	smov.u32 s15;
	v1 =	vmin.u32 v2, $0x4E1FF;
	(pc) =	sbr.rel @p0 .LBB2_3-.Ltmp3, $3  }
0x37: {  	_ =	sdelay $0x1  }
0x38: {  	s16 =	sadd.s32 $0x10, s16  }
0x39: {  	vm1 =	vgt.s32 v0, $0x0;
	s15 =	sadd.s32 $0x10, s15;
	v2 =	vmov v0;
	(ifvalue) =	ssetifvalue $0x7FFFFFFF;
	v0 =	vld.msk [tilespmem:s16+$0x0 ss:$0x1], $0xffff  }
.Ltmp4:
0x3a: {  	_ = 	snop;
	(pc) =	sbr.rel .LBB2_4-.Ltmp4, $1  }
0x3b: {  	_ =	sdelay $0x3  }
.LBB2_6:
0x3c: {  	_ =	sfence.sel $0x180000  }
0x3d: {  	s2 =	simm.s32 $0x2;
	[bflag:$0x0] =	sbarrier.arrive $0xFFFF  }
0x3e: {  	s30 =	simm.s32 $0x3;
	[sflag:s2] =	ssyncpa.u1 $0x1  }
0x3f: {  	s31 =	simm.s32 $0x1;
	[sflag:s30] =	ssyncpa.u1 $0x1  }
0x40: {  	[sflag:s31] =	ssyncpa.u1 $0x1  }
0x41: {  	p0 =	sne.s32 s1, $0x0;
	_ =	strace $0x90000050  }
0x42: {  	s0 =	sadd.s32 @!p0 $0x100000, s0;
	[bflag:$0x2] =	sbarrier.arrive $0xFFFF  }
0x43: {  	[sflag:s0] =	ssyncadd.tile.s32 @!p0 $0x1;
	_ =	shalt  }
.Lfunc_end2:
_tile_overlayer_lowered:
.L_overlay_start_2:
0x44: {  	(tag) =	ssettag $0x2  }
0x45: {  	s0 =	rddreg [dreg:$0x0];
	s2 =	stileid.u32  }
0x46: {  	s1 =	rddreg [dreg:$0x1];
	p0 =	sne.s32 s2, $0x0  }
0x47: {  	s3 =	rddreg [dreg:$0x2];
	[bflag:$0x3] =	sbarrier.arrive $0xFFFF;
	s2 =	simm.s32 @!p0 $0x1C01  }
0x48: {  	[timem:s3], [sflag:s2] =	dma.local @!p0 [hbm:s0], s1  }
0x49: {  	s0 =	simm.s32 @!p0 $0x1  }
0x4a: {  	_ =	swait.ge @!p0 [sflag:s0], s1  }
0x4b: {  	s1 =	ssub.s32 @!p0 $0x0, s1;
	[sflag:s0] =	ssyncset.done @!p0 $0x0  }
0x4c: {  	[sflag:s0] =	ssyncadd.s32 @!p0 s1  }
0x4d: {  	[bflag:$0x3] =	sbarrier.arrive $0xFFFF  }
0x4e: {  	_ =	shalt  }

// kernel: kernel.11.cloned.1.call-start
scs
__scs_entry_jumppad:
0x0: {  	(pc) =	sbr.rel $0x88, $3  }
0x1: {  	(tag) =	ssettag $0x0;
	lr =	simm.s32 $0x1  }
0x2: {  	[smem:$0x3F98] =	sst lr;
	_ =	strace $0xD0000000  }
0x3: {  	_ = 	snop  }
0x4: {  	_ = 	snop  }
0x5: {  	_ = 	snop  }
0x6: {  	_ = 	snop  }
0x7: {  	_ = 	snop  }
__scs_overlays_trampoline_lowered:
0x8: {  	[smem:$0x3FA7] =	sst s0  }
0x9: {  	[smem:$0x3FA8] =	sst s1  }
0xa: {  	[smem:$0x3FA9] =	sst s2  }
0xb: {  	[smem:$0x3FAA] =	sst s3  }
0xc: {  	[smem:$0x3FAB] =	sst s4  }
0xd: {  	[smem:$0x3FAC] =	sst s5  }
0xe: {  	[smem:$0x3FAD] =	sst s6  }
0xf: {  	[smem:$0x3FAE] =	sst s7  }
0x10: {  	[smem:$0x3FAF] =	sst s8  }
0x11: {  	[smem:$0x3FB0] =	sst s9;
	s0 =	simm.s32 @!p0 $0x0  }
0x12: {  	s1 =	sld [smem:$0x3F96];
	s0 =	simm.s32 @p0 $0x1  }
0x13: {  	[smem:$0x3FB1] =	sst s0;
	s0 =	simm.s32 @!p1 $0x0  }
0x14: {  	s2 =	sld [smem:$0x3F95];
	s0 =	simm.s32 @p1 $0x1  }
0x15: {  	[smem:$0x3FB2] =	sst s0;
	s0 =	simm.s32 @!p2 $0x0  }
0x16: {  	s3 =	sld [smem:$0x3FDB];
	s0 =	simm.s32 @p2 $0x1  }
0x17: {  	s4 =	simm.s32 $0x1BF5;
	[smem:$0x3FB4] =	sst s0  }
0x18: {  	s0 =	sld [smem:$0x3F97];
	_ =	swait.ge [sflag:s4], $0x0  }
0x19: {  	s7 =	sld [smem:$0x3F98]  }
0x1a: {  	s8 =	sadd.s32 $0xFFFFE003, lr  }
0x1b: {  	s9 =	sadd.s32 $0xFFFFFEF7, lr;
	s5 =	simm.s32 $0xFFFFFFFF;
	p2 =	slt.u32 s8, $0xFFFFF086  }
0x1c: {  	p1 =	slt.u32 s9, $0xF7A;
	s5 =	simm.s32 @!p2 $0x0  }
0x1d: {  	s5 =	simm.s32 @p1 $0x1;
	p0 =	seq.s32 s7, s2  }
0x1e: {  	s7 =	smul.u32 @!p0 $0xF7A, s2;
	p2 =	seq.s32 @!p0 s5, $0x0  }
0x1f: {  	s9 =	smul.u32 $0xF7A, s1;
	s8 =	simm.s32 @!p0 $0x1BF5;
	p2 =	por !p2, p0  }
0x20: {  	[sflag:s8] =	ssyncset.s32 @!p0 $0xFFFFF086;
	s6 =	sadd.s32 @!p0 s3, s7;
	s7 =	simm.s32 @!p0 $0x108  }
0x21: {  	s3 =	sadd.s32 s3, s9;
	s6 =	sadd.s32 @!p0 $0x88, s6;
	s7 =	simm.s32 @p2 $0x1082  }
0x22: {  	[simem:s7], [sflag:s8] =	dma.local @!p0 [hbm:s6], $0xF7A  }
0x23: {  	s9 =	sor.u32 $0xD0000000, s2;
	s6 =	simm.s32 $0x108;
	_ =	swait.ge @!p0 [sflag:s8], $0x0  }
0x24: {  	s3 =	sadd.s32 $0x88, s3;
	s6 =	simm.s32 @!p1 $0x1082;
	[sflag:s4] =	ssyncset.s32 $0xFFFFF086  }
0x25: {  	[simem:s6], [sflag:s4] =	dma.local [hbm:s3], $0xF7A  }
0x26: {  	[smem:$0x3F98] =	sst s1;
	(tag) =	ssettag s2;
	_ =	strace s9  }
0x27: {  	s1 =	sld [smem:$0x3FA8]  }
0x28: {  	s2 =	sld [smem:$0x3FA9]  }
0x29: {  	s4 =	sld [smem:$0x3FAB]  }
0x2a: {  	p0 =	seq.s32 s5, $0x0;
	s5 =	sld [smem:$0x3FAC]  }
0x2b: {  	s6 =	sld [smem:$0x3FAD]  }
0x2c: {  	s7 =	sld [smem:$0x3FAE]  }
0x2d: {  	s3 =	simm.s32 $0x108;
	s8 =	sld [smem:$0x3FAF]  }
0x2e: {  	s3 =	simm.s32 @!p0 $0x1082;
	s9 =	sld [smem:$0x3FB0]  }
0x2f: {  	lr =	sadd.s32 s0, s3;
	s0 =	sld [smem:$0x3FA7]  }
0x30: {  	s3 =	sld [smem:$0x3FAA]  }
0x31: {  	[smem:$0x3FB3] =	sst s10  }
0x32: {  	s10 =	sld [smem:$0x3FB1];
	_ =	sdelay $0x3  }
0x33: {  	p0 =	seq.s32 s10, $0x1;
	s10 =	sld [smem:$0x3FB3];
	_ =	sdelay $0x3  }
0x34: {  	[smem:$0x3FB3] =	sst s10  }
0x35: {  	s10 =	sld [smem:$0x3FB2];
	_ =	sdelay $0x3  }
0x36: {  	p1 =	seq.s32 s10, $0x1;
	s10 =	sld [smem:$0x3FB3];
	_ =	sdelay $0x3  }
0x37: {  	[smem:$0x3FB3] =	sst s10  }
0x38: {  	s10 =	sld [smem:$0x3FB4]  }
0x39: {  	_ = 	snop;
	(pc) =	sbr.ind lr, $3  }
0x3a: {  	_ = 	snop  }
0x3b: {  	_ = 	snop  }
0x3c: {  	p2 =	seq.s32 s10, $0x1;
	s10 =	sld [smem:$0x3FB3]  }
0x3d: {  	_ =	shalt  }
0x3e: {  	_ =	shalt  }
0x3f: {  	_ =	shalt  }
0x40: {  	_ =	shalt  }
0x41: {  	_ =	shalt  }
0x42: {  	_ =	shalt  }
0x43: {  	_ =	shalt  }
0x44: {  	_ =	shalt  }
0x45: {  	_ =	shalt  }
0x46: {  	_ =	shalt  }
0x47: {  	_ =	shalt  }
0x48: {  	_ =	shalt  }
0x49: {  	_ =	shalt  }
0x4a: {  	_ =	shalt  }
0x4b: {  	_ =	shalt  }
0x4c: {  	_ =	shalt  }
0x4d: {  	_ =	shalt  }
0x4e: {  	_ =	shalt  }
0x4f: {  	_ =	shalt  }
0x50: {  	_ =	shalt  }
0x51: {  	_ =	shalt  }
0x52: {  	_ =	shalt  }
0x53: {  	_ =	shalt  }
0x54: {  	_ =	shalt  }
0x55: {  	_ =	shalt  }
0x56: {  	_ =	shalt  }
0x57: {  	_ =	shalt  }
0x58: {  	_ =	shalt  }
0x59: {  	_ =	shalt  }
0x5a: {  	_ =	shalt  }
0x5b: {  	_ =	shalt  }
0x5c: {  	_ =	shalt  }
0x5d: {  	_ =	shalt  }
0x5e: {  	_ =	shalt  }
0x5f: {  	_ =	shalt  }
0x60: {  	_ =	shalt  }
0x61: {  	_ =	shalt  }
0x62: {  	_ =	shalt  }
0x63: {  	_ =	shalt  }
0x64: {  	_ =	shalt  }
0x65: {  	_ =	shalt  }
0x66: {  	_ =	shalt  }
0x67: {  	_ =	shalt  }
0x68: {  	_ =	shalt  }
0x69: {  	_ =	shalt  }
0x6a: {  	_ =	shalt  }
0x6b: {  	_ =	shalt  }
0x6c: {  	_ =	shalt  }
0x6d: {  	_ =	shalt  }
0x6e: {  	_ =	shalt  }
0x6f: {  	_ =	shalt  }
0x70: {  	_ =	shalt  }
0x71: {  	_ =	shalt  }
0x72: {  	_ =	shalt  }
0x73: {  	_ =	shalt  }
0x74: {  	_ =	shalt  }
0x75: {  	_ =	shalt  }
0x76: {  	_ =	shalt  }
0x77: {  	_ =	shalt  }
0x78: {  	_ =	shalt  }
0x79: {  	_ =	shalt  }
0x7a: {  	_ =	shalt  }
0x7b: {  	_ =	shalt  }
0x7c: {  	_ =	shalt  }
0x7d: {  	_ =	shalt  }
0x7e: {  	_ =	shalt  }
0x7f: {  	_ =	shalt  }
0x80: {  	_ =	shalt  }
0x81: {  	_ =	shalt  }
0x82: {  	_ =	shalt  }
0x83: {  	_ =	shalt  }
0x84: {  	_ =	shalt  }
0x85: {  	_ =	shalt  }
0x86: {  	_ =	shalt  }
0x87: {  	_ =	shalt  }
.Lfunc_end0:
.L_simem_size_0:
called_computation.10_lowered:
.L_overlay_start_0:
0x88: {  	s2 =	sld [smem:$0x3FD9]  }
0x89: {  	s3 =	sld [smem:$0x3FFE];
	_ =	sdelay $0x1  }
0x8a: {  	s1 =	srdreg.scid  }
0x8b: {  	s0 =	sand.u32 $0x1, s1  }
0x8c: {  	s17 =	sshll.u32 s0, $0xA;
	s2 =	sadd.s32 s3, s2  }
0x8d: {  	s2 =	sadd.s32 s2, s17  }
0x8e: {  	[smem:$0x3FBF] =	sst s2  }
0x8f: {  	_ = 	snop  }
0x90: {  	s2 =	sld [smem:$0x3FD0];
	(tm) =	ssettm $0x1  }
0x91: {  	s18 =	sld [smem:$0x3FFB];
	_ =	sdelay $0x3  }
0x92: {  	_ =	strace s18  }
0x93: {  	s3 =	sld [smem:$0x3FFC];
	_ =	sdelay $0x3  }
0x94: {  	_ =	strace s3  }
0x95: {  	s3 =	sld [smem:$0x3FFD];
	_ =	sdelay $0x3  }
0x96: {  	_ =	strace s3  }
0x97: {  	_ =	strace $0x8FFFFFFF  }
0x98: {  	s19 =	sld [smem:$0x3FDB];
	_ =	sdelay $0x1  }
0x99: {  	s4 =	simm.s32 $_scs_section_size  }
0x9a: {  	s5 =	simm.s32 $_size__tile_overlayer_lowered;
	s6 =	simm.s32 $_tile_overlayer_lowered  }
0x9b: {  	s22 =	simm.s32 $0x1BFF;
	s21 =	sshll.u32 s6, $0x1;
	s3 =	sadd.s32 s4, s19  }
0x9c: {  	s7 =	simm.s32 $0x0;
	s20 =	sshll.u32 s5, $0x1;
	s5 =	sadd.s32 s21, s3  }
0x9d: {  	[timem:s7], [sflag:s22] =	dma.local [hbm:s5], s20  }
0x9e: {  	_ =	swait.ge [sflag:s22], s20  }
0x9f: {  	s4 =	ssub.s32 $0x0, s20;
	[sflag:s22] =	ssyncset.done $0x0  }
0xa0: {  	[sflag:s22] =	ssyncadd.s32 s4;
	_ =	sdelay $0x1  }
0xa1: {  	s23 =	simm.s32 $0x1B8B  }
0xa2: {  	_ =	swait.ge [sflag:s23], $0x1  }
0xa3: {  	[sflag:s23] =	ssyncset.done $0x0  }
0xa4: {  	s25 =	simm.s32 $0x1B8E;
	s24 =	sld [smem:$0x3FFE];
	[sflag:s23] =	ssyncadd.s32 $0xFFFFFFFF  }
0xa5: {  	s26 =	simm.s32 $execute0_lowered;
	[smem:$0x3FD2] =	sst s25  }
0xa6: {  	s5 =	sshll.u32 s26, $0x1;
	_ =	strace $0x80000058;
	[dreg:$0x1] =	wrdreg $0xFFFFFFFF  }
0xa7: {  	s28 =	simm.s32 $_size_execute0_lowered;
	s3 =	sadd.s32 s3, s5;
	[dreg:$0x0] =	wrdreg $0x0  }
0xa8: {  	s5 =	sshll.u32 s28, $0x1;
	[dreg:$0x2] =	wrdreg s3  }
0xa9: {  	[dreg:$0x3] =	wrdreg s5  }
0xaa: {  	[dreg:$0x4] =	wrdreg $0xC0  }
0xab: {  	_ =	task [dreg:s7], $0x5FFFF  }
0xac: {  	[dreg:$0x1] =	wrdreg $0xFFFFFFFF  }
0xad: {  	[dreg:$0x0] =	wrdreg $0x60  }
0xae: {  	[dreg:$0x2] =	wrdreg s24  }
0xaf: {  	[dreg:$0x3] =	wrdreg s2  }
0xb0: {  	[dreg:$0x4] =	wrdreg $0xA0800  }
0xb1: {  	[dreg:$0x5] =	wrdreg $0xA  }
0xb2: {  	_ =	task.clear_ibuf [dreg:s7], $0x6FFFF;
	_ =	strace $0x90000058  }
0xb3: {  	s29 =	simm.s32 $0xA;
	_ =	strace $0x8000005A  }
0xb4: {  	_ =	swait.ge [sflag:s29], $0x1  }
0xb5: {  	[sflag:s29] =	ssyncadd.s32 $0xFFFFFFFF  }
0xb6: {  	_ =	strace $0x9000005A  }
0xb7: {  	_ =	sfence  }
0xb8: {  	s30 =	sld [smem:$0x0];
	_ =	sdelay $0x2  }
0xb9: {  	s31 =	sshll.u32 s1, $0xD;
	s1 =	sshrl.u32 s1, $0x2  }
0xba: {  	s3 =	sand.u32 $0x4000, s31;
	s1 =	sadd.s32 s1, s30  }
0xbb: {  	s0 =	sor.u32 s3, s0;
	s1 =	sshll.u32 s1, $0x11  }
0xbc: {  	s0 =	sor.u32 s1, s0  }
0xbd: {  	s0 =	sadd.s32 $0x8F2B, s0  }
0xbe: {  	[sflag:s0] =	ssyncadd.remote.s32 $0x1  }
0xbf: {  	_ =	sfence.sel $0xFFFF  }
0xc0: {  	[dreg:$0x0] =	wrdreg $0xFFFFFFFF;
	(pc) =	sbr.abs _section_cstart, $3  }
0xc1: {  	[dreg:$0x1] =	wrdreg $0xFFFFFFFF  }
0xc2: {  	_ =	task.clear_ibuf [dreg:s7], $0x2FFFF;
	_ =	strace $0x9FFFFFFF  }
0xc3: {  	(tm) =	ssettm $0x7FFFFFFF  }
tec
execute0_lowered:
.L_overlay_start_1:
0x0: {  	(tag) =	ssettag $0x1  }
0x1: {  	s5 =	rddreg [dreg:$0x0]  }
0x2: {  	s7 =	rddreg [dreg:$0x1]  }
0x3: {  	s0 =	srdreg.scid;
	s2 =	rddreg [dreg:$0x2]  }
0x4: {  	s3 =	simm.s32 $0x0;
	s16 =	simm.s32 $0x6080;
	s6 =	sand.u32 $0x1, s0  }
0x5: {  	s17 =	simm.s32 $0x1;
	s0 =	stileid.u32;
	s10 =	smul.u32 $0x14000, s6  }
0x6: {  	s19 =	simm.s32 $0x0;
	[smem:$0x7FF] =	sst s3;
	s11 =	smul.u32 $0x1400, s0  }
0x7: {  	s4 =	sadd.s32 $0x2AA00, s5;
	s1 =	sshll.u32 s6, $0x4;
	s12 =	smul.u32 $0x1480, s0  }
0x8: {  	s6 =	ssub.s32 $0x2, s6;
	s26 =	sshll.u32 s0, $0x4;
	s13 =	smul.u32 $0x29000, s0  }
0x9: {  	s15 =	smul.u32 $0x28000, s0;
	s31 =	sshll.u32 s0, $0x6;
	s8 =	sor.u32 s0, s1  }
0xa: {  	s1 =	rddreg [dreg:$0x3];
	_ =	strace $0x80000059;
	s25 =	sshrl.u32 s6, $0x1  }
0xb: {  	s14 =	sand.u32 $0x70, s26;
	s9 =	smul.u32 $0x600, s8;
	s10 =	sadd.s32 s11, s10  }
0xc: {  	s12 =	sadd.s32 s12, s5;
	s11 =	ssub.s32 s6, s25;
	s8 =	sshll.u32 s8, $0x4  }
0xd: {  	s7 =	sadd.s32 s7, s14;
	s28 =	sshrl.u32 s13, $0x2;
	s29 =	sshrl.u32 s15, $0x2  }
0xe: {  	s13 =	sor.u32 $0x1C02, s31;
	s15 =	simm.s32 $0x80;
	s10 =	sadd.s32 s10, s5  }
.Ltmp0:
0xf: {  	s8 =	sand.u32 $0x180, s8;
	s30 =	sadd.s32 s28, s2;
	(pc) =	sbr.rel .LBB2_1-.Ltmp0, $4  }
0x10: {  	s18 =	sadd.s32 s29, s2;
	s9 =	sadd.s32 s9, s5;
	s7 =	sadd.s32 s8, s7  }
0x11: {  	s8 =	sadd.s32 $0x52C00, s12;
	s12 =	simm.s32 $0x6000;
	s14 =	sshrl.u32 s30, $0x3  }
0x12: {  	s18 =	sshrl.u32 s18, $0x3;
	s5 =	sadd.s32 $0x1B400, s9;
	s6 =	sadd.s32 $0xF400, s9  }
0x13: {  	s9 =	sadd.s32 $0x67400, s10;
	s10 =	smax.u32 s11, $0x1;
	s11 =	simm.s32 $0x2  }
.LBB2_4:
0x14: {  	[sflag:s11] =	ssyncadd.s32 $0xFFFFC000  }
.LBB2_5:
0x15: {  	s19 =	sadd.s32 $0x1, s19  }
0x16: {  	p0 =	sne.s32 s19, s10  }
.Ltmp1:
0x17: {  	[bflag:$0x0] =	sbarrier.arrive $0xFFFF;
	(pc) =	sbr.rel @!p0 .LBB2_6-.Ltmp1, $4  }
0x18: {  	[hbm:s9], [sflag:s13] =	dma.local [spmem:s18], $0x1400  }
0x19: {  	_ =	swait.ge [sflag:s11], $0x1400  }
0x1a: {  	[sflag:s11] =	ssyncset.done $0x0  }
0x1b: {  	[sflag:s11] =	ssyncadd.s32 $0xFFFFEC00  }
.LBB2_1:
0x1c: {  	[tilespmem:s3], [sflag:$0x2] =	stream.linear.gather [hbm4b:s5+s3], $0x3000, $0x38;
	[tilespmem:$0x14480] =	vst v63  }
0x1d: {  	_ =	swait.ge [sflag:s11], $0x3000  }
0x1e: {  	[sflag:s11] =	ssyncset.done $0x0  }
0x1f: {  	s20 =	simm.s32 $0x3000;
	[sflag:s11] =	ssyncadd.s32 $0xFFFFD000  }
0x20: {  	[tilespmem:s20], [sflag:$0x2] =	stream.linear.gather [hbm4b:s6+s3], $0x3000, $0x38;
	[tilespmem:$0x14480] =	vst v63  }
0x21: {  	_ =	swait.ge [sflag:s11], $0x3000  }
0x22: {  	[sflag:s11] =	ssyncset.done $0x0  }
0x23: {  	[sflag:s11] =	ssyncadd.s32 $0xFFFFD000  }
0x24: {  	[tilespmem:s12], [sflag:$0x2] =	stream.linear.gather [hbm4b:s7+s3], $0x80, $0x38;
	[tilespmem:$0x14480] =	vst v63  }
0x25: {  	_ =	swait.ge [sflag:s11], $0x80  }
0x26: {  	[sflag:s11] =	ssyncset.done $0x0  }
0x27: {  	[sflag:s11] =	ssyncadd.s32 $0xFFFFFF80  }
0x28: {  	[spmem:s14], [sflag:s13] =	dma.local [hbm:s8], $0x1480  }
0x29: {  	_ =	swait.ge [sflag:s11], $0x1480  }
0x2a: {  	[sflag:s11] =	ssyncset.done $0x0  }
0x2b: {  	[sflag:s11] =	ssyncadd.s32 $0xFFFFEB80  }
0x2c: {  	[bflag:$0x0] =	sbarrier.arrive $0xFFFF  }
0x2d: {  	v0 =	vld [tilespmem:$0x6000];
	_ =	sdelay $0x4  }
0x2e: {  	(v2sf) =	vpush v0, $0x0;
	_ =	sdelay $0xe  }
0x2f: {  	s21 =	spop (v2sf)  }
0x30: {  	p0 =	slt.s32 s21, $0x1  }
.Ltmp2:
0x31: {  	_ = 	snop;
	(pc) =	sbr.rel @p0 .LBB2_5-.Ltmp2, $1  }
0x32: {  	_ =	sdelay $0x3  }
0x33: {  	[tilespmem:s16], [sflag:$0x1] =	stream.indirect.gather [hbm4b:s4+s15], $0x80, s3, s15, $0xb8;
	[tilespmem:$0x14480] =	vst v63  }
0x34: {  	p0 =	sne.s32 s21, $0x1;
	_ =	swait.ge [sflag:s17], $0x4000  }
.Ltmp3:
0x35: {  	[sflag:s17] =	ssyncset.done $0x0;
	(pc) =	sbr.rel @!p0 .LBB2_4-.Ltmp3, $4  }
0x36: {  	[sflag:s17] =	ssyncadd.s32 $0xFFFFC000  }
0x37: {  	[spmem:s2] =	stream.indirect.scatter.add.f32 [tilespmem:s16], [sflag:$0x2], $0x80, s20, s15, $0xb8;
	[tilespmem:$0x14480] =	vst v63  }
0x38: {  	_ =	swait.ge [sflag:s11], $0x4000  }
0x39: {  	s21 =	sadd.s32 $0xFFFFFFFF, s21;
	s22 =	simm.s32 $0x0;
	[sflag:s11] =	ssyncset.done $0x0  }
.LBB2_3:
0x3a: {  	[sflag:s11] =	ssyncadd.s32 $0xFFFFC000;
	s22 =	sadd.s32 $0x80, s22;
	s20 =	sadd.s32 $0x80, s20  }
0x3b: {  	[tilespmem:s16], [sflag:$0x1] =	stream.indirect.gather [hbm4b:s4+s15], $0x80, s22, s15, $0xb8;
	[tilespmem:$0x14480] =	vst v63  }
0x3c: {  	p0 =	sne.s32 s21, $0x1;
	s21 =	sadd.s32 $0xFFFFFFFF, s21;
	_ =	swait.ge [sflag:s17], $0x4000  }
.Ltmp4:
0x3d: {  	[sflag:s17] =	ssyncset.done $0x0;
	(pc) =	sbr.rel @p0 .LBB2_3-.Ltmp4, $4  }
0x3e: {  	[sflag:s17] =	ssyncadd.s32 $0xFFFFC000  }
0x3f: {  	[spmem:s2] =	stream.indirect.scatter.add.f32 [tilespmem:s16], [sflag:$0x2], $0x80, s20, s15, $0xb8;
	[tilespmem:$0x14480] =	vst v63  }
0x40: {  	_ =	swait.ge [sflag:s11], $0x4000  }
0x41: {  	[sflag:s11] =	ssyncset.done $0x0  }
.Ltmp5:
0x42: {  	_ = 	snop;
	(pc) =	sbr.rel .LBB2_4-.Ltmp5, $1  }
0x43: {  	_ =	sdelay $0x3  }
.LBB2_6:
0x44: {  	_ =	sfence.sel $0x180000  }
0x45: {  	[bflag:$0x0] =	sbarrier.arrive $0xFFFF  }
0x46: {  	p0 =	sne.s32 s0, $0x0;
	_ =	strace $0x90000059  }
0x47: {  	s0 =	sadd.s32 @!p0 $0x100000, s1;
	[bflag:$0x2] =	sbarrier.arrive $0xFFFF  }
0x48: {  	[sflag:s0] =	ssyncadd.tile.s32 @!p0 $0x1;
	_ =	shalt  }
.Lfunc_end2:
_tile_overlayer_lowered:
.L_overlay_start_2:
0x49: {  	(tag) =	ssettag $0x2  }
0x4a: {  	s0 =	rddreg [dreg:$0x0];
	s2 =	stileid.u32  }
0x4b: {  	s1 =	rddreg [dreg:$0x1];
	p0 =	sne.s32 s2, $0x0  }
0x4c: {  	s3 =	rddreg [dreg:$0x2];
	[bflag:$0x3] =	sbarrier.arrive $0xFFFF;
	s2 =	simm.s32 @!p0 $0x1C02  }
0x4d: {  	[timem:s3], [sflag:s2] =	dma.local @!p0 [hbm:s0], s1  }
0x4e: {  	s0 =	simm.s32 @!p0 $0x2  }
0x4f: {  	_ =	swait.ge @!p0 [sflag:s0], s1  }
0x50: {  	s1 =	ssub.s32 @!p0 $0x0, s1;
	[sflag:s0] =	ssyncset.done @!p0 $0x0  }
0x51: {  	[sflag:s0] =	ssyncadd.s32 @!p0 s1  }
0x52: {  	[bflag:$0x3] =	sbarrier.arrive $0xFFFF  }
0x53: {  	_ =	shalt  }

// kernel: kernel.14.cloned.1.call-start
scs
__scs_entry_jumppad:
0x0: {  	(pc) =	sbr.rel $0x88, $3  }
0x1: {  	(tag) =	ssettag $0x0;
	lr =	simm.s32 $0x1  }
0x2: {  	[smem:$0x3F98] =	sst lr;
	_ =	strace $0xD0000000  }
0x3: {  	_ = 	snop  }
0x4: {  	_ = 	snop  }
0x5: {  	_ = 	snop  }
0x6: {  	_ = 	snop  }
0x7: {  	_ = 	snop  }
__scs_overlays_trampoline_lowered:
0x8: {  	[smem:$0x3FA7] =	sst s0  }
0x9: {  	[smem:$0x3FA8] =	sst s1  }
0xa: {  	[smem:$0x3FA9] =	sst s2  }
0xb: {  	[smem:$0x3FAA] =	sst s3  }
0xc: {  	[smem:$0x3FAB] =	sst s4  }
0xd: {  	[smem:$0x3FAC] =	sst s5  }
0xe: {  	[smem:$0x3FAD] =	sst s6  }
0xf: {  	[smem:$0x3FAE] =	sst s7  }
0x10: {  	[smem:$0x3FAF] =	sst s8  }
0x11: {  	[smem:$0x3FB0] =	sst s9;
	s0 =	simm.s32 @!p0 $0x0  }
0x12: {  	s1 =	sld [smem:$0x3F96];
	s0 =	simm.s32 @p0 $0x1  }
0x13: {  	[smem:$0x3FB1] =	sst s0;
	s0 =	simm.s32 @!p1 $0x0  }
0x14: {  	s2 =	sld [smem:$0x3F95];
	s0 =	simm.s32 @p1 $0x1  }
0x15: {  	[smem:$0x3FB2] =	sst s0;
	s0 =	simm.s32 @!p2 $0x0  }
0x16: {  	s3 =	sld [smem:$0x3FDB];
	s0 =	simm.s32 @p2 $0x1  }
0x17: {  	s4 =	simm.s32 $0x1BF5;
	[smem:$0x3FB4] =	sst s0  }
0x18: {  	s0 =	sld [smem:$0x3F97];
	_ =	swait.ge [sflag:s4], $0x0  }
0x19: {  	s7 =	sld [smem:$0x3F98]  }
0x1a: {  	s8 =	sadd.s32 $0xFFFFE003, lr  }
0x1b: {  	s9 =	sadd.s32 $0xFFFFFEF7, lr;
	s5 =	simm.s32 $0xFFFFFFFF;
	p2 =	slt.u32 s8, $0xFFFFF086  }
0x1c: {  	p1 =	slt.u32 s9, $0xF7A;
	s5 =	simm.s32 @!p2 $0x0  }
0x1d: {  	s5 =	simm.s32 @p1 $0x1;
	p0 =	seq.s32 s7, s2  }
0x1e: {  	s7 =	smul.u32 @!p0 $0xF7A, s2;
	p2 =	seq.s32 @!p0 s5, $0x0  }
0x1f: {  	s9 =	smul.u32 $0xF7A, s1;
	s8 =	simm.s32 @!p0 $0x1BF5;
	p2 =	por !p2, p0  }
0x20: {  	[sflag:s8] =	ssyncset.s32 @!p0 $0xFFFFF086;
	s6 =	sadd.s32 @!p0 s3, s7;
	s7 =	simm.s32 @!p0 $0x108  }
0x21: {  	s3 =	sadd.s32 s3, s9;
	s6 =	sadd.s32 @!p0 $0x88, s6;
	s7 =	simm.s32 @p2 $0x1082  }
0x22: {  	[simem:s7], [sflag:s8] =	dma.local @!p0 [hbm:s6], $0xF7A  }
0x23: {  	s9 =	sor.u32 $0xD0000000, s2;
	s6 =	simm.s32 $0x108;
	_ =	swait.ge @!p0 [sflag:s8], $0x0  }
0x24: {  	s3 =	sadd.s32 $0x88, s3;
	s6 =	simm.s32 @!p1 $0x1082;
	[sflag:s4] =	ssyncset.s32 $0xFFFFF086  }
0x25: {  	[simem:s6], [sflag:s4] =	dma.local [hbm:s3], $0xF7A  }
0x26: {  	[smem:$0x3F98] =	sst s1;
	(tag) =	ssettag s2;
	_ =	strace s9  }
0x27: {  	s1 =	sld [smem:$0x3FA8]  }
0x28: {  	s2 =	sld [smem:$0x3FA9]  }
0x29: {  	s4 =	sld [smem:$0x3FAB]  }
0x2a: {  	p0 =	seq.s32 s5, $0x0;
	s5 =	sld [smem:$0x3FAC]  }
0x2b: {  	s6 =	sld [smem:$0x3FAD]  }
0x2c: {  	s7 =	sld [smem:$0x3FAE]  }
0x2d: {  	s3 =	simm.s32 $0x108;
	s8 =	sld [smem:$0x3FAF]  }
0x2e: {  	s3 =	simm.s32 @!p0 $0x1082;
	s9 =	sld [smem:$0x3FB0]  }
0x2f: {  	lr =	sadd.s32 s0, s3;
	s0 =	sld [smem:$0x3FA7]  }
0x30: {  	s3 =	sld [smem:$0x3FAA]  }
0x31: {  	[smem:$0x3FB3] =	sst s10  }
0x32: {  	s10 =	sld [smem:$0x3FB1];
	_ =	sdelay $0x3  }
0x33: {  	p0 =	seq.s32 s10, $0x1;
	s10 =	sld [smem:$0x3FB3];
	_ =	sdelay $0x3  }
0x34: {  	[smem:$0x3FB3] =	sst s10  }
0x35: {  	s10 =	sld [smem:$0x3FB2];
	_ =	sdelay $0x3  }
0x36: {  	p1 =	seq.s32 s10, $0x1;
	s10 =	sld [smem:$0x3FB3];
	_ =	sdelay $0x3  }
0x37: {  	[smem:$0x3FB3] =	sst s10  }
0x38: {  	s10 =	sld [smem:$0x3FB4]  }
0x39: {  	_ = 	snop;
	(pc) =	sbr.ind lr, $3  }
0x3a: {  	_ = 	snop  }
0x3b: {  	_ = 	snop  }
0x3c: {  	p2 =	seq.s32 s10, $0x1;
	s10 =	sld [smem:$0x3FB3]  }
0x3d: {  	_ =	shalt  }
0x3e: {  	_ =	shalt  }
0x3f: {  	_ =	shalt  }
0x40: {  	_ =	shalt  }
0x41: {  	_ =	shalt  }
0x42: {  	_ =	shalt  }
0x43: {  	_ =	shalt  }
0x44: {  	_ =	shalt  }
0x45: {  	_ =	shalt  }
0x46: {  	_ =	shalt  }
0x47: {  	_ =	shalt  }
0x48: {  	_ =	shalt  }
0x49: {  	_ =	shalt  }
0x4a: {  	_ =	shalt  }
0x4b: {  	_ =	shalt  }
0x4c: {  	_ =	shalt  }
0x4d: {  	_ =	shalt  }
0x4e: {  	_ =	shalt  }
0x4f: {  	_ =	shalt  }
0x50: {  	_ =	shalt  }
0x51: {  	_ =	shalt  }
0x52: {  	_ =	shalt  }
0x53: {  	_ =	shalt  }
0x54: {  	_ =	shalt  }
0x55: {  	_ =	shalt  }
0x56: {  	_ =	shalt  }
0x57: {  	_ =	shalt  }
0x58: {  	_ =	shalt  }
0x59: {  	_ =	shalt  }
0x5a: {  	_ =	shalt  }
0x5b: {  	_ =	shalt  }
0x5c: {  	_ =	shalt  }
0x5d: {  	_ =	shalt  }
0x5e: {  	_ =	shalt  }
0x5f: {  	_ =	shalt  }
0x60: {  	_ =	shalt  }
0x61: {  	_ =	shalt  }
0x62: {  	_ =	shalt  }
0x63: {  	_ =	shalt  }
0x64: {  	_ =	shalt  }
0x65: {  	_ =	shalt  }
0x66: {  	_ =	shalt  }
0x67: {  	_ =	shalt  }
0x68: {  	_ =	shalt  }
0x69: {  	_ =	shalt  }
0x6a: {  	_ =	shalt  }
0x6b: {  	_ =	shalt  }
0x6c: {  	_ =	shalt  }
0x6d: {  	_ =	shalt  }
0x6e: {  	_ =	shalt  }
0x6f: {  	_ =	shalt  }
0x70: {  	_ =	shalt  }
0x71: {  	_ =	shalt  }
0x72: {  	_ =	shalt  }
0x73: {  	_ =	shalt  }
0x74: {  	_ =	shalt  }
0x75: {  	_ =	shalt  }
0x76: {  	_ =	shalt  }
0x77: {  	_ =	shalt  }
0x78: {  	_ =	shalt  }
0x79: {  	_ =	shalt  }
0x7a: {  	_ =	shalt  }
0x7b: {  	_ =	shalt  }
0x7c: {  	_ =	shalt  }
0x7d: {  	_ =	shalt  }
0x7e: {  	_ =	shalt  }
0x7f: {  	_ =	shalt  }
0x80: {  	_ =	shalt  }
0x81: {  	_ =	shalt  }
0x82: {  	_ =	shalt  }
0x83: {  	_ =	shalt  }
0x84: {  	_ =	shalt  }
0x85: {  	_ =	shalt  }
0x86: {  	_ =	shalt  }
0x87: {  	_ =	shalt  }
.Lfunc_end0:
.L_simem_size_0:
called_computation.11_lowered:
.L_overlay_start_0:
0x88: {  	s2 =	sld [smem:$0x3FD9]  }
0x89: {  	s3 =	sld [smem:$0x3FFE];
	_ =	sdelay $0x1  }
0x8a: {  	s1 =	srdreg.scid  }
0x8b: {  	s0 =	sand.u32 $0x1, s1  }
0x8c: {  	s17 =	sshll.u32 s0, $0xA;
	s2 =	sadd.s32 s3, s2  }
0x8d: {  	s2 =	sadd.s32 s2, s17  }
0x8e: {  	[smem:$0x3FBF] =	sst s2  }
0x8f: {  	_ = 	snop  }
0x90: {  	s18 =	sld [smem:$0x3FD0];
	(tm) =	ssettm $0x1  }
0x91: {  	s19 =	sld [smem:$0x3FFB];
	_ =	sdelay $0x3  }
0x92: {  	_ =	strace s19  }
0x93: {  	s2 =	sld [smem:$0x3FFC];
	_ =	sdelay $0x3  }
0x94: {  	_ =	strace s2  }
0x95: {  	s2 =	sld [smem:$0x3FFD];
	_ =	sdelay $0x3  }
0x96: {  	_ =	strace s2  }
0x97: {  	_ =	strace $0x8FFFFFFF  }
0x98: {  	s20 =	sld [smem:$0x3FDB];
	_ =	sdelay $0x1  }
0x99: {  	s4 =	simm.s32 $_scs_section_size  }
0x9a: {  	s5 =	simm.s32 $_size__tile_overlayer_lowered;
	s6 =	simm.s32 $_tile_overlayer_lowered  }
0x9b: {  	s7 =	simm.s32 $0x1BFF;
	s21 =	sshll.u32 s6, $0x1;
	s4 =	sadd.s32 s4, s20  }
0x9c: {  	s22 =	simm.s32 $0x0;
	s5 =	sshll.u32 s5, $0x1;
	s6 =	sadd.s32 s21, s4  }
0x9d: {  	[timem:s22], [sflag:s7] =	dma.local [hbm:s6], s5  }
0x9e: {  	_ =	swait.ge [sflag:s7], s5  }
0x9f: {  	s5 =	ssub.s32 $0x0, s5;
	[sflag:s7] =	ssyncset.done $0x0  }
0xa0: {  	[sflag:s7] =	ssyncadd.s32 s5;
	_ =	sdelay $0x1  }
0xa1: {  	s23 =	simm.s32 $0x1B8B  }
0xa2: {  	_ =	swait.ge [sflag:s23], $0x1  }
0xa3: {  	[sflag:s23] =	ssyncset.done $0x0  }
0xa4: {  	[sflag:s23] =	ssyncadd.s32 $0xFFFFFFFF  }
0xa5: {  	s5 =	sld [smem:$0x0]  }
0xa6: {  	s6 =	sand.u32 $0xFFFFFFFE, s1  }
0xa7: {  	p0 =	sne.s32 s1, s6  }
0xa8: {  	s6 =	sshll.u32 @p0 s6, $0xE  }
0xa9: {  	s6 =	sadd.s32 @p0 $0x11B8D, s6;
	s7 =	sshll.u32 @p0 s5, $0x11  }
0xaa: {  	s6 =	sor.u32 @p0 s7, s6  }
0xab: {  	[sflag:s6] =	ssyncadd.remote.s32 @p0 $0x1;
	_ =	sdelay $0x1  }
0xac: {  	s6 =	simm.s32 @p0 $0x1B8D  }
0xad: {  	_ =	swait.eq @p0 [sflag:s6], $0x1  }
0xae: {  	[sflag:s6] =	ssyncadd.s32 @p0 $0xFFFFFFFF  }
0xaf: {  	s7 =	sshll.u32 @!p0 s1, $0xE  }
0xb0: {  	s7 =	sor.u32 @!p0 $0x4000, s7;
	s6 =	simm.s32 @!p0 $0x1B8D  }
0xb1: {  	s5 =	sshll.u32 @!p0 s5, $0x11;
	s7 =	sadd.s32 @!p0 $0x11B8D, s7;
	_ =	swait.eq @!p0 [sflag:s6], $0x1  }
0xb2: {  	s5 =	sor.u32 @!p0 s5, s7;
	[sflag:s6] =	ssyncadd.s32 @!p0 $0xFFFFFFFF  }
0xb3: {  	s25 =	simm.s32 $0x1B8E;
	s24 =	sld [smem:$0x3FFE];
	[sflag:s5] =	ssyncadd.remote.s32 @!p0 $0x1  }
0xb4: {  	s26 =	simm.s32 $execute0_lowered;
	[smem:$0x3FD2] =	sst s25  }
0xb5: {  	s6 =	sshll.u32 s26, $0x1;
	_ =	strace $0x80000064;
	[dreg:$0x1] =	wrdreg $0xFFFFFFFF  }
0xb6: {  	s28 =	simm.s32 $_size_execute0_lowered;
	s4 =	sadd.s32 s4, s6;
	[dreg:$0x0] =	wrdreg $0x0  }
0xb7: {  	s6 =	sshll.u32 s28, $0x1;
	[dreg:$0x2] =	wrdreg s4  }
0xb8: {  	[dreg:$0x3] =	wrdreg s6  }
0xb9: {  	[dreg:$0x4] =	wrdreg $0xC0  }
0xba: {  	_ =	task [dreg:s22], $0x5FFFF  }
0xbb: {  	[dreg:$0x1] =	wrdreg $0xFFFFFFFF  }
0xbc: {  	[dreg:$0x0] =	wrdreg $0x60  }
0xbd: {  	[dreg:$0x2] =	wrdreg s24  }
0xbe: {  	[dreg:$0x3] =	wrdreg s18  }
0xbf: {  	[dreg:$0x4] =	wrdreg $0xA0800  }
0xc0: {  	[dreg:$0x5] =	wrdreg $0xA  }
0xc1: {  	_ =	task.clear_ibuf [dreg:s22], $0x6FFFF;
	_ =	strace $0x90000064  }
0xc2: {  	s29 =	simm.s32 $0xA;
	_ =	strace $0x80000066  }
0xc3: {  	_ =	swait.ge [sflag:s29], $0x1  }
0xc4: {  	[sflag:s29] =	ssyncadd.s32 $0xFFFFFFFF  }
0xc5: {  	_ =	strace $0x90000066  }
0xc6: {  	_ =	sfence  }
0xc7: {  	s30 =	sld [smem:$0x0];
	_ =	sdelay $0x2  }
0xc8: {  	s31 =	sshll.u32 s1, $0xD;
	s1 =	sshrl.u32 s1, $0x2  }
0xc9: {  	s4 =	sand.u32 $0x4000, s31;
	s1 =	sadd.s32 s1, s30  }
0xca: {  	s0 =	sor.u32 s4, s0;
	s1 =	sshll.u32 s1, $0x11  }
0xcb: {  	s0 =	sor.u32 s1, s0  }
0xcc: {  	s0 =	sadd.s32 $0x8F2B, s0  }
0xcd: {  	[sflag:s0] =	ssyncadd.remote.s32 $0x1  }
0xce: {  	_ =	sfence.sel $0xFFFF  }
0xcf: {  	[dreg:$0x0] =	wrdreg $0xFFFFFFFF;
	(pc) =	sbr.abs _section_cstart, $3  }
0xd0: {  	[dreg:$0x1] =	wrdreg $0xFFFFFFFF  }
0xd1: {  	_ =	task.clear_ibuf [dreg:s22], $0x2FFFF;
	_ =	strace $0x9FFFFFFF  }
0xd2: {  	(tm) =	ssettm $0x7FFFFFFF  }
0xd3: {  	_ =	shalt  }
tec
execute0_lowered:
.L_overlay_start_1:
0x0: {  	(tag) =	ssettag $0x1  }
0x1: {  	s5 =	rddreg [dreg:$0x0]  }
0x2: {  	s7 =	rddreg [dreg:$0x1]  }
0x3: {  	s0 =	srdreg.scid;
	s2 =	rddreg [dreg:$0x2]  }
0x4: {  	s3 =	simm.s32 $0x0;
	s16 =	simm.s32 $0x6080;
	s6 =	sand.u32 $0x1, s0  }
0x5: {  	s17 =	simm.s32 $0x1;
	s0 =	stileid.u32;
	s10 =	smul.u32 $0x14000, s6  }
0x6: {  	s19 =	simm.s32 $0x0;
	[smem:$0x7FF] =	sst s3;
	s11 =	smul.u32 $0x1400, s0  }
0x7: {  	s4 =	sadd.s32 $0x29800, s5;
	s1 =	sshll.u32 s6, $0x4;
	s12 =	smul.u32 $0x1480, s0  }
0x8: {  	s6 =	ssub.s32 $0x2, s6;
	s26 =	sshll.u32 s0, $0x4;
	s13 =	smul.u32 $0x29000, s0  }
0x9: {  	s15 =	smul.u32 $0x28000, s0;
	s31 =	sshll.u32 s0, $0x6;
	s8 =	sor.u32 s0, s1  }
0xa: {  	s1 =	rddreg [dreg:$0x3];
	_ =	strace $0x80000065;
	s25 =	sshrl.u32 s6, $0x1  }
0xb: {  	s14 =	sand.u32 $0x70, s26;
	s9 =	smul.u32 $0x600, s8;
	s10 =	sadd.s32 s11, s10  }
0xc: {  	s12 =	sadd.s32 s12, s5;
	s11 =	ssub.s32 s6, s25;
	s8 =	sshll.u32 s8, $0x4  }
0xd: {  	s7 =	sadd.s32 s7, s14;
	s28 =	sshrl.u32 s13, $0x2;
	s29 =	sshrl.u32 s15, $0x2  }
0xe: {  	s13 =	sor.u32 $0x1C02, s31;
	s15 =	simm.s32 $0x80;
	s10 =	sadd.s32 s10, s5  }
.Ltmp0:
0xf: {  	s8 =	sand.u32 $0x180, s8;
	s30 =	sadd.s32 s28, s2;
	(pc) =	sbr.rel .LBB2_1-.Ltmp0, $4  }
0x10: {  	s18 =	sadd.s32 s29, s2;
	s9 =	sadd.s32 s9, s5;
	s7 =	sadd.s32 s8, s7  }
0x11: {  	s8 =	sadd.s32 $0x52C00, s12;
	s12 =	simm.s32 $0x6000;
	s14 =	sshrl.u32 s30, $0x3  }
0x12: {  	s18 =	sshrl.u32 s18, $0x3;
	s5 =	sadd.s32 $0x1B400, s9;
	s6 =	sadd.s32 $0xF400, s9  }
0x13: {  	s9 =	sadd.s32 $0x67400, s10;
	s10 =	smax.u32 s11, $0x1;
	s11 =	simm.s32 $0x2  }
.LBB2_4:
0x14: {  	[sflag:s11] =	ssyncadd.s32 $0xFFFFC000  }
.LBB2_5:
0x15: {  	s19 =	sadd.s32 $0x1, s19  }
0x16: {  	p0 =	sne.s32 s19, s10  }
.Ltmp1:
0x17: {  	[bflag:$0x0] =	sbarrier.arrive $0xFFFF;
	(pc) =	sbr.rel @!p0 .LBB2_6-.Ltmp1, $4  }
0x18: {  	[hbm:s9], [sflag:s13] =	dma.local [spmem:s18], $0x1400  }
0x19: {  	_ =	swait.ge [sflag:s11], $0x1400  }
0x1a: {  	[sflag:s11] =	ssyncset.done $0x0  }
0x1b: {  	[sflag:s11] =	ssyncadd.s32 $0xFFFFEC00  }
.LBB2_1:
0x1c: {  	[tilespmem:s3], [sflag:$0x2] =	stream.linear.gather [hbm4b:s5+s3], $0x3000, $0x38;
	[tilespmem:$0x14480] =	vst v63  }
0x1d: {  	_ =	swait.ge [sflag:s11], $0x3000  }
0x1e: {  	[sflag:s11] =	ssyncset.done $0x0  }
0x1f: {  	s20 =	simm.s32 $0x3000;
	[sflag:s11] =	ssyncadd.s32 $0xFFFFD000  }
0x20: {  	[tilespmem:s20], [sflag:$0x2] =	stream.linear.gather [hbm4b:s6+s3], $0x3000, $0x38;
	[tilespmem:$0x14480] =	vst v63  }
0x21: {  	_ =	swait.ge [sflag:s11], $0x3000  }
0x22: {  	[sflag:s11] =	ssyncset.done $0x0  }
0x23: {  	[sflag:s11] =	ssyncadd.s32 $0xFFFFD000  }
0x24: {  	[tilespmem:s12], [sflag:$0x2] =	stream.linear.gather [hbm4b:s7+s3], $0x80, $0x38;
	[tilespmem:$0x14480] =	vst v63  }
0x25: {  	_ =	swait.ge [sflag:s11], $0x80  }
0x26: {  	[sflag:s11] =	ssyncset.done $0x0  }
0x27: {  	[sflag:s11] =	ssyncadd.s32 $0xFFFFFF80  }
0x28: {  	[spmem:s14], [sflag:s13] =	dma.local [hbm:s8], $0x1480  }
0x29: {  	_ =	swait.ge [sflag:s11], $0x1480  }
0x2a: {  	[sflag:s11] =	ssyncset.done $0x0  }
0x2b: {  	[sflag:s11] =	ssyncadd.s32 $0xFFFFEB80  }
0x2c: {  	[bflag:$0x0] =	sbarrier.arrive $0xFFFF  }
0x2d: {  	v0 =	vld [tilespmem:$0x6000];
	_ =	sdelay $0x4  }
0x2e: {  	(v2sf) =	vpush v0, $0x0;
	_ =	sdelay $0xe  }
0x2f: {  	s21 =	spop (v2sf)  }
0x30: {  	p0 =	slt.s32 s21, $0x1  }
.Ltmp2:
0x31: {  	_ = 	snop;
	(pc) =	sbr.rel @p0 .LBB2_5-.Ltmp2, $1  }
0x32: {  	_ =	sdelay $0x3  }
0x33: {  	[tilespmem:s16], [sflag:$0x1] =	stream.indirect.gather [hbm4b:s4+s15], $0x80, s3, s15, $0xb8;
	[tilespmem:$0x14480] =	vst v63  }
0x34: {  	p0 =	sne.s32 s21, $0x1;
	_ =	swait.ge [sflag:s17], $0x4000  }
.Ltmp3:
0x35: {  	[sflag:s17] =	ssyncset.done $0x0;
	(pc) =	sbr.rel @!p0 .LBB2_4-.Ltmp3, $4  }
0x36: {  	[sflag:s17] =	ssyncadd.s32 $0xFFFFC000  }
0x37: {  	[spmem:s2] =	stream.indirect.scatter.add.f32 [tilespmem:s16], [sflag:$0x2], $0x80, s20, s15, $0xb8;
	[tilespmem:$0x14480] =	vst v63  }
0x38: {  	_ =	swait.ge [sflag:s11], $0x4000  }
0x39: {  	s21 =	sadd.s32 $0xFFFFFFFF, s21;
	s22 =	simm.s32 $0x0;
	[sflag:s11] =	ssyncset.done $0x0  }
.LBB2_3:
0x3a: {  	[sflag:s11] =	ssyncadd.s32 $0xFFFFC000;
	s22 =	sadd.s32 $0x80, s22;
	s20 =	sadd.s32 $0x80, s20  }
0x3b: {  	[tilespmem:s16], [sflag:$0x1] =	stream.indirect.gather [hbm4b:s4+s15], $0x80, s22, s15, $0xb8;
	[tilespmem:$0x14480] =	vst v63  }
0x3c: {  	p0 =	sne.s32 s21, $0x1;
	s21 =	sadd.s32 $0xFFFFFFFF, s21;
	_ =	swait.ge [sflag:s17], $0x4000  }
.Ltmp4:
0x3d: {  	[sflag:s17] =	ssyncset.done $0x0;
	(pc) =	sbr.rel @p0 .LBB2_3-.Ltmp4, $4  }
0x3e: {  	[sflag:s17] =	ssyncadd.s32 $0xFFFFC000  }
0x3f: {  	[spmem:s2] =	stream.indirect.scatter.add.f32 [tilespmem:s16], [sflag:$0x2], $0x80, s20, s15, $0xb8;
	[tilespmem:$0x14480] =	vst v63  }
0x40: {  	_ =	swait.ge [sflag:s11], $0x4000  }
0x41: {  	[sflag:s11] =	ssyncset.done $0x0  }
.Ltmp5:
0x42: {  	_ = 	snop;
	(pc) =	sbr.rel .LBB2_4-.Ltmp5, $1  }
0x43: {  	_ =	sdelay $0x3  }
.LBB2_6:
0x44: {  	_ =	sfence.sel $0x180000  }
0x45: {  	[bflag:$0x0] =	sbarrier.arrive $0xFFFF  }
0x46: {  	p0 =	sne.s32 s0, $0x0;
	_ =	strace $0x90000065  }
0x47: {  	s0 =	sadd.s32 @!p0 $0x100000, s1;
	[bflag:$0x2] =	sbarrier.arrive $0xFFFF  }
0x48: {  	[sflag:s0] =	ssyncadd.tile.s32 @!p0 $0x1;
	_ =	shalt  }
.Lfunc_end2:
_tile_overlayer_lowered:
.L_overlay_start_2:
0x49: {  	(tag) =	ssettag $0x2  }
0x4a: {  	s0 =	rddreg [dreg:$0x0];
	s2 =	stileid.u32  }
0x4b: {  	s1 =	rddreg [dreg:$0x1];
	p0 =	sne.s32 s2, $0x0  }
0x4c: {  	s3 =	rddreg [dreg:$0x2];
	[bflag:$0x3] =	sbarrier.arrive $0xFFFF;
	s2 =	simm.s32 @!p0 $0x1C02  }
0x4d: {  	[timem:s3], [sflag:s2] =	dma.local @!p0 [hbm:s0], s1  }
0x4e: {  	s0 =	simm.s32 @!p0 $0x2  }
0x4f: {  	_ =	swait.ge @!p0 [sflag:s0], s1  }
0x50: {  	s1 =	ssub.s32 @!p0 $0x0, s1;
	[sflag:s0] =	ssyncset.done @!p0 $0x0  }
0x51: {  	[sflag:s0] =	ssyncadd.s32 @!p0 s1  }
0x52: {  	[bflag:$0x3] =	sbarrier.arrive $0xFFFF  }
0x53: {  	_ =	shalt  }

// kernel: kernel.17.cloned.1.call-start
scs
__scs_entry_jumppad:
0x0: {  	(pc) =	sbr.rel $0x88, $3  }
0x1: {  	(tag) =	ssettag $0x0;
	lr =	simm.s32 $0x1  }
0x2: {  	[smem:$0x3F98] =	sst lr;
	_ =	strace $0xD0000000  }
0x3: {  	_ = 	snop  }
0x4: {  	_ = 	snop  }
0x5: {  	_ = 	snop  }
0x6: {  	_ = 	snop  }
0x7: {  	_ = 	snop  }
__scs_overlays_trampoline_lowered:
0x8: {  	[smem:$0x3FA7] =	sst s0  }
0x9: {  	[smem:$0x3FA8] =	sst s1  }
0xa: {  	[smem:$0x3FA9] =	sst s2  }
0xb: {  	[smem:$0x3FAA] =	sst s3  }
0xc: {  	[smem:$0x3FAB] =	sst s4  }
0xd: {  	[smem:$0x3FAC] =	sst s5  }
0xe: {  	[smem:$0x3FAD] =	sst s6  }
0xf: {  	[smem:$0x3FAE] =	sst s7  }
0x10: {  	[smem:$0x3FAF] =	sst s8  }
0x11: {  	[smem:$0x3FB0] =	sst s9;
	s0 =	simm.s32 @!p0 $0x0  }
0x12: {  	s1 =	sld [smem:$0x3F96];
	s0 =	simm.s32 @p0 $0x1  }
0x13: {  	[smem:$0x3FB1] =	sst s0;
	s0 =	simm.s32 @!p1 $0x0  }
0x14: {  	s2 =	sld [smem:$0x3F95];
	s0 =	simm.s32 @p1 $0x1  }
0x15: {  	[smem:$0x3FB2] =	sst s0;
	s0 =	simm.s32 @!p2 $0x0  }
0x16: {  	s3 =	sld [smem:$0x3FDB];
	s0 =	simm.s32 @p2 $0x1  }
0x17: {  	s4 =	simm.s32 $0x1BF5;
	[smem:$0x3FB4] =	sst s0  }
0x18: {  	s0 =	sld [smem:$0x3F97];
	_ =	swait.ge [sflag:s4], $0x0  }
0x19: {  	s7 =	sld [smem:$0x3F98]  }
0x1a: {  	s8 =	sadd.s32 $0xFFFFE003, lr  }
0x1b: {  	s9 =	sadd.s32 $0xFFFFFEF7, lr;
	s5 =	simm.s32 $0xFFFFFFFF;
	p2 =	slt.u32 s8, $0xFFFFF086  }
0x1c: {  	p1 =	slt.u32 s9, $0xF7A;
	s5 =	simm.s32 @!p2 $0x0  }
0x1d: {  	s5 =	simm.s32 @p1 $0x1;
	p0 =	seq.s32 s7, s2  }
0x1e: {  	s7 =	smul.u32 @!p0 $0xF7A, s2;
	p2 =	seq.s32 @!p0 s5, $0x0  }
0x1f: {  	s9 =	smul.u32 $0xF7A, s1;
	s8 =	simm.s32 @!p0 $0x1BF5;
	p2 =	por !p2, p0  }
0x20: {  	[sflag:s8] =	ssyncset.s32 @!p0 $0xFFFFF086;
	s6 =	sadd.s32 @!p0 s3, s7;
	s7 =	simm.s32 @!p0 $0x108  }
0x21: {  	s3 =	sadd.s32 s3, s9;
	s6 =	sadd.s32 @!p0 $0x88, s6;
	s7 =	simm.s32 @p2 $0x1082  }
0x22: {  	[simem:s7], [sflag:s8] =	dma.local @!p0 [hbm:s6], $0xF7A  }
0x23: {  	s9 =	sor.u32 $0xD0000000, s2;
	s6 =	simm.s32 $0x108;
	_ =	swait.ge @!p0 [sflag:s8], $0x0  }
0x24: {  	s3 =	sadd.s32 $0x88, s3;
	s6 =	simm.s32 @!p1 $0x1082;
	[sflag:s4] =	ssyncset.s32 $0xFFFFF086  }
0x25: {  	[simem:s6], [sflag:s4] =	dma.local [hbm:s3], $0xF7A  }
0x26: {  	[smem:$0x3F98] =	sst s1;
	(tag) =	ssettag s2;
	_ =	strace s9  }
0x27: {  	s1 =	sld [smem:$0x3FA8]  }
0x28: {  	s2 =	sld [smem:$0x3FA9]  }
0x29: {  	s4 =	sld [smem:$0x3FAB]  }
0x2a: {  	p0 =	seq.s32 s5, $0x0;
	s5 =	sld [smem:$0x3FAC]  }
0x2b: {  	s6 =	sld [smem:$0x3FAD]  }
0x2c: {  	s7 =	sld [smem:$0x3FAE]  }
0x2d: {  	s3 =	simm.s32 $0x108;
	s8 =	sld [smem:$0x3FAF]  }
0x2e: {  	s3 =	simm.s32 @!p0 $0x1082;
	s9 =	sld [smem:$0x3FB0]  }
0x2f: {  	lr =	sadd.s32 s0, s3;
	s0 =	sld [smem:$0x3FA7]  }
0x30: {  	s3 =	sld [smem:$0x3FAA]  }
0x31: {  	[smem:$0x3FB3] =	sst s10  }
0x32: {  	s10 =	sld [smem:$0x3FB1];
	_ =	sdelay $0x3  }
0x33: {  	p0 =	seq.s32 s10, $0x1;
	s10 =	sld [smem:$0x3FB3];
	_ =	sdelay $0x3  }
0x34: {  	[smem:$0x3FB3] =	sst s10  }
0x35: {  	s10 =	sld [smem:$0x3FB2];
	_ =	sdelay $0x3  }
0x36: {  	p1 =	seq.s32 s10, $0x1;
	s10 =	sld [smem:$0x3FB3];
	_ =	sdelay $0x3  }
0x37: {  	[smem:$0x3FB3] =	sst s10  }
0x38: {  	s10 =	sld [smem:$0x3FB4]  }
0x39: {  	_ = 	snop;
	(pc) =	sbr.ind lr, $3  }
0x3a: {  	_ = 	snop  }
0x3b: {  	_ = 	snop  }
0x3c: {  	p2 =	seq.s32 s10, $0x1;
	s10 =	sld [smem:$0x3FB3]  }
0x3d: {  	_ =	shalt  }
0x3e: {  	_ =	shalt  }
0x3f: {  	_ =	shalt  }
0x40: {  	_ =	shalt  }
0x41: {  	_ =	shalt  }
0x42: {  	_ =	shalt  }
0x43: {  	_ =	shalt  }
0x44: {  	_ =	shalt  }
0x45: {  	_ =	shalt  }
0x46: {  	_ =	shalt  }
0x47: {  	_ =	shalt  }
0x48: {  	_ =	shalt  }
0x49: {  	_ =	shalt  }
0x4a: {  	_ =	shalt  }
0x4b: {  	_ =	shalt  }
0x4c: {  	_ =	shalt  }
0x4d: {  	_ =	shalt  }
0x4e: {  	_ =	shalt  }
0x4f: {  	_ =	shalt  }
0x50: {  	_ =	shalt  }
0x51: {  	_ =	shalt  }
0x52: {  	_ =	shalt  }
0x53: {  	_ =	shalt  }
0x54: {  	_ =	shalt  }
0x55: {  	_ =	shalt  }
0x56: {  	_ =	shalt  }
0x57: {  	_ =	shalt  }
0x58: {  	_ =	shalt  }
0x59: {  	_ =	shalt  }
0x5a: {  	_ =	shalt  }
0x5b: {  	_ =	shalt  }
0x5c: {  	_ =	shalt  }
0x5d: {  	_ =	shalt  }
0x5e: {  	_ =	shalt  }
0x5f: {  	_ =	shalt  }
0x60: {  	_ =	shalt  }
0x61: {  	_ =	shalt  }
0x62: {  	_ =	shalt  }
0x63: {  	_ =	shalt  }
0x64: {  	_ =	shalt  }
0x65: {  	_ =	shalt  }
0x66: {  	_ =	shalt  }
0x67: {  	_ =	shalt  }
0x68: {  	_ =	shalt  }
0x69: {  	_ =	shalt  }
0x6a: {  	_ =	shalt  }
0x6b: {  	_ =	shalt  }
0x6c: {  	_ =	shalt  }
0x6d: {  	_ =	shalt  }
0x6e: {  	_ =	shalt  }
0x6f: {  	_ =	shalt  }
0x70: {  	_ =	shalt  }
0x71: {  	_ =	shalt  }
0x72: {  	_ =	shalt  }
0x73: {  	_ =	shalt  }
0x74: {  	_ =	shalt  }
0x75: {  	_ =	shalt  }
0x76: {  	_ =	shalt  }
0x77: {  	_ =	shalt  }
0x78: {  	_ =	shalt  }
0x79: {  	_ =	shalt  }
0x7a: {  	_ =	shalt  }
0x7b: {  	_ =	shalt  }
0x7c: {  	_ =	shalt  }
0x7d: {  	_ =	shalt  }
0x7e: {  	_ =	shalt  }
0x7f: {  	_ =	shalt  }
0x80: {  	_ =	shalt  }
0x81: {  	_ =	shalt  }
0x82: {  	_ =	shalt  }
0x83: {  	_ =	shalt  }
0x84: {  	_ =	shalt  }
0x85: {  	_ =	shalt  }
0x86: {  	_ =	shalt  }
0x87: {  	_ =	shalt  }
.Lfunc_end0:
.L_simem_size_0:
called_computation.12_lowered:
.L_overlay_start_0:
0x88: {  	s2 =	sld [smem:$0x3FD9]  }
0x89: {  	s3 =	sld [smem:$0x3FFE];
	_ =	sdelay $0x1  }
0x8a: {  	s1 =	srdreg.scid  }
0x8b: {  	s0 =	sand.u32 $0x1, s1  }
0x8c: {  	s17 =	sshll.u32 s0, $0xA;
	s2 =	sadd.s32 s3, s2  }
0x8d: {  	s2 =	sadd.s32 s2, s17  }
0x8e: {  	[smem:$0x3FBF] =	sst s2  }
0x8f: {  	_ = 	snop  }
0x90: {  	s18 =	sld [smem:$0x3FD0];
	(tm) =	ssettm $0x1  }
0x91: {  	s19 =	sld [smem:$0x3FFB];
	_ =	sdelay $0x3  }
0x92: {  	_ =	strace s19  }
0x93: {  	s2 =	sld [smem:$0x3FFC];
	_ =	sdelay $0x3  }
0x94: {  	_ =	strace s2  }
0x95: {  	s2 =	sld [smem:$0x3FFD];
	_ =	sdelay $0x3  }
0x96: {  	_ =	strace s2  }
0x97: {  	_ =	strace $0x8FFFFFFF  }
0x98: {  	s20 =	sld [smem:$0x3FDB];
	_ =	sdelay $0x1  }
0x99: {  	s4 =	simm.s32 $_scs_section_size  }
0x9a: {  	s5 =	simm.s32 $_size__tile_overlayer_lowered;
	s6 =	simm.s32 $_tile_overlayer_lowered  }
0x9b: {  	s7 =	simm.s32 $0x1BFF;
	s21 =	sshll.u32 s6, $0x1;
	s4 =	sadd.s32 s4, s20  }
0x9c: {  	s22 =	simm.s32 $0x0;
	s5 =	sshll.u32 s5, $0x1;
	s6 =	sadd.s32 s21, s4  }
0x9d: {  	[timem:s22], [sflag:s7] =	dma.local [hbm:s6], s5  }
0x9e: {  	_ =	swait.ge [sflag:s7], s5  }
0x9f: {  	s5 =	ssub.s32 $0x0, s5;
	[sflag:s7] =	ssyncset.done $0x0  }
0xa0: {  	[sflag:s7] =	ssyncadd.s32 s5;
	_ =	sdelay $0x1  }
0xa1: {  	s23 =	simm.s32 $0x1B8B  }
0xa2: {  	_ =	swait.ge [sflag:s23], $0x1  }
0xa3: {  	[sflag:s23] =	ssyncset.done $0x0  }
0xa4: {  	[sflag:s23] =	ssyncadd.s32 $0xFFFFFFFF  }
0xa5: {  	s5 =	sld [smem:$0x0]  }
0xa6: {  	s6 =	sand.u32 $0xFFFFFFFE, s1  }
0xa7: {  	p0 =	sne.s32 s1, s6  }
0xa8: {  	s6 =	sshll.u32 @p0 s6, $0xE  }
0xa9: {  	s6 =	sadd.s32 @p0 $0x11B8D, s6;
	s7 =	sshll.u32 @p0 s5, $0x11  }
0xaa: {  	s6 =	sor.u32 @p0 s7, s6  }
0xab: {  	[sflag:s6] =	ssyncadd.remote.s32 @p0 $0x1;
	_ =	sdelay $0x1  }
0xac: {  	s6 =	simm.s32 @p0 $0x1B8D  }
0xad: {  	_ =	swait.eq @p0 [sflag:s6], $0x1  }
0xae: {  	[sflag:s6] =	ssyncadd.s32 @p0 $0xFFFFFFFF  }
0xaf: {  	s7 =	sshll.u32 @!p0 s1, $0xE  }
0xb0: {  	s7 =	sor.u32 @!p0 $0x4000, s7;
	s6 =	simm.s32 @!p0 $0x1B8D  }
0xb1: {  	s5 =	sshll.u32 @!p0 s5, $0x11;
	s7 =	sadd.s32 @!p0 $0x11B8D, s7;
	_ =	swait.eq @!p0 [sflag:s6], $0x1  }
0xb2: {  	s5 =	sor.u32 @!p0 s5, s7;
	[sflag:s6] =	ssyncadd.s32 @!p0 $0xFFFFFFFF  }
0xb3: {  	s25 =	simm.s32 $0x1B8E;
	s24 =	sld [smem:$0x3FFE];
	[sflag:s5] =	ssyncadd.remote.s32 @!p0 $0x1  }
0xb4: {  	s26 =	simm.s32 $execute0_lowered;
	[smem:$0x3FD2] =	sst s25  }
0xb5: {  	s6 =	sshll.u32 s26, $0x1;
	_ =	strace $0x8000006D;
	[dreg:$0x1] =	wrdreg $0xFFFFFFFF  }
0xb6: {  	s28 =	simm.s32 $_size_execute0_lowered;
	s4 =	sadd.s32 s4, s6;
	[dreg:$0x0] =	wrdreg $0x0  }
0xb7: {  	s6 =	sshll.u32 s28, $0x1;
	[dreg:$0x2] =	wrdreg s4  }
0xb8: {  	[dreg:$0x3] =	wrdreg s6  }
0xb9: {  	[dreg:$0x4] =	wrdreg $0xC0  }
0xba: {  	_ =	task [dreg:s22], $0x5FFFF  }
0xbb: {  	[dreg:$0x1] =	wrdreg $0xFFFFFFFF  }
0xbc: {  	[dreg:$0x0] =	wrdreg $0x60  }
0xbd: {  	[dreg:$0x2] =	wrdreg s24  }
0xbe: {  	[dreg:$0x3] =	wrdreg s18  }
0xbf: {  	[dreg:$0x4] =	wrdreg $0xA0800  }
0xc0: {  	[dreg:$0x5] =	wrdreg $0xA  }
0xc1: {  	_ =	task.clear_ibuf [dreg:s22], $0x6FFFF;
	_ =	strace $0x9000006D  }
0xc2: {  	s29 =	simm.s32 $0xA;
	_ =	strace $0x8000006F  }
0xc3: {  	_ =	swait.ge [sflag:s29], $0x1  }
0xc4: {  	[sflag:s29] =	ssyncadd.s32 $0xFFFFFFFF  }
0xc5: {  	_ =	strace $0x9000006F  }
0xc6: {  	_ =	sfence  }
0xc7: {  	s30 =	sld [smem:$0x0];
	_ =	sdelay $0x2  }
0xc8: {  	s31 =	sshll.u32 s1, $0xD;
	s1 =	sshrl.u32 s1, $0x2  }
0xc9: {  	s4 =	sand.u32 $0x4000, s31;
	s1 =	sadd.s32 s1, s30  }
0xca: {  	s0 =	sor.u32 s4, s0;
	s1 =	sshll.u32 s1, $0x11  }
0xcb: {  	s0 =	sor.u32 s1, s0  }
0xcc: {  	s0 =	sadd.s32 $0x8F2B, s0  }
0xcd: {  	[sflag:s0] =	ssyncadd.remote.s32 $0x1  }
0xce: {  	_ =	sfence.sel $0xFFFF  }
0xcf: {  	[dreg:$0x0] =	wrdreg $0xFFFFFFFF;
	(pc) =	sbr.abs _section_cstart, $3  }
0xd0: {  	[dreg:$0x1] =	wrdreg $0xFFFFFFFF  }
0xd1: {  	_ =	task.clear_ibuf [dreg:s22], $0x2FFFF;
	_ =	strace $0x9FFFFFFF  }
0xd2: {  	(tm) =	ssettm $0x7FFFFFFF  }
0xd3: {  	_ =	shalt  }
tec
execute0_lowered:
.L_overlay_start_1:
0x0: {  	(tag) =	ssettag $0x1  }
0x1: {  	s5 =	rddreg [dreg:$0x0]  }
0x2: {  	s7 =	rddreg [dreg:$0x1]  }
0x3: {  	s0 =	srdreg.scid;
	s2 =	rddreg [dreg:$0x2]  }
0x4: {  	s3 =	simm.s32 $0x0;
	s16 =	simm.s32 $0x6080;
	s6 =	sand.u32 $0x1, s0  }
0x5: {  	s17 =	simm.s32 $0x1;
	s0 =	stileid.u32;
	s10 =	smul.u32 $0x14000, s6  }
0x6: {  	s19 =	simm.s32 $0x0;
	[smem:$0x7FF] =	sst s3;
	s11 =	smul.u32 $0x1400, s0  }
0x7: {  	s4 =	sadd.s32 $0x29800, s5;
	s1 =	sshll.u32 s6, $0x4;
	s12 =	smul.u32 $0x1480, s0  }
0x8: {  	s6 =	ssub.s32 $0x2, s6;
	s26 =	sshll.u32 s0, $0x4;
	s13 =	smul.u32 $0x29000, s0  }
0x9: {  	s15 =	smul.u32 $0x28000, s0;
	s31 =	sshll.u32 s0, $0x6;
	s8 =	sor.u32 s0, s1  }
0xa: {  	s1 =	rddreg [dreg:$0x3];
	_ =	strace $0x8000006E;
	s25 =	sshrl.u32 s6, $0x1  }
0xb: {  	s14 =	sand.u32 $0x70, s26;
	s9 =	smul.u32 $0x600, s8;
	s10 =	sadd.s32 s11, s10  }
0xc: {  	s12 =	sadd.s32 s12, s5;
	s11 =	ssub.s32 s6, s25;
	s8 =	sshll.u32 s8, $0x4  }
0xd: {  	s7 =	sadd.s32 s7, s14;
	s28 =	sshrl.u32 s13, $0x2;
	s29 =	sshrl.u32 s15, $0x2  }
0xe: {  	s13 =	sor.u32 $0x1C02, s31;
	s15 =	simm.s32 $0x80;
	s10 =	sadd.s32 s10, s5  }
.Ltmp0:
0xf: {  	s8 =	sand.u32 $0x180, s8;
	s30 =	sadd.s32 s28, s2;
	(pc) =	sbr.rel .LBB2_1-.Ltmp0, $4  }
0x10: {  	s18 =	sadd.s32 s29, s2;
	s9 =	sadd.s32 s9, s5;
	s7 =	sadd.s32 s8, s7  }
0x11: {  	s8 =	sadd.s32 $0x52C00, s12;
	s12 =	simm.s32 $0x6000;
	s14 =	sshrl.u32 s30, $0x3  }
0x12: {  	s18 =	sshrl.u32 s18, $0x3;
	s5 =	sadd.s32 $0x1B400, s9;
	s6 =	sadd.s32 $0xF400, s9  }
0x13: {  	s9 =	sadd.s32 $0x67400, s10;
	s10 =	smax.u32 s11, $0x1;
	s11 =	simm.s32 $0x2  }
.LBB2_4:
0x14: {  	[sflag:s11] =	ssyncadd.s32 $0xFFFFC000  }
.LBB2_5:
0x15: {  	s19 =	sadd.s32 $0x1, s19  }
0x16: {  	p0 =	sne.s32 s19, s10  }
.Ltmp1:
0x17: {  	[bflag:$0x0] =	sbarrier.arrive $0xFFFF;
	(pc) =	sbr.rel @!p0 .LBB2_6-.Ltmp1, $4  }
0x18: {  	[hbm:s9], [sflag:s13] =	dma.local [spmem:s18], $0x1400  }
0x19: {  	_ =	swait.ge [sflag:s11], $0x1400  }
0x1a: {  	[sflag:s11] =	ssyncset.done $0x0  }
0x1b: {  	[sflag:s11] =	ssyncadd.s32 $0xFFFFEC00  }
.LBB2_1:
0x1c: {  	[tilespmem:s3], [sflag:$0x2] =	stream.linear.gather [hbm4b:s5+s3], $0x3000, $0x38;
	[tilespmem:$0x14480] =	vst v63  }
0x1d: {  	_ =	swait.ge [sflag:s11], $0x3000  }
0x1e: {  	[sflag:s11] =	ssyncset.done $0x0  }
0x1f: {  	s20 =	simm.s32 $0x3000;
	[sflag:s11] =	ssyncadd.s32 $0xFFFFD000  }
0x20: {  	[tilespmem:s20], [sflag:$0x2] =	stream.linear.gather [hbm4b:s6+s3], $0x3000, $0x38;
	[tilespmem:$0x14480] =	vst v63  }
0x21: {  	_ =	swait.ge [sflag:s11], $0x3000  }
0x22: {  	[sflag:s11] =	ssyncset.done $0x0  }
0x23: {  	[sflag:s11] =	ssyncadd.s32 $0xFFFFD000  }
0x24: {  	[tilespmem:s12], [sflag:$0x2] =	stream.linear.gather [hbm4b:s7+s3], $0x80, $0x38;
	[tilespmem:$0x14480] =	vst v63  }
0x25: {  	_ =	swait.ge [sflag:s11], $0x80  }
0x26: {  	[sflag:s11] =	ssyncset.done $0x0  }
0x27: {  	[sflag:s11] =	ssyncadd.s32 $0xFFFFFF80  }
0x28: {  	[spmem:s14], [sflag:s13] =	dma.local [hbm:s8], $0x1480  }
0x29: {  	_ =	swait.ge [sflag:s11], $0x1480  }
0x2a: {  	[sflag:s11] =	ssyncset.done $0x0  }
0x2b: {  	[sflag:s11] =	ssyncadd.s32 $0xFFFFEB80  }
0x2c: {  	[bflag:$0x0] =	sbarrier.arrive $0xFFFF  }
0x2d: {  	v0 =	vld [tilespmem:$0x6000];
	_ =	sdelay $0x4  }
0x2e: {  	(v2sf) =	vpush v0, $0x0;
	_ =	sdelay $0xe  }
0x2f: {  	s21 =	spop (v2sf)  }
0x30: {  	p0 =	slt.s32 s21, $0x1  }
.Ltmp2:
0x31: {  	_ = 	snop;
	(pc) =	sbr.rel @p0 .LBB2_5-.Ltmp2, $1  }
0x32: {  	_ =	sdelay $0x3  }
0x33: {  	[tilespmem:s16], [sflag:$0x1] =	stream.indirect.gather [hbm4b:s4+s15], $0x80, s3, s15, $0xb8;
	[tilespmem:$0x14480] =	vst v63  }
0x34: {  	p0 =	sne.s32 s21, $0x1;
	_ =	swait.ge [sflag:s17], $0x4000  }
.Ltmp3:
0x35: {  	[sflag:s17] =	ssyncset.done $0x0;
	(pc) =	sbr.rel @!p0 .LBB2_4-.Ltmp3, $4  }
0x36: {  	[sflag:s17] =	ssyncadd.s32 $0xFFFFC000  }
0x37: {  	[spmem:s2] =	stream.indirect.scatter.add.f32 [tilespmem:s16], [sflag:$0x2], $0x80, s20, s15, $0xb8;
	[tilespmem:$0x14480] =	vst v63  }
0x38: {  	_ =	swait.ge [sflag:s11], $0x4000  }
0x39: {  	s21 =	sadd.s32 $0xFFFFFFFF, s21;
	s22 =	simm.s32 $0x0;
	[sflag:s11] =	ssyncset.done $0x0  }
.LBB2_3:
0x3a: {  	[sflag:s11] =	ssyncadd.s32 $0xFFFFC000;
	s22 =	sadd.s32 $0x80, s22;
	s20 =	sadd.s32 $0x80, s20  }
0x3b: {  	[tilespmem:s16], [sflag:$0x1] =	stream.indirect.gather [hbm4b:s4+s15], $0x80, s22, s15, $0xb8;
	[tilespmem:$0x14480] =	vst v63  }
0x3c: {  	p0 =	sne.s32 s21, $0x1;
	s21 =	sadd.s32 $0xFFFFFFFF, s21;
	_ =	swait.ge [sflag:s17], $0x4000  }
.Ltmp4:
0x3d: {  	[sflag:s17] =	ssyncset.done $0x0;
	(pc) =	sbr.rel @p0 .LBB2_3-.Ltmp4, $4  }
0x3e: {  	[sflag:s17] =	ssyncadd.s32 $0xFFFFC000  }
0x3f: {  	[spmem:s2] =	stream.indirect.scatter.add.f32 [tilespmem:s16], [sflag:$0x2], $0x80, s20, s15, $0xb8;
	[tilespmem:$0x14480] =	vst v63  }
0x40: {  	_ =	swait.ge [sflag:s11], $0x4000  }
0x41: {  	[sflag:s11] =	ssyncset.done $0x0  }
.Ltmp5:
0x42: {  	_ = 	snop;
	(pc) =	sbr.rel .LBB2_4-.Ltmp5, $1  }
0x43: {  	_ =	sdelay $0x3  }
.LBB2_6:
0x44: {  	_ =	sfence.sel $0x180000  }
0x45: {  	[bflag:$0x0] =	sbarrier.arrive $0xFFFF  }
0x46: {  	p0 =	sne.s32 s0, $0x0;
	_ =	strace $0x9000006E  }
0x47: {  	s0 =	sadd.s32 @!p0 $0x100000, s1;
	[bflag:$0x2] =	sbarrier.arrive $0xFFFF  }
0x48: {  	[sflag:s0] =	ssyncadd.tile.s32 @!p0 $0x1;
	_ =	shalt  }
.Lfunc_end2:
_tile_overlayer_lowered:
.L_overlay_start_2:
0x49: {  	(tag) =	ssettag $0x2  }
0x4a: {  	s0 =	rddreg [dreg:$0x0];
	s2 =	stileid.u32  }
0x4b: {  	s1 =	rddreg [dreg:$0x1];
	p0 =	sne.s32 s2, $0x0  }
0x4c: {  	s3 =	rddreg [dreg:$0x2];
	[bflag:$0x3] =	sbarrier.arrive $0xFFFF;
	s2 =	simm.s32 @!p0 $0x1C02  }
0x4d: {  	[timem:s3], [sflag:s2] =	dma.local @!p0 [hbm:s0], s1  }
0x4e: {  	s0 =	simm.s32 @!p0 $0x2  }
0x4f: {  	_ =	swait.ge @!p0 [sflag:s0], s1  }
0x50: {  	s1 =	ssub.s32 @!p0 $0x0, s1;
	[sflag:s0] =	ssyncset.done @!p0 $0x0  }
0x51: {  	[sflag:s0] =	ssyncadd.s32 @!p0 s1  }
0x52: {  	[bflag:$0x3] =	sbarrier.arrive $0xFFFF  }
0x53: {  	_ =	shalt  }

// kernel: kernel.20.cloned.1.call-start
scs
__scs_entry_jumppad:
0x0: {  	(pc) =	sbr.rel $0x88, $3  }
0x1: {  	(tag) =	ssettag $0x0;
	lr =	simm.s32 $0x1  }
0x2: {  	[smem:$0x3F98] =	sst lr;
	_ =	strace $0xD0000000  }
0x3: {  	_ = 	snop  }
0x4: {  	_ = 	snop  }
0x5: {  	_ = 	snop  }
0x6: {  	_ = 	snop  }
0x7: {  	_ = 	snop  }
__scs_overlays_trampoline_lowered:
0x8: {  	[smem:$0x3FA7] =	sst s0  }
0x9: {  	[smem:$0x3FA8] =	sst s1  }
0xa: {  	[smem:$0x3FA9] =	sst s2  }
0xb: {  	[smem:$0x3FAA] =	sst s3  }
0xc: {  	[smem:$0x3FAB] =	sst s4  }
0xd: {  	[smem:$0x3FAC] =	sst s5  }
0xe: {  	[smem:$0x3FAD] =	sst s6  }
0xf: {  	[smem:$0x3FAE] =	sst s7  }
0x10: {  	[smem:$0x3FAF] =	sst s8  }
0x11: {  	[smem:$0x3FB0] =	sst s9;
	s0 =	simm.s32 @!p0 $0x0  }
0x12: {  	s1 =	sld [smem:$0x3F96];
	s0 =	simm.s32 @p0 $0x1  }
0x13: {  	[smem:$0x3FB1] =	sst s0;
	s0 =	simm.s32 @!p1 $0x0  }
0x14: {  	s2 =	sld [smem:$0x3F95];
	s0 =	simm.s32 @p1 $0x1  }
0x15: {  	[smem:$0x3FB2] =	sst s0;
	s0 =	simm.s32 @!p2 $0x0  }
0x16: {  	s3 =	sld [smem:$0x3FDB];
	s0 =	simm.s32 @p2 $0x1  }
0x17: {  	s4 =	simm.s32 $0x1BF5;
	[smem:$0x3FB4] =	sst s0  }
0x18: {  	s0 =	sld [smem:$0x3F97];
	_ =	swait.ge [sflag:s4], $0x0  }
0x19: {  	s7 =	sld [smem:$0x3F98]  }
0x1a: {  	s8 =	sadd.s32 $0xFFFFE003, lr  }
0x1b: {  	s9 =	sadd.s32 $0xFFFFFEF7, lr;
	s5 =	simm.s32 $0xFFFFFFFF;
	p2 =	slt.u32 s8, $0xFFFFF086  }
0x1c: {  	p1 =	slt.u32 s9, $0xF7A;
	s5 =	simm.s32 @!p2 $0x0  }
0x1d: {  	s5 =	simm.s32 @p1 $0x1;
	p0 =	seq.s32 s7, s2  }
0x1e: {  	s7 =	smul.u32 @!p0 $0xF7A, s2;
	p2 =	seq.s32 @!p0 s5, $0x0  }
0x1f: {  	s9 =	smul.u32 $0xF7A, s1;
	s8 =	simm.s32 @!p0 $0x1BF5;
	p2 =	por !p2, p0  }
0x20: {  	[sflag:s8] =	ssyncset.s32 @!p0 $0xFFFFF086;
	s6 =	sadd.s32 @!p0 s3, s7;
	s7 =	simm.s32 @!p0 $0x108  }
0x21: {  	s3 =	sadd.s32 s3, s9;
	s6 =	sadd.s32 @!p0 $0x88, s6;
	s7 =	simm.s32 @p2 $0x1082  }
0x22: {  	[simem:s7], [sflag:s8] =	dma.local @!p0 [hbm:s6], $0xF7A  }
0x23: {  	s9 =	sor.u32 $0xD0000000, s2;
	s6 =	simm.s32 $0x108;
	_ =	swait.ge @!p0 [sflag:s8], $0x0  }
0x24: {  	s3 =	sadd.s32 $0x88, s3;
	s6 =	simm.s32 @!p1 $0x1082;
	[sflag:s4] =	ssyncset.s32 $0xFFFFF086  }
0x25: {  	[simem:s6], [sflag:s4] =	dma.local [hbm:s3], $0xF7A  }
0x26: {  	[smem:$0x3F98] =	sst s1;
	(tag) =	ssettag s2;
	_ =	strace s9  }
0x27: {  	s1 =	sld [smem:$0x3FA8]  }
0x28: {  	s2 =	sld [smem:$0x3FA9]  }
0x29: {  	s4 =	sld [smem:$0x3FAB]  }
0x2a: {  	p0 =	seq.s32 s5, $0x0;
	s5 =	sld [smem:$0x3FAC]  }
0x2b: {  	s6 =	sld [smem:$0x3FAD]  }
0x2c: {  	s7 =	sld [smem:$0x3FAE]  }
0x2d: {  	s3 =	simm.s32 $0x108;
	s8 =	sld [smem:$0x3FAF]  }
0x2e: {  	s3 =	simm.s32 @!p0 $0x1082;
	s9 =	sld [smem:$0x3FB0]  }
0x2f: {  	lr =	sadd.s32 s0, s3;
	s0 =	sld [smem:$0x3FA7]  }
0x30: {  	s3 =	sld [smem:$0x3FAA]  }
0x31: {  	[smem:$0x3FB3] =	sst s10  }
0x32: {  	s10 =	sld [smem:$0x3FB1];
	_ =	sdelay $0x3  }
0x33: {  	p0 =	seq.s32 s10, $0x1;
	s10 =	sld [smem:$0x3FB3];
	_ =	sdelay $0x3  }
0x34: {  	[smem:$0x3FB3] =	sst s10  }
0x35: {  	s10 =	sld [smem:$0x3FB2];
	_ =	sdelay $0x3  }
0x36: {  	p1 =	seq.s32 s10, $0x1;
	s10 =	sld [smem:$0x3FB3];
	_ =	sdelay $0x3  }
0x37: {  	[smem:$0x3FB3] =	sst s10  }
0x38: {  	s10 =	sld [smem:$0x3FB4]  }
0x39: {  	_ = 	snop;
	(pc) =	sbr.ind lr, $3  }
0x3a: {  	_ = 	snop  }
0x3b: {  	_ = 	snop  }
0x3c: {  	p2 =	seq.s32 s10, $0x1;
	s10 =	sld [smem:$0x3FB3]  }
0x3d: {  	_ =	shalt  }
0x3e: {  	_ =	shalt  }
0x3f: {  	_ =	shalt  }
0x40: {  	_ =	shalt  }
0x41: {  	_ =	shalt  }
0x42: {  	_ =	shalt  }
0x43: {  	_ =	shalt  }
0x44: {  	_ =	shalt  }
0x45: {  	_ =	shalt  }
0x46: {  	_ =	shalt  }
0x47: {  	_ =	shalt  }
0x48: {  	_ =	shalt  }
0x49: {  	_ =	shalt  }
0x4a: {  	_ =	shalt  }
0x4b: {  	_ =	shalt  }
0x4c: {  	_ =	shalt  }
0x4d: {  	_ =	shalt  }
0x4e: {  	_ =	shalt  }
0x4f: {  	_ =	shalt  }
0x50: {  	_ =	shalt  }
0x51: {  	_ =	shalt  }
0x52: {  	_ =	shalt  }
0x53: {  	_ =	shalt  }
0x54: {  	_ =	shalt  }
0x55: {  	_ =	shalt  }
0x56: {  	_ =	shalt  }
0x57: {  	_ =	shalt  }
0x58: {  	_ =	shalt  }
0x59: {  	_ =	shalt  }
0x5a: {  	_ =	shalt  }
0x5b: {  	_ =	shalt  }
0x5c: {  	_ =	shalt  }
0x5d: {  	_ =	shalt  }
0x5e: {  	_ =	shalt  }
0x5f: {  	_ =	shalt  }
0x60: {  	_ =	shalt  }
0x61: {  	_ =	shalt  }
0x62: {  	_ =	shalt  }
0x63: {  	_ =	shalt  }
0x64: {  	_ =	shalt  }
0x65: {  	_ =	shalt  }
0x66: {  	_ =	shalt  }
0x67: {  	_ =	shalt  }
0x68: {  	_ =	shalt  }
0x69: {  	_ =	shalt  }
0x6a: {  	_ =	shalt  }
0x6b: {  	_ =	shalt  }
0x6c: {  	_ =	shalt  }
0x6d: {  	_ =	shalt  }
0x6e: {  	_ =	shalt  }
0x6f: {  	_ =	shalt  }
0x70: {  	_ =	shalt  }
0x71: {  	_ =	shalt  }
0x72: {  	_ =	shalt  }
0x73: {  	_ =	shalt  }
0x74: {  	_ =	shalt  }
0x75: {  	_ =	shalt  }
0x76: {  	_ =	shalt  }
0x77: {  	_ =	shalt  }
0x78: {  	_ =	shalt  }
0x79: {  	_ =	shalt  }
0x7a: {  	_ =	shalt  }
0x7b: {  	_ =	shalt  }
0x7c: {  	_ =	shalt  }
0x7d: {  	_ =	shalt  }
0x7e: {  	_ =	shalt  }
0x7f: {  	_ =	shalt  }
0x80: {  	_ =	shalt  }
0x81: {  	_ =	shalt  }
0x82: {  	_ =	shalt  }
0x83: {  	_ =	shalt  }
0x84: {  	_ =	shalt  }
0x85: {  	_ =	shalt  }
0x86: {  	_ =	shalt  }
0x87: {  	_ =	shalt  }
.Lfunc_end0:
.L_simem_size_0:
called_computation.13_lowered:
.L_overlay_start_0:
0x88: {  	s2 =	sld [smem:$0x3FD9]  }
0x89: {  	s3 =	sld [smem:$0x3FFE];
	_ =	sdelay $0x1  }
0x8a: {  	s1 =	srdreg.scid  }
0x8b: {  	s0 =	sand.u32 $0x1, s1  }
0x8c: {  	s17 =	sshll.u32 s0, $0xA;
	s2 =	sadd.s32 s3, s2  }
0x8d: {  	s2 =	sadd.s32 s2, s17  }
0x8e: {  	[smem:$0x3FBF] =	sst s2  }
0x8f: {  	_ = 	snop  }
0x90: {  	s2 =	sld [smem:$0x3FD0];
	(tm) =	ssettm $0x1  }
0x91: {  	s18 =	sld [smem:$0x3FFB];
	_ =	sdelay $0x3  }
0x92: {  	_ =	strace s18  }
0x93: {  	s3 =	sld [smem:$0x3FFC];
	_ =	sdelay $0x3  }
0x94: {  	_ =	strace s3  }
0x95: {  	s3 =	sld [smem:$0x3FFD];
	_ =	sdelay $0x3  }
0x96: {  	_ =	strace s3  }
0x97: {  	_ =	strace $0x8FFFFFFF  }
0x98: {  	s19 =	sld [smem:$0x3FDB];
	_ =	sdelay $0x1  }
0x99: {  	s4 =	simm.s32 $_scs_section_size  }
0x9a: {  	s5 =	simm.s32 $_size__tile_overlayer_lowered;
	s6 =	simm.s32 $_tile_overlayer_lowered  }
0x9b: {  	s22 =	simm.s32 $0x1BFF;
	s21 =	sshll.u32 s6, $0x1;
	s3 =	sadd.s32 s4, s19  }
0x9c: {  	s7 =	simm.s32 $0x0;
	s20 =	sshll.u32 s5, $0x1;
	s5 =	sadd.s32 s21, s3  }
0x9d: {  	[timem:s7], [sflag:s22] =	dma.local [hbm:s5], s20  }
0x9e: {  	_ =	swait.ge [sflag:s22], s20  }
0x9f: {  	s4 =	ssub.s32 $0x0, s20;
	[sflag:s22] =	ssyncset.done $0x0  }
0xa0: {  	[sflag:s22] =	ssyncadd.s32 s4;
	_ =	sdelay $0x1  }
0xa1: {  	s23 =	simm.s32 $0x1B8B  }
0xa2: {  	_ =	swait.ge [sflag:s23], $0x1  }
0xa3: {  	[sflag:s23] =	ssyncset.done $0x0  }
0xa4: {  	s25 =	simm.s32 $0x1B8E;
	s24 =	sld [smem:$0x3FFE];
	[sflag:s23] =	ssyncadd.s32 $0xFFFFFFFF  }
0xa5: {  	s26 =	simm.s32 $execute0_lowered;
	[smem:$0x3FD2] =	sst s25  }
0xa6: {  	s5 =	sshll.u32 s26, $0x1;
	_ =	strace $0x80000070;
	[dreg:$0x1] =	wrdreg $0xFFFFFFFF  }
0xa7: {  	s28 =	simm.s32 $_size_execute0_lowered;
	s3 =	sadd.s32 s3, s5;
	[dreg:$0x0] =	wrdreg $0x0  }
0xa8: {  	s5 =	sshll.u32 s28, $0x1;
	[dreg:$0x2] =	wrdreg s3  }
0xa9: {  	[dreg:$0x3] =	wrdreg s5  }
0xaa: {  	[dreg:$0x4] =	wrdreg $0xC0  }
0xab: {  	_ =	task [dreg:s7], $0x5FFFF  }
0xac: {  	[dreg:$0x1] =	wrdreg $0xFFFFFFFF  }
0xad: {  	[dreg:$0x0] =	wrdreg $0x60  }
0xae: {  	[dreg:$0x2] =	wrdreg s24  }
0xaf: {  	[dreg:$0x3] =	wrdreg s2  }
0xb0: {  	[dreg:$0x4] =	wrdreg $0x44800  }
0xb1: {  	[dreg:$0x5] =	wrdreg $0x9  }
0xb2: {  	_ =	task.clear_ibuf [dreg:s7], $0x6FFFF;
	_ =	strace $0x90000070  }
0xb3: {  	s29 =	simm.s32 $0x9;
	_ =	strace $0x80000072  }
0xb4: {  	_ =	swait.ge [sflag:s29], $0x1  }
0xb5: {  	[sflag:s29] =	ssyncadd.s32 $0xFFFFFFFF  }
0xb6: {  	_ =	strace $0x90000072  }
0xb7: {  	_ =	sfence  }
0xb8: {  	s30 =	sld [smem:$0x0];
	_ =	sdelay $0x2  }
0xb9: {  	s31 =	sshll.u32 s1, $0xD;
	s1 =	sshrl.u32 s1, $0x2  }
0xba: {  	s3 =	sand.u32 $0x4000, s31;
	s1 =	sadd.s32 s1, s30  }
0xbb: {  	s0 =	sor.u32 s3, s0;
	s1 =	sshll.u32 s1, $0x11  }
0xbc: {  	s0 =	sor.u32 s1, s0  }
0xbd: {  	s0 =	sadd.s32 $0x8F2B, s0  }
0xbe: {  	[sflag:s0] =	ssyncadd.remote.s32 $0x1  }
0xbf: {  	_ =	sfence.sel $0xFFFF  }
0xc0: {  	[dreg:$0x0] =	wrdreg $0xFFFFFFFF;
	(pc) =	sbr.abs _section_cstart, $3  }
0xc1: {  	[dreg:$0x1] =	wrdreg $0xFFFFFFFF  }
0xc2: {  	_ =	task.clear_ibuf [dreg:s7], $0x2FFFF;
	_ =	strace $0x9FFFFFFF  }
0xc3: {  	(tm) =	ssettm $0x7FFFFFFF  }
tec
execute0_lowered:
.L_overlay_start_1:
0x0: {  	(tag) =	ssettag $0x1  }
0x1: {  	s5 =	rddreg [dreg:$0x0]  }
0x2: {  	s6 =	rddreg [dreg:$0x1]  }
0x3: {  	s1 =	rddreg [dreg:$0x2]  }
0x4: {  	s2 =	srdreg.scid;
	s0 =	rddreg [dreg:$0x3];
	s3 =	simm.s32 $0x0  }
0x5: {  	s15 =	simm.s32 $0x80;
	s16 =	simm.s32 $0x480;
	s17 =	simm.s32 $0x1  }
0x6: {  	s19 =	simm.s32 $0x0;
	s8 =	sand.u32 $0x1, s2;
	[smem:$0x7FF] =	sst s3  }
0x7: {  	s2 =	stileid.u32;
	s4 =	sshll.u32 s8, $0x4;
	_ =	strace $0x80000071  }
0x8: {  	s10 =	smul.u32 $0x880, s2;
	s11 =	ssub.s32 $0x2, s8;
	s12 =	sshll.u32 s2, $0xB  }
0x9: {  	s24 =	sshll.u32 s2, $0x4;
	s14 =	smul.u32 $0x11000, s2;
	s28 =	sshll.u32 s2, $0xE  }
0xa: {  	s29 =	sshll.u32 s8, $0xF;
	s31 =	sshll.u32 s2, $0x6;
	s7 =	sor.u32 s2, s4  }
0xb: {  	s4 =	sadd.s32 $0x28400, s5;
	s13 =	sshrl.u32 s11, $0x1;
	s12 =	sadd.s32 s12, s5  }
0xc: {  	s25 =	sand.u32 $0x70, s24;
	s18 =	sadd.s32 s28, s1;
	s9 =	sshll.u32 s7, $0x6  }
0xd: {  	s10 =	sadd.s32 s10, s5;
	s11 =	ssub.s32 s11, s13;
	s7 =	sshll.u32 s7, $0x4  }
0xe: {  	s13 =	sadd.s32 s6, s25;
	s26 =	sshrl.u32 s14, $0x2;
	s30 =	sadd.s32 s29, s12  }
.Ltmp0:
0xf: {  	s12 =	simm.s32 $0x400;
	s18 =	sshrl.u32 s18, $0x3;
	(pc) =	sbr.rel .LBB2_1-.Ltmp0, $4  }
0x10: {  	s9 =	sadd.s32 s9, s5;
	s7 =	sand.u32 $0x180, s7;
	s14 =	sadd.s32 s26, s1  }
0x11: {  	s8 =	sadd.s32 $0x52C00, s10;
	s10 =	smax.u32 s11, $0x1;
	s11 =	simm.s32 $0x2  }
0x12: {  	s5 =	sadd.s32 $0x27C00, s9;
	s6 =	sadd.s32 $0x51800, s9;
	s7 =	sadd.s32 s7, s13  }
0x13: {  	s9 =	sadd.s32 $0x3000, s30;
	s13 =	sor.u32 $0x1C02, s31;
	s14 =	sshrl.u32 s14, $0x3  }
.LBB2_4:
0x14: {  	[sflag:s11] =	ssyncadd.s32 $0xFFFFC000  }
.LBB2_5:
0x15: {  	s19 =	sadd.s32 $0x1, s19  }
0x16: {  	p0 =	sne.s32 s19, s10  }
.Ltmp1:
0x17: {  	[bflag:$0x0] =	sbarrier.arrive $0xFFFF;
	(pc) =	sbr.rel @!p0 .LBB2_6-.Ltmp1, $4  }
0x18: {  	[hbm:s9], [sflag:s13] =	dma.local [spmem:s18], $0x800  }
0x19: {  	_ =	swait.ge [sflag:s11], $0x800  }
0x1a: {  	[sflag:s11] =	ssyncset.done $0x0  }
0x1b: {  	[sflag:s11] =	ssyncadd.s32 $0xFFFFF800  }
.LBB2_1:
0x1c: {  	[tilespmem:s3], [sflag:$0x2] =	stream.linear.gather [hbm4b:s5+s3], $0x200, $0x38;
	[tilespmem:$0x8880] =	vst v63  }
0x1d: {  	_ =	swait.ge [sflag:s11], $0x200  }
0x1e: {  	[sflag:s11] =	ssyncset.done $0x0  }
0x1f: {  	s20 =	simm.s32 $0x200;
	[sflag:s11] =	ssyncadd.s32 $0xFFFFFE00  }
0x20: {  	[tilespmem:s20], [sflag:$0x2] =	stream.linear.gather [hbm4b:s6+s3], $0x200, $0x38;
	[tilespmem:$0x8880] =	vst v63  }
0x21: {  	_ =	swait.ge [sflag:s11], $0x200  }
0x22: {  	[sflag:s11] =	ssyncset.done $0x0  }
0x23: {  	[sflag:s11] =	ssyncadd.s32 $0xFFFFFE00  }
0x24: {  	[tilespmem:s12], [sflag:$0x2] =	stream.linear.gather [hbm4b:s7+s3], $0x80, $0x38;
	[tilespmem:$0x8880] =	vst v63  }
0x25: {  	_ =	swait.ge [sflag:s11], $0x80  }
0x26: {  	[sflag:s11] =	ssyncset.done $0x0  }
0x27: {  	[sflag:s11] =	ssyncadd.s32 $0xFFFFFF80  }
0x28: {  	[spmem:s14], [sflag:s13] =	dma.local [hbm:s8], $0x880  }
0x29: {  	_ =	swait.ge [sflag:s11], $0x880  }
0x2a: {  	[sflag:s11] =	ssyncset.done $0x0  }
0x2b: {  	[sflag:s11] =	ssyncadd.s32 $0xFFFFF780  }
0x2c: {  	[bflag:$0x0] =	sbarrier.arrive $0xFFFF  }
0x2d: {  	v0 =	vld [tilespmem:$0x400];
	_ =	sdelay $0x4  }
0x2e: {  	(v2sf) =	vpush v0, $0x0;
	_ =	sdelay $0xe  }
0x2f: {  	s21 =	spop (v2sf)  }
0x30: {  	p0 =	slt.s32 s21, $0x1  }
.Ltmp2:
0x31: {  	_ = 	snop;
	(pc) =	sbr.rel @p0 .LBB2_5-.Ltmp2, $1  }
0x32: {  	_ =	sdelay $0x3  }
0x33: {  	[tilespmem:s16], [sflag:$0x1] =	stream.indirect.gather [hbm4b:s4+s15], $0x80, s3, s15, $0xb8;
	[tilespmem:$0x8880] =	vst v63  }
0x34: {  	p0 =	sne.s32 s21, $0x1;
	_ =	swait.ge [sflag:s17], $0x4000  }
.Ltmp3:
0x35: {  	[sflag:s17] =	ssyncset.done $0x0;
	(pc) =	sbr.rel @!p0 .LBB2_4-.Ltmp3, $4  }
0x36: {  	[sflag:s17] =	ssyncadd.s32 $0xFFFFC000  }
0x37: {  	[spmem:s1] =	stream.indirect.scatter.add.f32 [tilespmem:s16], [sflag:$0x2], $0x80, s20, s15, $0xb8;
	[tilespmem:$0x8880] =	vst v63  }
0x38: {  	_ =	swait.ge [sflag:s11], $0x4000  }
0x39: {  	s21 =	sadd.s32 $0xFFFFFFFF, s21;
	s22 =	simm.s32 $0x0;
	[sflag:s11] =	ssyncset.done $0x0  }
.LBB2_3:
0x3a: {  	[sflag:s11] =	ssyncadd.s32 $0xFFFFC000;
	s22 =	sadd.s32 $0x80, s22;
	s20 =	sadd.s32 $0x80, s20  }
0x3b: {  	[tilespmem:s16], [sflag:$0x1] =	stream.indirect.gather [hbm4b:s4+s15], $0x80, s22, s15, $0xb8;
	[tilespmem:$0x8880] =	vst v63  }
0x3c: {  	p0 =	sne.s32 s21, $0x1;
	s21 =	sadd.s32 $0xFFFFFFFF, s21;
	_ =	swait.ge [sflag:s17], $0x4000  }
.Ltmp4:
0x3d: {  	[sflag:s17] =	ssyncset.done $0x0;
	(pc) =	sbr.rel @p0 .LBB2_3-.Ltmp4, $4  }
0x3e: {  	[sflag:s17] =	ssyncadd.s32 $0xFFFFC000  }
0x3f: {  	[spmem:s1] =	stream.indirect.scatter.add.f32 [tilespmem:s16], [sflag:$0x2], $0x80, s20, s15, $0xb8;
	[tilespmem:$0x8880] =	vst v63  }
0x40: {  	_ =	swait.ge [sflag:s11], $0x4000  }
0x41: {  	[sflag:s11] =	ssyncset.done $0x0  }
.Ltmp5:
0x42: {  	_ = 	snop;
	(pc) =	sbr.rel .LBB2_4-.Ltmp5, $1  }
0x43: {  	_ =	sdelay $0x3  }
.LBB2_6:
0x44: {  	_ =	sfence.sel $0x180000  }
0x45: {  	[bflag:$0x0] =	sbarrier.arrive $0xFFFF  }
0x46: {  	p0 =	sne.s32 s2, $0x0;
	_ =	strace $0x90000071  }
0x47: {  	s0 =	sadd.s32 @!p0 $0x100000, s0;
	[bflag:$0x2] =	sbarrier.arrive $0xFFFF  }
0x48: {  	[sflag:s0] =	ssyncadd.tile.s32 @!p0 $0x1;
	_ =	shalt  }
.Lfunc_end2:
_tile_overlayer_lowered:
.L_overlay_start_2:
0x49: {  	(tag) =	ssettag $0x2  }
0x4a: {  	s0 =	rddreg [dreg:$0x0];
	s2 =	stileid.u32  }
0x4b: {  	s1 =	rddreg [dreg:$0x1];
	p0 =	sne.s32 s2, $0x0  }
0x4c: {  	s3 =	rddreg [dreg:$0x2];
	[bflag:$0x3] =	sbarrier.arrive $0xFFFF;
	s2 =	simm.s32 @!p0 $0x1C02  }
0x4d: {  	[timem:s3], [sflag:s2] =	dma.local @!p0 [hbm:s0], s1  }
0x4e: {  	s0 =	simm.s32 @!p0 $0x2  }
0x4f: {  	_ =	swait.ge @!p0 [sflag:s0], s1  }
0x50: {  	s1 =	ssub.s32 @!p0 $0x0, s1;
	[sflag:s0] =	ssyncset.done @!p0 $0x0  }
0x51: {  	[sflag:s0] =	ssyncadd.s32 @!p0 s1  }
0x52: {  	[bflag:$0x3] =	sbarrier.arrive $0xFFFF  }
0x53: {  	_ =	shalt  }

// kernel: scatter_offload_async_start.1
scs
__scs_entry_jumppad:
0x0: {  	(pc) =	sbr.rel $0x88, $3  }
0x1: {  	(tag) =	ssettag $0x0;
	lr =	simm.s32 $0x1  }
0x2: {  	[smem:$0x3F98] =	sst lr;
	_ =	strace $0xD0000000  }
0x3: {  	_ = 	snop  }
0x4: {  	_ = 	snop  }
0x5: {  	_ = 	snop  }
0x6: {  	_ = 	snop  }
0x7: {  	_ = 	snop  }
__scs_overlays_trampoline_lowered:
0x8: {  	[smem:$0x3FA7] =	sst s0  }
0x9: {  	[smem:$0x3FA8] =	sst s1  }
0xa: {  	[smem:$0x3FA9] =	sst s2  }
0xb: {  	[smem:$0x3FAA] =	sst s3  }
0xc: {  	[smem:$0x3FAB] =	sst s4  }
0xd: {  	[smem:$0x3FAC] =	sst s5  }
0xe: {  	[smem:$0x3FAD] =	sst s6  }
0xf: {  	[smem:$0x3FAE] =	sst s7  }
0x10: {  	[smem:$0x3FAF] =	sst s8  }
0x11: {  	[smem:$0x3FB0] =	sst s9;
	s0 =	simm.s32 @!p0 $0x0  }
0x12: {  	s1 =	sld [smem:$0x3F96];
	s0 =	simm.s32 @p0 $0x1  }
0x13: {  	[smem:$0x3FB1] =	sst s0;
	s0 =	simm.s32 @!p1 $0x0  }
0x14: {  	s2 =	sld [smem:$0x3F95];
	s0 =	simm.s32 @p1 $0x1  }
0x15: {  	[smem:$0x3FB2] =	sst s0;
	s0 =	simm.s32 @!p2 $0x0  }
0x16: {  	s3 =	sld [smem:$0x3FDB];
	s0 =	simm.s32 @p2 $0x1  }
0x17: {  	s4 =	simm.s32 $0x1BF5;
	[smem:$0x3FB4] =	sst s0  }
0x18: {  	s0 =	sld [smem:$0x3F97];
	_ =	swait.ge [sflag:s4], $0x0  }
0x19: {  	s7 =	sld [smem:$0x3F98]  }
0x1a: {  	s8 =	sadd.s32 $0xFFFFE003, lr  }
0x1b: {  	s9 =	sadd.s32 $0xFFFFFEF7, lr;
	s5 =	simm.s32 $0xFFFFFFFF;
	p2 =	slt.u32 s8, $0xFFFFF086  }
0x1c: {  	p1 =	slt.u32 s9, $0xF7A;
	s5 =	simm.s32 @!p2 $0x0  }
0x1d: {  	s5 =	simm.s32 @p1 $0x1;
	p0 =	seq.s32 s7, s2  }
0x1e: {  	s7 =	smul.u32 @!p0 $0xF7A, s2;
	p2 =	seq.s32 @!p0 s5, $0x0  }
0x1f: {  	s9 =	smul.u32 $0xF7A, s1;
	s8 =	simm.s32 @!p0 $0x1BF5;
	p2 =	por !p2, p0  }
0x20: {  	[sflag:s8] =	ssyncset.s32 @!p0 $0xFFFFF086;
	s6 =	sadd.s32 @!p0 s3, s7;
	s7 =	simm.s32 @!p0 $0x108  }
0x21: {  	s3 =	sadd.s32 s3, s9;
	s6 =	sadd.s32 @!p0 $0x88, s6;
	s7 =	simm.s32 @p2 $0x1082  }
0x22: {  	[simem:s7], [sflag:s8] =	dma.local @!p0 [hbm:s6], $0xF7A  }
0x23: {  	s9 =	sor.u32 $0xD0000000, s2;
	s6 =	simm.s32 $0x108;
	_ =	swait.ge @!p0 [sflag:s8], $0x0  }
0x24: {  	s3 =	sadd.s32 $0x88, s3;
	s6 =	simm.s32 @!p1 $0x1082;
	[sflag:s4] =	ssyncset.s32 $0xFFFFF086  }
0x25: {  	[simem:s6], [sflag:s4] =	dma.local [hbm:s3], $0xF7A  }
0x26: {  	[smem:$0x3F98] =	sst s1;
	(tag) =	ssettag s2;
	_ =	strace s9  }
0x27: {  	s1 =	sld [smem:$0x3FA8]  }
0x28: {  	s2 =	sld [smem:$0x3FA9]  }
0x29: {  	s4 =	sld [smem:$0x3FAB]  }
0x2a: {  	p0 =	seq.s32 s5, $0x0;
	s5 =	sld [smem:$0x3FAC]  }
0x2b: {  	s6 =	sld [smem:$0x3FAD]  }
0x2c: {  	s7 =	sld [smem:$0x3FAE]  }
0x2d: {  	s3 =	simm.s32 $0x108;
	s8 =	sld [smem:$0x3FAF]  }
0x2e: {  	s3 =	simm.s32 @!p0 $0x1082;
	s9 =	sld [smem:$0x3FB0]  }
0x2f: {  	lr =	sadd.s32 s0, s3;
	s0 =	sld [smem:$0x3FA7]  }
0x30: {  	s3 =	sld [smem:$0x3FAA]  }
0x31: {  	[smem:$0x3FB3] =	sst s10  }
0x32: {  	s10 =	sld [smem:$0x3FB1];
	_ =	sdelay $0x3  }
0x33: {  	p0 =	seq.s32 s10, $0x1;
	s10 =	sld [smem:$0x3FB3];
	_ =	sdelay $0x3  }
0x34: {  	[smem:$0x3FB3] =	sst s10  }
0x35: {  	s10 =	sld [smem:$0x3FB2];
	_ =	sdelay $0x3  }
0x36: {  	p1 =	seq.s32 s10, $0x1;
	s10 =	sld [smem:$0x3FB3];
	_ =	sdelay $0x3  }
0x37: {  	[smem:$0x3FB3] =	sst s10  }
0x38: {  	s10 =	sld [smem:$0x3FB4]  }
0x39: {  	_ = 	snop;
	(pc) =	sbr.ind lr, $3  }
0x3a: {  	_ = 	snop  }
0x3b: {  	_ = 	snop  }
0x3c: {  	p2 =	seq.s32 s10, $0x1;
	s10 =	sld [smem:$0x3FB3]  }
0x3d: {  	_ =	shalt  }
0x3e: {  	_ =	shalt  }
0x3f: {  	_ =	shalt  }
0x40: {  	_ =	shalt  }
0x41: {  	_ =	shalt  }
0x42: {  	_ =	shalt  }
0x43: {  	_ =	shalt  }
0x44: {  	_ =	shalt  }
0x45: {  	_ =	shalt  }
0x46: {  	_ =	shalt  }
0x47: {  	_ =	shalt  }
0x48: {  	_ =	shalt  }
0x49: {  	_ =	shalt  }
0x4a: {  	_ =	shalt  }
0x4b: {  	_ =	shalt  }
0x4c: {  	_ =	shalt  }
0x4d: {  	_ =	shalt  }
0x4e: {  	_ =	shalt  }
0x4f: {  	_ =	shalt  }
0x50: {  	_ =	shalt  }
0x51: {  	_ =	shalt  }
0x52: {  	_ =	shalt  }
0x53: {  	_ =	shalt  }
0x54: {  	_ =	shalt  }
0x55: {  	_ =	shalt  }
0x56: {  	_ =	shalt  }
0x57: {  	_ =	shalt  }
0x58: {  	_ =	shalt  }
0x59: {  	_ =	shalt  }
0x5a: {  	_ =	shalt  }
0x5b: {  	_ =	shalt  }
0x5c: {  	_ =	shalt  }
0x5d: {  	_ =	shalt  }
0x5e: {  	_ =	shalt  }
0x5f: {  	_ =	shalt  }
0x60: {  	_ =	shalt  }
0x61: {  	_ =	shalt  }
0x62: {  	_ =	shalt  }
0x63: {  	_ =	shalt  }
0x64: {  	_ =	shalt  }
0x65: {  	_ =	shalt  }
0x66: {  	_ =	shalt  }
0x67: {  	_ =	shalt  }
0x68: {  	_ =	shalt  }
0x69: {  	_ =	shalt  }
0x6a: {  	_ =	shalt  }
0x6b: {  	_ =	shalt  }
0x6c: {  	_ =	shalt  }
0x6d: {  	_ =	shalt  }
0x6e: {  	_ =	shalt  }
0x6f: {  	_ =	shalt  }
0x70: {  	_ =	shalt  }
0x71: {  	_ =	shalt  }
0x72: {  	_ =	shalt  }
0x73: {  	_ =	shalt  }
0x74: {  	_ =	shalt  }
0x75: {  	_ =	shalt  }
0x76: {  	_ =	shalt  }
0x77: {  	_ =	shalt  }
0x78: {  	_ =	shalt  }
0x79: {  	_ =	shalt  }
0x7a: {  	_ =	shalt  }
0x7b: {  	_ =	shalt  }
0x7c: {  	_ =	shalt  }
0x7d: {  	_ =	shalt  }
0x7e: {  	_ =	shalt  }
0x7f: {  	_ =	shalt  }
0x80: {  	_ =	shalt  }
0x81: {  	_ =	shalt  }
0x82: {  	_ =	shalt  }
0x83: {  	_ =	shalt  }
0x84: {  	_ =	shalt  }
0x85: {  	_ =	shalt  }
0x86: {  	_ =	shalt  }
0x87: {  	_ =	shalt  }
.Lfunc_end0:
.L_simem_size_0:
called_computation.1_lowered:
.L_overlay_start_0:
0x88: {  	s0 =	sld [smem:$0x3FD9]  }
0x89: {  	s1 =	sld [smem:$0x3FFE];
	_ =	sdelay $0x3  }
0x8a: {  	s0 =	sadd.s32 s1, s0  }
0x8b: {  	[smem:$0x3FBF] =	sst s0  }
0x8c: {  	_ = 	snop  }
0x8d: {  	(tm) =	ssettm $0x1  }
0x8e: {  	s15 =	sld [smem:$0x3FFB];
	_ =	sdelay $0x3  }
0x8f: {  	_ =	strace s15  }
0x90: {  	s0 =	sld [smem:$0x3FFC];
	_ =	sdelay $0x3  }
0x91: {  	_ =	strace s0  }
0x92: {  	s0 =	sld [smem:$0x3FFD];
	_ =	sdelay $0x3  }
0x93: {  	_ =	strace s0  }
0x94: {  	_ =	strace $0x8FFFFFFF  }
0x95: {  	s16 =	sld [smem:$0x3FDB];
	_ =	sdelay $0x1  }
0x96: {  	s17 =	simm.s32 $_scs_section_size  }
0x97: {  	s2 =	simm.s32 $_size__tile_overlayer_lowered;
	s3 =	simm.s32 $_tile_overlayer_lowered  }
0x98: {  	s20 =	simm.s32 $0x1BFF;
	s19 =	sshll.u32 s3, $0x1;
	s0 =	sadd.s32 s17, s16  }
0x99: {  	s4 =	simm.s32 $0x0;
	s18 =	sshll.u32 s2, $0x1;
	s2 =	sadd.s32 s19, s0  }
0x9a: {  	[timem:s4], [sflag:s20] =	dma.local [hbm:s2], s18  }
0x9b: {  	_ =	swait.ge [sflag:s20], s18  }
0x9c: {  	s1 =	ssub.s32 $0x0, s18;
	[sflag:s20] =	ssyncset.done $0x0  }
0x9d: {  	[sflag:s20] =	ssyncadd.s32 s1;
	_ =	sdelay $0x1  }
0x9e: {  	s21 =	simm.s32 $0x1B8B  }
0x9f: {  	_ =	swait.ge [sflag:s21], $0x1  }
0xa0: {  	[sflag:s21] =	ssyncset.done $0x0  }
0xa1: {  	s23 =	simm.s32 $0x1B8E;
	s22 =	sld [smem:$0x3FFE];
	[sflag:s21] =	ssyncadd.s32 $0xFFFFFFFF  }
0xa2: {  	s24 =	simm.s32 $execute0_lowered;
	[smem:$0x3FD2] =	sst s23  }
0xa3: {  	s2 =	sshll.u32 s24, $0x1;
	_ =	strace $0x80000061;
	[dreg:$0x1] =	wrdreg $0xFFFFFFFF  }
0xa4: {  	s25 =	simm.s32 $_size_execute0_lowered;
	s0 =	sadd.s32 s0, s2;
	[dreg:$0x0] =	wrdreg $0x0  }
0xa5: {  	s2 =	sshll.u32 s25, $0x1;
	[dreg:$0x2] =	wrdreg s0  }
0xa6: {  	[dreg:$0x3] =	wrdreg s2  }
0xa7: {  	[dreg:$0x4] =	wrdreg $0xC0  }
0xa8: {  	_ =	task [dreg:s4], $0x5FFFF  }
0xa9: {  	[dreg:$0x1] =	wrdreg $0xFFFFFFFF  }
0xaa: {  	[dreg:$0x0] =	wrdreg $0x60  }
0xab: {  	[dreg:$0x2] =	wrdreg s22  }
0xac: {  	[dreg:$0x3] =	wrdreg $0xB  }
0xad: {  	_ =	task.clear_ibuf [dreg:s4], $0x4FFFF;
	_ =	strace $0x90000061  }
0xae: {  	s26 =	simm.s32 $0xB;
	_ =	strace $0x80000063  }
0xaf: {  	_ =	swait.ge [sflag:s26], $0x1  }
0xb0: {  	[sflag:s26] =	ssyncadd.s32 $0xFFFFFFFF  }
0xb1: {  	_ =	strace $0x90000063  }
0xb2: {  	_ =	sfence  }
0xb3: {  	s28 =	sld [smem:$0x0];
	_ =	sdelay $0x1  }
0xb4: {  	s29 =	srdreg.scid  }
0xb5: {  	s30 =	sshll.u32 s29, $0xD;
	s31 =	sshrl.u32 s29, $0x2  }
0xb6: {  	s1 =	sand.u32 $0x1, s29;
	s2 =	sand.u32 $0x4000, s30;
	s0 =	sadd.s32 s31, s28  }
0xb7: {  	s1 =	sor.u32 s2, s1;
	s0 =	sshll.u32 s0, $0x11  }
0xb8: {  	s0 =	sor.u32 s0, s1  }
0xb9: {  	s0 =	sadd.s32 $0x8F2B, s0  }
0xba: {  	[sflag:s0] =	ssyncadd.remote.s32 $0x1  }
0xbb: {  	_ =	sfence.sel $0xFFFF  }
0xbc: {  	[dreg:$0x0] =	wrdreg $0xFFFFFFFF;
	(pc) =	sbr.abs _section_cstart, $3  }
0xbd: {  	[dreg:$0x1] =	wrdreg $0xFFFFFFFF  }
0xbe: {  	_ =	task.clear_ibuf [dreg:s4], $0x2FFFF;
	_ =	strace $0x9FFFFFFF  }
0xbf: {  	(tm) =	ssettm $0x7FFFFFFF  }
tec
execute0_lowered:
.L_overlay_start_1:
0x0: {  	(tag) =	ssettag $0x1  }
0x1: {  	s7 =	rddreg [dreg:$0x0]  }
0x2: {  	s0 =	rddreg [dreg:$0x1]  }
0x3: {  	_ =	strace $0x80000062;
	s3 =	stileid.u32;
	s4 =	simm.s32 $0x3E  }
0x4: {  	s1 =	sadd.s32 $0x52A00, s7;
	p0 =	sne.s32 s3, $0x0;
	[sflag:s4] =	ssyncpa.u1 $0x0  }
0x5: {  	s30 =	smin.u32 s3, $0x9;
	s2 =	simm.s32 @!p0 $0x1C3E;
	s5 =	simm.s32 @!p0 $0x0  }
0x6: {  	[spmem:s5], [sflag:s2] =	dma.local @!p0 [hbm:s1], $0x10  }
0x7: {  	s2 =	sadd.s32 s3, s30  }
0x8: {  	p1 =	slt.u32 s3, $0x9;
	s3 =	simm.s32 $0x320;
	s2 =	smul.u32 $0x190, s2  }
0x9: {  	s3 =	simm.s32 @!p1 $0x190  }
0xa: {  	s3 =	sadd.s32 s3, s2  }
0xb: {  	s3 =	smin.u32 s3, $0x2710  }
0xc: {  	s8 =	ssub.s32 s3, s2  }
0xd: {  	p1 =	sgt.s32 s8, $0x0  }
0xe: {  	s8 =	simm.s32 @!p1 $0x0  }
0xf: {  	s6 =	sand.u32 $0xFFF0, s8  }
0x10: {  	s5 =	simm.s32 @!p0 $0x3E;
	s6 =	sshrl.u32 s6, $0x4  }
0x11: {  	_ =	swait.ge @!p0 [sflag:s5], $0x10;
	s31 =	smul.u32 $0xA3E, s6  }
0x12: {  	[sflag:s5] =	ssyncset.done @!p0 $0x0  }
0x13: {  	[sflag:s5] =	ssyncadd.s32 @!p0 $0xFFFFFFF0;
	s9 =	sshrl.u32 s31, $0x10  }
0x14: {  	s11 =	simm.s32 $0x0;
	[bflag:$0x0] =	sbarrier.arrive $0xFFFF;
	s10 =	smul.u32 $0x190, s9  }
.Ltmp0:
0x15: {  	[sflag:s4] =	ssyncpa.u1 $0x1;
	s4 =	simm.s32 $0x1;
	(pc) =	sbr.rel .LBB2_1-.Ltmp0, $4  }
0x16: {  	s5 =	sadd.s32 $0x27400, s7;
	s7 =	sadd.s32 $0x28000, s7;
	[sflag:s4] =	ssyncpa.u1 $0x0  }
0x17: {  	s6 =	simm.s32 $0x2;
	p1 =	sne.s32 s8, s10;
	s8 =	simm.s32 $0x1  }
0x18: {  	(ifvalue) =	ssetifvalue $0x80;
	[sflag:s6] =	ssyncpa.u1 $0x0;
	s8 =	simm.s32 @!p1 $0x0  }
0x19: {  	vm0 =	vmmov $0xffff;
	s10 =	smov.u32 s2;
	s8 =	sadd.s32 s9, s8;
	s9 =	simm.s32 $0x0  }
.LBB2_5:
0x1a: {  	p2 =	sne.s32 s11, s8  }
.Ltmp1:
0x1b: {  	_ = 	snop;
	(pc) =	sbr.rel @!p2 .LBB2_6-.Ltmp1, $4  }
0x1c: {  	_ = 	snop  }
0x1d: {  	s12 =	sadd.s32 $0x190, s10  }
0x1e: {  	s10 =	smov.u32 s2;
	s13 =	sadd.s32 $0x1, s11;
	p1 =	slt.s32 s12, s3  }
0x1f: {  	s11 =	smov.u32 s13;
	s10 =	smov.u32 @p1 s12  }
.LBB2_1:
0x20: {  	p1 =	sge.u32 s11, s8  }
0x21: {  	s12 =	sxor.u32 @!p1 $0xFFFFFFFF, s11  }
0x22: {  	s12 =	sand.u32 @!p1 $0x1, s12  }
0x23: {  	s12 =	smul.u32 @!p1 $0x190, s12  }
0x24: {  	s13 =	sshrl.u32 @!p1 s10, $0x3  }
0x25: {  	s16 =	sand.u32 @!p1 $0x7, s10;
	s14 =	sadd.s32 @!p1 s5, s13;
	s15 =	sor.u32 @!p1 $0x8, s12  }
0x26: {  	[tilespmem:s15], [sflag:$0x2] =	stream.linear.gather @!p1 [hbm4b:s14+s16], $0x190, $0x38;
	[tilespmem:$0x648] =	vst v63  }
0x27: {  	s13 =	sadd.s32 @!p1 s7, s13;
	s12 =	sadd.s32 @!p1 $0x328, s12  }
0x28: {  	[tilespmem:s12], [sflag:$0x2] =	stream.linear.gather @!p1 [hbm4b:s13+s16], $0x190, $0x38;
	[tilespmem:$0x648] =	vst v63  }
0x29: {  	p1 =	seq.s32 s11, $0x0  }
.Ltmp2:
0x2a: {  	_ = 	snop;
	(pc) =	sbr.rel @p1 .LBB2_5-.Ltmp2, $1  }
0x2b: {  	_ =	sdelay $0x3  }
0x2c: {  	s12 =	sand.u32 $0x1, s11  }
0x2d: {  	_ =	swait.ge [sflag:s6], $0x320;
	p1 =	seq.s32 s12, $0x1;
	s12 =	simm.s32 $0x190  }
0x2e: {  	[sflag:s6] =	ssyncset.done $0x0;
	s12 =	simm.s32 @!p1 $0x0  }
0x2f: {  	[sflag:s6] =	ssyncadd.s32 $0xFFFFFCE0;
	s14 =	sor.u32 $0x8, s12  }
0x30: {  	v0 =	vld.msk [tilespmem:s14+$0x0 ss:$0x1], $0xffff;
	_ =	sdelay $0x4  }
0x31: {  	v0 =	vmin.u32 v0, $0x80;
	_ =	sdelay $0x3  }
0x32: {  	s13 =	simm.s32 $0x0;
	s12 =	sadd.s32 $0x328, s12;
	s14 =	sadd.s32 $0x10, s14  }
0x33: {  	[spmem:s9] =	stream.indirect_vreg.scatter.add.s32 [tilespmem:s12], [sflag:$0x1], $0x1, v0, vm0, $0x4038;
	[tilespmem:$0x648] =	vst v63  }
.LBB2_3:
0x34: {  	v0 =	vld.msk [tilespmem:s14+$0x0 ss:$0x1], $0xffff;
	s13 =	sadd.s32 $0x10, s13  }
0x35: {  	p1 =	slt.u32 s13, $0x180;
	_ =	sdelay $0x4  }
0x36: {  	v0 =	vmin.u32 v0, $0x80  }
.Ltmp3:
0x37: {  	(pc) =	sbr.rel @p1 .LBB2_3-.Ltmp3, $3  }
0x38: {  	_ =	sdelay $0x1  }
0x39: {  	s14 =	sadd.s32 $0x10, s14;
	s12 =	sadd.s32 $0x10, s12  }
0x3a: {  	[spmem:s9] =	stream.indirect_vreg.scatter.add.s32 [tilespmem:s12], [sflag:$0x1], $0x1, v0, vm0, $0x4038;
	[tilespmem:$0x648] =	vst v63  }
.Ltmp4:
0x3b: {  	(pc) =	sbr.rel .LBB2_5-.Ltmp4, $4  }
0x3c: {  	_ = 	snop  }
0x3d: {  	_ =	swait.ge [sflag:s4], $0x190  }
0x3e: {  	[sflag:s4] =	ssyncset.done $0x0  }
0x3f: {  	[sflag:s4] =	ssyncadd.s32 $0xFFFFFE70  }
.LBB2_6:
0x40: {  	_ =	sfence.sel $0x180000  }
0x41: {  	s2 =	simm.s32 $0x2;
	[bflag:$0x0] =	sbarrier.arrive $0xFFFF  }
0x42: {  	s30 =	simm.s32 $0x1;
	[sflag:s2] =	ssyncpa.u1 $0x1  }
0x43: {  	[sflag:s30] =	ssyncpa.u1 $0x1  }
0x44: {  	_ =	sfence.stream.spmem  }
0x45: {  	s31 =	simm.s32 $0x3D;
	[bflag:$0x0] =	sbarrier.arrive $0xFFFF  }
0x46: {  	s2 =	simm.s32 @p0 $0x3D;
	[sflag:s31] =	ssyncpa.u1 $0x0  }
0x47: {  	[sflag:s2] =	ssyncpa.u1 @p0 $0x1  }
0x48: {  	[bflag:$0x0] =	sbarrier.arrive @p0 $0xFFFF  }
0x49: {  	_ =	strace @p0 $0x90000062  }
0x4a: {  	s3 =	simm.s32 @!p0 $0x1C3D;
	s2 =	simm.s32 @!p0 $0x0;
	[bflag:$0x2] =	sbarrier.arrive @p0 $0xFFFF  }
0x4b: {  	[hbm:s1], [sflag:s3] =	dma.local @!p0 [spmem:s2], $0x10  }
0x4c: {  	s1 =	simm.s32 @!p0 $0x3D  }
0x4d: {  	_ =	swait.ge @!p0 [sflag:s1], $0x10  }
0x4e: {  	[sflag:s1] =	ssyncset.done @!p0 $0x0  }
0x4f: {  	[sflag:s1] =	ssyncadd.s32 @!p0 $0xFFFFFFF0  }
0x50: {  	[sflag:s1] =	ssyncpa.u1 @!p0 $0x1  }
0x51: {  	[bflag:$0x0] =	sbarrier.arrive @!p0 $0xFFFF  }
0x52: {  	_ =	strace @!p0 $0x90000062  }
0x53: {  	s0 =	sadd.s32 @!p0 $0x100000, s0;
	[bflag:$0x2] =	sbarrier.arrive @!p0 $0xFFFF  }
0x54: {  	[sflag:s0] =	ssyncadd.tile.s32 @!p0 $0x1;
	_ =	shalt  }
.Lfunc_end2:
_tile_overlayer_lowered:
.L_overlay_start_2:
0x55: {  	(tag) =	ssettag $0x2  }
0x56: {  	s0 =	rddreg [dreg:$0x0];
	s2 =	stileid.u32  }
0x57: {  	s1 =	rddreg [dreg:$0x1];
	p0 =	sne.s32 s2, $0x0  }
0x58: {  	s3 =	rddreg [dreg:$0x2];
	[bflag:$0x3] =	sbarrier.arrive $0xFFFF;
	s2 =	simm.s32 @!p0 $0x1C01  }
0x59: {  	[timem:s3], [sflag:s2] =	dma.local @!p0 [hbm:s0], s1  }
0x5a: {  	s0 =	simm.s32 @!p0 $0x1  }
0x5b: {  	_ =	swait.ge @!p0 [sflag:s0], s1  }
0x5c: {  	s1 =	ssub.s32 @!p0 $0x0, s1;
	[sflag:s0] =	ssyncset.done @!p0 $0x0  }
0x5d: {  	[sflag:s0] =	ssyncadd.s32 @!p0 s1  }
0x5e: {  	[bflag:$0x3] =	sbarrier.arrive $0xFFFF  }
0x5f: {  	_ =	shalt  }

// kernel: scatter_offload_async_start
scs
__scs_entry_jumppad:
0x0: {  	(pc) =	sbr.rel $0x88, $3  }
0x1: {  	(tag) =	ssettag $0x0;
	lr =	simm.s32 $0x1  }
0x2: {  	[smem:$0x3F98] =	sst lr;
	_ =	strace $0xD0000000  }
0x3: {  	_ = 	snop  }
0x4: {  	_ = 	snop  }
0x5: {  	_ = 	snop  }
0x6: {  	_ = 	snop  }
0x7: {  	_ = 	snop  }
__scs_overlays_trampoline_lowered:
0x8: {  	[smem:$0x3FA7] =	sst s0  }
0x9: {  	[smem:$0x3FA8] =	sst s1  }
0xa: {  	[smem:$0x3FA9] =	sst s2  }
0xb: {  	[smem:$0x3FAA] =	sst s3  }
0xc: {  	[smem:$0x3FAB] =	sst s4  }
0xd: {  	[smem:$0x3FAC] =	sst s5  }
0xe: {  	[smem:$0x3FAD] =	sst s6  }
0xf: {  	[smem:$0x3FAE] =	sst s7  }
0x10: {  	[smem:$0x3FAF] =	sst s8  }
0x11: {  	[smem:$0x3FB0] =	sst s9;
	s0 =	simm.s32 @!p0 $0x0  }
0x12: {  	s1 =	sld [smem:$0x3F96];
	s0 =	simm.s32 @p0 $0x1  }
0x13: {  	[smem:$0x3FB1] =	sst s0;
	s0 =	simm.s32 @!p1 $0x0  }
0x14: {  	s2 =	sld [smem:$0x3F95];
	s0 =	simm.s32 @p1 $0x1  }
0x15: {  	[smem:$0x3FB2] =	sst s0;
	s0 =	simm.s32 @!p2 $0x0  }
0x16: {  	s3 =	sld [smem:$0x3FDB];
	s0 =	simm.s32 @p2 $0x1  }
0x17: {  	s4 =	simm.s32 $0x1BF5;
	[smem:$0x3FB4] =	sst s0  }
0x18: {  	s0 =	sld [smem:$0x3F97];
	_ =	swait.ge [sflag:s4], $0x0  }
0x19: {  	s7 =	sld [smem:$0x3F98]  }
0x1a: {  	s8 =	sadd.s32 $0xFFFFE003, lr  }
0x1b: {  	s9 =	sadd.s32 $0xFFFFFEF7, lr;
	s5 =	simm.s32 $0xFFFFFFFF;
	p2 =	slt.u32 s8, $0xFFFFF086  }
0x1c: {  	p1 =	slt.u32 s9, $0xF7A;
	s5 =	simm.s32 @!p2 $0x0  }
0x1d: {  	s5 =	simm.s32 @p1 $0x1;
	p0 =	seq.s32 s7, s2  }
0x1e: {  	s7 =	smul.u32 @!p0 $0xF7A, s2;
	p2 =	seq.s32 @!p0 s5, $0x0  }
0x1f: {  	s9 =	smul.u32 $0xF7A, s1;
	s8 =	simm.s32 @!p0 $0x1BF5;
	p2 =	por !p2, p0  }
0x20: {  	[sflag:s8] =	ssyncset.s32 @!p0 $0xFFFFF086;
	s6 =	sadd.s32 @!p0 s3, s7;
	s7 =	simm.s32 @!p0 $0x108  }
0x21: {  	s3 =	sadd.s32 s3, s9;
	s6 =	sadd.s32 @!p0 $0x88, s6;
	s7 =	simm.s32 @p2 $0x1082  }
0x22: {  	[simem:s7], [sflag:s8] =	dma.local @!p0 [hbm:s6], $0xF7A  }
0x23: {  	s9 =	sor.u32 $0xD0000000, s2;
	s6 =	simm.s32 $0x108;
	_ =	swait.ge @!p0 [sflag:s8], $0x0  }
0x24: {  	s3 =	sadd.s32 $0x88, s3;
	s6 =	simm.s32 @!p1 $0x1082;
	[sflag:s4] =	ssyncset.s32 $0xFFFFF086  }
0x25: {  	[simem:s6], [sflag:s4] =	dma.local [hbm:s3], $0xF7A  }
0x26: {  	[smem:$0x3F98] =	sst s1;
	(tag) =	ssettag s2;
	_ =	strace s9  }
0x27: {  	s1 =	sld [smem:$0x3FA8]  }
0x28: {  	s2 =	sld [smem:$0x3FA9]  }
0x29: {  	s4 =	sld [smem:$0x3FAB]  }
0x2a: {  	p0 =	seq.s32 s5, $0x0;
	s5 =	sld [smem:$0x3FAC]  }
0x2b: {  	s6 =	sld [smem:$0x3FAD]  }
0x2c: {  	s7 =	sld [smem:$0x3FAE]  }
0x2d: {  	s3 =	simm.s32 $0x108;
	s8 =	sld [smem:$0x3FAF]  }
0x2e: {  	s3 =	simm.s32 @!p0 $0x1082;
	s9 =	sld [smem:$0x3FB0]  }
0x2f: {  	lr =	sadd.s32 s0, s3;
	s0 =	sld [smem:$0x3FA7]  }
0x30: {  	s3 =	sld [smem:$0x3FAA]  }
0x31: {  	[smem:$0x3FB3] =	sst s10  }
0x32: {  	s10 =	sld [smem:$0x3FB1];
	_ =	sdelay $0x3  }
0x33: {  	p0 =	seq.s32 s10, $0x1;
	s10 =	sld [smem:$0x3FB3];
	_ =	sdelay $0x3  }
0x34: {  	[smem:$0x3FB3] =	sst s10  }
0x35: {  	s10 =	sld [smem:$0x3FB2];
	_ =	sdelay $0x3  }
0x36: {  	p1 =	seq.s32 s10, $0x1;
	s10 =	sld [smem:$0x3FB3];
	_ =	sdelay $0x3  }
0x37: {  	[smem:$0x3FB3] =	sst s10  }
0x38: {  	s10 =	sld [smem:$0x3FB4]  }
0x39: {  	_ = 	snop;
	(pc) =	sbr.ind lr, $3  }
0x3a: {  	_ = 	snop  }
0x3b: {  	_ = 	snop  }
0x3c: {  	p2 =	seq.s32 s10, $0x1;
	s10 =	sld [smem:$0x3FB3]  }
0x3d: {  	_ =	shalt  }
0x3e: {  	_ =	shalt  }
0x3f: {  	_ =	shalt  }
0x40: {  	_ =	shalt  }
0x41: {  	_ =	shalt  }
0x42: {  	_ =	shalt  }
0x43: {  	_ =	shalt  }
0x44: {  	_ =	shalt  }
0x45: {  	_ =	shalt  }
0x46: {  	_ =	shalt  }
0x47: {  	_ =	shalt  }
0x48: {  	_ =	shalt  }
0x49: {  	_ =	shalt  }
0x4a: {  	_ =	shalt  }
0x4b: {  	_ =	shalt  }
0x4c: {  	_ =	shalt  }
0x4d: {  	_ =	shalt  }
0x4e: {  	_ =	shalt  }
0x4f: {  	_ =	shalt  }
0x50: {  	_ =	shalt  }
0x51: {  	_ =	shalt  }
0x52: {  	_ =	shalt  }
0x53: {  	_ =	shalt  }
0x54: {  	_ =	shalt  }
0x55: {  	_ =	shalt  }
0x56: {  	_ =	shalt  }
0x57: {  	_ =	shalt  }
0x58: {  	_ =	shalt  }
0x59: {  	_ =	shalt  }
0x5a: {  	_ =	shalt  }
0x5b: {  	_ =	shalt  }
0x5c: {  	_ =	shalt  }
0x5d: {  	_ =	shalt  }
0x5e: {  	_ =	shalt  }
0x5f: {  	_ =	shalt  }
0x60: {  	_ =	shalt  }
0x61: {  	_ =	shalt  }
0x62: {  	_ =	shalt  }
0x63: {  	_ =	shalt  }
0x64: {  	_ =	shalt  }
0x65: {  	_ =	shalt  }
0x66: {  	_ =	shalt  }
0x67: {  	_ =	shalt  }
0x68: {  	_ =	shalt  }
0x69: {  	_ =	shalt  }
0x6a: {  	_ =	shalt  }
0x6b: {  	_ =	shalt  }
0x6c: {  	_ =	shalt  }
0x6d: {  	_ =	shalt  }
0x6e: {  	_ =	shalt  }
0x6f: {  	_ =	shalt  }
0x70: {  	_ =	shalt  }
0x71: {  	_ =	shalt  }
0x72: {  	_ =	shalt  }
0x73: {  	_ =	shalt  }
0x74: {  	_ =	shalt  }
0x75: {  	_ =	shalt  }
0x76: {  	_ =	shalt  }
0x77: {  	_ =	shalt  }
0x78: {  	_ =	shalt  }
0x79: {  	_ =	shalt  }
0x7a: {  	_ =	shalt  }
0x7b: {  	_ =	shalt  }
0x7c: {  	_ =	shalt  }
0x7d: {  	_ =	shalt  }
0x7e: {  	_ =	shalt  }
0x7f: {  	_ =	shalt  }
0x80: {  	_ =	shalt  }
0x81: {  	_ =	shalt  }
0x82: {  	_ =	shalt  }
0x83: {  	_ =	shalt  }
0x84: {  	_ =	shalt  }
0x85: {  	_ =	shalt  }
0x86: {  	_ =	shalt  }
0x87: {  	_ =	shalt  }
.Lfunc_end0:
.L_simem_size_0:
called_computation_lowered:
.L_overlay_start_0:
0x88: {  	s0 =	sld [smem:$0x3FD9]  }
0x89: {  	s1 =	sld [smem:$0x3FFE];
	_ =	sdelay $0x3  }
0x8a: {  	s0 =	sadd.s32 s1, s0  }
0x8b: {  	[smem:$0x3FBF] =	sst s0  }
0x8c: {  	_ = 	snop  }
0x8d: {  	(tm) =	ssettm $0x1  }
0x8e: {  	s14 =	sld [smem:$0x3FFB];
	_ =	sdelay $0x3  }
0x8f: {  	_ =	strace s14  }
0x90: {  	s0 =	sld [smem:$0x3FFC];
	_ =	sdelay $0x3  }
0x91: {  	_ =	strace s0  }
0x92: {  	s0 =	sld [smem:$0x3FFD];
	_ =	sdelay $0x3  }
0x93: {  	_ =	strace s0  }
0x94: {  	_ =	strace $0x8FFFFFFF  }
0x95: {  	s15 =	sld [smem:$0x3FDB];
	_ =	sdelay $0x1  }
0x96: {  	s16 =	simm.s32 $_scs_section_size  }
0x97: {  	s2 =	simm.s32 $_size__tile_overlayer_lowered;
	s3 =	simm.s32 $_tile_overlayer_lowered  }
0x98: {  	s4 =	simm.s32 $0x1BFF;
	s17 =	sshll.u32 s3, $0x1;
	s1 =	sadd.s32 s16, s15  }
0x99: {  	s18 =	simm.s32 $0x0;
	s2 =	sshll.u32 s2, $0x1;
	s3 =	sadd.s32 s17, s1  }
0x9a: {  	[timem:s18], [sflag:s4] =	dma.local [hbm:s3], s2  }
0x9b: {  	_ =	swait.ge [sflag:s4], s2  }
0x9c: {  	s2 =	ssub.s32 $0x0, s2;
	[sflag:s4] =	ssyncset.done $0x0  }
0x9d: {  	[sflag:s4] =	ssyncadd.s32 s2;
	_ =	sdelay $0x1  }
0x9e: {  	s19 =	simm.s32 $0x1B8B  }
0x9f: {  	_ =	swait.ge [sflag:s19], $0x1  }
0xa0: {  	[sflag:s19] =	ssyncset.done $0x0  }
0xa1: {  	s21 =	simm.s32 $0x1B8E;
	s20 =	sld [smem:$0x3FFE];
	[sflag:s19] =	ssyncadd.s32 $0xFFFFFFFF  }
0xa2: {  	s22 =	simm.s32 $execute0_lowered;
	[smem:$0x3FD2] =	sst s21  }
0xa3: {  	s3 =	sshll.u32 s22, $0x1;
	_ =	strace $0x80000046;
	[dreg:$0x1] =	wrdreg $0xFFFFFFFF  }
0xa4: {  	s23 =	simm.s32 $_size_execute0_lowered;
	s3 =	sadd.s32 s1, s3;
	[dreg:$0x0] =	wrdreg $0x0  }
0xa5: {  	s4 =	sshll.u32 s23, $0x1;
	[dreg:$0x2] =	wrdreg s3  }
0xa6: {  	[dreg:$0x3] =	wrdreg s4  }
0xa7: {  	[dreg:$0x4] =	wrdreg $0xC0  }
0xa8: {  	s24 =	simm.s32 $execute1_lowered;
	_ =	task [dreg:s18], $0x5FFFF  }
0xa9: {  	s3 =	sshll.u32 s24, $0x1;
	[dreg:$0x1] =	wrdreg $0xFFFFFFFF  }
0xaa: {  	s1 =	sadd.s32 s1, s3;
	[dreg:$0x0] =	wrdreg $0x60  }
0xab: {  	[dreg:$0x2] =	wrdreg s1  }
0xac: {  	[dreg:$0x3] =	wrdreg s20  }
0xad: {  	[dreg:$0x4] =	wrdreg $0x9  }
0xae: {  	_ =	task.clear_ibuf [dreg:s18], $0x5FFFF;
	_ =	strace $0x90000046  }
0xaf: {  	s25 =	simm.s32 $0x9;
	_ =	strace $0x80000048  }
0xb0: {  	_ =	swait.ge [sflag:s25], $0x1  }
0xb1: {  	[sflag:s25] =	ssyncadd.s32 $0xFFFFFFFF  }
0xb2: {  	_ =	strace $0x90000048  }
0xb3: {  	_ =	strace $0x80000049;
	[dreg:$0x1] =	wrdreg $0xFFFFFFFF  }
0xb4: {  	[dreg:$0x0] =	wrdreg $0x2030  }
0xb5: {  	[dreg:$0x2] =	wrdreg s20  }
0xb6: {  	[dreg:$0x3] =	wrdreg $0xA  }
0xb7: {  	_ =	task.clear_ibuf [dreg:s18], $0x4FFFF;
	_ =	strace $0x90000049  }
0xb8: {  	s26 =	simm.s32 $0xA;
	_ =	strace $0x8000004B  }
0xb9: {  	_ =	swait.ge [sflag:s26], $0x1  }
0xba: {  	[sflag:s26] =	ssyncadd.s32 $0xFFFFFFFF  }
0xbb: {  	_ =	strace $0x9000004B  }
0xbc: {  	_ =	sfence  }
0xbd: {  	s28 =	sld [smem:$0x0];
	_ =	sdelay $0x1  }
0xbe: {  	s29 =	srdreg.scid  }
0xbf: {  	s30 =	sshll.u32 s29, $0xD;
	s31 =	sshrl.u32 s29, $0x2  }
0xc0: {  	s2 =	sand.u32 $0x1, s29;
	s3 =	sand.u32 $0x4000, s30;
	s1 =	sadd.s32 s31, s28  }
0xc1: {  	s2 =	sor.u32 s3, s2;
	s1 =	sshll.u32 s1, $0x11  }
0xc2: {  	s1 =	sor.u32 s1, s2  }
0xc3: {  	s1 =	sadd.s32 $0x8F2B, s1  }
0xc4: {  	[sflag:s1] =	ssyncadd.remote.s32 $0x1  }
0xc5: {  	_ =	sfence.sel $0xFFFF  }
0xc6: {  	[dreg:$0x0] =	wrdreg $0xFFFFFFFF;
	(pc) =	sbr.abs _section_cstart, $3  }
0xc7: {  	[dreg:$0x1] =	wrdreg $0xFFFFFFFF  }
0xc8: {  	_ =	task.clear_ibuf [dreg:s18], $0x2FFFF;
	_ =	strace $0x9FFFFFFF  }
0xc9: {  	(tm) =	ssettm $0x7FFFFFFF  }
tec
execute0_lowered:
.L_overlay_start_1:
0x0: {  	(tag) =	ssettag $0x1  }
0x1: {  	s3 =	rddreg [dreg:$0x0]  }
0x2: {  	s5 =	rddreg [dreg:$0x1]  }
0x3: {  	s0 =	rddreg [dreg:$0x2];
	s2 =	stileid.u32;
	s1 =	simm.s32 $_size_execute1_lowered  }
0x4: {  	[bflag:$0x3] =	sbarrier.arrive $0xFFFF;
	p0 =	sne.s32 s2, $0x0;
	s1 =	sshll.u32 s1, $0x1  }
0x5: {  	s31 =	sshll.u32 s2, $0x3;
	s4 =	simm.s32 @!p0 $0x1C3F;
	s6 =	simm.s32 @!p0 $0x4060  }
0x6: {  	[timem:s6], [sflag:s4] =	dma.local @!p0 [hbm:s3], s1  }
0x7: {  	s6 =	ssub.s32 $0x20, s31  }
0x8: {  	p1 =	sgt.s32 s6, $0x0  }
0x9: {  	s6 =	simm.s32 @!p1 $0x0  }
0xa: {  	s6 =	sand.u32 $0x78, s6  }
0xb: {  	s10 =	simm.s32 $0x3;
	p1 =	sne.s32 s6, $0x0  }
0xc: {  	s10 =	simm.s32 @!p1 $0x2  }
0xd: {  	s7 =	simm.s32 $0x1;
	p3 =	sne.s32 s10, $0x1  }
.Ltmp0:
0xe: {  	s9 =	simm.s32 $0x0;
	s13 =	simm.s32 $0xFFFFFFFF;
	(pc) =	sbr.rel @!p3 .LBB2_1-.Ltmp0, $4  }
0xf: {  	s8 =	sadd.s32 s2, s5;
	s3 =	simm.s32 $0x1;
	_ =	strace $0x80000047  }
0x10: {  	s5 =	sadd.s32 $0x5CA00, s5;
	s4 =	simm.s32 $0x2;
	[sflag:s3] =	ssyncpa.u1 $0x0  }
0x11: {  	[sflag:s4] =	ssyncpa.u1 $0x0;
	s6 =	sadd.s32 $0x52A00, s8;
	s7 =	simm.s32 @!p1 $0x0  }
0x12: {  	s8 =	simm.s32 $0x1;
	p1 =	por $0x0, $0x0;
	p2 =	sle.u32 s7, $0x0  }
0x13: {  	p1 =	sle.u32 s7, $0xFFFFFFFF  }
0x14: {  	s11 =	simm.s32 @!p2 $0x8;
	s12 =	simm.s32 @!p2 $0x0;
	s13 =	simm.s32 @!p1 $0x1  }
0x15: {  	[tilespmem:s11], [sflag:$0x1] =	stream.linear.gather @!p2 [hbm4b:s6+s12], $0x8, $0x38;
	[tilespmem:$0x20] =	vst v63  }
0x16: {  	_ =	swait.ge @!p1 [sflag:s13], $0x8  }
0x17: {  	[sflag:s13] =	ssyncset.done @!p1 $0x0  }
0x18: {  	s9 =	sand.u32 @!p1 $0x8, s9;
	[sflag:s13] =	ssyncadd.s32 @!p1 $0xFFFFFFF8  }
0x19: {  	v0 =	vld.msk @!p1 [tilespmem:s9+$0x0], $0xff;
	_ =	sdelay $0x2  }
0x1a: {  	p4 =	sne.s32 s10, $0x2  }
.Ltmp1:
0x1b: {  	p3 =	por $0x1, $0x1;
	s9 =	sor.u32 @!p1 $0x10, s9;
	(pc) =	sbr.rel @!p4 .LBB2_4-.Ltmp1, $4  }
0x1c: {  	s11 =	simm.s32 $0x2;
	s12 =	sadd.s32 @!p1 s5, s2;
	s13 =	simm.s32 @!p1 $0x0;
	[tilespmem:s9+$0x0] =	vst.msk @!p1 $0xff, v0  }
0x1d: {  	[hbm4b:s12+s13] =	stream.linear.scatter @!p1 [tilespmem:s9], [sflag:$0x2], $0x8, $0x38;
	[tilespmem:$0x20] =	vst v63  }
0x1e: {  	p2 =	sle.u32 s7, $0x1;
	s12 =	simm.s32 @!p3 $0x2;
	s9 =	simm.s32 $0x8  }
0x1f: {  	s13 =	simm.s32 $0x0;
	p1 =	por $0x1, $0x1;
	_ =	swait.ge @!p3 [sflag:s12], $0x8  }
.LBB2_3:
0x20: {  	s14 =	simm.s32 @!p2 $0x8;
	p4 =	sge.u32 s13, s7;
	[sflag:s12] =	ssyncset.done @!p3 $0x0  }
0x21: {  	s13 =	simm.s32 @!p2 $0x0;
	s15 =	simm.s32 @!p4 $0x1;
	[sflag:s12] =	ssyncadd.s32 @!p3 $0xFFFFFFF8  }
0x22: {  	[tilespmem:s14], [sflag:$0x1] =	stream.linear.gather @!p2 [hbm4b:s6+s13], $0x8, $0x38;
	[tilespmem:$0x20] =	vst v63  }
0x23: {  	s13 =	smov.u32 s11;
	s11 =	sadd.s32 $0x1, s11;
	_ =	swait.ge @!p4 [sflag:s15], $0x8  }
0x24: {  	s12 =	sand.u32 @!p4 $0x8, s9;
	p5 =	sne.s32 s11, s10;
	[sflag:s15] =	ssyncset.done @!p4 $0x0  }
0x25: {  	[sflag:s15] =	ssyncadd.s32 @!p4 $0xFFFFFFF8  }
0x26: {  	v0 =	vld.msk @!p4 [tilespmem:s12+$0x0], $0xff;
	_ =	sdelay $0x2  }
.Ltmp2:
0x27: {  	s14 =	sor.u32 @!p4 $0x10, s12;
	(pc) =	sbr.rel @p5 .LBB2_3-.Ltmp2, $4  }
0x28: {  	s16 =	simm.s32 @!p4 $0x0;
	p3 =	slt.u32 s8, $0x2;
	s15 =	sadd.s32 @!p4 s5, s2  }
0x29: {  	s9 =	sadd.s32 $0x8, s9;
	s8 =	smov.u32 s13;
	s12 =	simm.s32 @!p3 $0x2;
	[tilespmem:s14+$0x0] =	vst.msk @!p4 $0xff, v0  }
0x2a: {  	[hbm4b:s15+s16] =	stream.linear.scatter @!p4 [tilespmem:s14], [sflag:$0x2], $0x8, $0x38;
	[tilespmem:$0x20] =	vst v63  }
0x2b: {  	p2 =	sge.u32 s8, s7;
	s13 =	sadd.s32 $0xFFFFFFFF, s8;
	_ =	swait.ge @!p3 [sflag:s12], $0x8  }
.LBB2_4:
0x2c: {  	p3 =	por p3, !p1  }
0x2d: {  	s10 =	simm.s32 @!p2 $0x8;
	p1 =	sge.u32 s13, s7;
	[sflag:s12] =	ssyncset.done @!p3 $0x0  }
0x2e: {  	s7 =	simm.s32 @!p2 $0x0;
	s11 =	simm.s32 @!p1 $0x1;
	[sflag:s12] =	ssyncadd.s32 @!p3 $0xFFFFFFF8  }
0x2f: {  	[tilespmem:s10], [sflag:$0x1] =	stream.linear.gather @!p2 [hbm4b:s6+s7], $0x8, $0x38;
	[tilespmem:$0x20] =	vst v63  }
0x30: {  	_ =	swait.ge @!p1 [sflag:s11], $0x8  }
0x31: {  	[sflag:s11] =	ssyncset.done @!p1 $0x0  }
0x32: {  	s6 =	sand.u32 @!p1 $0x8, s9;
	[sflag:s11] =	ssyncadd.s32 @!p1 $0xFFFFFFF8  }
0x33: {  	v0 =	vld.msk @!p1 [tilespmem:s6+$0x0], $0xff;
	_ =	sdelay $0x3  }
0x34: {  	p2 =	slt.u32 s8, $0x2;
	s6 =	sor.u32 @!p1 $0x10, s6  }
0x35: {  	s2 =	sadd.s32 @!p1 s5, s2;
	s5 =	simm.s32 @!p1 $0x0;
	s7 =	simm.s32 @!p2 $0x2;
	[tilespmem:s6+$0x0] =	vst.msk @!p1 $0xff, v0  }
0x36: {  	[hbm4b:s2+s5] =	stream.linear.scatter @!p1 [tilespmem:s6], [sflag:$0x2], $0x8, $0x38;
	[tilespmem:$0x20] =	vst v63  }
0x37: {  	_ =	swait.ge @!p2 [sflag:s7], $0x8  }
0x38: {  	[sflag:s7] =	ssyncset.done @!p2 $0x0  }
0x39: {  	[sflag:s7] =	ssyncadd.s32 @!p2 $0xFFFFFFF8  }
0x3a: {  	_ =	sfence.sel $0x180000  }
0x3b: {  	[bflag:$0x0] =	sbarrier.arrive $0xFFFF  }
0x3c: {  	[sflag:s3] =	ssyncpa.u1 $0x1  }
0x3d: {  	[sflag:s4] =	ssyncpa.u1 $0x1  }
0x3e: {  	_ =	strace $0x90000047  }
0x3f: {  	s0 =	sadd.s32 @!p0 $0x100000, s0;
	[bflag:$0x2] =	sbarrier.arrive $0xFFFF  }
0x40: {  	[sflag:s0] =	ssyncadd.tile.s32 @!p0 $0x1;
	s0 =	simm.s32 @!p0 $0x3F  }
0x41: {  	_ =	swait.ge @!p0 [sflag:s0], s1  }
0x42: {  	s1 =	ssub.s32 @!p0 $0x0, s1;
	[sflag:s0] =	ssyncset.done @!p0 $0x0  }
0x43: {  	[sflag:s0] =	ssyncadd.s32 @!p0 s1  }
0x44: {  	[bflag:$0x3] =	sbarrier.arrive $0xFFFF  }
0x45: {  	_ =	shalt  }
.LBB2_1:
.Ltmp3:
0x46: {  	(pc) =	sbr.rel .LBB2_4-.Ltmp3, $2  }
0x47: {  	_ =	sdelay $0x2  }
0x48: {  	s8 =	simm.s32 $0x0  }
.Lfunc_end2:
execute1_lowered:
.L_overlay_start_2:
0x49: {  	(tag) =	ssettag $0x2  }
0x4a: {  	s7 =	rddreg [dreg:$0x0]  }
0x4b: {  	s0 =	rddreg [dreg:$0x1];
	_ =	strace $0x8000004A  }
0x4c: {  	s3 =	stileid.u32;
	s4 =	simm.s32 $0x3E;
	s1 =	sadd.s32 $0x5CA00, s7  }
0x4d: {  	p0 =	sne.s32 s3, $0x0;
	[sflag:s4] =	ssyncpa.u1 $0x0;
	s29 =	smin.u32 s3, $0x8  }
0x4e: {  	s30 =	sshll.u32 s3, $0x1;
	s2 =	simm.s32 @!p0 $0x1C3E;
	s5 =	simm.s32 @!p0 $0x0  }
0x4f: {  	[spmem:s5], [sflag:s2] =	dma.local @!p0 [hbm:s1], $0x10  }
0x50: {  	s2 =	sadd.s32 s29, s30  }
0x51: {  	p1 =	slt.u32 s3, $0x8;
	s3 =	simm.s32 $0x5DC0;
	s2 =	smul.u32 $0x1F40, s2  }
0x52: {  	s3 =	simm.s32 @!p1 $0x3E80  }
0x53: {  	s3 =	sadd.s32 s3, s2  }
0x54: {  	s3 =	smin.u32 s3, $0x4E200  }
0x55: {  	s8 =	ssub.s32 s3, s2  }
0x56: {  	p1 =	sgt.s32 s8, $0x0  }
0x57: {  	s8 =	simm.s32 @!p1 $0x0  }
0x58: {  	s5 =	simm.s32 @!p0 $0x3E;
	s31 =	smulhi.u32 $0x10624DD3, s8  }
0x59: {  	_ =	swait.ge @!p0 [sflag:s5], $0x10  }
0x5a: {  	s6 =	simm.s32 $0x2;
	[sflag:s5] =	ssyncset.done @!p0 $0x0;
	s9 =	sshrl.u32 s31, $0x9  }
0x5b: {  	s11 =	simm.s32 $0x0;
	[sflag:s5] =	ssyncadd.s32 @!p0 $0xFFFFFFF0;
	s10 =	smul.u32 $0x1F40, s9  }
.Ltmp4:
0x5c: {  	s5 =	sadd.s32 $0x3000, s7;
	[bflag:$0x0] =	sbarrier.arrive $0xFFFF;
	(pc) =	sbr.rel .LBB3_1-.Ltmp4, $4  }
0x5d: {  	s7 =	sadd.s32 $0x52C00, s7;
	[sflag:s4] =	ssyncpa.u1 $0x1;
	s4 =	simm.s32 $0x1  }
0x5e: {  	[sflag:s4] =	ssyncpa.u1 $0x0;
	p1 =	sne.s32 s8, s10;
	s8 =	simm.s32 $0x1  }
0x5f: {  	(ifvalue) =	ssetifvalue $0x80;
	[sflag:s6] =	ssyncpa.u1 $0x0;
	s8 =	simm.s32 @!p1 $0x0  }
0x60: {  	vm0 =	vmmov $0xffff;
	s10 =	smov.u32 s2;
	s8 =	sadd.s32 s8, s9;
	s9 =	simm.s32 $0x0  }
.LBB3_5:
0x61: {  	p2 =	sne.s32 s11, s8  }
.Ltmp5:
0x62: {  	_ = 	snop;
	(pc) =	sbr.rel @!p2 .LBB3_6-.Ltmp5, $4  }
0x63: {  	_ = 	snop  }
0x64: {  	s12 =	sadd.s32 $0x1F40, s10  }
0x65: {  	s10 =	smov.u32 s2;
	s13 =	sadd.s32 $0x1, s11;
	p1 =	slt.s32 s12, s3  }
0x66: {  	s11 =	smov.u32 s13;
	s10 =	smov.u32 @p1 s12  }
.LBB3_1:
0x67: {  	p1 =	sge.u32 s11, s8  }
0x68: {  	s12 =	sxor.u32 @!p1 $0xFFFFFFFF, s11  }
0x69: {  	s12 =	sand.u32 @!p1 $0x1, s12  }
0x6a: {  	s12 =	smul.u32 @!p1 $0x1F40, s12  }
0x6b: {  	s13 =	sshrl.u32 @!p1 s10, $0x3  }
0x6c: {  	s16 =	sand.u32 @!p1 $0x7, s10;
	s14 =	sadd.s32 @!p1 s5, s13;
	s15 =	sor.u32 @!p1 $0x8, s12  }
0x6d: {  	[tilespmem:s15], [sflag:$0x2] =	stream.linear.gather @!p1 [hbm4b:s14+s16], $0x1F40, $0x38;
	[tilespmem:$0x7D08] =	vst v63  }
0x6e: {  	s13 =	sadd.s32 @!p1 s7, s13;
	s12 =	sadd.s32 @!p1 $0x3E88, s12  }
0x6f: {  	[tilespmem:s12], [sflag:$0x2] =	stream.linear.gather @!p1 [hbm4b:s13+s16], $0x1F40, $0x38;
	[tilespmem:$0x7D08] =	vst v63  }
0x70: {  	p1 =	seq.s32 s11, $0x0  }
.Ltmp6:
0x71: {  	_ = 	snop;
	(pc) =	sbr.rel @p1 .LBB3_5-.Ltmp6, $1  }
0x72: {  	_ =	sdelay $0x3  }
0x73: {  	s12 =	sand.u32 $0x1, s11  }
0x74: {  	_ =	swait.ge [sflag:s6], $0x3E80;
	p1 =	seq.s32 s12, $0x1;
	s12 =	simm.s32 $0x1F40  }
0x75: {  	[sflag:s6] =	ssyncset.done $0x0;
	s12 =	simm.s32 @!p1 $0x0  }
0x76: {  	[sflag:s6] =	ssyncadd.s32 $0xFFFFC180;
	s14 =	sor.u32 $0x8, s12  }
0x77: {  	v0 =	vld.msk [tilespmem:s14+$0x0 ss:$0x1], $0xffff;
	_ =	sdelay $0x4  }
0x78: {  	v0 =	vmin.u32 v0, $0x80;
	_ =	sdelay $0x3  }
0x79: {  	s13 =	simm.s32 $0x0;
	s12 =	sadd.s32 $0x3E88, s12;
	s14 =	sadd.s32 $0x10, s14  }
0x7a: {  	[spmem:s9] =	stream.indirect_vreg.scatter.add.s32 [tilespmem:s12], [sflag:$0x1], $0x1, v0, vm0, $0x4038;
	[tilespmem:$0x7D08] =	vst v63  }
.LBB3_3:
0x7b: {  	v0 =	vld.msk [tilespmem:s14+$0x0 ss:$0x1], $0xffff;
	s13 =	sadd.s32 $0x10, s13  }
0x7c: {  	p1 =	slt.u32 s13, $0x1F30;
	_ =	sdelay $0x4  }
0x7d: {  	v0 =	vmin.u32 v0, $0x80  }
.Ltmp7:
0x7e: {  	(pc) =	sbr.rel @p1 .LBB3_3-.Ltmp7, $3  }
0x7f: {  	_ =	sdelay $0x1  }
0x80: {  	s14 =	sadd.s32 $0x10, s14;
	s12 =	sadd.s32 $0x10, s12  }
0x81: {  	[spmem:s9] =	stream.indirect_vreg.scatter.add.s32 [tilespmem:s12], [sflag:$0x1], $0x1, v0, vm0, $0x4038;
	[tilespmem:$0x7D08] =	vst v63  }
.Ltmp8:
0x82: {  	(pc) =	sbr.rel .LBB3_5-.Ltmp8, $4  }
0x83: {  	_ = 	snop  }
0x84: {  	_ =	swait.ge [sflag:s4], $0x1F40  }
0x85: {  	[sflag:s4] =	ssyncset.done $0x0  }
0x86: {  	[sflag:s4] =	ssyncadd.s32 $0xFFFFE0C0  }
.LBB3_6:
0x87: {  	_ =	sfence.sel $0x180000  }
0x88: {  	s2 =	simm.s32 $0x2;
	[bflag:$0x0] =	sbarrier.arrive $0xFFFF  }
0x89: {  	s30 =	simm.s32 $0x1;
	[sflag:s2] =	ssyncpa.u1 $0x1  }
0x8a: {  	[sflag:s30] =	ssyncpa.u1 $0x1  }
0x8b: {  	_ =	sfence.stream.spmem  }
0x8c: {  	s31 =	simm.s32 $0x3D;
	[bflag:$0x0] =	sbarrier.arrive $0xFFFF  }
0x8d: {  	s2 =	simm.s32 @p0 $0x3D;
	[sflag:s31] =	ssyncpa.u1 $0x0  }
0x8e: {  	[sflag:s2] =	ssyncpa.u1 @p0 $0x1  }
0x8f: {  	[bflag:$0x0] =	sbarrier.arrive @p0 $0xFFFF  }
0x90: {  	_ =	strace @p0 $0x9000004A  }
0x91: {  	s3 =	simm.s32 @!p0 $0x1C3D;
	s2 =	simm.s32 @!p0 $0x0;
	[bflag:$0x2] =	sbarrier.arrive @p0 $0xFFFF  }
0x92: {  	[hbm:s1], [sflag:s3] =	dma.local @!p0 [spmem:s2], $0x10  }
0x93: {  	s1 =	simm.s32 @!p0 $0x3D  }
0x94: {  	_ =	swait.ge @!p0 [sflag:s1], $0x10  }
0x95: {  	[sflag:s1] =	ssyncset.done @!p0 $0x0  }
0x96: {  	[sflag:s1] =	ssyncadd.s32 @!p0 $0xFFFFFFF0  }
0x97: {  	[sflag:s1] =	ssyncpa.u1 @!p0 $0x1  }
0x98: {  	[bflag:$0x0] =	sbarrier.arrive @!p0 $0xFFFF  }
0x99: {  	_ =	strace @!p0 $0x9000004A  }
0x9a: {  	s0 =	sadd.s32 @!p0 $0x100000, s0;
	[bflag:$0x2] =	sbarrier.arrive @!p0 $0xFFFF  }
0x9b: {  	[sflag:s0] =	ssyncadd.tile.s32 @!p0 $0x1;
	_ =	shalt  }
.Lfunc_end3:
_tile_overlayer_lowered:
.L_overlay_start_3:
0x9c: {  	(tag) =	ssettag $0x3  }
0x9d: {  	s0 =	rddreg [dreg:$0x0];
	s2 =	stileid.u32  }
0x9e: {  	s1 =	rddreg [dreg:$0x1];
	p0 =	sne.s32 s2, $0x0  }
0x9f: {  	s3 =	rddreg [dreg:$0x2];
	[bflag:$0x3] =	sbarrier.arrive $0xFFFF;
	s2 =	simm.s32 @!p0 $0x1C01  }
0xa0: {  	[timem:s3], [sflag:s2] =	dma.local @!p0 [hbm:s0], s1  }
0xa1: {  	s0 =	simm.s32 @!p0 $0x1  }
0xa2: {  	_ =	swait.ge @!p0 [sflag:s0], s1  }
0xa3: {  	s1 =	ssub.s32 @!p0 $0x0, s1;
	[sflag:s0] =	ssyncset.done @!p0 $0x0  }
0xa4: {  	[sflag:s0] =	ssyncadd.s32 @!p0 s1  }
0xa5: {  	[bflag:$0x3] =	sbarrier.arrive $0xFFFF  }
0xa6: {  	_ =	shalt  }

</sc_bundles>
